<compile_context>
chip_gen: v7x
topology: tpu7x:2x2x1
jax: 0.10.2.dev20260603
libtpu: 0.0.44.dev20260713+nightly
codegen_flags: <defaults>
</compile_context>

<pallas_src>
import functools

import jax
import jax.numpy as jnp
from jax import lax
from jax.experimental import pallas as pl
from jax.experimental.pallas import tpu as pltpu
from jax.experimental.pallas import tpu_sc as plsc

N = 10000
E = 320000
D = 128
G = 64

NC = 2
NS = 16
NW = NC * NS
EPW = E // NW
K = 80
NCH = EPW // K
RPT = 624
RPT_LAST = N - 15 * RPT

_mesh = plsc.VectorSubcoreMesh(core_axis_name="c", subcore_axis_name="s")


NSD = 5
assert NCH % NSD == 0
_deg_scratch = (
    [pltpu.VMEM((K, D), jnp.float32),
     pltpu.VMEM((16, D), jnp.float32)]
    + [pltpu.VMEM((K,), jnp.int32) for _ in range(NSD)]
    + [pltpu.SemaphoreType.DMA for _ in range(2 * NSD + 1)]
    + [pltpu.VMEM_SHARED((N, D), jnp.float32)]
)


@functools.partial(
    pl.kernel,
    mesh=_mesh,
    out_type=jax.ShapeDtypeStruct((NC, N, D), jnp.float32),
    scratch_types=_deg_scratch,
)
def _sc_degree(edge_hbm, ones_hbm, zeros_hbm, out_hbm, ones_v, zero_v,
               *rest):
    ic = rest[:NSD]
    semi = rest[NSD:2 * NSD]
    sems = rest[2 * NSD:3 * NSD]
    semz = rest[3 * NSD]
    acc = rest[3 * NSD + 1]

    c = lax.axis_index("c")
    s = lax.axis_index("s")
    base = (c * NS + s) * EPW
    start = s * RPT
    nz16 = lax.select(s == NS - 1, RPT_LAST // 16, RPT // 16)

    pltpu.sync_copy(ones_hbm, ones_v)
    pltpu.sync_copy(zeros_hbm, zero_v)

    def zfire(j, _):
        pltpu.async_copy(zero_v, acc.at[pl.ds(start + 16 * j, 16), :], semz)
        return 0

    def zdrain(j, _):
        pltpu.make_async_copy(zero_v, acc.at[pl.ds(start, 16), :],
                              semz).wait()
        return 0

    lax.fori_loop(0, nz16, zfire, 0)
    lax.fori_loop(0, nz16, zdrain, 0)
    plsc.subcore_barrier()

    def fire_idx(j, b):
        off = pl.multiple_of(E + base + j * K, 8)
        pltpu.async_copy(edge_hbm.at[pl.ds(off, K)], ic[b], semi[b])

    def wait_idx(b):
        off = pl.multiple_of(E + base, 8)
        pltpu.make_async_copy(edge_hbm.at[pl.ds(off, K)], ic[b],
                              semi[b]).wait()

    def fire_scatter(b):
        pltpu.async_copy(ones_v, acc.at[ic[b]], sems[b], add=True)

    def wait_scatter(b):
        pltpu.make_async_copy(ones_v, acc.at[ic[b]], sems[b]).wait()

    def commit(bb):
        wait_idx(bb)
        fire_scatter(bb)

    for b in range(NSD):
        fire_idx(b, b)
    for b in range(NSD - 1):
        commit(b)

    def wave(w, _):
        for b in range(NSD):
            wait_scatter(b)
            fire_idx(NSD * w + b, b)
            commit((b + NSD - 1) % NSD)
        return 0

    lax.fori_loop(1, NCH // NSD, wave, 0)
    commit(NSD - 1)
    for b in range(NSD):
        wait_scatter(b)

    plsc.subcore_barrier()

    @pl.when(s < NS - 1)
    def _():
        pltpu.sync_copy(acc.at[pl.ds(start, RPT), :],
                        out_hbm.at[c, pl.ds(start, RPT), :])

    @pl.when(s == NS - 1)
    def _():
        pltpu.sync_copy(acc.at[pl.ds(start, RPT_LAST), :],
                        out_hbm.at[c, pl.ds(start, RPT_LAST), :])


NSL = 3
_scatter_scratch = (
    [pltpu.VMEM((K, D), jnp.float32) for _ in range(NSL)]
    + [pltpu.VMEM((16, D), jnp.float32)]
    + [pltpu.VMEM((EPW,), jnp.int32)]
    + [pltpu.VMEM((K,), jnp.int32) for _ in range(NSL)]
    + [pltpu.SemaphoreType.DMA for _ in range(3 * NSL + 1)]
    + [pltpu.VMEM_SHARED((N, D), jnp.float32)]
)
_NWAVE = NCH // NSL
_NEPI = NCH - _NWAVE * NSL


@functools.partial(
    pl.kernel,
    mesh=_mesh,
    out_type=jax.ShapeDtypeStruct((NC, N, D), jnp.float32),
    scratch_types=_scatter_scratch,
)
def _sc_scatter(edge_hbm, zeros_hbm, s_hbm, out_hbm, *rest):
    rows = rest[:NSL]
    zbuf = rest[NSL]
    iall = rest[NSL + 1]
    ic = rest[NSL + 2:2 * NSL + 2]
    semi = rest[2 * NSL + 2:3 * NSL + 2]
    semg = rest[3 * NSL + 2:4 * NSL + 2]
    sems = rest[4 * NSL + 2:5 * NSL + 2]
    semz = rest[5 * NSL + 2]
    acc = rest[5 * NSL + 3]

    c = lax.axis_index("c")
    s = lax.axis_index("s")
    base = (c * NS + s) * EPW
    start = s * RPT
    nz16 = lax.select(s == NS - 1, RPT_LAST // 16, RPT // 16)

    pltpu.sync_copy(edge_hbm.at[pl.ds(pl.multiple_of(base, 8), EPW)], iall)
    pltpu.sync_copy(zeros_hbm, zbuf)

    def zfire(j, _):
        pltpu.async_copy(zbuf, acc.at[pl.ds(start + 16 * j, 16), :], semz)
        return 0

    def zdrain(j, _):
        pltpu.make_async_copy(zbuf, acc.at[pl.ds(start, 16), :],
                              semz).wait()
        return 0

    lax.fori_loop(0, nz16, zfire, 0)
    lax.fori_loop(0, nz16, zdrain, 0)
    plsc.subcore_barrier()

    def fire_gather(j, b):
        off = pl.multiple_of(j * K, 16)
        pltpu.async_copy(s_hbm.at[iall.at[pl.ds(off, K)]], rows[b], semg[b])

    def wait_gather(b):
        pltpu.make_async_copy(s_hbm.at[iall.at[pl.ds(0, K)]], rows[b],
                              semg[b]).wait()

    def fire_idx(j, b):
        off = pl.multiple_of(E + base + j * K, 8)
        pltpu.async_copy(edge_hbm.at[pl.ds(off, K)], ic[b], semi[b])

    def wait_idx(b):
        off = pl.multiple_of(E + base, 8)
        pltpu.make_async_copy(edge_hbm.at[pl.ds(off, K)], ic[b],
                              semi[b]).wait()

    def fire_scatter(b):
        pltpu.async_copy(rows[b], acc.at[ic[b]], sems[b], add=True)

    def wait_scatter(b):
        pltpu.make_async_copy(rows[b], acc.at[ic[b]], sems[b]).wait()

    def commit(bb):
        wait_gather(bb)
        wait_idx(bb)
        fire_scatter(bb)

    for b in range(NSL):
        fire_gather(b, b)
        fire_idx(b, b)
    for b in range(NSL - 1):
        commit(b)

    def wave(w, _):
        for b in range(NSL):
            wait_scatter(b)
            fire_gather(NSL * w + b, b)
            fire_idx(NSL * w + b, b)
            commit((b + NSL - 1) % NSL)
        return 0

    lax.fori_loop(1, _NWAVE, wave, 0)

    for e in range(_NEPI):
        j = _NWAVE * NSL + e
        wait_scatter(e)
        fire_gather(j, e)
        fire_idx(j, e)
        commit((e + NSL - 1) % NSL)
    commit((_NEPI + NSL - 1) % NSL)
    for b in range(NSL):
        wait_scatter(b)

    plsc.subcore_barrier()

    @pl.when(s < NS - 1)
    def _():
        pltpu.sync_copy(acc.at[pl.ds(start, RPT), :],
                        out_hbm.at[c, pl.ds(start, RPT), :])

    @pl.when(s == NS - 1)
    def _():
        pltpu.sync_copy(acc.at[pl.ds(start, RPT_LAST), :],
                        out_hbm.at[c, pl.ds(start, RPT_LAST), :])


RB = 1000
NRB = N // RB


def _dinv_block(d0, d1):
    deg = (d0[:, 0:1].astype(jnp.float32) + d1[:, 0:1].astype(jnp.float32)
           + 1.0)
    return lax.rsqrt(deg)


def _tc1_body(x_ref, w_ref, d0_ref, d1_ref, o_ref):
    dinv = _dinv_block(d0_ref[...], d1_ref[...])
    o_ref[...] = jnp.dot(x_ref[...], w_ref[...],
                         preferred_element_type=jnp.float32) * dinv


def _tc_mid_body(ga_ref, gb_ref, sp_ref, d0_ref, d1_ref, b_ref, w_ref, o_ref):
    dinv = _dinv_block(d0_ref[...], d1_ref[...])
    h = dinv * (ga_ref[...] + gb_ref[...] + sp_ref[...]) + b_ref[...]
    o_ref[...] = jnp.dot(h, w_ref[...],
                         preferred_element_type=jnp.float32) * dinv


def _tc_pool_body(ga_ref, gb_ref, sp_ref, d0_ref, d1_ref, b_ref, batch_ref,
                  o_ref, sum_s, cnt_s):
    i = pl.program_id(0)

    @pl.when(i == 0)
    def _():
        sum_s[...] = jnp.zeros((G, D), jnp.float32)
        cnt_s[...] = jnp.zeros((G, D), jnp.float32)

    dinv = _dinv_block(d0_ref[...], d1_ref[...])
    h3 = dinv * (ga_ref[...] + gb_ref[...] + sp_ref[...]) + b_ref[...]
    b = jnp.reshape(batch_ref[...], (RB, 1))
    onehot = (b == lax.broadcasted_iota(jnp.int32, (RB, G), 1)
              ).astype(jnp.float32)
    sum_s[...] += lax.dot_general(onehot, h3, (((0,), (0,)), ((), ())),
                                  preferred_element_type=jnp.float32)
    cnt_s[...] += lax.dot_general(onehot, jnp.ones((RB, D), jnp.float32),
                                  (((0,), (0,)), ((), ())),
                                  preferred_element_type=jnp.float32)

    @pl.when(i == NRB - 1)
    def _():
        o_ref[...] = sum_s[...] / jnp.maximum(cnt_s[...], 1.0)


_row_spec = pl.BlockSpec((RB, D), lambda i: (i, 0))
_deg_spec = pl.BlockSpec((RB, D), lambda i: (i, 0))
_w_spec = pl.BlockSpec((D, D), lambda i: (0, 0))
_b_spec = pl.BlockSpec((1, D), lambda i: (0, 0))

_tc1 = pl.pallas_call(
    _tc1_body,
    grid=(NRB,),
    in_specs=[_row_spec, _w_spec, _deg_spec, _deg_spec],
    out_specs=_row_spec,
    out_shape=jax.ShapeDtypeStruct((N, D), jnp.float32),
)

_tc_mid = pl.pallas_call(
    _tc_mid_body,
    grid=(NRB,),
    in_specs=[_row_spec, _row_spec, _row_spec, _deg_spec, _deg_spec,
              _b_spec, _w_spec],
    out_specs=_row_spec,
    out_shape=jax.ShapeDtypeStruct((N, D), jnp.float32),
)

_tc_pool = pl.pallas_call(
    _tc_pool_body,
    grid=(NRB,),
    in_specs=[_row_spec, _row_spec, _row_spec, _deg_spec, _deg_spec, _b_spec,
              pl.BlockSpec((1, 1, RB), lambda i: (i, 0, 0))],
    out_specs=pl.BlockSpec((G, D), lambda i: (0, 0)),
    out_shape=jax.ShapeDtypeStruct((G, D), jnp.float32),
    scratch_shapes=[pltpu.VMEM((G, D), jnp.float32),
                    pltpu.VMEM((G, D), jnp.float32)],
)


def kernel(x, edge_index, batch, W1, b1, W2, b2, W3, b3):
    edge_flat = edge_index.reshape(-1)
    zrows = jnp.zeros((16, D), jnp.float32)

    degp = _sc_degree(edge_flat, jnp.ones((K, D), jnp.float32), zrows)
    d0, d1 = degp[0], degp[1]

    s1 = _tc1(x, W1, d0, d1)
    g1 = _sc_scatter(edge_flat, zrows, s1)
    s2 = _tc_mid(g1[0], g1[1], s1, d0, d1, b1.reshape(1, D), W2)
    g2 = _sc_scatter(edge_flat, zrows, s2)
    s3 = _tc_mid(g2[0], g2[1], s2, d0, d1, b2.reshape(1, D), W3)
    g3 = _sc_scatter(edge_flat, zrows, s3)

    batch3 = batch.reshape(NRB, 1, RB)
    return _tc_pool(g3[0], g3[1], s3, d0, d1, b3.reshape(1, D), batch3)

# --- scband reference (transcript-rebuilt; emitter-appended) ---
"""Pipeline reference for scband-gcnnet-60309930770897 (READ-ONLY COPY).

The authoritative reference and input builder live on the scoring server;
editing this copy changes nothing except your own understanding.
"""

import jax, jax.numpy as jnp
import numpy as np

N = 10000
E = 320000
D = 128
H = 128
G = 64


def gcn_conv(x, edge_index, W, b):
    n = x.shape[0]
    loops = jnp.arange(n, dtype=edge_index.dtype)
    ei = jnp.concatenate([edge_index, jnp.stack([loops, loops])], axis=1)
    row, col = ei[0], ei[1]
    # symmetric normalization with self-loops (PyG GCNConv default)
    deg = jax.ops.segment_sum(jnp.ones(ei.shape[1], x.dtype), col, num_segments=n)
    deg_inv_sqrt = jnp.where(deg > 0, jax.lax.rsqrt(jnp.maximum(deg, 1e-12)), 0.0)
    norm = deg_inv_sqrt[row] * deg_inv_sqrt[col]
    h = x @ W
    msg = h[row] * norm[:, None]
    out = jax.ops.segment_sum(msg, col, num_segments=n)
    return out + b


def setup_inputs(seed: int = 0) -> dict:
    key = jax.random.key(seed)
    ks = jax.random.split(key, 10)
    x = jax.random.normal(ks[0], (N, D), dtype=jnp.float32)
    edge_index = jax.random.randint(ks[1], (2, E), 0, N, dtype=jnp.int32)
    batch = jnp.sort(jax.random.randint(ks[2], (N,), 0, G, dtype=jnp.int32))
    W1 = jax.random.normal(ks[3], (D, H), dtype=jnp.float32) * (1.0 / np.sqrt(D))
    b1 = jnp.zeros((H,), dtype=jnp.float32)
    W2 = jax.random.normal(ks[4], (H, H), dtype=jnp.float32) * (1.0 / np.sqrt(H))
    b2 = jnp.zeros((H,), dtype=jnp.float32)
    W3 = jax.random.normal(ks[5], (H, H), dtype=jnp.float32) * (1.0 / np.sqrt(H))
    b3 = jnp.zeros((H,), dtype=jnp.float32)
    return {"x": x, "edge_index": edge_index, "batch": batch,
            "W1": W1, "b1": b1, "W2": W2, "b2": b2, "W3": W3, "b3": b3}


def reference(x, edge_index, batch, W1, b1, W2, b2, W3, b3):
    h = gcn_conv(x, edge_index, W1, b1)
    h = gcn_conv(h, edge_index, W2, b2)
    h = gcn_conv(h, edge_index, W3, b3)
    # global_mean_pool over graphs in batch
    summed = jax.ops.segment_sum(h, batch, num_segments=G)
    counts = jax.ops.segment_sum(jnp.ones((h.shape[0],), h.dtype), batch, num_segments=G)
    graph_embedding = summed / jnp.maximum(counts, 1.0)[:, None]
    return graph_embedding

if __name__ == "__main__":
    import jax
    _d = setup_inputs()
    print(jax.jit(kernel)(*tuple(_d.values())))

</pallas_src>

<mosaic_0001>
#map = affine_map<(d0, d1) -> (0)>
#map1 = affine_map<(d0, d1) -> (0, 0)>
#map2 = affine_map<(d0, d1) -> (0, 0, 0)>
module attributes {stable_mosaic.version = 14 : i64} {
  func.func @_sc_scatter(%arg0: i32, %arg1: i32, %arg2: memref<640000xi32, #tpu.memory_space<hbm>>, %arg3: memref<16x128xf32, #tpu.memory_space<hbm>>, %arg4: memref<10000x128xf32, #tpu.memory_space<hbm>>, %arg5: memref<2x10000x128xf32, #tpu.memory_space<hbm>>, %arg6: memref<80x128xf32, #tpu.memory_space<vmem>>, %arg7: memref<80x128xf32, #tpu.memory_space<vmem>>, %arg8: memref<80x128xf32, #tpu.memory_space<vmem>>, %arg9: memref<16x128xf32, #tpu.memory_space<vmem>>, %arg10: memref<10000xi32, #tpu.memory_space<vmem>>, %arg11: memref<80xi32, #tpu.memory_space<vmem>>, %arg12: memref<80xi32, #tpu.memory_space<vmem>>, %arg13: memref<80xi32, #tpu.memory_space<vmem>>, %arg14: memref<!tpu.dma_semaphore, #tpu.memory_space<semaphore_mem>>, %arg15: memref<!tpu.dma_semaphore, #tpu.memory_space<semaphore_mem>>, %arg16: memref<!tpu.dma_semaphore, #tpu.memory_space<semaphore_mem>>, %arg17: memref<!tpu.dma_semaphore, #tpu.memory_space<semaphore_mem>>, %arg18: memref<!tpu.dma_semaphore, #tpu.memory_space<semaphore_mem>>, %arg19: memref<!tpu.dma_semaphore, #tpu.memory_space<semaphore_mem>>, %arg20: memref<!tpu.dma_semaphore, #tpu.memory_space<semaphore_mem>>, %arg21: memref<!tpu.dma_semaphore, #tpu.memory_space<semaphore_mem>>, %arg22: memref<!tpu.dma_semaphore, #tpu.memory_space<semaphore_mem>>, %arg23: memref<!tpu.dma_semaphore, #tpu.memory_space<semaphore_mem>>, %arg24: memref<10000x128xf32, #tpu.memory_space<vmem_shared>>) attributes {dimension_semantics = [#tpu.dimension_semantics<core_parallel>, #tpu.dimension_semantics<subcore_parallel>], iteration_bounds = array<i64: 2, 16>, scalar_prefetch = 0 : i64, scratch_operands = 19 : i64, tpu.core_type = #tpu.core_type<sc_vector_subcore>, window_params = [{transform_indices = #map}, {transform_indices = #map1}, {transform_indices = #map1}, {transform_indices = #map2}]} {
    %mul3A = arith.constant 16 : i32
    %mul3A_0 = arith.muli %arg0, %mul3A : i32
    %add3A = arith.addi %mul3A_0, %arg1 : i32
    %mul3A_1 = arith.constant 10000 : i32
    %mul3A_2 = arith.muli %add3A, %mul3A_1 : i32
    %mul3A_3 = arith.constant 624 : i32
    %mul3A_4 = arith.muli %arg1, %mul3A_3 : i32
    %eq3A = arith.constant 15 : i32
    %eq3A_5 = arith.cmpi eq, %arg1, %eq3A : i32
    %select_n3A = arith.constant 39 : i32
    %select_n3A_6 = arith.constant 40 : i32
    %select_n3A_7 = arith.select %eq3A_5, %select_n3A_6, %select_n3A : i32
    %multiple_of3A = tpu.assume_multiple %mul3A_2, 8 : i32
    "tpu.region"() ({
      %run_scoped3A = tpu.sem_alloc : memref<!tpu.dma_semaphore, #tpu.memory_space<semaphore_mem>>
      %dma_start3A_188 = tpu.memref_slice %arg2[%multiple_of3A] : memref<640000xi32, #tpu.memory_space<hbm>> -> memref<10000xi32, #tpu.memory_space<hbm>>
      %dma_start3A_189 = tpu.memref_slice %arg2[%multiple_of3A] : memref<640000xi32, #tpu.memory_space<hbm>> -> memref<10000xi32, #tpu.memory_space<hbm>>
      tpu.enqueue_dma source(%dma_start3A_189 : memref<10000xi32, #tpu.memory_space<hbm>>) target(%arg10 : memref<10000xi32, #tpu.memory_space<vmem>>) target_semaphore(%run_scoped3A : memref<!tpu.dma_semaphore, #tpu.memory_space<semaphore_mem>>)
      %dma_wait3A_190 = tpu.memref_slice %arg2[%multiple_of3A] : memref<640000xi32, #tpu.memory_space<hbm>> -> memref<10000xi32, #tpu.memory_space<hbm>>
      %dma_wait3A_191 = tpu.memref_slice %arg2[%multiple_of3A] : memref<640000xi32, #tpu.memory_space<hbm>> -> memref<10000xi32, #tpu.memory_space<hbm>>
      tpu.wait_dma2 semaphore(%run_scoped3A : memref<!tpu.dma_semaphore, #tpu.memory_space<semaphore_mem>>) src(%dma_wait3A_191 : memref<10000xi32, #tpu.memory_space<hbm>>) dst(%arg10 : memref<10000xi32, #tpu.memory_space<vmem>>)
      tpu.yield
    }) : () -> ()
    "tpu.region"() ({
      %run_scoped3A = tpu.sem_alloc : memref<!tpu.dma_semaphore, #tpu.memory_space<semaphore_mem>>
      tpu.enqueue_dma source(%arg3 : memref<16x128xf32, #tpu.memory_space<hbm>>) target(%arg9 : memref<16x128xf32, #tpu.memory_space<vmem>>) target_semaphore(%run_scoped3A : memref<!tpu.dma_semaphore, #tpu.memory_space<semaphore_mem>>)
      tpu.wait_dma2 semaphore(%run_scoped3A : memref<!tpu.dma_semaphore, #tpu.memory_space<semaphore_mem>>) src(%arg3 : memref<16x128xf32, #tpu.memory_space<hbm>>) dst(%arg9 : memref<16x128xf32, #tpu.memory_space<vmem>>)
      tpu.yield
    }) : () -> ()
    %while3A = arith.constant 0 : i32
    %while3A_8 = arith.constant 0 : i32
    %while3A_9 = arith.subi %select_n3A_7, %while3A : i32
    %while3A_10 = arith.addi %while3A, %while3A_9 : i32
    %while3A_11 = arith.constant 1 : i32
    %while3A_12 = arith.divsi %while3A_9, %while3A_11 : i32
    %while3A_13 = arith.muli %while3A_12, %while3A_11 : i32
    %while3A_14 = arith.addi %while3A, %while3A_13 : i32
    %while3A_15 = arith.constant 1 : i32
    %while3A_16 = scf.for %while3A_188 = %while3A to %while3A_14 step %while3A_15 iter_args(%while3A_189 = %while3A_8) -> (i32)  : i32 {
      %mul3A_190 = arith.constant 16 : i32
      %mul3A_191 = arith.muli %mul3A_190, %while3A_188 : i32
      %add3A_192 = arith.addi %mul3A_4, %mul3A_191 : i32
      %dma_start3A_193 = arith.constant 0 : i32
      %dma_start3A_194 = tpu.memref_slice %arg24[%add3A_192, %dma_start3A_193] : memref<10000x128xf32, #tpu.memory_space<vmem_shared>> -> memref<16x128xf32, #tpu.memory_space<vmem_shared>>
      %dma_start3A_195 = arith.constant 0 : i32
      %dma_start3A_196 = tpu.memref_slice %arg24[%add3A_192, %dma_start3A_195] : memref<10000x128xf32, #tpu.memory_space<vmem_shared>> -> memref<16x128xf32, #tpu.memory_space<vmem_shared>>
      tpu.enqueue_dma source(%arg9 : memref<16x128xf32, #tpu.memory_space<vmem>>) target(%dma_start3A_196 : memref<16x128xf32, #tpu.memory_space<vmem_shared>>) target_semaphore(%arg23 : memref<!tpu.dma_semaphore, #tpu.memory_space<semaphore_mem>>)
      %while3A_197 = arith.constant 0 : i32
      scf.yield %while3A_197 : i32
    }
    %while3A_17 = arith.constant 1 : i32
    %while3A_18 = scf.for %while3A_188 = %while3A_14 to %while3A_10 step %while3A_17 iter_args(%while3A_189 = %while3A_16) -> (i32)  : i32 {
      %mul3A_190 = arith.constant 16 : i32
      %mul3A_191 = arith.muli %mul3A_190, %while3A_188 : i32
      %add3A_192 = arith.addi %mul3A_4, %mul3A_191 : i32
      %dma_start3A_193 = arith.constant 0 : i32
      %dma_start3A_194 = tpu.memref_slice %arg24[%add3A_192, %dma_start3A_193] : memref<10000x128xf32, #tpu.memory_space<vmem_shared>> -> memref<16x128xf32, #tpu.memory_space<vmem_shared>>
      %dma_start3A_195 = arith.constant 0 : i32
      %dma_start3A_196 = tpu.memref_slice %arg24[%add3A_192, %dma_start3A_195] : memref<10000x128xf32, #tpu.memory_space<vmem_shared>> -> memref<16x128xf32, #tpu.memory_space<vmem_shared>>
      tpu.enqueue_dma source(%arg9 : memref<16x128xf32, #tpu.memory_space<vmem>>) target(%dma_start3A_196 : memref<16x128xf32, #tpu.memory_space<vmem_shared>>) target_semaphore(%arg23 : memref<!tpu.dma_semaphore, #tpu.memory_space<semaphore_mem>>)
      %while3A_197 = arith.constant 0 : i32
      scf.yield %while3A_197 : i32
    }
    %while3A_19 = arith.constant 0 : i32
    %while3A_20 = arith.constant 0 : i32
    %while3A_21 = arith.subi %select_n3A_7, %while3A_19 : i32
    %while3A_22 = arith.addi %while3A_19, %while3A_21 : i32
    %while3A_23 = arith.constant 1 : i32
    %while3A_24 = arith.divsi %while3A_21, %while3A_23 : i32
    %while3A_25 = arith.muli %while3A_24, %while3A_23 : i32
    %while3A_26 = arith.addi %while3A_19, %while3A_25 : i32
    %while3A_27 = arith.constant 1 : i32
    %while3A_28 = scf.for %while3A_188 = %while3A_19 to %while3A_26 step %while3A_27 iter_args(%while3A_189 = %while3A_20) -> (i32)  : i32 {
      %dma_wait3A_190 = arith.constant 0 : i32
      %dma_wait3A_191 = tpu.memref_slice %arg24[%mul3A_4, %dma_wait3A_190] : memref<10000x128xf32, #tpu.memory_space<vmem_shared>> -> memref<16x128xf32, #tpu.memory_space<vmem_shared>>
      %dma_wait3A_192 = arith.constant 0 : i32
      %dma_wait3A_193 = tpu.memref_slice %arg24[%mul3A_4, %dma_wait3A_192] : memref<10000x128xf32, #tpu.memory_space<vmem_shared>> -> memref<16x128xf32, #tpu.memory_space<vmem_shared>>
      tpu.wait_dma2 semaphore(%arg23 : memref<!tpu.dma_semaphore, #tpu.memory_space<semaphore_mem>>) src(%arg9 : memref<16x128xf32, #tpu.memory_space<vmem>>) dst(%dma_wait3A_193 : memref<16x128xf32, #tpu.memory_space<vmem_shared>>)
      %while3A_194 = arith.constant 0 : i32
      scf.yield %while3A_194 : i32
    }
    %while3A_29 = arith.constant 1 : i32
    %while3A_30 = scf.for %while3A_188 = %while3A_26 to %while3A_22 step %while3A_29 iter_args(%while3A_189 = %while3A_28) -> (i32)  : i32 {
      %dma_wait3A_190 = arith.constant 0 : i32
      %dma_wait3A_191 = tpu.memref_slice %arg24[%mul3A_4, %dma_wait3A_190] : memref<10000x128xf32, #tpu.memory_space<vmem_shared>> -> memref<16x128xf32, #tpu.memory_space<vmem_shared>>
      %dma_wait3A_192 = arith.constant 0 : i32
      %dma_wait3A_193 = tpu.memref_slice %arg24[%mul3A_4, %dma_wait3A_192] : memref<10000x128xf32, #tpu.memory_space<vmem_shared>> -> memref<16x128xf32, #tpu.memory_space<vmem_shared>>
      tpu.wait_dma2 semaphore(%arg23 : memref<!tpu.dma_semaphore, #tpu.memory_space<semaphore_mem>>) src(%arg9 : memref<16x128xf32, #tpu.memory_space<vmem>>) dst(%dma_wait3A_193 : memref<16x128xf32, #tpu.memory_space<vmem_shared>>)
      %while3A_194 = arith.constant 0 : i32
      scf.yield %while3A_194 : i32
    }
    %barrier3A = arith.constant 0 : index
    tpu.barrier barrier_id(%barrier3A)
    %multiple_of3A_31 = arith.constant 0 : i32
    %multiple_of3A_32 = tpu.assume_multiple %multiple_of3A_31, 16 : i32
    %dma_start3A = tpu.memref_slice %arg10[%multiple_of3A_32] : memref<10000xi32, #tpu.memory_space<vmem>> -> memref<80xi32, #tpu.memory_space<vmem>>
    %dma_start3A_33 = arith.constant 0 : i32
    %dma_start3A_34 = arith.constant 0 : i32
    %dma_start3A_35 = tpu.memref_slice %arg4[%dma_start3A_33, %dma_start3A_34] : memref<10000x128xf32, #tpu.memory_space<hbm>> -> memref<10000x128xf32, #tpu.memory_space<hbm>>
    tpu.enqueue_indirect_dma source(%dma_start3A_35 : memref<10000x128xf32, #tpu.memory_space<hbm>>) target(%arg6 : memref<80x128xf32, #tpu.memory_space<vmem>>) offsets(%dma_start3A : memref<80xi32, #tpu.memory_space<vmem>>) semaphore(%arg17 : memref<!tpu.dma_semaphore, #tpu.memory_space<semaphore_mem>>)
    %add3A_36 = arith.constant 320000 : i32
    %add3A_37 = arith.addi %add3A_36, %mul3A_2 : i32
    %add3A_38 = arith.constant 0 : i32
    %add3A_39 = arith.addi %add3A_37, %add3A_38 : i32
    %multiple_of3A_40 = tpu.assume_multiple %add3A_39, 8 : i32
    %dma_start3A_41 = tpu.memref_slice %arg2[%multiple_of3A_40] : memref<640000xi32, #tpu.memory_space<hbm>> -> memref<80xi32, #tpu.memory_space<hbm>>
    %dma_start3A_42 = tpu.memref_slice %arg2[%multiple_of3A_40] : memref<640000xi32, #tpu.memory_space<hbm>> -> memref<80xi32, #tpu.memory_space<hbm>>
    tpu.enqueue_dma source(%dma_start3A_42 : memref<80xi32, #tpu.memory_space<hbm>>) target(%arg11 : memref<80xi32, #tpu.memory_space<vmem>>) target_semaphore(%arg14 : memref<!tpu.dma_semaphore, #tpu.memory_space<semaphore_mem>>)
    %multiple_of3A_43 = arith.constant 80 : i32
    %multiple_of3A_44 = tpu.assume_multiple %multiple_of3A_43, 16 : i32
    %dma_start3A_45 = tpu.memref_slice %arg10[%multiple_of3A_44] : memref<10000xi32, #tpu.memory_space<vmem>> -> memref<80xi32, #tpu.memory_space<vmem>>
    %dma_start3A_46 = arith.constant 0 : i32
    %dma_start3A_47 = arith.constant 0 : i32
    %dma_start3A_48 = tpu.memref_slice %arg4[%dma_start3A_46, %dma_start3A_47] : memref<10000x128xf32, #tpu.memory_space<hbm>> -> memref<10000x128xf32, #tpu.memory_space<hbm>>
    tpu.enqueue_indirect_dma source(%dma_start3A_48 : memref<10000x128xf32, #tpu.memory_space<hbm>>) target(%arg7 : memref<80x128xf32, #tpu.memory_space<vmem>>) offsets(%dma_start3A_45 : memref<80xi32, #tpu.memory_space<vmem>>) semaphore(%arg18 : memref<!tpu.dma_semaphore, #tpu.memory_space<semaphore_mem>>)
    %add3A_49 = arith.constant 320000 : i32
    %add3A_50 = arith.addi %add3A_49, %mul3A_2 : i32
    %add3A_51 = arith.constant 80 : i32
    %add3A_52 = arith.addi %add3A_50, %add3A_51 : i32
    %multiple_of3A_53 = tpu.assume_multiple %add3A_52, 8 : i32
    %dma_start3A_54 = tpu.memref_slice %arg2[%multiple_of3A_53] : memref<640000xi32, #tpu.memory_space<hbm>> -> memref<80xi32, #tpu.memory_space<hbm>>
    %dma_start3A_55 = tpu.memref_slice %arg2[%multiple_of3A_53] : memref<640000xi32, #tpu.memory_space<hbm>> -> memref<80xi32, #tpu.memory_space<hbm>>
    tpu.enqueue_dma source(%dma_start3A_55 : memref<80xi32, #tpu.memory_space<hbm>>) target(%arg12 : memref<80xi32, #tpu.memory_space<vmem>>) target_semaphore(%arg15 : memref<!tpu.dma_semaphore, #tpu.memory_space<semaphore_mem>>)
    %multiple_of3A_56 = arith.constant 160 : i32
    %multiple_of3A_57 = tpu.assume_multiple %multiple_of3A_56, 16 : i32
    %dma_start3A_58 = tpu.memref_slice %arg10[%multiple_of3A_57] : memref<10000xi32, #tpu.memory_space<vmem>> -> memref<80xi32, #tpu.memory_space<vmem>>
    %dma_start3A_59 = arith.constant 0 : i32
    %dma_start3A_60 = arith.constant 0 : i32
    %dma_start3A_61 = tpu.memref_slice %arg4[%dma_start3A_59, %dma_start3A_60] : memref<10000x128xf32, #tpu.memory_space<hbm>> -> memref<10000x128xf32, #tpu.memory_space<hbm>>
    tpu.enqueue_indirect_dma source(%dma_start3A_61 : memref<10000x128xf32, #tpu.memory_space<hbm>>) target(%arg8 : memref<80x128xf32, #tpu.memory_space<vmem>>) offsets(%dma_start3A_58 : memref<80xi32, #tpu.memory_space<vmem>>) semaphore(%arg19 : memref<!tpu.dma_semaphore, #tpu.memory_space<semaphore_mem>>)
    %add3A_62 = arith.constant 320000 : i32
    %add3A_63 = arith.addi %add3A_62, %mul3A_2 : i32
    %add3A_64 = arith.constant 160 : i32
    %add3A_65 = arith.addi %add3A_63, %add3A_64 : i32
    %multiple_of3A_66 = tpu.assume_multiple %add3A_65, 8 : i32
    %dma_start3A_67 = tpu.memref_slice %arg2[%multiple_of3A_66] : memref<640000xi32, #tpu.memory_space<hbm>> -> memref<80xi32, #tpu.memory_space<hbm>>
    %dma_start3A_68 = tpu.memref_slice %arg2[%multiple_of3A_66] : memref<640000xi32, #tpu.memory_space<hbm>> -> memref<80xi32, #tpu.memory_space<hbm>>
    tpu.enqueue_dma source(%dma_start3A_68 : memref<80xi32, #tpu.memory_space<hbm>>) target(%arg13 : memref<80xi32, #tpu.memory_space<vmem>>) target_semaphore(%arg16 : memref<!tpu.dma_semaphore, #tpu.memory_space<semaphore_mem>>)
    %dma_wait3A = arith.constant 0 : i32
    %dma_wait3A_69 = tpu.memref_slice %arg10[%dma_wait3A] : memref<10000xi32, #tpu.memory_space<vmem>> -> memref<80xi32, #tpu.memory_space<vmem>>
    %dma_wait3A_70 = arith.constant 0 : i32
    %dma_wait3A_71 = arith.constant 0 : i32
    %dma_wait3A_72 = tpu.memref_slice %arg4[%dma_wait3A_70, %dma_wait3A_71] : memref<10000x128xf32, #tpu.memory_space<hbm>> -> memref<10000x128xf32, #tpu.memory_space<hbm>>
    tpu.wait_indirect_dma semaphore(%arg17 : memref<!tpu.dma_semaphore, #tpu.memory_space<semaphore_mem>>) src(%dma_wait3A_72 : memref<10000x128xf32, #tpu.memory_space<hbm>>) dst(%arg6 : memref<80x128xf32, #tpu.memory_space<vmem>>)
    %add3A_73 = arith.constant 320000 : i32
    %add3A_74 = arith.addi %add3A_73, %mul3A_2 : i32
    %multiple_of3A_75 = tpu.assume_multiple %add3A_74, 8 : i32
    %dma_wait3A_76 = tpu.memref_slice %arg2[%multiple_of3A_75] : memref<640000xi32, #tpu.memory_space<hbm>> -> memref<80xi32, #tpu.memory_space<hbm>>
    %dma_wait3A_77 = tpu.memref_slice %arg2[%multiple_of3A_75] : memref<640000xi32, #tpu.memory_space<hbm>> -> memref<80xi32, #tpu.memory_space<hbm>>
    tpu.wait_dma2 semaphore(%arg14 : memref<!tpu.dma_semaphore, #tpu.memory_space<semaphore_mem>>) src(%dma_wait3A_77 : memref<80xi32, #tpu.memory_space<hbm>>) dst(%arg11 : memref<80xi32, #tpu.memory_space<vmem>>)
    %dma_start3A_78 = arith.constant 0 : i32
    %dma_start3A_79 = arith.constant 0 : i32
    %dma_start3A_80 = tpu.memref_slice %arg24[%dma_start3A_78, %dma_start3A_79] : memref<10000x128xf32, #tpu.memory_space<vmem_shared>> -> memref<10000x128xf32, #tpu.memory_space<vmem_shared>>
    tpu.enqueue_indirect_dma source(%arg6 : memref<80x128xf32, #tpu.memory_space<vmem>>) target(%dma_start3A_80 : memref<10000x128xf32, #tpu.memory_space<vmem_shared>>) offsets(%arg11 : memref<80xi32, #tpu.memory_space<vmem>>) semaphore(%arg20 : memref<!tpu.dma_semaphore, #tpu.memory_space<semaphore_mem>>) {add = true}
    %dma_wait3A_81 = arith.constant 0 : i32
    %dma_wait3A_82 = tpu.memref_slice %arg10[%dma_wait3A_81] : memref<10000xi32, #tpu.memory_space<vmem>> -> memref<80xi32, #tpu.memory_space<vmem>>
    %dma_wait3A_83 = arith.constant 0 : i32
    %dma_wait3A_84 = arith.constant 0 : i32
    %dma_wait3A_85 = tpu.memref_slice %arg4[%dma_wait3A_83, %dma_wait3A_84] : memref<10000x128xf32, #tpu.memory_space<hbm>> -> memref<10000x128xf32, #tpu.memory_space<hbm>>
    tpu.wait_indirect_dma semaphore(%arg18 : memref<!tpu.dma_semaphore, #tpu.memory_space<semaphore_mem>>) src(%dma_wait3A_85 : memref<10000x128xf32, #tpu.memory_space<hbm>>) dst(%arg7 : memref<80x128xf32, #tpu.memory_space<vmem>>)
    %add3A_86 = arith.constant 320000 : i32
    %add3A_87 = arith.addi %add3A_86, %mul3A_2 : i32
    %multiple_of3A_88 = tpu.assume_multiple %add3A_87, 8 : i32
    %dma_wait3A_89 = tpu.memref_slice %arg2[%multiple_of3A_88] : memref<640000xi32, #tpu.memory_space<hbm>> -> memref<80xi32, #tpu.memory_space<hbm>>
    %dma_wait3A_90 = tpu.memref_slice %arg2[%multiple_of3A_88] : memref<640000xi32, #tpu.memory_space<hbm>> -> memref<80xi32, #tpu.memory_space<hbm>>
    tpu.wait_dma2 semaphore(%arg15 : memref<!tpu.dma_semaphore, #tpu.memory_space<semaphore_mem>>) src(%dma_wait3A_90 : memref<80xi32, #tpu.memory_space<hbm>>) dst(%arg12 : memref<80xi32, #tpu.memory_space<vmem>>)
    %dma_start3A_91 = arith.constant 0 : i32
    %dma_start3A_92 = arith.constant 0 : i32
    %dma_start3A_93 = tpu.memref_slice %arg24[%dma_start3A_91, %dma_start3A_92] : memref<10000x128xf32, #tpu.memory_space<vmem_shared>> -> memref<10000x128xf32, #tpu.memory_space<vmem_shared>>
    tpu.enqueue_indirect_dma source(%arg7 : memref<80x128xf32, #tpu.memory_space<vmem>>) target(%dma_start3A_93 : memref<10000x128xf32, #tpu.memory_space<vmem_shared>>) offsets(%arg12 : memref<80xi32, #tpu.memory_space<vmem>>) semaphore(%arg21 : memref<!tpu.dma_semaphore, #tpu.memory_space<semaphore_mem>>) {add = true}
    %scan3A = arith.constant 0 : i32
    %scan3A_94 = arith.constant 1 : i32
    %scan3A_95 = arith.constant 40 : i32
    %scan3A_96 = arith.addi %scan3A_94, %scan3A_95 : i32
    %scan3A_97 = arith.constant 1 : i32
    %scan3A_98 = scf.for %scan3A_188 = %scan3A_94 to %scan3A_96 step %scan3A_97 iter_args(%scan3A_189 = %scan3A) -> (i32)  : i32 {
      %dma_wait3A_190 = arith.constant 0 : i32
      %dma_wait3A_191 = arith.constant 0 : i32
      %dma_wait3A_192 = tpu.memref_slice %arg24[%dma_wait3A_190, %dma_wait3A_191] : memref<10000x128xf32, #tpu.memory_space<vmem_shared>> -> memref<10000x128xf32, #tpu.memory_space<vmem_shared>>
      tpu.wait_indirect_dma semaphore(%arg20 : memref<!tpu.dma_semaphore, #tpu.memory_space<semaphore_mem>>) src(%arg6 : memref<80x128xf32, #tpu.memory_space<vmem>>) dst(%dma_wait3A_192 : memref<10000x128xf32, #tpu.memory_space<vmem_shared>>)
      %mul3A_193 = arith.constant 3 : i32
      %mul3A_194 = arith.muli %mul3A_193, %scan3A_188 : i32
      %add3A_195 = arith.constant 0 : i32
      %add3A_196 = arith.addi %mul3A_194, %add3A_195 : i32
      %mul3A_197 = arith.constant 80 : i32
      %mul3A_198 = arith.muli %add3A_196, %mul3A_197 : i32
      %multiple_of3A_199 = tpu.assume_multiple %mul3A_198, 16 : i32
      %dma_start3A_200 = tpu.memref_slice %arg10[%multiple_of3A_199] : memref<10000xi32, #tpu.memory_space<vmem>> -> memref<80xi32, #tpu.memory_space<vmem>>
      %dma_start3A_201 = arith.constant 0 : i32
      %dma_start3A_202 = arith.constant 0 : i32
      %dma_start3A_203 = tpu.memref_slice %arg4[%dma_start3A_201, %dma_start3A_202] : memref<10000x128xf32, #tpu.memory_space<hbm>> -> memref<10000x128xf32, #tpu.memory_space<hbm>>
      tpu.enqueue_indirect_dma source(%dma_start3A_203 : memref<10000x128xf32, #tpu.memory_space<hbm>>) target(%arg6 : memref<80x128xf32, #tpu.memory_space<vmem>>) offsets(%dma_start3A_200 : memref<80xi32, #tpu.memory_space<vmem>>) semaphore(%arg17 : memref<!tpu.dma_semaphore, #tpu.memory_space<semaphore_mem>>)
      %mul3A_204 = arith.constant 3 : i32
      %mul3A_205 = arith.muli %mul3A_204, %scan3A_188 : i32
      %add3A_206 = arith.constant 0 : i32
      %add3A_207 = arith.addi %mul3A_205, %add3A_206 : i32
      %add3A_208 = arith.constant 320000 : i32
      %add3A_209 = arith.addi %add3A_208, %mul3A_2 : i32
      %mul3A_210 = arith.constant 80 : i32
      %mul3A_211 = arith.muli %add3A_207, %mul3A_210 : i32
      %add3A_212 = arith.addi %add3A_209, %mul3A_211 : i32
      %multiple_of3A_213 = tpu.assume_multiple %add3A_212, 8 : i32
      %dma_start3A_214 = tpu.memref_slice %arg2[%multiple_of3A_213] : memref<640000xi32, #tpu.memory_space<hbm>> -> memref<80xi32, #tpu.memory_space<hbm>>
      %dma_start3A_215 = tpu.memref_slice %arg2[%multiple_of3A_213] : memref<640000xi32, #tpu.memory_space<hbm>> -> memref<80xi32, #tpu.memory_space<hbm>>
      tpu.enqueue_dma source(%dma_start3A_215 : memref<80xi32, #tpu.memory_space<hbm>>) target(%arg11 : memref<80xi32, #tpu.memory_space<vmem>>) target_semaphore(%arg14 : memref<!tpu.dma_semaphore, #tpu.memory_space<semaphore_mem>>)
      %dma_wait3A_216 = arith.constant 0 : i32
      %dma_wait3A_217 = tpu.memref_slice %arg10[%dma_wait3A_216] : memref<10000xi32, #tpu.memory_space<vmem>> -> memref<80xi32, #tpu.memory_space<vmem>>
      %dma_wait3A_218 = arith.constant 0 : i32
      %dma_wait3A_219 = arith.constant 0 : i32
      %dma_wait3A_220 = tpu.memref_slice %arg4[%dma_wait3A_218, %dma_wait3A_219] : memref<10000x128xf32, #tpu.memory_space<hbm>> -> memref<10000x128xf32, #tpu.memory_space<hbm>>
      tpu.wait_indirect_dma semaphore(%arg19 : memref<!tpu.dma_semaphore, #tpu.memory_space<semaphore_mem>>) src(%dma_wait3A_220 : memref<10000x128xf32, #tpu.memory_space<hbm>>) dst(%arg8 : memref<80x128xf32, #tpu.memory_space<vmem>>)
      %add3A_221 = arith.constant 320000 : i32
      %add3A_222 = arith.addi %add3A_221, %mul3A_2 : i32
      %multiple_of3A_223 = tpu.assume_multiple %add3A_222, 8 : i32
      %dma_wait3A_224 = tpu.memref_slice %arg2[%multiple_of3A_223] : memref<640000xi32, #tpu.memory_space<hbm>> -> memref<80xi32, #tpu.memory_space<hbm>>
      %dma_wait3A_225 = tpu.memref_slice %arg2[%multiple_of3A_223] : memref<640000xi32, #tpu.memory_space<hbm>> -> memref<80xi32, #tpu.memory_space<hbm>>
      tpu.wait_dma2 semaphore(%arg16 : memref<!tpu.dma_semaphore, #tpu.memory_space<semaphore_mem>>) src(%dma_wait3A_225 : memref<80xi32, #tpu.memory_space<hbm>>) dst(%arg13 : memref<80xi32, #tpu.memory_space<vmem>>)
      %dma_start3A_226 = arith.constant 0 : i32
      %dma_start3A_227 = arith.constant 0 : i32
      %dma_start3A_228 = tpu.memref_slice %arg24[%dma_start3A_226, %dma_start3A_227] : memref<10000x128xf32, #tpu.memory_space<vmem_shared>> -> memref<10000x128xf32, #tpu.memory_space<vmem_shared>>
      tpu.enqueue_indirect_dma source(%arg8 : memref<80x128xf32, #tpu.memory_space<vmem>>) target(%dma_start3A_228 : memref<10000x128xf32, #tpu.memory_space<vmem_shared>>) offsets(%arg13 : memref<80xi32, #tpu.memory_space<vmem>>) semaphore(%arg22 : memref<!tpu.dma_semaphore, #tpu.memory_space<semaphore_mem>>) {add = true}
      %dma_wait3A_229 = arith.constant 0 : i32
      %dma_wait3A_230 = arith.constant 0 : i32
      %dma_wait3A_231 = tpu.memref_slice %arg24[%dma_wait3A_229, %dma_wait3A_230] : memref<10000x128xf32, #tpu.memory_space<vmem_shared>> -> memref<10000x128xf32, #tpu.memory_space<vmem_shared>>
      tpu.wait_indirect_dma semaphore(%arg21 : memref<!tpu.dma_semaphore, #tpu.memory_space<semaphore_mem>>) src(%arg7 : memref<80x128xf32, #tpu.memory_space<vmem>>) dst(%dma_wait3A_231 : memref<10000x128xf32, #tpu.memory_space<vmem_shared>>)
      %mul3A_232 = arith.constant 3 : i32
      %mul3A_233 = arith.muli %mul3A_232, %scan3A_188 : i32
      %add3A_234 = arith.constant 1 : i32
      %add3A_235 = arith.addi %mul3A_233, %add3A_234 : i32
      %mul3A_236 = arith.constant 80 : i32
      %mul3A_237 = arith.muli %add3A_235, %mul3A_236 : i32
      %multiple_of3A_238 = tpu.assume_multiple %mul3A_237, 16 : i32
      %dma_start3A_239 = tpu.memref_slice %arg10[%multiple_of3A_238] : memref<10000xi32, #tpu.memory_space<vmem>> -> memref<80xi32, #tpu.memory_space<vmem>>
      %dma_start3A_240 = arith.constant 0 : i32
      %dma_start3A_241 = arith.constant 0 : i32
      %dma_start3A_242 = tpu.memref_slice %arg4[%dma_start3A_240, %dma_start3A_241] : memref<10000x128xf32, #tpu.memory_space<hbm>> -> memref<10000x128xf32, #tpu.memory_space<hbm>>
      tpu.enqueue_indirect_dma source(%dma_start3A_242 : memref<10000x128xf32, #tpu.memory_space<hbm>>) target(%arg7 : memref<80x128xf32, #tpu.memory_space<vmem>>) offsets(%dma_start3A_239 : memref<80xi32, #tpu.memory_space<vmem>>) semaphore(%arg18 : memref<!tpu.dma_semaphore, #tpu.memory_space<semaphore_mem>>)
      %mul3A_243 = arith.constant 3 : i32
      %mul3A_244 = arith.muli %mul3A_243, %scan3A_188 : i32
      %add3A_245 = arith.constant 1 : i32
      %add3A_246 = arith.addi %mul3A_244, %add3A_245 : i32
      %add3A_247 = arith.constant 320000 : i32
      %add3A_248 = arith.addi %add3A_247, %mul3A_2 : i32
      %mul3A_249 = arith.constant 80 : i32
      %mul3A_250 = arith.muli %add3A_246, %mul3A_249 : i32
      %add3A_251 = arith.addi %add3A_248, %mul3A_250 : i32
      %multiple_of3A_252 = tpu.assume_multiple %add3A_251, 8 : i32
      %dma_start3A_253 = tpu.memref_slice %arg2[%multiple_of3A_252] : memref<640000xi32, #tpu.memory_space<hbm>> -> memref<80xi32, #tpu.memory_space<hbm>>
      %dma_start3A_254 = tpu.memref_slice %arg2[%multiple_of3A_252] : memref<640000xi32, #tpu.memory_space<hbm>> -> memref<80xi32, #tpu.memory_space<hbm>>
      tpu.enqueue_dma source(%dma_start3A_254 : memref<80xi32, #tpu.memory_space<hbm>>) target(%arg12 : memref<80xi32, #tpu.memory_space<vmem>>) target_semaphore(%arg15 : memref<!tpu.dma_semaphore, #tpu.memory_space<semaphore_mem>>)
      %dma_wait3A_255 = arith.constant 0 : i32
      %dma_wait3A_256 = tpu.memref_slice %arg10[%dma_wait3A_255] : memref<10000xi32, #tpu.memory_space<vmem>> -> memref<80xi32, #tpu.memory_space<vmem>>
      %dma_wait3A_257 = arith.constant 0 : i32
      %dma_wait3A_258 = arith.constant 0 : i32
      %dma_wait3A_259 = tpu.memref_slice %arg4[%dma_wait3A_257, %dma_wait3A_258] : memref<10000x128xf32, #tpu.memory_space<hbm>> -> memref<10000x128xf32, #tpu.memory_space<hbm>>
      tpu.wait_indirect_dma semaphore(%arg17 : memref<!tpu.dma_semaphore, #tpu.memory_space<semaphore_mem>>) src(%dma_wait3A_259 : memref<10000x128xf32, #tpu.memory_space<hbm>>) dst(%arg6 : memref<80x128xf32, #tpu.memory_space<vmem>>)
      %add3A_260 = arith.constant 320000 : i32
      %add3A_261 = arith.addi %add3A_260, %mul3A_2 : i32
      %multiple_of3A_262 = tpu.assume_multiple %add3A_261, 8 : i32
      %dma_wait3A_263 = tpu.memref_slice %arg2[%multiple_of3A_262] : memref<640000xi32, #tpu.memory_space<hbm>> -> memref<80xi32, #tpu.memory_space<hbm>>
      %dma_wait3A_264 = tpu.memref_slice %arg2[%multiple_of3A_262] : memref<640000xi32, #tpu.memory_space<hbm>> -> memref<80xi32, #tpu.memory_space<hbm>>
      tpu.wait_dma2 semaphore(%arg14 : memref<!tpu.dma_semaphore, #tpu.memory_space<semaphore_mem>>) src(%dma_wait3A_264 : memref<80xi32, #tpu.memory_space<hbm>>) dst(%arg11 : memref<80xi32, #tpu.memory_space<vmem>>)
      %dma_start3A_265 = arith.constant 0 : i32
      %dma_start3A_266 = arith.constant 0 : i32
      %dma_start3A_267 = tpu.memref_slice %arg24[%dma_start3A_265, %dma_start3A_266] : memref<10000x128xf32, #tpu.memory_space<vmem_shared>> -> memref<10000x128xf32, #tpu.memory_space<vmem_shared>>
      tpu.enqueue_indirect_dma source(%arg6 : memref<80x128xf32, #tpu.memory_space<vmem>>) target(%dma_start3A_267 : memref<10000x128xf32, #tpu.memory_space<vmem_shared>>) offsets(%arg11 : memref<80xi32, #tpu.memory_space<vmem>>) semaphore(%arg20 : memref<!tpu.dma_semaphore, #tpu.memory_space<semaphore_mem>>) {add = true}
      %dma_wait3A_268 = arith.constant 0 : i32
      %dma_wait3A_269 = arith.constant 0 : i32
      %dma_wait3A_270 = tpu.memref_slice %arg24[%dma_wait3A_268, %dma_wait3A_269] : memref<10000x128xf32, #tpu.memory_space<vmem_shared>> -> memref<10000x128xf32, #tpu.memory_space<vmem_shared>>
      tpu.wait_indirect_dma semaphore(%arg22 : memref<!tpu.dma_semaphore, #tpu.memory_space<semaphore_mem>>) src(%arg8 : memref<80x128xf32, #tpu.memory_space<vmem>>) dst(%dma_wait3A_270 : memref<10000x128xf32, #tpu.memory_space<vmem_shared>>)
      %mul3A_271 = arith.constant 3 : i32
      %mul3A_272 = arith.muli %mul3A_271, %scan3A_188 : i32
      %add3A_273 = arith.constant 2 : i32
      %add3A_274 = arith.addi %mul3A_272, %add3A_273 : i32
      %mul3A_275 = arith.constant 80 : i32
      %mul3A_276 = arith.muli %add3A_274, %mul3A_275 : i32
      %multiple_of3A_277 = tpu.assume_multiple %mul3A_276, 16 : i32
      %dma_start3A_278 = tpu.memref_slice %arg10[%multiple_of3A_277] : memref<10000xi32, #tpu.memory_space<vmem>> -> memref<80xi32, #tpu.memory_space<vmem>>
      %dma_start3A_279 = arith.constant 0 : i32
      %dma_start3A_280 = arith.constant 0 : i32
      %dma_start3A_281 = tpu.memref_slice %arg4[%dma_start3A_279, %dma_start3A_280] : memref<10000x128xf32, #tpu.memory_space<hbm>> -> memref<10000x128xf32, #tpu.memory_space<hbm>>
      tpu.enqueue_indirect_dma source(%dma_start3A_281 : memref<10000x128xf32, #tpu.memory_space<hbm>>) target(%arg8 : memref<80x128xf32, #tpu.memory_space<vmem>>) offsets(%dma_start3A_278 : memref<80xi32, #tpu.memory_space<vmem>>) semaphore(%arg19 : memref<!tpu.dma_semaphore, #tpu.memory_space<semaphore_mem>>)
      %mul3A_282 = arith.constant 3 : i32
      %mul3A_283 = arith.muli %mul3A_282, %scan3A_188 : i32
      %add3A_284 = arith.constant 2 : i32
      %add3A_285 = arith.addi %mul3A_283, %add3A_284 : i32
      %add3A_286 = arith.constant 320000 : i32
      %add3A_287 = arith.addi %add3A_286, %mul3A_2 : i32
      %mul3A_288 = arith.constant 80 : i32
      %mul3A_289 = arith.muli %add3A_285, %mul3A_288 : i32
      %add3A_290 = arith.addi %add3A_287, %mul3A_289 : i32
      %multiple_of3A_291 = tpu.assume_multiple %add3A_290, 8 : i32
      %dma_start3A_292 = tpu.memref_slice %arg2[%multiple_of3A_291] : memref<640000xi32, #tpu.memory_space<hbm>> -> memref<80xi32, #tpu.memory_space<hbm>>
      %dma_start3A_293 = tpu.memref_slice %arg2[%multiple_of3A_291] : memref<640000xi32, #tpu.memory_space<hbm>> -> memref<80xi32, #tpu.memory_space<hbm>>
      tpu.enqueue_dma source(%dma_start3A_293 : memref<80xi32, #tpu.memory_space<hbm>>) target(%arg13 : memref<80xi32, #tpu.memory_space<vmem>>) target_semaphore(%arg16 : memref<!tpu.dma_semaphore, #tpu.memory_space<semaphore_mem>>)
      %dma_wait3A_294 = arith.constant 0 : i32
      %dma_wait3A_295 = tpu.memref_slice %arg10[%dma_wait3A_294] : memref<10000xi32, #tpu.memory_space<vmem>> -> memref<80xi32, #tpu.memory_space<vmem>>
      %dma_wait3A_296 = arith.constant 0 : i32
      %dma_wait3A_297 = arith.constant 0 : i32
      %dma_wait3A_298 = tpu.memref_slice %arg4[%dma_wait3A_296, %dma_wait3A_297] : memref<10000x128xf32, #tpu.memory_space<hbm>> -> memref<10000x128xf32, #tpu.memory_space<hbm>>
      tpu.wait_indirect_dma semaphore(%arg18 : memref<!tpu.dma_semaphore, #tpu.memory_space<semaphore_mem>>) src(%dma_wait3A_298 : memref<10000x128xf32, #tpu.memory_space<hbm>>) dst(%arg7 : memref<80x128xf32, #tpu.memory_space<vmem>>)
      %add3A_299 = arith.constant 320000 : i32
      %add3A_300 = arith.addi %add3A_299, %mul3A_2 : i32
      %multiple_of3A_301 = tpu.assume_multiple %add3A_300, 8 : i32
      %dma_wait3A_302 = tpu.memref_slice %arg2[%multiple_of3A_301] : memref<640000xi32, #tpu.memory_space<hbm>> -> memref<80xi32, #tpu.memory_space<hbm>>
      %dma_wait3A_303 = tpu.memref_slice %arg2[%multiple_of3A_301] : memref<640000xi32, #tpu.memory_space<hbm>> -> memref<80xi32, #tpu.memory_space<hbm>>
      tpu.wait_dma2 semaphore(%arg15 : memref<!tpu.dma_semaphore, #tpu.memory_space<semaphore_mem>>) src(%dma_wait3A_303 : memref<80xi32, #tpu.memory_space<hbm>>) dst(%arg12 : memref<80xi32, #tpu.memory_space<vmem>>)
      %dma_start3A_304 = arith.constant 0 : i32
      %dma_start3A_305 = arith.constant 0 : i32
      %dma_start3A_306 = tpu.memref_slice %arg24[%dma_start3A_304, %dma_start3A_305] : memref<10000x128xf32, #tpu.memory_space<vmem_shared>> -> memref<10000x128xf32, #tpu.memory_space<vmem_shared>>
      tpu.enqueue_indirect_dma source(%arg7 : memref<80x128xf32, #tpu.memory_space<vmem>>) target(%dma_start3A_306 : memref<10000x128xf32, #tpu.memory_space<vmem_shared>>) offsets(%arg12 : memref<80xi32, #tpu.memory_space<vmem>>) semaphore(%arg21 : memref<!tpu.dma_semaphore, #tpu.memory_space<semaphore_mem>>) {add = true}
      %scan3A_307 = arith.constant 0 : i32
      scf.yield %scan3A_307 : i32
    }
    %scan3A_99 = arith.constant 40 : i32
    %dma_wait3A_100 = arith.constant 0 : i32
    %dma_wait3A_101 = arith.constant 0 : i32
    %dma_wait3A_102 = tpu.memref_slice %arg24[%dma_wait3A_100, %dma_wait3A_101] : memref<10000x128xf32, #tpu.memory_space<vmem_shared>> -> memref<10000x128xf32, #tpu.memory_space<vmem_shared>>
    tpu.wait_indirect_dma semaphore(%arg20 : memref<!tpu.dma_semaphore, #tpu.memory_space<semaphore_mem>>) src(%arg6 : memref<80x128xf32, #tpu.memory_space<vmem>>) dst(%dma_wait3A_102 : memref<10000x128xf32, #tpu.memory_space<vmem_shared>>)
    %multiple_of3A_103 = arith.constant 9840 : i32
    %multiple_of3A_104 = tpu.assume_multiple %multiple_of3A_103, 16 : i32
    %dma_start3A_105 = tpu.memref_slice %arg10[%multiple_of3A_104] : memref<10000xi32, #tpu.memory_space<vmem>> -> memref<80xi32, #tpu.memory_space<vmem>>
    %dma_start3A_106 = arith.constant 0 : i32
    %dma_start3A_107 = arith.constant 0 : i32
    %dma_start3A_108 = tpu.memref_slice %arg4[%dma_start3A_106, %dma_start3A_107] : memref<10000x128xf32, #tpu.memory_space<hbm>> -> memref<10000x128xf32, #tpu.memory_space<hbm>>
    tpu.enqueue_indirect_dma source(%dma_start3A_108 : memref<10000x128xf32, #tpu.memory_space<hbm>>) target(%arg6 : memref<80x128xf32, #tpu.memory_space<vmem>>) offsets(%dma_start3A_105 : memref<80xi32, #tpu.memory_space<vmem>>) semaphore(%arg17 : memref<!tpu.dma_semaphore, #tpu.memory_space<semaphore_mem>>)
    %add3A_109 = arith.constant 320000 : i32
    %add3A_110 = arith.addi %add3A_109, %mul3A_2 : i32
    %add3A_111 = arith.constant 9840 : i32
    %add3A_112 = arith.addi %add3A_110, %add3A_111 : i32
    %multiple_of3A_113 = tpu.assume_multiple %add3A_112, 8 : i32
    %dma_start3A_114 = tpu.memref_slice %arg2[%multiple_of3A_113] : memref<640000xi32, #tpu.memory_space<hbm>> -> memref<80xi32, #tpu.memory_space<hbm>>
    %dma_start3A_115 = tpu.memref_slice %arg2[%multiple_of3A_113] : memref<640000xi32, #tpu.memory_space<hbm>> -> memref<80xi32, #tpu.memory_space<hbm>>
    tpu.enqueue_dma source(%dma_start3A_115 : memref<80xi32, #tpu.memory_space<hbm>>) target(%arg11 : memref<80xi32, #tpu.memory_space<vmem>>) target_semaphore(%arg14 : memref<!tpu.dma_semaphore, #tpu.memory_space<semaphore_mem>>)
    %dma_wait3A_116 = arith.constant 0 : i32
    %dma_wait3A_117 = tpu.memref_slice %arg10[%dma_wait3A_116] : memref<10000xi32, #tpu.memory_space<vmem>> -> memref<80xi32, #tpu.memory_space<vmem>>
    %dma_wait3A_118 = arith.constant 0 : i32
    %dma_wait3A_119 = arith.constant 0 : i32
    %dma_wait3A_120 = tpu.memref_slice %arg4[%dma_wait3A_118, %dma_wait3A_119] : memref<10000x128xf32, #tpu.memory_space<hbm>> -> memref<10000x128xf32, #tpu.memory_space<hbm>>
    tpu.wait_indirect_dma semaphore(%arg19 : memref<!tpu.dma_semaphore, #tpu.memory_space<semaphore_mem>>) src(%dma_wait3A_120 : memref<10000x128xf32, #tpu.memory_space<hbm>>) dst(%arg8 : memref<80x128xf32, #tpu.memory_space<vmem>>)
    %add3A_121 = arith.constant 320000 : i32
    %add3A_122 = arith.addi %add3A_121, %mul3A_2 : i32
    %multiple_of3A_123 = tpu.assume_multiple %add3A_122, 8 : i32
    %dma_wait3A_124 = tpu.memref_slice %arg2[%multiple_of3A_123] : memref<640000xi32, #tpu.memory_space<hbm>> -> memref<80xi32, #tpu.memory_space<hbm>>
    %dma_wait3A_125 = tpu.memref_slice %arg2[%multiple_of3A_123] : memref<640000xi32, #tpu.memory_space<hbm>> -> memref<80xi32, #tpu.memory_space<hbm>>
    tpu.wait_dma2 semaphore(%arg16 : memref<!tpu.dma_semaphore, #tpu.memory_space<semaphore_mem>>) src(%dma_wait3A_125 : memref<80xi32, #tpu.memory_space<hbm>>) dst(%arg13 : memref<80xi32, #tpu.memory_space<vmem>>)
    %dma_start3A_126 = arith.constant 0 : i32
    %dma_start3A_127 = arith.constant 0 : i32
    %dma_start3A_128 = tpu.memref_slice %arg24[%dma_start3A_126, %dma_start3A_127] : memref<10000x128xf32, #tpu.memory_space<vmem_shared>> -> memref<10000x128xf32, #tpu.memory_space<vmem_shared>>
    tpu.enqueue_indirect_dma source(%arg8 : memref<80x128xf32, #tpu.memory_space<vmem>>) target(%dma_start3A_128 : memref<10000x128xf32, #tpu.memory_space<vmem_shared>>) offsets(%arg13 : memref<80xi32, #tpu.memory_space<vmem>>) semaphore(%arg22 : memref<!tpu.dma_semaphore, #tpu.memory_space<semaphore_mem>>) {add = true}
    %dma_wait3A_129 = arith.constant 0 : i32
    %dma_wait3A_130 = arith.constant 0 : i32
    %dma_wait3A_131 = tpu.memref_slice %arg24[%dma_wait3A_129, %dma_wait3A_130] : memref<10000x128xf32, #tpu.memory_space<vmem_shared>> -> memref<10000x128xf32, #tpu.memory_space<vmem_shared>>
    tpu.wait_indirect_dma semaphore(%arg21 : memref<!tpu.dma_semaphore, #tpu.memory_space<semaphore_mem>>) src(%arg7 : memref<80x128xf32, #tpu.memory_space<vmem>>) dst(%dma_wait3A_131 : memref<10000x128xf32, #tpu.memory_space<vmem_shared>>)
    %multiple_of3A_132 = arith.constant 9920 : i32
    %multiple_of3A_133 = tpu.assume_multiple %multiple_of3A_132, 16 : i32
    %dma_start3A_134 = tpu.memref_slice %arg10[%multiple_of3A_133] : memref<10000xi32, #tpu.memory_space<vmem>> -> memref<80xi32, #tpu.memory_space<vmem>>
    %dma_start3A_135 = arith.constant 0 : i32
    %dma_start3A_136 = arith.constant 0 : i32
    %dma_start3A_137 = tpu.memref_slice %arg4[%dma_start3A_135, %dma_start3A_136] : memref<10000x128xf32, #tpu.memory_space<hbm>> -> memref<10000x128xf32, #tpu.memory_space<hbm>>
    tpu.enqueue_indirect_dma source(%dma_start3A_137 : memref<10000x128xf32, #tpu.memory_space<hbm>>) target(%arg7 : memref<80x128xf32, #tpu.memory_space<vmem>>) offsets(%dma_start3A_134 : memref<80xi32, #tpu.memory_space<vmem>>) semaphore(%arg18 : memref<!tpu.dma_semaphore, #tpu.memory_space<semaphore_mem>>)
    %add3A_138 = arith.constant 320000 : i32
    %add3A_139 = arith.addi %add3A_138, %mul3A_2 : i32
    %add3A_140 = arith.constant 9920 : i32
    %add3A_141 = arith.addi %add3A_139, %add3A_140 : i32
    %multiple_of3A_142 = tpu.assume_multiple %add3A_141, 8 : i32
    %dma_start3A_143 = tpu.memref_slice %arg2[%multiple_of3A_142] : memref<640000xi32, #tpu.memory_space<hbm>> -> memref<80xi32, #tpu.memory_space<hbm>>
    %dma_start3A_144 = tpu.memref_slice %arg2[%multiple_of3A_142] : memref<640000xi32, #tpu.memory_space<hbm>> -> memref<80xi32, #tpu.memory_space<hbm>>
    tpu.enqueue_dma source(%dma_start3A_144 : memref<80xi32, #tpu.memory_space<hbm>>) target(%arg12 : memref<80xi32, #tpu.memory_space<vmem>>) target_semaphore(%arg15 : memref<!tpu.dma_semaphore, #tpu.memory_space<semaphore_mem>>)
    %dma_wait3A_145 = arith.constant 0 : i32
    %dma_wait3A_146 = tpu.memref_slice %arg10[%dma_wait3A_145] : memref<10000xi32, #tpu.memory_space<vmem>> -> memref<80xi32, #tpu.memory_space<vmem>>
    %dma_wait3A_147 = arith.constant 0 : i32
    %dma_wait3A_148 = arith.constant 0 : i32
    %dma_wait3A_149 = tpu.memref_slice %arg4[%dma_wait3A_147, %dma_wait3A_148] : memref<10000x128xf32, #tpu.memory_space<hbm>> -> memref<10000x128xf32, #tpu.memory_space<hbm>>
    tpu.wait_indirect_dma semaphore(%arg17 : memref<!tpu.dma_semaphore, #tpu.memory_space<semaphore_mem>>) src(%dma_wait3A_149 : memref<10000x128xf32, #tpu.memory_space<hbm>>) dst(%arg6 : memref<80x128xf32, #tpu.memory_space<vmem>>)
    %add3A_150 = arith.constant 320000 : i32
    %add3A_151 = arith.addi %add3A_150, %mul3A_2 : i32
    %multiple_of3A_152 = tpu.assume_multiple %add3A_151, 8 : i32
    %dma_wait3A_153 = tpu.memref_slice %arg2[%multiple_of3A_152] : memref<640000xi32, #tpu.memory_space<hbm>> -> memref<80xi32, #tpu.memory_space<hbm>>
    %dma_wait3A_154 = tpu.memref_slice %arg2[%multiple_of3A_152] : memref<640000xi32, #tpu.memory_space<hbm>> -> memref<80xi32, #tpu.memory_space<hbm>>
    tpu.wait_dma2 semaphore(%arg14 : memref<!tpu.dma_semaphore, #tpu.memory_space<semaphore_mem>>) src(%dma_wait3A_154 : memref<80xi32, #tpu.memory_space<hbm>>) dst(%arg11 : memref<80xi32, #tpu.memory_space<vmem>>)
    %dma_start3A_155 = arith.constant 0 : i32
    %dma_start3A_156 = arith.constant 0 : i32
    %dma_start3A_157 = tpu.memref_slice %arg24[%dma_start3A_155, %dma_start3A_156] : memref<10000x128xf32, #tpu.memory_space<vmem_shared>> -> memref<10000x128xf32, #tpu.memory_space<vmem_shared>>
    tpu.enqueue_indirect_dma source(%arg6 : memref<80x128xf32, #tpu.memory_space<vmem>>) target(%dma_start3A_157 : memref<10000x128xf32, #tpu.memory_space<vmem_shared>>) offsets(%arg11 : memref<80xi32, #tpu.memory_space<vmem>>) semaphore(%arg20 : memref<!tpu.dma_semaphore, #tpu.memory_space<semaphore_mem>>) {add = true}
    %dma_wait3A_158 = arith.constant 0 : i32
    %dma_wait3A_159 = tpu.memref_slice %arg10[%dma_wait3A_158] : memref<10000xi32, #tpu.memory_space<vmem>> -> memref<80xi32, #tpu.memory_space<vmem>>
    %dma_wait3A_160 = arith.constant 0 : i32
    %dma_wait3A_161 = arith.constant 0 : i32
    %dma_wait3A_162 = tpu.memref_slice %arg4[%dma_wait3A_160, %dma_wait3A_161] : memref<10000x128xf32, #tpu.memory_space<hbm>> -> memref<10000x128xf32, #tpu.memory_space<hbm>>
    tpu.wait_indirect_dma semaphore(%arg18 : memref<!tpu.dma_semaphore, #tpu.memory_space<semaphore_mem>>) src(%dma_wait3A_162 : memref<10000x128xf32, #tpu.memory_space<hbm>>) dst(%arg7 : memref<80x128xf32, #tpu.memory_space<vmem>>)
    %add3A_163 = arith.constant 320000 : i32
    %add3A_164 = arith.addi %add3A_163, %mul3A_2 : i32
    %multiple_of3A_165 = tpu.assume_multiple %add3A_164, 8 : i32
    %dma_wait3A_166 = tpu.memref_slice %arg2[%multiple_of3A_165] : memref<640000xi32, #tpu.memory_space<hbm>> -> memref<80xi32, #tpu.memory_space<hbm>>
    %dma_wait3A_167 = tpu.memref_slice %arg2[%multiple_of3A_165] : memref<640000xi32, #tpu.memory_space<hbm>> -> memref<80xi32, #tpu.memory_space<hbm>>
    tpu.wait_dma2 semaphore(%arg15 : memref<!tpu.dma_semaphore, #tpu.memory_space<semaphore_mem>>) src(%dma_wait3A_167 : memref<80xi32, #tpu.memory_space<hbm>>) dst(%arg12 : memref<80xi32, #tpu.memory_space<vmem>>)
    %dma_start3A_168 = arith.constant 0 : i32
    %dma_start3A_169 = arith.constant 0 : i32
    %dma_start3A_170 = tpu.memref_slice %arg24[%dma_start3A_168, %dma_start3A_169] : memref<10000x128xf32, #tpu.memory_space<vmem_shared>> -> memref<10000x128xf32, #tpu.memory_space<vmem_shared>>
    tpu.enqueue_indirect_dma source(%arg7 : memref<80x128xf32, #tpu.memory_space<vmem>>) target(%dma_start3A_170 : memref<10000x128xf32, #tpu.memory_space<vmem_shared>>) offsets(%arg12 : memref<80xi32, #tpu.memory_space<vmem>>) semaphore(%arg21 : memref<!tpu.dma_semaphore, #tpu.memory_space<semaphore_mem>>) {add = true}
    %dma_wait3A_171 = arith.constant 0 : i32
    %dma_wait3A_172 = arith.constant 0 : i32
    %dma_wait3A_173 = tpu.memref_slice %arg24[%dma_wait3A_171, %dma_wait3A_172] : memref<10000x128xf32, #tpu.memory_space<vmem_shared>> -> memref<10000x128xf32, #tpu.memory_space<vmem_shared>>
    tpu.wait_indirect_dma semaphore(%arg20 : memref<!tpu.dma_semaphore, #tpu.memory_space<semaphore_mem>>) src(%arg6 : memref<80x128xf32, #tpu.memory_space<vmem>>) dst(%dma_wait3A_173 : memref<10000x128xf32, #tpu.memory_space<vmem_shared>>)
    %dma_wait3A_174 = arith.constant 0 : i32
    %dma_wait3A_175 = arith.constant 0 : i32
    %dma_wait3A_176 = tpu.memref_slice %arg24[%dma_wait3A_174, %dma_wait3A_175] : memref<10000x128xf32, #tpu.memory_space<vmem_shared>> -> memref<10000x128xf32, #tpu.memory_space<vmem_shared>>
    tpu.wait_indirect_dma semaphore(%arg21 : memref<!tpu.dma_semaphore, #tpu.memory_space<semaphore_mem>>) src(%arg7 : memref<80x128xf32, #tpu.memory_space<vmem>>) dst(%dma_wait3A_176 : memref<10000x128xf32, #tpu.memory_space<vmem_shared>>)
    %dma_wait3A_177 = arith.constant 0 : i32
    %dma_wait3A_178 = arith.constant 0 : i32
    %dma_wait3A_179 = tpu.memref_slice %arg24[%dma_wait3A_177, %dma_wait3A_178] : memref<10000x128xf32, #tpu.memory_space<vmem_shared>> -> memref<10000x128xf32, #tpu.memory_space<vmem_shared>>
    tpu.wait_indirect_dma semaphore(%arg22 : memref<!tpu.dma_semaphore, #tpu.memory_space<semaphore_mem>>) src(%arg8 : memref<80x128xf32, #tpu.memory_space<vmem>>) dst(%dma_wait3A_179 : memref<10000x128xf32, #tpu.memory_space<vmem_shared>>)
    %barrier3A_180 = arith.constant 0 : index
    tpu.barrier barrier_id(%barrier3A_180)
    %lt3A = arith.constant 15 : i32
    %lt3A_181 = arith.cmpi slt, %arg1, %lt3A : i32
    %convert_element_type3A = arith.extui %lt3A_181 : i1 to i32
    %cond3A = arith.constant 0 : i32
    %cond3A_182 = arith.cmpi ne, %convert_element_type3A, %cond3A : i32
    scf.if %cond3A_182 {
      "tpu.region"() ({
        %run_scoped3A = tpu.sem_alloc : memref<!tpu.dma_semaphore, #tpu.memory_space<semaphore_mem>>
        %dma_start3A_188 = arith.constant 0 : i32
        %dma_start3A_189 = tpu.memref_slice %arg5[%arg0, %mul3A_4, %dma_start3A_188] : memref<2x10000x128xf32, #tpu.memory_space<hbm>> -> memref<1x624x128xf32, #tpu.memory_space<hbm>>
        %dma_start3A_190 = tpu.memref_squeeze %dma_start3A_189 : memref<1x624x128xf32, #tpu.memory_space<hbm>> -> memref<624x128xf32, #tpu.memory_space<hbm>>
        %dma_start3A_191 = arith.constant 0 : i32
        %dma_start3A_192 = tpu.memref_slice %arg24[%mul3A_4, %dma_start3A_191] : memref<10000x128xf32, #tpu.memory_space<vmem_shared>> -> memref<624x128xf32, #tpu.memory_space<vmem_shared>>
        tpu.enqueue_dma source(%dma_start3A_192 : memref<624x128xf32, #tpu.memory_space<vmem_shared>>) target(%dma_start3A_190 : memref<624x128xf32, #tpu.memory_space<hbm>>) target_semaphore(%run_scoped3A : memref<!tpu.dma_semaphore, #tpu.memory_space<semaphore_mem>>)
        %dma_wait3A_193 = arith.constant 0 : i32
        %dma_wait3A_194 = tpu.memref_slice %arg5[%arg0, %mul3A_4, %dma_wait3A_193] : memref<2x10000x128xf32, #tpu.memory_space<hbm>> -> memref<1x624x128xf32, #tpu.memory_space<hbm>>
        %dma_wait3A_195 = tpu.memref_squeeze %dma_wait3A_194 : memref<1x624x128xf32, #tpu.memory_space<hbm>> -> memref<624x128xf32, #tpu.memory_space<hbm>>
        %dma_wait3A_196 = arith.constant 0 : i32
        %dma_wait3A_197 = tpu.memref_slice %arg24[%mul3A_4, %dma_wait3A_196] : memref<10000x128xf32, #tpu.memory_space<vmem_shared>> -> memref<624x128xf32, #tpu.memory_space<vmem_shared>>
        tpu.wait_dma2 semaphore(%run_scoped3A : memref<!tpu.dma_semaphore, #tpu.memory_space<semaphore_mem>>) src(%dma_wait3A_197 : memref<624x128xf32, #tpu.memory_space<vmem_shared>>) dst(%dma_wait3A_195 : memref<624x128xf32, #tpu.memory_space<hbm>>)
        tpu.yield
      }) : () -> ()
    } else {
    }
    %eq3A_183 = arith.constant 15 : i32
    %eq3A_184 = arith.cmpi eq, %arg1, %eq3A_183 : i32
    %convert_element_type3A_185 = arith.extui %eq3A_184 : i1 to i32
    %cond3A_186 = arith.constant 0 : i32
    %cond3A_187 = arith.cmpi ne, %convert_element_type3A_185, %cond3A_186 : i32
    scf.if %cond3A_187 {
      "tpu.region"() ({
        %run_scoped3A = tpu.sem_alloc : memref<!tpu.dma_semaphore, #tpu.memory_space<semaphore_mem>>
        %dma_start3A_188 = arith.constant 0 : i32
        %dma_start3A_189 = tpu.memref_slice %arg5[%arg0, %mul3A_4, %dma_start3A_188] : memref<2x10000x128xf32, #tpu.memory_space<hbm>> -> memref<1x640x128xf32, #tpu.memory_space<hbm>>
        %dma_start3A_190 = tpu.memref_squeeze %dma_start3A_189 : memref<1x640x128xf32, #tpu.memory_space<hbm>> -> memref<640x128xf32, #tpu.memory_space<hbm>>
        %dma_start3A_191 = arith.constant 0 : i32
        %dma_start3A_192 = tpu.memref_slice %arg24[%mul3A_4, %dma_start3A_191] : memref<10000x128xf32, #tpu.memory_space<vmem_shared>> -> memref<640x128xf32, #tpu.memory_space<vmem_shared>>
        tpu.enqueue_dma source(%dma_start3A_192 : memref<640x128xf32, #tpu.memory_space<vmem_shared>>) target(%dma_start3A_190 : memref<640x128xf32, #tpu.memory_space<hbm>>) target_semaphore(%run_scoped3A : memref<!tpu.dma_semaphore, #tpu.memory_space<semaphore_mem>>)
        %dma_wait3A_193 = arith.constant 0 : i32
        %dma_wait3A_194 = tpu.memref_slice %arg5[%arg0, %mul3A_4, %dma_wait3A_193] : memref<2x10000x128xf32, #tpu.memory_space<hbm>> -> memref<1x640x128xf32, #tpu.memory_space<hbm>>
        %dma_wait3A_195 = tpu.memref_squeeze %dma_wait3A_194 : memref<1x640x128xf32, #tpu.memory_space<hbm>> -> memref<640x128xf32, #tpu.memory_space<hbm>>
        %dma_wait3A_196 = arith.constant 0 : i32
        %dma_wait3A_197 = tpu.memref_slice %arg24[%mul3A_4, %dma_wait3A_196] : memref<10000x128xf32, #tpu.memory_space<vmem_shared>> -> memref<640x128xf32, #tpu.memory_space<vmem_shared>>
        tpu.wait_dma2 semaphore(%run_scoped3A : memref<!tpu.dma_semaphore, #tpu.memory_space<semaphore_mem>>) src(%dma_wait3A_197 : memref<640x128xf32, #tpu.memory_space<vmem_shared>>) dst(%dma_wait3A_195 : memref<640x128xf32, #tpu.memory_space<hbm>>)
        tpu.yield
      }) : () -> ()
    } else {
    }
    return
  }
}

#map = affine_map<(d0, d1) -> (0)>
#map1 = affine_map<(d0, d1) -> (0, 0)>
#map2 = affine_map<(d0, d1) -> (0, 0, 0)>
module attributes {stable_mosaic.version = 14 : i64} {
  func.func @_sc_scatter(%arg0: i32, %arg1: i32, %arg2: memref<640000xi32, #tpu.memory_space<hbm>>, %arg3: memref<16x128xf32, #tpu.memory_space<hbm>>, %arg4: memref<10000x128xf32, #tpu.memory_space<hbm>>, %arg5: memref<2x10000x128xf32, #tpu.memory_space<hbm>>, %arg6: memref<80x128xf32, #tpu.memory_space<vmem>>, %arg7: memref<80x128xf32, #tpu.memory_space<vmem>>, %arg8: memref<80x128xf32, #tpu.memory_space<vmem>>, %arg9: memref<16x128xf32, #tpu.memory_space<vmem>>, %arg10: memref<10000xi32, #tpu.memory_space<vmem>>, %arg11: memref<80xi32, #tpu.memory_space<vmem>>, %arg12: memref<80xi32, #tpu.memory_space<vmem>>, %arg13: memref<80xi32, #tpu.memory_space<vmem>>, %arg14: memref<!tpu.dma_semaphore, #tpu.memory_space<semaphore_mem>>, %arg15: memref<!tpu.dma_semaphore, #tpu.memory_space<semaphore_mem>>, %arg16: memref<!tpu.dma_semaphore, #tpu.memory_space<semaphore_mem>>, %arg17: memref<!tpu.dma_semaphore, #tpu.memory_space<semaphore_mem>>, %arg18: memref<!tpu.dma_semaphore, #tpu.memory_space<semaphore_mem>>, %arg19: memref<!tpu.dma_semaphore, #tpu.memory_space<semaphore_mem>>, %arg20: memref<!tpu.dma_semaphore, #tpu.memory_space<semaphore_mem>>, %arg21: memref<!tpu.dma_semaphore, #tpu.memory_space<semaphore_mem>>, %arg22: memref<!tpu.dma_semaphore, #tpu.memory_space<semaphore_mem>>, %arg23: memref<!tpu.dma_semaphore, #tpu.memory_space<semaphore_mem>>, %arg24: memref<10000x128xf32, #tpu.memory_space<vmem_shared>>) attributes {dimension_semantics = [#tpu.dimension_semantics<core_parallel>, #tpu.dimension_semantics<subcore_parallel>], iteration_bounds = array<i64: 2, 16>, scalar_prefetch = 0 : i64, scratch_operands = 19 : i64, tpu.core_type = #tpu.core_type<sc_vector_subcore>, window_params = [{transform_indices = #map}, {transform_indices = #map1}, {transform_indices = #map1}, {transform_indices = #map2}]} {
    %mul3A = arith.constant 16 : i32
    %mul3A_0 = arith.muli %arg0, %mul3A : i32
    %add3A = arith.addi %mul3A_0, %arg1 : i32
    %mul3A_1 = arith.constant 10000 : i32
    %mul3A_2 = arith.muli %add3A, %mul3A_1 : i32
    %mul3A_3 = arith.constant 624 : i32
    %mul3A_4 = arith.muli %arg1, %mul3A_3 : i32
    %eq3A = arith.constant 15 : i32
    %eq3A_5 = arith.cmpi eq, %arg1, %eq3A : i32
    %select_n3A = arith.constant 39 : i32
    %select_n3A_6 = arith.constant 40 : i32
    %select_n3A_7 = arith.select %eq3A_5, %select_n3A_6, %select_n3A : i32
    %multiple_of3A = tpu.assume_multiple %mul3A_2, 8 : i32
    "tpu.region"() ({
      %run_scoped3A = tpu.sem_alloc : memref<!tpu.dma_semaphore, #tpu.memory_space<semaphore_mem>>
      %dma_start3A_188 = tpu.memref_slice %arg2[%multiple_of3A] : memref<640000xi32, #tpu.memory_space<hbm>> -> memref<10000xi32, #tpu.memory_space<hbm>>
      %dma_start3A_189 = tpu.memref_slice %arg2[%multiple_of3A] : memref<640000xi32, #tpu.memory_space<hbm>> -> memref<10000xi32, #tpu.memory_space<hbm>>
      tpu.enqueue_dma source(%dma_start3A_189 : memref<10000xi32, #tpu.memory_space<hbm>>) target(%arg10 : memref<10000xi32, #tpu.memory_space<vmem>>) target_semaphore(%run_scoped3A : memref<!tpu.dma_semaphore, #tpu.memory_space<semaphore_mem>>)
      %dma_wait3A_190 = tpu.memref_slice %arg2[%multiple_of3A] : memref<640000xi32, #tpu.memory_space<hbm>> -> memref<10000xi32, #tpu.memory_space<hbm>>
      %dma_wait3A_191 = tpu.memref_slice %arg2[%multiple_of3A] : memref<640000xi32, #tpu.memory_space<hbm>> -> memref<10000xi32, #tpu.memory_space<hbm>>
      tpu.wait_dma2 semaphore(%run_scoped3A : memref<!tpu.dma_semaphore, #tpu.memory_space<semaphore_mem>>) src(%dma_wait3A_191 : memref<10000xi32, #tpu.memory_space<hbm>>) dst(%arg10 : memref<10000xi32, #tpu.memory_space<vmem>>)
      tpu.yield
    }) : () -> ()
    "tpu.region"() ({
      %run_scoped3A = tpu.sem_alloc : memref<!tpu.dma_semaphore, #tpu.memory_space<semaphore_mem>>
      tpu.enqueue_dma source(%arg3 : memref<16x128xf32, #tpu.memory_space<hbm>>) target(%arg9 : memref<16x128xf32, #tpu.memory_space<vmem>>) target_semaphore(%run_scoped3A : memref<!tpu.dma_semaphore, #tpu.memory_space<semaphore_mem>>)
      tpu.wait_dma2 semaphore(%run_scoped3A : memref<!tpu.dma_semaphore, #tpu.memory_space<semaphore_mem>>) src(%arg3 : memref<16x128xf32, #tpu.memory_space<hbm>>) dst(%arg9 : memref<16x128xf32, #tpu.memory_space<vmem>>)
      tpu.yield
    }) : () -> ()
    %while3A = arith.constant 0 : i32
    %while3A_8 = arith.constant 0 : i32
    %while3A_9 = arith.subi %select_n3A_7, %while3A : i32
    %while3A_10 = arith.addi %while3A, %while3A_9 : i32
    %while3A_11 = arith.constant 1 : i32
    %while3A_12 = arith.divsi %while3A_9, %while3A_11 : i32
    %while3A_13 = arith.muli %while3A_12, %while3A_11 : i32
    %while3A_14 = arith.addi %while3A, %while3A_13 : i32
    %while3A_15 = arith.constant 1 : i32
    %while3A_16 = scf.for %while3A_188 = %while3A to %while3A_14 step %while3A_15 iter_args(%while3A_189 = %while3A_8) -> (i32)  : i32 {
      %mul3A_190 = arith.constant 16 : i32
      %mul3A_191 = arith.muli %mul3A_190, %while3A_188 : i32
      %add3A_192 = arith.addi %mul3A_4, %mul3A_191 : i32
      %dma_start3A_193 = arith.constant 0 : i32
      %dma_start3A_194 = tpu.memref_slice %arg24[%add3A_192, %dma_start3A_193] : memref<10000x128xf32, #tpu.memory_space<vmem_shared>> -> memref<16x128xf32, #tpu.memory_space<vmem_shared>>
      %dma_start3A_195 = arith.constant 0 : i32
      %dma_start3A_196 = tpu.memref_slice %arg24[%add3A_192, %dma_start3A_195] : memref<10000x128xf32, #tpu.memory_space<vmem_shared>> -> memref<16x128xf32, #tpu.memory_space<vmem_shared>>
      tpu.enqueue_dma source(%arg9 : memref<16x128xf32, #tpu.memory_space<vmem>>) target(%dma_start3A_196 : memref<16x128xf32, #tpu.memory_space<vmem_shared>>) target_semaphore(%arg23 : memref<!tpu.dma_semaphore, #tpu.memory_space<semaphore_mem>>)
      %while3A_197 = arith.constant 0 : i32
      scf.yield %while3A_197 : i32
    }
    %while3A_17 = arith.constant 1 : i32
    %while3A_18 = scf.for %while3A_188 = %while3A_14 to %while3A_10 step %while3A_17 iter_args(%while3A_189 = %while3A_16) -> (i32)  : i32 {
      %mul3A_190 = arith.constant 16 : i32
      %mul3A_191 = arith.muli %mul3A_190, %while3A_188 : i32
      %add3A_192 = arith.addi %mul3A_4, %mul3A_191 : i32
      %dma_start3A_193 = arith.constant 0 : i32
      %dma_start3A_194 = tpu.memref_slice %arg24[%add3A_192, %dma_start3A_193] : memref<10000x128xf32, #tpu.memory_space<vmem_shared>> -> memref<16x128xf32, #tpu.memory_space<vmem_shared>>
      %dma_start3A_195 = arith.constant 0 : i32
      %dma_start3A_196 = tpu.memref_slice %arg24[%add3A_192, %dma_start3A_195] : memref<10000x128xf32, #tpu.memory_space<vmem_shared>> -> memref<16x128xf32, #tpu.memory_space<vmem_shared>>
      tpu.enqueue_dma source(%arg9 : memref<16x128xf32, #tpu.memory_space<vmem>>) target(%dma_start3A_196 : memref<16x128xf32, #tpu.memory_space<vmem_shared>>) target_semaphore(%arg23 : memref<!tpu.dma_semaphore, #tpu.memory_space<semaphore_mem>>)
      %while3A_197 = arith.constant 0 : i32
      scf.yield %while3A_197 : i32
    }
    %while3A_19 = arith.constant 0 : i32
    %while3A_20 = arith.constant 0 : i32
    %while3A_21 = arith.subi %select_n3A_7, %while3A_19 : i32
    %while3A_22 = arith.addi %while3A_19, %while3A_21 : i32
    %while3A_23 = arith.constant 1 : i32
    %while3A_24 = arith.divsi %while3A_21, %while3A_23 : i32
    %while3A_25 = arith.muli %while3A_24, %while3A_23 : i32
    %while3A_26 = arith.addi %while3A_19, %while3A_25 : i32
    %while3A_27 = arith.constant 1 : i32
    %while3A_28 = scf.for %while3A_188 = %while3A_19 to %while3A_26 step %while3A_27 iter_args(%while3A_189 = %while3A_20) -> (i32)  : i32 {
      %dma_wait3A_190 = arith.constant 0 : i32
      %dma_wait3A_191 = tpu.memref_slice %arg24[%mul3A_4, %dma_wait3A_190] : memref<10000x128xf32, #tpu.memory_space<vmem_shared>> -> memref<16x128xf32, #tpu.memory_space<vmem_shared>>
      %dma_wait3A_192 = arith.constant 0 : i32
      %dma_wait3A_193 = tpu.memref_slice %arg24[%mul3A_4, %dma_wait3A_192] : memref<10000x128xf32, #tpu.memory_space<vmem_shared>> -> memref<16x128xf32, #tpu.memory_space<vmem_shared>>
      tpu.wait_dma2 semaphore(%arg23 : memref<!tpu.dma_semaphore, #tpu.memory_space<semaphore_mem>>) src(%arg9 : memref<16x128xf32, #tpu.memory_space<vmem>>) dst(%dma_wait3A_193 : memref<16x128xf32, #tpu.memory_space<vmem_shared>>)
      %while3A_194 = arith.constant 0 : i32
      scf.yield %while3A_194 : i32
    }
    %while3A_29 = arith.constant 1 : i32
    %while3A_30 = scf.for %while3A_188 = %while3A_26 to %while3A_22 step %while3A_29 iter_args(%while3A_189 = %while3A_28) -> (i32)  : i32 {
      %dma_wait3A_190 = arith.constant 0 : i32
      %dma_wait3A_191 = tpu.memref_slice %arg24[%mul3A_4, %dma_wait3A_190] : memref<10000x128xf32, #tpu.memory_space<vmem_shared>> -> memref<16x128xf32, #tpu.memory_space<vmem_shared>>
      %dma_wait3A_192 = arith.constant 0 : i32
      %dma_wait3A_193 = tpu.memref_slice %arg24[%mul3A_4, %dma_wait3A_192] : memref<10000x128xf32, #tpu.memory_space<vmem_shared>> -> memref<16x128xf32, #tpu.memory_space<vmem_shared>>
      tpu.wait_dma2 semaphore(%arg23 : memref<!tpu.dma_semaphore, #tpu.memory_space<semaphore_mem>>) src(%arg9 : memref<16x128xf32, #tpu.memory_space<vmem>>) dst(%dma_wait3A_193 : memref<16x128xf32, #tpu.memory_space<vmem_shared>>)
      %while3A_194 = arith.constant 0 : i32
      scf.yield %while3A_194 : i32
    }
    %barrier3A = arith.constant 0 : index
    tpu.barrier barrier_id(%barrier3A)
    %multiple_of3A_31 = arith.constant 0 : i32
    %multiple_of3A_32 = tpu.assume_multiple %multiple_of3A_31, 16 : i32
    %dma_start3A = tpu.memref_slice %arg10[%multiple_of3A_32] : memref<10000xi32, #tpu.memory_space<vmem>> -> memref<80xi32, #tpu.memory_space<vmem>>
    %dma_start3A_33 = arith.constant 0 : i32
    %dma_start3A_34 = arith.constant 0 : i32
    %dma_start3A_35 = tpu.memref_slice %arg4[%dma_start3A_33, %dma_start3A_34] : memref<10000x128xf32, #tpu.memory_space<hbm>> -> memref<10000x128xf32, #tpu.memory_space<hbm>>
    tpu.enqueue_indirect_dma source(%dma_start3A_35 : memref<10000x128xf32, #tpu.memory_space<hbm>>) target(%arg6 : memref<80x128xf32, #tpu.memory_space<vmem>>) offsets(%dma_start3A : memref<80xi32, #tpu.memory_space<vmem>>) semaphore(%arg17 : memref<!tpu.dma_semaphore, #tpu.memory_space<semaphore_mem>>)
    %add3A_36 = arith.constant 320000 : i32
    %add3A_37 = arith.addi %add3A_36, %mul3A_2 : i32
    %add3A_38 = arith.constant 0 : i32
    %add3A_39 = arith.addi %add3A_37, %add3A_38 : i32
    %multiple_of3A_40 = tpu.assume_multiple %add3A_39, 8 : i32
    %dma_start3A_41 = tpu.memref_slice %arg2[%multiple_of3A_40] : memref<640000xi32, #tpu.memory_space<hbm>> -> memref<80xi32, #tpu.memory_space<hbm>>
    %dma_start3A_42 = tpu.memref_slice %arg2[%multiple_of3A_40] : memref<640000xi32, #tpu.memory_space<hbm>> -> memref<80xi32, #tpu.memory_space<hbm>>
    tpu.enqueue_dma source(%dma_start3A_42 : memref<80xi32, #tpu.memory_space<hbm>>) target(%arg11 : memref<80xi32, #tpu.memory_space<vmem>>) target_semaphore(%arg14 : memref<!tpu.dma_semaphore, #tpu.memory_space<semaphore_mem>>)
    %multiple_of3A_43 = arith.constant 80 : i32
    %multiple_of3A_44 = tpu.assume_multiple %multiple_of3A_43, 16 : i32
    %dma_start3A_45 = tpu.memref_slice %arg10[%multiple_of3A_44] : memref<10000xi32, #tpu.memory_space<vmem>> -> memref<80xi32, #tpu.memory_space<vmem>>
    %dma_start3A_46 = arith.constant 0 : i32
    %dma_start3A_47 = arith.constant 0 : i32
    %dma_start3A_48 = tpu.memref_slice %arg4[%dma_start3A_46, %dma_start3A_47] : memref<10000x128xf32, #tpu.memory_space<hbm>> -> memref<10000x128xf32, #tpu.memory_space<hbm>>
    tpu.enqueue_indirect_dma source(%dma_start3A_48 : memref<10000x128xf32, #tpu.memory_space<hbm>>) target(%arg7 : memref<80x128xf32, #tpu.memory_space<vmem>>) offsets(%dma_start3A_45 : memref<80xi32, #tpu.memory_space<vmem>>) semaphore(%arg18 : memref<!tpu.dma_semaphore, #tpu.memory_space<semaphore_mem>>)
    %add3A_49 = arith.constant 320000 : i32
    %add3A_50 = arith.addi %add3A_49, %mul3A_2 : i32
    %add3A_51 = arith.constant 80 : i32
    %add3A_52 = arith.addi %add3A_50, %add3A_51 : i32
    %multiple_of3A_53 = tpu.assume_multiple %add3A_52, 8 : i32
    %dma_start3A_54 = tpu.memref_slice %arg2[%multiple_of3A_53] : memref<640000xi32, #tpu.memory_space<hbm>> -> memref<80xi32, #tpu.memory_space<hbm>>
    %dma_start3A_55 = tpu.memref_slice %arg2[%multiple_of3A_53] : memref<640000xi32, #tpu.memory_space<hbm>> -> memref<80xi32, #tpu.memory_space<hbm>>
    tpu.enqueue_dma source(%dma_start3A_55 : memref<80xi32, #tpu.memory_space<hbm>>) target(%arg12 : memref<80xi32, #tpu.memory_space<vmem>>) target_semaphore(%arg15 : memref<!tpu.dma_semaphore, #tpu.memory_space<semaphore_mem>>)
    %multiple_of3A_56 = arith.constant 160 : i32
    %multiple_of3A_57 = tpu.assume_multiple %multiple_of3A_56, 16 : i32
    %dma_start3A_58 = tpu.memref_slice %arg10[%multiple_of3A_57] : memref<10000xi32, #tpu.memory_space<vmem>> -> memref<80xi32, #tpu.memory_space<vmem>>
    %dma_start3A_59 = arith.constant 0 : i32
    %dma_start3A_60 = arith.constant 0 : i32
    %dma_start3A_61 = tpu.memref_slice %arg4[%dma_start3A_59, %dma_start3A_60] : memref<10000x128xf32, #tpu.memory_space<hbm>> -> memref<10000x128xf32, #tpu.memory_space<hbm>>
    tpu.enqueue_indirect_dma source(%dma_start3A_61 : memref<10000x128xf32, #tpu.memory_space<hbm>>) target(%arg8 : memref<80x128xf32, #tpu.memory_space<vmem>>) offsets(%dma_start3A_58 : memref<80xi32, #tpu.memory_space<vmem>>) semaphore(%arg19 : memref<!tpu.dma_semaphore, #tpu.memory_space<semaphore_mem>>)
    %add3A_62 = arith.constant 320000 : i32
    %add3A_63 = arith.addi %add3A_62, %mul3A_2 : i32
    %add3A_64 = arith.constant 160 : i32
    %add3A_65 = arith.addi %add3A_63, %add3A_64 : i32
    %multiple_of3A_66 = tpu.assume_multiple %add3A_65, 8 : i32
    %dma_start3A_67 = tpu.memref_slice %arg2[%multiple_of3A_66] : memref<640000xi32, #tpu.memory_space<hbm>> -> memref<80xi32, #tpu.memory_space<hbm>>
    %dma_start3A_68 = tpu.memref_slice %arg2[%multiple_of3A_66] : memref<640000xi32, #tpu.memory_space<hbm>> -> memref<80xi32, #tpu.memory_space<hbm>>
    tpu.enqueue_dma source(%dma_start3A_68 : memref<80xi32, #tpu.memory_space<hbm>>) target(%arg13 : memref<80xi32, #tpu.memory_space<vmem>>) target_semaphore(%arg16 : memref<!tpu.dma_semaphore, #tpu.memory_space<semaphore_mem>>)
    %dma_wait3A = arith.constant 0 : i32
    %dma_wait3A_69 = tpu.memref_slice %arg10[%dma_wait3A] : memref<10000xi32, #tpu.memory_space<vmem>> -> memref<80xi32, #tpu.memory_space<vmem>>
    %dma_wait3A_70 = arith.constant 0 : i32
    %dma_wait3A_71 = arith.constant 0 : i32
    %dma_wait3A_72 = tpu.memref_slice %arg4[%dma_wait3A_70, %dma_wait3A_71] : memref<10000x128xf32, #tpu.memory_space<hbm>> -> memref<10000x128xf32, #tpu.memory_space<hbm>>
    tpu.wait_indirect_dma semaphore(%arg17 : memref<!tpu.dma_semaphore, #tpu.memory_space<semaphore_mem>>) src(%dma_wait3A_72 : memref<10000x128xf32, #tpu.memory_space<hbm>>) dst(%arg6 : memref<80x128xf32, #tpu.memory_space<vmem>>)
    %add3A_73 = arith.constant 320000 : i32
    %add3A_74 = arith.addi %add3A_73, %mul3A_2 : i32
    %multiple_of3A_75 = tpu.assume_multiple %add3A_74, 8 : i32
    %dma_wait3A_76 = tpu.memref_slice %arg2[%multiple_of3A_75] : memref<640000xi32, #tpu.memory_space<hbm>> -> memref<80xi32, #tpu.memory_space<hbm>>
    %dma_wait3A_77 = tpu.memref_slice %arg2[%multiple_of3A_75] : memref<640000xi32, #tpu.memory_space<hbm>> -> memref<80xi32, #tpu.memory_space<hbm>>
    tpu.wait_dma2 semaphore(%arg14 : memref<!tpu.dma_semaphore, #tpu.memory_space<semaphore_mem>>) src(%dma_wait3A_77 : memref<80xi32, #tpu.memory_space<hbm>>) dst(%arg11 : memref<80xi32, #tpu.memory_space<vmem>>)
    %dma_start3A_78 = arith.constant 0 : i32
    %dma_start3A_79 = arith.constant 0 : i32
    %dma_start3A_80 = tpu.memref_slice %arg24[%dma_start3A_78, %dma_start3A_79] : memref<10000x128xf32, #tpu.memory_space<vmem_shared>> -> memref<10000x128xf32, #tpu.memory_space<vmem_shared>>
    tpu.enqueue_indirect_dma source(%arg6 : memref<80x128xf32, #tpu.memory_space<vmem>>) target(%dma_start3A_80 : memref<10000x128xf32, #tpu.memory_space<vmem_shared>>) offsets(%arg11 : memref<80xi32, #tpu.memory_space<vmem>>) semaphore(%arg20 : memref<!tpu.dma_semaphore, #tpu.memory_space<semaphore_mem>>) {add = true}
    %dma_wait3A_81 = arith.constant 0 : i32
    %dma_wait3A_82 = tpu.memref_slice %arg10[%dma_wait3A_81] : memref<10000xi32, #tpu.memory_space<vmem>> -> memref<80xi32, #tpu.memory_space<vmem>>
    %dma_wait3A_83 = arith.constant 0 : i32
    %dma_wait3A_84 = arith.constant 0 : i32
    %dma_wait3A_85 = tpu.memref_slice %arg4[%dma_wait3A_83, %dma_wait3A_84] : memref<10000x128xf32, #tpu.memory_space<hbm>> -> memref<10000x128xf32, #tpu.memory_space<hbm>>
    tpu.wait_indirect_dma semaphore(%arg18 : memref<!tpu.dma_semaphore, #tpu.memory_space<semaphore_mem>>) src(%dma_wait3A_85 : memref<10000x128xf32, #tpu.memory_space<hbm>>) dst(%arg7 : memref<80x128xf32, #tpu.memory_space<vmem>>)
    %add3A_86 = arith.constant 320000 : i32
    %add3A_87 = arith.addi %add3A_86, %mul3A_2 : i32
    %multiple_of3A_88 = tpu.assume_multiple %add3A_87, 8 : i32
    %dma_wait3A_89 = tpu.memref_slice %arg2[%multiple_of3A_88] : memref<640000xi32, #tpu.memory_space<hbm>> -> memref<80xi32, #tpu.memory_space<hbm>>
    %dma_wait3A_90 = tpu.memref_slice %arg2[%multiple_of3A_88] : memref<640000xi32, #tpu.memory_space<hbm>> -> memref<80xi32, #tpu.memory_space<hbm>>
    tpu.wait_dma2 semaphore(%arg15 : memref<!tpu.dma_semaphore, #tpu.memory_space<semaphore_mem>>) src(%dma_wait3A_90 : memref<80xi32, #tpu.memory_space<hbm>>) dst(%arg12 : memref<80xi32, #tpu.memory_space<vmem>>)
    %dma_start3A_91 = arith.constant 0 : i32
    %dma_start3A_92 = arith.constant 0 : i32
    %dma_start3A_93 = tpu.memref_slice %arg24[%dma_start3A_91, %dma_start3A_92] : memref<10000x128xf32, #tpu.memory_space<vmem_shared>> -> memref<10000x128xf32, #tpu.memory_space<vmem_shared>>
    tpu.enqueue_indirect_dma source(%arg7 : memref<80x128xf32, #tpu.memory_space<vmem>>) target(%dma_start3A_93 : memref<10000x128xf32, #tpu.memory_space<vmem_shared>>) offsets(%arg12 : memref<80xi32, #tpu.memory_space<vmem>>) semaphore(%arg21 : memref<!tpu.dma_semaphore, #tpu.memory_space<semaphore_mem>>) {add = true}
    %scan3A = arith.constant 0 : i32
    %scan3A_94 = arith.constant 1 : i32
    %scan3A_95 = arith.constant 40 : i32
    %scan3A_96 = arith.addi %scan3A_94, %scan3A_95 : i32
    %scan3A_97 = arith.constant 1 : i32
    %scan3A_98 = scf.for %scan3A_188 = %scan3A_94 to %scan3A_96 step %scan3A_97 iter_args(%scan3A_189 = %scan3A) -> (i32)  : i32 {
      %dma_wait3A_190 = arith.constant 0 : i32
      %dma_wait3A_191 = arith.constant 0 : i32
      %dma_wait3A_192 = tpu.memref_slice %arg24[%dma_wait3A_190, %dma_wait3A_191] : memref<10000x128xf32, #tpu.memory_space<vmem_shared>> -> memref<10000x128xf32, #tpu.memory_space<vmem_shared>>
      tpu.wait_indirect_dma semaphore(%arg20 : memref<!tpu.dma_semaphore, #tpu.memory_space<semaphore_mem>>) src(%arg6 : memref<80x128xf32, #tpu.memory_space<vmem>>) dst(%dma_wait3A_192 : memref<10000x128xf32, #tpu.memory_space<vmem_shared>>)
      %mul3A_193 = arith.constant 3 : i32
      %mul3A_194 = arith.muli %mul3A_193, %scan3A_188 : i32
      %add3A_195 = arith.constant 0 : i32
      %add3A_196 = arith.addi %mul3A_194, %add3A_195 : i32
      %mul3A_197 = arith.constant 80 : i32
      %mul3A_198 = arith.muli %add3A_196, %mul3A_197 : i32
      %multiple_of3A_199 = tpu.assume_multiple %mul3A_198, 16 : i32
      %dma_start3A_200 = tpu.memref_slice %arg10[%multiple_of3A_199] : memref<10000xi32, #tpu.memory_space<vmem>> -> memref<80xi32, #tpu.memory_space<vmem>>
      %dma_start3A_201 = arith.constant 0 : i32
      %dma_start3A_202 = arith.constant 0 : i32
      %dma_start3A_203 = tpu.memref_slice %arg4[%dma_start3A_201, %dma_start3A_202] : memref<10000x128xf32, #tpu.memory_space<hbm>> -> memref<10000x128xf32, #tpu.memory_space<hbm>>
      tpu.enqueue_indirect_dma source(%dma_start3A_203 : memref<10000x128xf32, #tpu.memory_space<hbm>>) target(%arg6 : memref<80x128xf32, #tpu.memory_space<vmem>>) offsets(%dma_start3A_200 : memref<80xi32, #tpu.memory_space<vmem>>) semaphore(%arg17 : memref<!tpu.dma_semaphore, #tpu.memory_space<semaphore_mem>>)
      %mul3A_204 = arith.constant 3 : i32
      %mul3A_205 = arith.muli %mul3A_204, %scan3A_188 : i32
      %add3A_206 = arith.constant 0 : i32
      %add3A_207 = arith.addi %mul3A_205, %add3A_206 : i32
      %add3A_208 = arith.constant 320000 : i32
      %add3A_209 = arith.addi %add3A_208, %mul3A_2 : i32
      %mul3A_210 = arith.constant 80 : i32
      %mul3A_211 = arith.muli %add3A_207, %mul3A_210 : i32
      %add3A_212 = arith.addi %add3A_209, %mul3A_211 : i32
      %multiple_of3A_213 = tpu.assume_multiple %add3A_212, 8 : i32
      %dma_start3A_214 = tpu.memref_slice %arg2[%multiple_of3A_213] : memref<640000xi32, #tpu.memory_space<hbm>> -> memref<80xi32, #tpu.memory_space<hbm>>
      %dma_start3A_215 = tpu.memref_slice %arg2[%multiple_of3A_213] : memref<640000xi32, #tpu.memory_space<hbm>> -> memref<80xi32, #tpu.memory_space<hbm>>
      tpu.enqueue_dma source(%dma_start3A_215 : memref<80xi32, #tpu.memory_space<hbm>>) target(%arg11 : memref<80xi32, #tpu.memory_space<vmem>>) target_semaphore(%arg14 : memref<!tpu.dma_semaphore, #tpu.memory_space<semaphore_mem>>)
      %dma_wait3A_216 = arith.constant 0 : i32
      %dma_wait3A_217 = tpu.memref_slice %arg10[%dma_wait3A_216] : memref<10000xi32, #tpu.memory_space<vmem>> -> memref<80xi32, #tpu.memory_space<vmem>>
      %dma_wait3A_218 = arith.constant 0 : i32
      %dma_wait3A_219 = arith.constant 0 : i32
      %dma_wait3A_220 = tpu.memref_slice %arg4[%dma_wait3A_218, %dma_wait3A_219] : memref<10000x128xf32, #tpu.memory_space<hbm>> -> memref<10000x128xf32, #tpu.memory_space<hbm>>
      tpu.wait_indirect_dma semaphore(%arg19 : memref<!tpu.dma_semaphore, #tpu.memory_space<semaphore_mem>>) src(%dma_wait3A_220 : memref<10000x128xf32, #tpu.memory_space<hbm>>) dst(%arg8 : memref<80x128xf32, #tpu.memory_space<vmem>>)
      %add3A_221 = arith.constant 320000 : i32
      %add3A_222 = arith.addi %add3A_221, %mul3A_2 : i32
      %multiple_of3A_223 = tpu.assume_multiple %add3A_222, 8 : i32
      %dma_wait3A_224 = tpu.memref_slice %arg2[%multiple_of3A_223] : memref<640000xi32, #tpu.memory_space<hbm>> -> memref<80xi32, #tpu.memory_space<hbm>>
      %dma_wait3A_225 = tpu.memref_slice %arg2[%multiple_of3A_223] : memref<640000xi32, #tpu.memory_space<hbm>> -> memref<80xi32, #tpu.memory_space<hbm>>
      tpu.wait_dma2 semaphore(%arg16 : memref<!tpu.dma_semaphore, #tpu.memory_space<semaphore_mem>>) src(%dma_wait3A_225 : memref<80xi32, #tpu.memory_space<hbm>>) dst(%arg13 : memref<80xi32, #tpu.memory_space<vmem>>)
      %dma_start3A_226 = arith.constant 0 : i32
      %dma_start3A_227 = arith.constant 0 : i32
      %dma_start3A_228 = tpu.memref_slice %arg24[%dma_start3A_226, %dma_start3A_227] : memref<10000x128xf32, #tpu.memory_space<vmem_shared>> -> memref<10000x128xf32, #tpu.memory_space<vmem_shared>>
      tpu.enqueue_indirect_dma source(%arg8 : memref<80x128xf32, #tpu.memory_space<vmem>>) target(%dma_start3A_228 : memref<10000x128xf32, #tpu.memory_space<vmem_shared>>) offsets(%arg13 : memref<80xi32, #tpu.memory_space<vmem>>) semaphore(%arg22 : memref<!tpu.dma_semaphore, #tpu.memory_space<semaphore_mem>>) {add = true}
      %dma_wait3A_229 = arith.constant 0 : i32
      %dma_wait3A_230 = arith.constant 0 : i32
      %dma_wait3A_231 = tpu.memref_slice %arg24[%dma_wait3A_229, %dma_wait3A_230] : memref<10000x128xf32, #tpu.memory_space<vmem_shared>> -> memref<10000x128xf32, #tpu.memory_space<vmem_shared>>
      tpu.wait_indirect_dma semaphore(%arg21 : memref<!tpu.dma_semaphore, #tpu.memory_space<semaphore_mem>>) src(%arg7 : memref<80x128xf32, #tpu.memory_space<vmem>>) dst(%dma_wait3A_231 : memref<10000x128xf32, #tpu.memory_space<vmem_shared>>)
      %mul3A_232 = arith.constant 3 : i32
      %mul3A_233 = arith.muli %mul3A_232, %scan3A_188 : i32
      %add3A_234 = arith.constant 1 : i32
      %add3A_235 = arith.addi %mul3A_233, %add3A_234 : i32
      %mul3A_236 = arith.constant 80 : i32
      %mul3A_237 = arith.muli %add3A_235, %mul3A_236 : i32
      %multiple_of3A_238 = tpu.assume_multiple %mul3A_237, 16 : i32
      %dma_start3A_239 = tpu.memref_slice %arg10[%multiple_of3A_238] : memref<10000xi32, #tpu.memory_space<vmem>> -> memref<80xi32, #tpu.memory_space<vmem>>
      %dma_start3A_240 = arith.constant 0 : i32
      %dma_start3A_241 = arith.constant 0 : i32
      %dma_start3A_242 = tpu.memref_slice %arg4[%dma_start3A_240, %dma_start3A_241] : memref<10000x128xf32, #tpu.memory_space<hbm>> -> memref<10000x128xf32, #tpu.memory_space<hbm>>
      tpu.enqueue_indirect_dma source(%dma_start3A_242 : memref<10000x128xf32, #tpu.memory_space<hbm>>) target(%arg7 : memref<80x128xf32, #tpu.memory_space<vmem>>) offsets(%dma_start3A_239 : memref<80xi32, #tpu.memory_space<vmem>>) semaphore(%arg18 : memref<!tpu.dma_semaphore, #tpu.memory_space<semaphore_mem>>)
      %mul3A_243 = arith.constant 3 : i32
      %mul3A_244 = arith.muli %mul3A_243, %scan3A_188 : i32
      %add3A_245 = arith.constant 1 : i32
      %add3A_246 = arith.addi %mul3A_244, %add3A_245 : i32
      %add3A_247 = arith.constant 320000 : i32
      %add3A_248 = arith.addi %add3A_247, %mul3A_2 : i32
      %mul3A_249 = arith.constant 80 : i32
      %mul3A_250 = arith.muli %add3A_246, %mul3A_249 : i32
      %add3A_251 = arith.addi %add3A_248, %mul3A_250 : i32
      %multiple_of3A_252 = tpu.assume_multiple %add3A_251, 8 : i32
      %dma_start3A_253 = tpu.memref_slice %arg2[%multiple_of3A_252] : memref<640000xi32, #tpu.memory_space<hbm>> -> memref<80xi32, #tpu.memory_space<hbm>>
      %dma_start3A_254 = tpu.memref_slice %arg2[%multiple_of3A_252] : memref<640000xi32, #tpu.memory_space<hbm>> -> memref<80xi32, #tpu.memory_space<hbm>>
      tpu.enqueue_dma source(%dma_start3A_254 : memref<80xi32, #tpu.memory_space<hbm>>) target(%arg12 : memref<80xi32, #tpu.memory_space<vmem>>) target_semaphore(%arg15 : memref<!tpu.dma_semaphore, #tpu.memory_space<semaphore_mem>>)
      %dma_wait3A_255 = arith.constant 0 : i32
      %dma_wait3A_256 = tpu.memref_slice %arg10[%dma_wait3A_255] : memref<10000xi32, #tpu.memory_space<vmem>> -> memref<80xi32, #tpu.memory_space<vmem>>
      %dma_wait3A_257 = arith.constant 0 : i32
      %dma_wait3A_258 = arith.constant 0 : i32
      %dma_wait3A_259 = tpu.memref_slice %arg4[%dma_wait3A_257, %dma_wait3A_258] : memref<10000x128xf32, #tpu.memory_space<hbm>> -> memref<10000x128xf32, #tpu.memory_space<hbm>>
      tpu.wait_indirect_dma semaphore(%arg17 : memref<!tpu.dma_semaphore, #tpu.memory_space<semaphore_mem>>) src(%dma_wait3A_259 : memref<10000x128xf32, #tpu.memory_space<hbm>>) dst(%arg6 : memref<80x128xf32, #tpu.memory_space<vmem>>)
      %add3A_260 = arith.constant 320000 : i32
      %add3A_261 = arith.addi %add3A_260, %mul3A_2 : i32
      %multiple_of3A_262 = tpu.assume_multiple %add3A_261, 8 : i32
      %dma_wait3A_263 = tpu.memref_slice %arg2[%multiple_of3A_262] : memref<640000xi32, #tpu.memory_space<hbm>> -> memref<80xi32, #tpu.memory_space<hbm>>
      %dma_wait3A_264 = tpu.memref_slice %arg2[%multiple_of3A_262] : memref<640000xi32, #tpu.memory_space<hbm>> -> memref<80xi32, #tpu.memory_space<hbm>>
      tpu.wait_dma2 semaphore(%arg14 : memref<!tpu.dma_semaphore, #tpu.memory_space<semaphore_mem>>) src(%dma_wait3A_264 : memref<80xi32, #tpu.memory_space<hbm>>) dst(%arg11 : memref<80xi32, #tpu.memory_space<vmem>>)
      %dma_start3A_265 = arith.constant 0 : i32
      %dma_start3A_266 = arith.constant 0 : i32
      %dma_start3A_267 = tpu.memref_slice %arg24[%dma_start3A_265, %dma_start3A_266] : memref<10000x128xf32, #tpu.memory_space<vmem_shared>> -> memref<10000x128xf32, #tpu.memory_space<vmem_shared>>
      tpu.enqueue_indirect_dma source(%arg6 : memref<80x128xf32, #tpu.memory_space<vmem>>) target(%dma_start3A_267 : memref<10000x128xf32, #tpu.memory_space<vmem_shared>>) offsets(%arg11 : memref<80xi32, #tpu.memory_space<vmem>>) semaphore(%arg20 : memref<!tpu.dma_semaphore, #tpu.memory_space<semaphore_mem>>) {add = true}
      %dma_wait3A_268 = arith.constant 0 : i32
      %dma_wait3A_269 = arith.constant 0 : i32
      %dma_wait3A_270 = tpu.memref_slice %arg24[%dma_wait3A_268, %dma_wait3A_269] : memref<10000x128xf32, #tpu.memory_space<vmem_shared>> -> memref<10000x128xf32, #tpu.memory_space<vmem_shared>>
      tpu.wait_indirect_dma semaphore(%arg22 : memref<!tpu.dma_semaphore, #tpu.memory_space<semaphore_mem>>) src(%arg8 : memref<80x128xf32, #tpu.memory_space<vmem>>) dst(%dma_wait3A_270 : memref<10000x128xf32, #tpu.memory_space<vmem_shared>>)
      %mul3A_271 = arith.constant 3 : i32
      %mul3A_272 = arith.muli %mul3A_271, %scan3A_188 : i32
      %add3A_273 = arith.constant 2 : i32
      %add3A_274 = arith.addi %mul3A_272, %add3A_273 : i32
      %mul3A_275 = arith.constant 80 : i32
      %mul3A_276 = arith.muli %add3A_274, %mul3A_275 : i32
      %multiple_of3A_277 = tpu.assume_multiple %mul3A_276, 16 : i32
      %dma_start3A_278 = tpu.memref_slice %arg10[%multiple_of3A_277] : memref<10000xi32, #tpu.memory_space<vmem>> -> memref<80xi32, #tpu.memory_space<vmem>>
      %dma_start3A_279 = arith.constant 0 : i32
      %dma_start3A_280 = arith.constant 0 : i32
      %dma_start3A_281 = tpu.memref_slice %arg4[%dma_start3A_279, %dma_start3A_280] : memref<10000x128xf32, #tpu.memory_space<hbm>> -> memref<10000x128xf32, #tpu.memory_space<hbm>>
      tpu.enqueue_indirect_dma source(%dma_start3A_281 : memref<10000x128xf32, #tpu.memory_space<hbm>>) target(%arg8 : memref<80x128xf32, #tpu.memory_space<vmem>>) offsets(%dma_start3A_278 : memref<80xi32, #tpu.memory_space<vmem>>) semaphore(%arg19 : memref<!tpu.dma_semaphore, #tpu.memory_space<semaphore_mem>>)
      %mul3A_282 = arith.constant 3 : i32
      %mul3A_283 = arith.muli %mul3A_282, %scan3A_188 : i32
      %add3A_284 = arith.constant 2 : i32
      %add3A_285 = arith.addi %mul3A_283, %add3A_284 : i32
      %add3A_286 = arith.constant 320000 : i32
      %add3A_287 = arith.addi %add3A_286, %mul3A_2 : i32
      %mul3A_288 = arith.constant 80 : i32
      %mul3A_289 = arith.muli %add3A_285, %mul3A_288 : i32
      %add3A_290 = arith.addi %add3A_287, %mul3A_289 : i32
      %multiple_of3A_291 = tpu.assume_multiple %add3A_290, 8 : i32
      %dma_start3A_292 = tpu.memref_slice %arg2[%multiple_of3A_291] : memref<640000xi32, #tpu.memory_space<hbm>> -> memref<80xi32, #tpu.memory_space<hbm>>
      %dma_start3A_293 = tpu.memref_slice %arg2[%multiple_of3A_291] : memref<640000xi32, #tpu.memory_space<hbm>> -> memref<80xi32, #tpu.memory_space<hbm>>
      tpu.enqueue_dma source(%dma_start3A_293 : memref<80xi32, #tpu.memory_space<hbm>>) target(%arg13 : memref<80xi32, #tpu.memory_space<vmem>>) target_semaphore(%arg16 : memref<!tpu.dma_semaphore, #tpu.memory_space<semaphore_mem>>)
      %dma_wait3A_294 = arith.constant 0 : i32
      %dma_wait3A_295 = tpu.memref_slice %arg10[%dma_wait3A_294] : memref<10000xi32, #tpu.memory_space<vmem>> -> memref<80xi32, #tpu.memory_space<vmem>>
      %dma_wait3A_296 = arith.constant 0 : i32
      %dma_wait3A_297 = arith.constant 0 : i32
      %dma_wait3A_298 = tpu.memref_slice %arg4[%dma_wait3A_296, %dma_wait3A_297] : memref<10000x128xf32, #tpu.memory_space<hbm>> -> memref<10000x128xf32, #tpu.memory_space<hbm>>
      tpu.wait_indirect_dma semaphore(%arg18 : memref<!tpu.dma_semaphore, #tpu.memory_space<semaphore_mem>>) src(%dma_wait3A_298 : memref<10000x128xf32, #tpu.memory_space<hbm>>) dst(%arg7 : memref<80x128xf32, #tpu.memory_space<vmem>>)
      %add3A_299 = arith.constant 320000 : i32
      %add3A_300 = arith.addi %add3A_299, %mul3A_2 : i32
      %multiple_of3A_301 = tpu.assume_multiple %add3A_300, 8 : i32
      %dma_wait3A_302 = tpu.memref_slice %arg2[%multiple_of3A_301] : memref<640000xi32, #tpu.memory_space<hbm>> -> memref<80xi32, #tpu.memory_space<hbm>>
      %dma_wait3A_303 = tpu.memref_slice %arg2[%multiple_of3A_301] : memref<640000xi32, #tpu.memory_space<hbm>> -> memref<80xi32, #tpu.memory_space<hbm>>
      tpu.wait_dma2 semaphore(%arg15 : memref<!tpu.dma_semaphore, #tpu.memory_space<semaphore_mem>>) src(%dma_wait3A_303 : memref<80xi32, #tpu.memory_space<hbm>>) dst(%arg12 : memref<80xi32, #tpu.memory_space<vmem>>)
      %dma_start3A_304 = arith.constant 0 : i32
      %dma_start3A_305 = arith.constant 0 : i32
      %dma_start3A_306 = tpu.memref_slice %arg24[%dma_start3A_304, %dma_start3A_305] : memref<10000x128xf32, #tpu.memory_space<vmem_shared>> -> memref<10000x128xf32, #tpu.memory_space<vmem_shared>>
      tpu.enqueue_indirect_dma source(%arg7 : memref<80x128xf32, #tpu.memory_space<vmem>>) target(%dma_start3A_306 : memref<10000x128xf32, #tpu.memory_space<vmem_shared>>) offsets(%arg12 : memref<80xi32, #tpu.memory_space<vmem>>) semaphore(%arg21 : memref<!tpu.dma_semaphore, #tpu.memory_space<semaphore_mem>>) {add = true}
      %scan3A_307 = arith.constant 0 : i32
      scf.yield %scan3A_307 : i32
    }
    %scan3A_99 = arith.constant 40 : i32
    %dma_wait3A_100 = arith.constant 0 : i32
    %dma_wait3A_101 = arith.constant 0 : i32
    %dma_wait3A_102 = tpu.memref_slice %arg24[%dma_wait3A_100, %dma_wait3A_101] : memref<10000x128xf32, #tpu.memory_space<vmem_shared>> -> memref<10000x128xf32, #tpu.memory_space<vmem_shared>>
    tpu.wait_indirect_dma semaphore(%arg20 : memref<!tpu.dma_semaphore, #tpu.memory_space<semaphore_mem>>) src(%arg6 : memref<80x128xf32, #tpu.memory_space<vmem>>) dst(%dma_wait3A_102 : memref<10000x128xf32, #tpu.memory_space<vmem_shared>>)
    %multiple_of3A_103 = arith.constant 9840 : i32
    %multiple_of3A_104 = tpu.assume_multiple %multiple_of3A_103, 16 : i32
    %dma_start3A_105 = tpu.memref_slice %arg10[%multiple_of3A_104] : memref<10000xi32, #tpu.memory_space<vmem>> -> memref<80xi32, #tpu.memory_space<vmem>>
    %dma_start3A_106 = arith.constant 0 : i32
    %dma_start3A_107 = arith.constant 0 : i32
    %dma_start3A_108 = tpu.memref_slice %arg4[%dma_start3A_106, %dma_start3A_107] : memref<10000x128xf32, #tpu.memory_space<hbm>> -> memref<10000x128xf32, #tpu.memory_space<hbm>>
    tpu.enqueue_indirect_dma source(%dma_start3A_108 : memref<10000x128xf32, #tpu.memory_space<hbm>>) target(%arg6 : memref<80x128xf32, #tpu.memory_space<vmem>>) offsets(%dma_start3A_105 : memref<80xi32, #tpu.memory_space<vmem>>) semaphore(%arg17 : memref<!tpu.dma_semaphore, #tpu.memory_space<semaphore_mem>>)
    %add3A_109 = arith.constant 320000 : i32
    %add3A_110 = arith.addi %add3A_109, %mul3A_2 : i32
    %add3A_111 = arith.constant 9840 : i32
    %add3A_112 = arith.addi %add3A_110, %add3A_111 : i32
    %multiple_of3A_113 = tpu.assume_multiple %add3A_112, 8 : i32
    %dma_start3A_114 = tpu.memref_slice %arg2[%multiple_of3A_113] : memref<640000xi32, #tpu.memory_space<hbm>> -> memref<80xi32, #tpu.memory_space<hbm>>
    %dma_start3A_115 = tpu.memref_slice %arg2[%multiple_of3A_113] : memref<640000xi32, #tpu.memory_space<hbm>> -> memref<80xi32, #tpu.memory_space<hbm>>
    tpu.enqueue_dma source(%dma_start3A_115 : memref<80xi32, #tpu.memory_space<hbm>>) target(%arg11 : memref<80xi32, #tpu.memory_space<vmem>>) target_semaphore(%arg14 : memref<!tpu.dma_semaphore, #tpu.memory_space<semaphore_mem>>)
    %dma_wait3A_116 = arith.constant 0 : i32
    %dma_wait3A_117 = tpu.memref_slice %arg10[%dma_wait3A_116] : memref<10000xi32, #tpu.memory_space<vmem>> -> memref<80xi32, #tpu.memory_space<vmem>>
    %dma_wait3A_118 = arith.constant 0 : i32
    %dma_wait3A_119 = arith.constant 0 : i32
    %dma_wait3A_120 = tpu.memref_slice %arg4[%dma_wait3A_118, %dma_wait3A_119] : memref<10000x128xf32, #tpu.memory_space<hbm>> -> memref<10000x128xf32, #tpu.memory_space<hbm>>
    tpu.wait_indirect_dma semaphore(%arg19 : memref<!tpu.dma_semaphore, #tpu.memory_space<semaphore_mem>>) src(%dma_wait3A_120 : memref<10000x128xf32, #tpu.memory_space<hbm>>) dst(%arg8 : memref<80x128xf32, #tpu.memory_space<vmem>>)
    %add3A_121 = arith.constant 320000 : i32
    %add3A_122 = arith.addi %add3A_121, %mul3A_2 : i32
    %multiple_of3A_123 = tpu.assume_multiple %add3A_122, 8 : i32
    %dma_wait3A_124 = tpu.memref_slice %arg2[%multiple_of3A_123] : memref<640000xi32, #tpu.memory_space<hbm>> -> memref<80xi32, #tpu.memory_space<hbm>>
    %dma_wait3A_125 = tpu.memref_slice %arg2[%multiple_of3A_123] : memref<640000xi32, #tpu.memory_space<hbm>> -> memref<80xi32, #tpu.memory_space<hbm>>
    tpu.wait_dma2 semaphore(%arg16 : memref<!tpu.dma_semaphore, #tpu.memory_space<semaphore_mem>>) src(%dma_wait3A_125 : memref<80xi32, #tpu.memory_space<hbm>>) dst(%arg13 : memref<80xi32, #tpu.memory_space<vmem>>)
    %dma_start3A_126 = arith.constant 0 : i32
    %dma_start3A_127 = arith.constant 0 : i32
    %dma_start3A_128 = tpu.memref_slice %arg24[%dma_start3A_126, %dma_start3A_127] : memref<10000x128xf32, #tpu.memory_space<vmem_shared>> -> memref<10000x128xf32, #tpu.memory_space<vmem_shared>>
    tpu.enqueue_indirect_dma source(%arg8 : memref<80x128xf32, #tpu.memory_space<vmem>>) target(%dma_start3A_128 : memref<10000x128xf32, #tpu.memory_space<vmem_shared>>) offsets(%arg13 : memref<80xi32, #tpu.memory_space<vmem>>) semaphore(%arg22 : memref<!tpu.dma_semaphore, #tpu.memory_space<semaphore_mem>>) {add = true}
    %dma_wait3A_129 = arith.constant 0 : i32
    %dma_wait3A_130 = arith.constant 0 : i32
    %dma_wait3A_131 = tpu.memref_slice %arg24[%dma_wait3A_129, %dma_wait3A_130] : memref<10000x128xf32, #tpu.memory_space<vmem_shared>> -> memref<10000x128xf32, #tpu.memory_space<vmem_shared>>
    tpu.wait_indirect_dma semaphore(%arg21 : memref<!tpu.dma_semaphore, #tpu.memory_space<semaphore_mem>>) src(%arg7 : memref<80x128xf32, #tpu.memory_space<vmem>>) dst(%dma_wait3A_131 : memref<10000x128xf32, #tpu.memory_space<vmem_shared>>)
    %multiple_of3A_132 = arith.constant 9920 : i32
    %multiple_of3A_133 = tpu.assume_multiple %multiple_of3A_132, 16 : i32
    %dma_start3A_134 = tpu.memref_slice %arg10[%multiple_of3A_133] : memref<10000xi32, #tpu.memory_space<vmem>> -> memref<80xi32, #tpu.memory_space<vmem>>
    %dma_start3A_135 = arith.constant 0 : i32
    %dma_start3A_136 = arith.constant 0 : i32
    %dma_start3A_137 = tpu.memref_slice %arg4[%dma_start3A_135, %dma_start3A_136] : memref<10000x128xf32, #tpu.memory_space<hbm>> -> memref<10000x128xf32, #tpu.memory_space<hbm>>
    tpu.enqueue_indirect_dma source(%dma_start3A_137 : memref<10000x128xf32, #tpu.memory_space<hbm>>) target(%arg7 : memref<80x128xf32, #tpu.memory_space<vmem>>) offsets(%dma_start3A_134 : memref<80xi32, #tpu.memory_space<vmem>>) semaphore(%arg18 : memref<!tpu.dma_semaphore, #tpu.memory_space<semaphore_mem>>)
    %add3A_138 = arith.constant 320000 : i32
    %add3A_139 = arith.addi %add3A_138, %mul3A_2 : i32
    %add3A_140 = arith.constant 9920 : i32
    %add3A_141 = arith.addi %add3A_139, %add3A_140 : i32
    %multiple_of3A_142 = tpu.assume_multiple %add3A_141, 8 : i32
    %dma_start3A_143 = tpu.memref_slice %arg2[%multiple_of3A_142] : memref<640000xi32, #tpu.memory_space<hbm>> -> memref<80xi32, #tpu.memory_space<hbm>>
    %dma_start3A_144 = tpu.memref_slice %arg2[%multiple_of3A_142] : memref<640000xi32, #tpu.memory_space<hbm>> -> memref<80xi32, #tpu.memory_space<hbm>>
    tpu.enqueue_dma source(%dma_start3A_144 : memref<80xi32, #tpu.memory_space<hbm>>) target(%arg12 : memref<80xi32, #tpu.memory_space<vmem>>) target_semaphore(%arg15 : memref<!tpu.dma_semaphore, #tpu.memory_space<semaphore_mem>>)
    %dma_wait3A_145 = arith.constant 0 : i32
    %dma_wait3A_146 = tpu.memref_slice %arg10[%dma_wait3A_145] : memref<10000xi32, #tpu.memory_space<vmem>> -> memref<80xi32, #tpu.memory_space<vmem>>
    %dma_wait3A_147 = arith.constant 0 : i32
    %dma_wait3A_148 = arith.constant 0 : i32
    %dma_wait3A_149 = tpu.memref_slice %arg4[%dma_wait3A_147, %dma_wait3A_148] : memref<10000x128xf32, #tpu.memory_space<hbm>> -> memref<10000x128xf32, #tpu.memory_space<hbm>>
    tpu.wait_indirect_dma semaphore(%arg17 : memref<!tpu.dma_semaphore, #tpu.memory_space<semaphore_mem>>) src(%dma_wait3A_149 : memref<10000x128xf32, #tpu.memory_space<hbm>>) dst(%arg6 : memref<80x128xf32, #tpu.memory_space<vmem>>)
    %add3A_150 = arith.constant 320000 : i32
    %add3A_151 = arith.addi %add3A_150, %mul3A_2 : i32
    %multiple_of3A_152 = tpu.assume_multiple %add3A_151, 8 : i32
    %dma_wait3A_153 = tpu.memref_slice %arg2[%multiple_of3A_152] : memref<640000xi32, #tpu.memory_space<hbm>> -> memref<80xi32, #tpu.memory_space<hbm>>
    %dma_wait3A_154 = tpu.memref_slice %arg2[%multiple_of3A_152] : memref<640000xi32, #tpu.memory_space<hbm>> -> memref<80xi32, #tpu.memory_space<hbm>>
    tpu.wait_dma2 semaphore(%arg14 : memref<!tpu.dma_semaphore, #tpu.memory_space<semaphore_mem>>) src(%dma_wait3A_154 : memref<80xi32, #tpu.memory_space<hbm>>) dst(%arg11 : memref<80xi32, #tpu.memory_space<vmem>>)
    %dma_start3A_155 = arith.constant 0 : i32
    %dma_start3A_156 = arith.constant 0 : i32
    %dma_start3A_157 = tpu.memref_slice %arg24[%dma_start3A_155, %dma_start3A_156] : memref<10000x128xf32, #tpu.memory_space<vmem_shared>> -> memref<10000x128xf32, #tpu.memory_space<vmem_shared>>
    tpu.enqueue_indirect_dma source(%arg6 : memref<80x128xf32, #tpu.memory_space<vmem>>) target(%dma_start3A_157 : memref<10000x128xf32, #tpu.memory_space<vmem_shared>>) offsets(%arg11 : memref<80xi32, #tpu.memory_space<vmem>>) semaphore(%arg20 : memref<!tpu.dma_semaphore, #tpu.memory_space<semaphore_mem>>) {add = true}
    %dma_wait3A_158 = arith.constant 0 : i32
    %dma_wait3A_159 = tpu.memref_slice %arg10[%dma_wait3A_158] : memref<10000xi32, #tpu.memory_space<vmem>> -> memref<80xi32, #tpu.memory_space<vmem>>
    %dma_wait3A_160 = arith.constant 0 : i32
    %dma_wait3A_161 = arith.constant 0 : i32
    %dma_wait3A_162 = tpu.memref_slice %arg4[%dma_wait3A_160, %dma_wait3A_161] : memref<10000x128xf32, #tpu.memory_space<hbm>> -> memref<10000x128xf32, #tpu.memory_space<hbm>>
    tpu.wait_indirect_dma semaphore(%arg18 : memref<!tpu.dma_semaphore, #tpu.memory_space<semaphore_mem>>) src(%dma_wait3A_162 : memref<10000x128xf32, #tpu.memory_space<hbm>>) dst(%arg7 : memref<80x128xf32, #tpu.memory_space<vmem>>)
    %add3A_163 = arith.constant 320000 : i32
    %add3A_164 = arith.addi %add3A_163, %mul3A_2 : i32
    %multiple_of3A_165 = tpu.assume_multiple %add3A_164, 8 : i32
    %dma_wait3A_166 = tpu.memref_slice %arg2[%multiple_of3A_165] : memref<640000xi32, #tpu.memory_space<hbm>> -> memref<80xi32, #tpu.memory_space<hbm>>
    %dma_wait3A_167 = tpu.memref_slice %arg2[%multiple_of3A_165] : memref<640000xi32, #tpu.memory_space<hbm>> -> memref<80xi32, #tpu.memory_space<hbm>>
    tpu.wait_dma2 semaphore(%arg15 : memref<!tpu.dma_semaphore, #tpu.memory_space<semaphore_mem>>) src(%dma_wait3A_167 : memref<80xi32, #tpu.memory_space<hbm>>) dst(%arg12 : memref<80xi32, #tpu.memory_space<vmem>>)
    %dma_start3A_168 = arith.constant 0 : i32
    %dma_start3A_169 = arith.constant 0 : i32
    %dma_start3A_170 = tpu.memref_slice %arg24[%dma_start3A_168, %dma_start3A_169] : memref<10000x128xf32, #tpu.memory_space<vmem_shared>> -> memref<10000x128xf32, #tpu.memory_space<vmem_shared>>
    tpu.enqueue_indirect_dma source(%arg7 : memref<80x128xf32, #tpu.memory_space<vmem>>) target(%dma_start3A_170 : memref<10000x128xf32, #tpu.memory_space<vmem_shared>>) offsets(%arg12 : memref<80xi32, #tpu.memory_space<vmem>>) semaphore(%arg21 : memref<!tpu.dma_semaphore, #tpu.memory_space<semaphore_mem>>) {add = true}
    %dma_wait3A_171 = arith.constant 0 : i32
    %dma_wait3A_172 = arith.constant 0 : i32
    %dma_wait3A_173 = tpu.memref_slice %arg24[%dma_wait3A_171, %dma_wait3A_172] : memref<10000x128xf32, #tpu.memory_space<vmem_shared>> -> memref<10000x128xf32, #tpu.memory_space<vmem_shared>>
    tpu.wait_indirect_dma semaphore(%arg20 : memref<!tpu.dma_semaphore, #tpu.memory_space<semaphore_mem>>) src(%arg6 : memref<80x128xf32, #tpu.memory_space<vmem>>) dst(%dma_wait3A_173 : memref<10000x128xf32, #tpu.memory_space<vmem_shared>>)
    %dma_wait3A_174 = arith.constant 0 : i32
    %dma_wait3A_175 = arith.constant 0 : i32
    %dma_wait3A_176 = tpu.memref_slice %arg24[%dma_wait3A_174, %dma_wait3A_175] : memref<10000x128xf32, #tpu.memory_space<vmem_shared>> -> memref<10000x128xf32, #tpu.memory_space<vmem_shared>>
    tpu.wait_indirect_dma semaphore(%arg21 : memref<!tpu.dma_semaphore, #tpu.memory_space<semaphore_mem>>) src(%arg7 : memref<80x128xf32, #tpu.memory_space<vmem>>) dst(%dma_wait3A_176 : memref<10000x128xf32, #tpu.memory_space<vmem_shared>>)
    %dma_wait3A_177 = arith.constant 0 : i32
    %dma_wait3A_178 = arith.constant 0 : i32
    %dma_wait3A_179 = tpu.memref_slice %arg24[%dma_wait3A_177, %dma_wait3A_178] : memref<10000x128xf32, #tpu.memory_space<vmem_shared>> -> memref<10000x128xf32, #tpu.memory_space<vmem_shared>>
    tpu.wait_indirect_dma semaphore(%arg22 : memref<!tpu.dma_semaphore, #tpu.memory_space<semaphore_mem>>) src(%arg8 : memref<80x128xf32, #tpu.memory_space<vmem>>) dst(%dma_wait3A_179 : memref<10000x128xf32, #tpu.memory_space<vmem_shared>>)
    %barrier3A_180 = arith.constant 0 : index
    tpu.barrier barrier_id(%barrier3A_180)
    %lt3A = arith.constant 15 : i32
    %lt3A_181 = arith.cmpi slt, %arg1, %lt3A : i32
    %convert_element_type3A = arith.extui %lt3A_181 : i1 to i32
    %cond3A = arith.constant 0 : i32
    %cond3A_182 = arith.cmpi ne, %convert_element_type3A, %cond3A : i32
    scf.if %cond3A_182 {
      "tpu.region"() ({
        %run_scoped3A = tpu.sem_alloc : memref<!tpu.dma_semaphore, #tpu.memory_space<semaphore_mem>>
        %dma_start3A_188 = arith.constant 0 : i32
        %dma_start3A_189 = tpu.memref_slice %arg5[%arg0, %mul3A_4, %dma_start3A_188] : memref<2x10000x128xf32, #tpu.memory_space<hbm>> -> memref<1x624x128xf32, #tpu.memory_space<hbm>>
        %dma_start3A_190 = tpu.memref_squeeze %dma_start3A_189 : memref<1x624x128xf32, #tpu.memory_space<hbm>> -> memref<624x128xf32, #tpu.memory_space<hbm>>
        %dma_start3A_191 = arith.constant 0 : i32
        %dma_start3A_192 = tpu.memref_slice %arg24[%mul3A_4, %dma_start3A_191] : memref<10000x128xf32, #tpu.memory_space<vmem_shared>> -> memref<624x128xf32, #tpu.memory_space<vmem_shared>>
        tpu.enqueue_dma source(%dma_start3A_192 : memref<624x128xf32, #tpu.memory_space<vmem_shared>>) target(%dma_start3A_190 : memref<624x128xf32, #tpu.memory_space<hbm>>) target_semaphore(%run_scoped3A : memref<!tpu.dma_semaphore, #tpu.memory_space<semaphore_mem>>)
        %dma_wait3A_193 = arith.constant 0 : i32
        %dma_wait3A_194 = tpu.memref_slice %arg5[%arg0, %mul3A_4, %dma_wait3A_193] : memref<2x10000x128xf32, #tpu.memory_space<hbm>> -> memref<1x624x128xf32, #tpu.memory_space<hbm>>
        %dma_wait3A_195 = tpu.memref_squeeze %dma_wait3A_194 : memref<1x624x128xf32, #tpu.memory_space<hbm>> -> memref<624x128xf32, #tpu.memory_space<hbm>>
        %dma_wait3A_196 = arith.constant 0 : i32
        %dma_wait3A_197 = tpu.memref_slice %arg24[%mul3A_4, %dma_wait3A_196] : memref<10000x128xf32, #tpu.memory_space<vmem_shared>> -> memref<624x128xf32, #tpu.memory_space<vmem_shared>>
        tpu.wait_dma2 semaphore(%run_scoped3A : memref<!tpu.dma_semaphore, #tpu.memory_space<semaphore_mem>>) src(%dma_wait3A_197 : memref<624x128xf32, #tpu.memory_space<vmem_shared>>) dst(%dma_wait3A_195 : memref<624x128xf32, #tpu.memory_space<hbm>>)
        tpu.yield
      }) : () -> ()
    } else {
    }
    %eq3A_183 = arith.constant 15 : i32
    %eq3A_184 = arith.cmpi eq, %arg1, %eq3A_183 : i32
    %convert_element_type3A_185 = arith.extui %eq3A_184 : i1 to i32
    %cond3A_186 = arith.constant 0 : i32
    %cond3A_187 = arith.cmpi ne, %convert_element_type3A_185, %cond3A_186 : i32
    scf.if %cond3A_187 {
      "tpu.region"() ({
        %run_scoped3A = tpu.sem_alloc : memref<!tpu.dma_semaphore, #tpu.memory_space<semaphore_mem>>
        %dma_start3A_188 = arith.constant 0 : i32
        %dma_start3A_189 = tpu.memref_slice %arg5[%arg0, %mul3A_4, %dma_start3A_188] : memref<2x10000x128xf32, #tpu.memory_space<hbm>> -> memref<1x640x128xf32, #tpu.memory_space<hbm>>
        %dma_start3A_190 = tpu.memref_squeeze %dma_start3A_189 : memref<1x640x128xf32, #tpu.memory_space<hbm>> -> memref<640x128xf32, #tpu.memory_space<hbm>>
        %dma_start3A_191 = arith.constant 0 : i32
        %dma_start3A_192 = tpu.memref_slice %arg24[%mul3A_4, %dma_start3A_191] : memref<10000x128xf32, #tpu.memory_space<vmem_shared>> -> memref<640x128xf32, #tpu.memory_space<vmem_shared>>
        tpu.enqueue_dma source(%dma_start3A_192 : memref<640x128xf32, #tpu.memory_space<vmem_shared>>) target(%dma_start3A_190 : memref<640x128xf32, #tpu.memory_space<hbm>>) target_semaphore(%run_scoped3A : memref<!tpu.dma_semaphore, #tpu.memory_space<semaphore_mem>>)
        %dma_wait3A_193 = arith.constant 0 : i32
        %dma_wait3A_194 = tpu.memref_slice %arg5[%arg0, %mul3A_4, %dma_wait3A_193] : memref<2x10000x128xf32, #tpu.memory_space<hbm>> -> memref<1x640x128xf32, #tpu.memory_space<hbm>>
        %dma_wait3A_195 = tpu.memref_squeeze %dma_wait3A_194 : memref<1x640x128xf32, #tpu.memory_space<hbm>> -> memref<640x128xf32, #tpu.memory_space<hbm>>
        %dma_wait3A_196 = arith.constant 0 : i32
        %dma_wait3A_197 = tpu.memref_slice %arg24[%mul3A_4, %dma_wait3A_196] : memref<10000x128xf32, #tpu.memory_space<vmem_shared>> -> memref<640x128xf32, #tpu.memory_space<vmem_shared>>
        tpu.wait_dma2 semaphore(%run_scoped3A : memref<!tpu.dma_semaphore, #tpu.memory_space<semaphore_mem>>) src(%dma_wait3A_197 : memref<640x128xf32, #tpu.memory_space<vmem_shared>>) dst(%dma_wait3A_195 : memref<640x128xf32, #tpu.memory_space<hbm>>)
        tpu.yield
      }) : () -> ()
    } else {
    }
    return
  }
}

#map = affine_map<(d0, d1) -> (0)>
#map1 = affine_map<(d0, d1) -> (0, 0)>
#map2 = affine_map<(d0, d1) -> (0, 0, 0)>
module attributes {stable_mosaic.version = 14 : i64} {
  func.func @_sc_degree(%arg0: i32, %arg1: i32, %arg2: memref<640000xi32, #tpu.memory_space<hbm>>, %arg3: memref<80x128xf32, #tpu.memory_space<hbm>>, %arg4: memref<16x128xf32, #tpu.memory_space<hbm>>, %arg5: memref<2x10000x128xf32, #tpu.memory_space<hbm>>, %arg6: memref<80x128xf32, #tpu.memory_space<vmem>>, %arg7: memref<16x128xf32, #tpu.memory_space<vmem>>, %arg8: memref<80xi32, #tpu.memory_space<vmem>>, %arg9: memref<80xi32, #tpu.memory_space<vmem>>, %arg10: memref<80xi32, #tpu.memory_space<vmem>>, %arg11: memref<80xi32, #tpu.memory_space<vmem>>, %arg12: memref<80xi32, #tpu.memory_space<vmem>>, %arg13: memref<!tpu.dma_semaphore, #tpu.memory_space<semaphore_mem>>, %arg14: memref<!tpu.dma_semaphore, #tpu.memory_space<semaphore_mem>>, %arg15: memref<!tpu.dma_semaphore, #tpu.memory_space<semaphore_mem>>, %arg16: memref<!tpu.dma_semaphore, #tpu.memory_space<semaphore_mem>>, %arg17: memref<!tpu.dma_semaphore, #tpu.memory_space<semaphore_mem>>, %arg18: memref<!tpu.dma_semaphore, #tpu.memory_space<semaphore_mem>>, %arg19: memref<!tpu.dma_semaphore, #tpu.memory_space<semaphore_mem>>, %arg20: memref<!tpu.dma_semaphore, #tpu.memory_space<semaphore_mem>>, %arg21: memref<!tpu.dma_semaphore, #tpu.memory_space<semaphore_mem>>, %arg22: memref<!tpu.dma_semaphore, #tpu.memory_space<semaphore_mem>>, %arg23: memref<!tpu.dma_semaphore, #tpu.memory_space<semaphore_mem>>, %arg24: memref<10000x128xf32, #tpu.memory_space<vmem_shared>>) attributes {dimension_semantics = [#tpu.dimension_semantics<core_parallel>, #tpu.dimension_semantics<subcore_parallel>], iteration_bounds = array<i64: 2, 16>, scalar_prefetch = 0 : i64, scratch_operands = 19 : i64, tpu.core_type = #tpu.core_type<sc_vector_subcore>, window_params = [{transform_indices = #map}, {transform_indices = #map1}, {transform_indices = #map1}, {transform_indices = #map2}]} {
    %mul3A = arith.constant 16 : i32
    %mul3A_0 = arith.muli %arg0, %mul3A : i32
    %add3A = arith.addi %mul3A_0, %arg1 : i32
    %mul3A_1 = arith.constant 10000 : i32
    %mul3A_2 = arith.muli %add3A, %mul3A_1 : i32
    %mul3A_3 = arith.constant 624 : i32
    %mul3A_4 = arith.muli %arg1, %mul3A_3 : i32
    %eq3A = arith.constant 15 : i32
    %eq3A_5 = arith.cmpi eq, %arg1, %eq3A : i32
    %select_n3A = arith.constant 39 : i32
    %select_n3A_6 = arith.constant 40 : i32
    %select_n3A_7 = arith.select %eq3A_5, %select_n3A_6, %select_n3A : i32
    "tpu.region"() ({
      %run_scoped3A = tpu.sem_alloc : memref<!tpu.dma_semaphore, #tpu.memory_space<semaphore_mem>>
      tpu.enqueue_dma source(%arg3 : memref<80x128xf32, #tpu.memory_space<hbm>>) target(%arg6 : memref<80x128xf32, #tpu.memory_space<vmem>>) target_semaphore(%run_scoped3A : memref<!tpu.dma_semaphore, #tpu.memory_space<semaphore_mem>>)
      tpu.wait_dma2 semaphore(%run_scoped3A : memref<!tpu.dma_semaphore, #tpu.memory_space<semaphore_mem>>) src(%arg3 : memref<80x128xf32, #tpu.memory_space<hbm>>) dst(%arg6 : memref<80x128xf32, #tpu.memory_space<vmem>>)
      tpu.yield
    }) : () -> ()
    "tpu.region"() ({
      %run_scoped3A = tpu.sem_alloc : memref<!tpu.dma_semaphore, #tpu.memory_space<semaphore_mem>>
      tpu.enqueue_dma source(%arg4 : memref<16x128xf32, #tpu.memory_space<hbm>>) target(%arg7 : memref<16x128xf32, #tpu.memory_space<vmem>>) target_semaphore(%run_scoped3A : memref<!tpu.dma_semaphore, #tpu.memory_space<semaphore_mem>>)
      tpu.wait_dma2 semaphore(%run_scoped3A : memref<!tpu.dma_semaphore, #tpu.memory_space<semaphore_mem>>) src(%arg4 : memref<16x128xf32, #tpu.memory_space<hbm>>) dst(%arg7 : memref<16x128xf32, #tpu.memory_space<vmem>>)
      tpu.yield
    }) : () -> ()
    %while3A = arith.constant 0 : i32
    %while3A_8 = arith.constant 0 : i32
    %while3A_9 = arith.subi %select_n3A_7, %while3A : i32
    %while3A_10 = arith.addi %while3A, %while3A_9 : i32
    %while3A_11 = arith.constant 1 : i32
    %while3A_12 = arith.divsi %while3A_9, %while3A_11 : i32
    %while3A_13 = arith.muli %while3A_12, %while3A_11 : i32
    %while3A_14 = arith.addi %while3A, %while3A_13 : i32
    %while3A_15 = arith.constant 1 : i32
    %while3A_16 = scf.for %while3A_132 = %while3A to %while3A_14 step %while3A_15 iter_args(%while3A_133 = %while3A_8) -> (i32)  : i32 {
      %mul3A_134 = arith.constant 16 : i32
      %mul3A_135 = arith.muli %mul3A_134, %while3A_132 : i32
      %add3A_136 = arith.addi %mul3A_4, %mul3A_135 : i32
      %dma_start3A_137 = arith.constant 0 : i32
      %dma_start3A_138 = tpu.memref_slice %arg24[%add3A_136, %dma_start3A_137] : memref<10000x128xf32, #tpu.memory_space<vmem_shared>> -> memref<16x128xf32, #tpu.memory_space<vmem_shared>>
      %dma_start3A_139 = arith.constant 0 : i32
      %dma_start3A_140 = tpu.memref_slice %arg24[%add3A_136, %dma_start3A_139] : memref<10000x128xf32, #tpu.memory_space<vmem_shared>> -> memref<16x128xf32, #tpu.memory_space<vmem_shared>>
      tpu.enqueue_dma source(%arg7 : memref<16x128xf32, #tpu.memory_space<vmem>>) target(%dma_start3A_140 : memref<16x128xf32, #tpu.memory_space<vmem_shared>>) target_semaphore(%arg23 : memref<!tpu.dma_semaphore, #tpu.memory_space<semaphore_mem>>)
      %while3A_141 = arith.constant 0 : i32
      scf.yield %while3A_141 : i32
    }
    %while3A_17 = arith.constant 1 : i32
    %while3A_18 = scf.for %while3A_132 = %while3A_14 to %while3A_10 step %while3A_17 iter_args(%while3A_133 = %while3A_16) -> (i32)  : i32 {
      %mul3A_134 = arith.constant 16 : i32
      %mul3A_135 = arith.muli %mul3A_134, %while3A_132 : i32
      %add3A_136 = arith.addi %mul3A_4, %mul3A_135 : i32
      %dma_start3A_137 = arith.constant 0 : i32
      %dma_start3A_138 = tpu.memref_slice %arg24[%add3A_136, %dma_start3A_137] : memref<10000x128xf32, #tpu.memory_space<vmem_shared>> -> memref<16x128xf32, #tpu.memory_space<vmem_shared>>
      %dma_start3A_139 = arith.constant 0 : i32
      %dma_start3A_140 = tpu.memref_slice %arg24[%add3A_136, %dma_start3A_139] : memref<10000x128xf32, #tpu.memory_space<vmem_shared>> -> memref<16x128xf32, #tpu.memory_space<vmem_shared>>
      tpu.enqueue_dma source(%arg7 : memref<16x128xf32, #tpu.memory_space<vmem>>) target(%dma_start3A_140 : memref<16x128xf32, #tpu.memory_space<vmem_shared>>) target_semaphore(%arg23 : memref<!tpu.dma_semaphore, #tpu.memory_space<semaphore_mem>>)
      %while3A_141 = arith.constant 0 : i32
      scf.yield %while3A_141 : i32
    }
    %while3A_19 = arith.constant 0 : i32
    %while3A_20 = arith.constant 0 : i32
    %while3A_21 = arith.subi %select_n3A_7, %while3A_19 : i32
    %while3A_22 = arith.addi %while3A_19, %while3A_21 : i32
    %while3A_23 = arith.constant 1 : i32
    %while3A_24 = arith.divsi %while3A_21, %while3A_23 : i32
    %while3A_25 = arith.muli %while3A_24, %while3A_23 : i32
    %while3A_26 = arith.addi %while3A_19, %while3A_25 : i32
    %while3A_27 = arith.constant 1 : i32
    %while3A_28 = scf.for %while3A_132 = %while3A_19 to %while3A_26 step %while3A_27 iter_args(%while3A_133 = %while3A_20) -> (i32)  : i32 {
      %dma_wait3A_134 = arith.constant 0 : i32
      %dma_wait3A_135 = tpu.memref_slice %arg24[%mul3A_4, %dma_wait3A_134] : memref<10000x128xf32, #tpu.memory_space<vmem_shared>> -> memref<16x128xf32, #tpu.memory_space<vmem_shared>>
      %dma_wait3A_136 = arith.constant 0 : i32
      %dma_wait3A_137 = tpu.memref_slice %arg24[%mul3A_4, %dma_wait3A_136] : memref<10000x128xf32, #tpu.memory_space<vmem_shared>> -> memref<16x128xf32, #tpu.memory_space<vmem_shared>>
      tpu.wait_dma2 semaphore(%arg23 : memref<!tpu.dma_semaphore, #tpu.memory_space<semaphore_mem>>) src(%arg7 : memref<16x128xf32, #tpu.memory_space<vmem>>) dst(%dma_wait3A_137 : memref<16x128xf32, #tpu.memory_space<vmem_shared>>)
      %while3A_138 = arith.constant 0 : i32
      scf.yield %while3A_138 : i32
    }
    %while3A_29 = arith.constant 1 : i32
    %while3A_30 = scf.for %while3A_132 = %while3A_26 to %while3A_22 step %while3A_29 iter_args(%while3A_133 = %while3A_28) -> (i32)  : i32 {
      %dma_wait3A_134 = arith.constant 0 : i32
      %dma_wait3A_135 = tpu.memref_slice %arg24[%mul3A_4, %dma_wait3A_134] : memref<10000x128xf32, #tpu.memory_space<vmem_shared>> -> memref<16x128xf32, #tpu.memory_space<vmem_shared>>
      %dma_wait3A_136 = arith.constant 0 : i32
      %dma_wait3A_137 = tpu.memref_slice %arg24[%mul3A_4, %dma_wait3A_136] : memref<10000x128xf32, #tpu.memory_space<vmem_shared>> -> memref<16x128xf32, #tpu.memory_space<vmem_shared>>
      tpu.wait_dma2 semaphore(%arg23 : memref<!tpu.dma_semaphore, #tpu.memory_space<semaphore_mem>>) src(%arg7 : memref<16x128xf32, #tpu.memory_space<vmem>>) dst(%dma_wait3A_137 : memref<16x128xf32, #tpu.memory_space<vmem_shared>>)
      %while3A_138 = arith.constant 0 : i32
      scf.yield %while3A_138 : i32
    }
    %barrier3A = arith.constant 0 : index
    tpu.barrier barrier_id(%barrier3A)
    %add3A_31 = arith.constant 320000 : i32
    %add3A_32 = arith.addi %add3A_31, %mul3A_2 : i32
    %add3A_33 = arith.constant 0 : i32
    %add3A_34 = arith.addi %add3A_32, %add3A_33 : i32
    %multiple_of3A = tpu.assume_multiple %add3A_34, 8 : i32
    %dma_start3A = tpu.memref_slice %arg2[%multiple_of3A] : memref<640000xi32, #tpu.memory_space<hbm>> -> memref<80xi32, #tpu.memory_space<hbm>>
    %dma_start3A_35 = tpu.memref_slice %arg2[%multiple_of3A] : memref<640000xi32, #tpu.memory_space<hbm>> -> memref<80xi32, #tpu.memory_space<hbm>>
    tpu.enqueue_dma source(%dma_start3A_35 : memref<80xi32, #tpu.memory_space<hbm>>) target(%arg8 : memref<80xi32, #tpu.memory_space<vmem>>) target_semaphore(%arg13 : memref<!tpu.dma_semaphore, #tpu.memory_space<semaphore_mem>>)
    %add3A_36 = arith.constant 320000 : i32
    %add3A_37 = arith.addi %add3A_36, %mul3A_2 : i32
    %add3A_38 = arith.constant 80 : i32
    %add3A_39 = arith.addi %add3A_37, %add3A_38 : i32
    %multiple_of3A_40 = tpu.assume_multiple %add3A_39, 8 : i32
    %dma_start3A_41 = tpu.memref_slice %arg2[%multiple_of3A_40] : memref<640000xi32, #tpu.memory_space<hbm>> -> memref<80xi32, #tpu.memory_space<hbm>>
    %dma_start3A_42 = tpu.memref_slice %arg2[%multiple_of3A_40] : memref<640000xi32, #tpu.memory_space<hbm>> -> memref<80xi32, #tpu.memory_space<hbm>>
    tpu.enqueue_dma source(%dma_start3A_42 : memref<80xi32, #tpu.memory_space<hbm>>) target(%arg9 : memref<80xi32, #tpu.memory_space<vmem>>) target_semaphore(%arg14 : memref<!tpu.dma_semaphore, #tpu.memory_space<semaphore_mem>>)
    %add3A_43 = arith.constant 320000 : i32
    %add3A_44 = arith.addi %add3A_43, %mul3A_2 : i32
    %add3A_45 = arith.constant 160 : i32
    %add3A_46 = arith.addi %add3A_44, %add3A_45 : i32
    %multiple_of3A_47 = tpu.assume_multiple %add3A_46, 8 : i32
    %dma_start3A_48 = tpu.memref_slice %arg2[%multiple_of3A_47] : memref<640000xi32, #tpu.memory_space<hbm>> -> memref<80xi32, #tpu.memory_space<hbm>>
    %dma_start3A_49 = tpu.memref_slice %arg2[%multiple_of3A_47] : memref<640000xi32, #tpu.memory_space<hbm>> -> memref<80xi32, #tpu.memory_space<hbm>>
    tpu.enqueue_dma source(%dma_start3A_49 : memref<80xi32, #tpu.memory_space<hbm>>) target(%arg10 : memref<80xi32, #tpu.memory_space<vmem>>) target_semaphore(%arg15 : memref<!tpu.dma_semaphore, #tpu.memory_space<semaphore_mem>>)
    %add3A_50 = arith.constant 320000 : i32
    %add3A_51 = arith.addi %add3A_50, %mul3A_2 : i32
    %add3A_52 = arith.constant 240 : i32
    %add3A_53 = arith.addi %add3A_51, %add3A_52 : i32
    %multiple_of3A_54 = tpu.assume_multiple %add3A_53, 8 : i32
    %dma_start3A_55 = tpu.memref_slice %arg2[%multiple_of3A_54] : memref<640000xi32, #tpu.memory_space<hbm>> -> memref<80xi32, #tpu.memory_space<hbm>>
    %dma_start3A_56 = tpu.memref_slice %arg2[%multiple_of3A_54] : memref<640000xi32, #tpu.memory_space<hbm>> -> memref<80xi32, #tpu.memory_space<hbm>>
    tpu.enqueue_dma source(%dma_start3A_56 : memref<80xi32, #tpu.memory_space<hbm>>) target(%arg11 : memref<80xi32, #tpu.memory_space<vmem>>) target_semaphore(%arg16 : memref<!tpu.dma_semaphore, #tpu.memory_space<semaphore_mem>>)
    %add3A_57 = arith.constant 320000 : i32
    %add3A_58 = arith.addi %add3A_57, %mul3A_2 : i32
    %add3A_59 = arith.constant 320 : i32
    %add3A_60 = arith.addi %add3A_58, %add3A_59 : i32
    %multiple_of3A_61 = tpu.assume_multiple %add3A_60, 8 : i32
    %dma_start3A_62 = tpu.memref_slice %arg2[%multiple_of3A_61] : memref<640000xi32, #tpu.memory_space<hbm>> -> memref<80xi32, #tpu.memory_space<hbm>>
    %dma_start3A_63 = tpu.memref_slice %arg2[%multiple_of3A_61] : memref<640000xi32, #tpu.memory_space<hbm>> -> memref<80xi32, #tpu.memory_space<hbm>>
    tpu.enqueue_dma source(%dma_start3A_63 : memref<80xi32, #tpu.memory_space<hbm>>) target(%arg12 : memref<80xi32, #tpu.memory_space<vmem>>) target_semaphore(%arg17 : memref<!tpu.dma_semaphore, #tpu.memory_space<semaphore_mem>>)
    %add3A_64 = arith.constant 320000 : i32
    %add3A_65 = arith.addi %add3A_64, %mul3A_2 : i32
    %multiple_of3A_66 = tpu.assume_multiple %add3A_65, 8 : i32
    %dma_wait3A = tpu.memref_slice %arg2[%multiple_of3A_66] : memref<640000xi32, #tpu.memory_space<hbm>> -> memref<80xi32, #tpu.memory_space<hbm>>
    %dma_wait3A_67 = tpu.memref_slice %arg2[%multiple_of3A_66] : memref<640000xi32, #tpu.memory_space<hbm>> -> memref<80xi32, #tpu.memory_space<hbm>>
    tpu.wait_dma2 semaphore(%arg13 : memref<!tpu.dma_semaphore, #tpu.memory_space<semaphore_mem>>) src(%dma_wait3A_67 : memref<80xi32, #tpu.memory_space<hbm>>) dst(%arg8 : memref<80xi32, #tpu.memory_space<vmem>>)
    %dma_start3A_68 = arith.constant 0 : i32
    %dma_start3A_69 = arith.constant 0 : i32
    %dma_start3A_70 = tpu.memref_slice %arg24[%dma_start3A_68, %dma_start3A_69] : memref<10000x128xf32, #tpu.memory_space<vmem_shared>> -> memref<10000x128xf32, #tpu.memory_space<vmem_shared>>
    tpu.enqueue_indirect_dma source(%arg6 : memref<80x128xf32, #tpu.memory_space<vmem>>) target(%dma_start3A_70 : memref<10000x128xf32, #tpu.memory_space<vmem_shared>>) offsets(%arg8 : memref<80xi32, #tpu.memory_space<vmem>>) semaphore(%arg18 : memref<!tpu.dma_semaphore, #tpu.memory_space<semaphore_mem>>) {add = true}
    %add3A_71 = arith.constant 320000 : i32
    %add3A_72 = arith.addi %add3A_71, %mul3A_2 : i32
    %multiple_of3A_73 = tpu.assume_multiple %add3A_72, 8 : i32
    %dma_wait3A_74 = tpu.memref_slice %arg2[%multiple_of3A_73] : memref<640000xi32, #tpu.memory_space<hbm>> -> memref<80xi32, #tpu.memory_space<hbm>>
    %dma_wait3A_75 = tpu.memref_slice %arg2[%multiple_of3A_73] : memref<640000xi32, #tpu.memory_space<hbm>> -> memref<80xi32, #tpu.memory_space<hbm>>
    tpu.wait_dma2 semaphore(%arg14 : memref<!tpu.dma_semaphore, #tpu.memory_space<semaphore_mem>>) src(%dma_wait3A_75 : memref<80xi32, #tpu.memory_space<hbm>>) dst(%arg9 : memref<80xi32, #tpu.memory_space<vmem>>)
    %dma_start3A_76 = arith.constant 0 : i32
    %dma_start3A_77 = arith.constant 0 : i32
    %dma_start3A_78 = tpu.memref_slice %arg24[%dma_start3A_76, %dma_start3A_77] : memref<10000x128xf32, #tpu.memory_space<vmem_shared>> -> memref<10000x128xf32, #tpu.memory_space<vmem_shared>>
    tpu.enqueue_indirect_dma source(%arg6 : memref<80x128xf32, #tpu.memory_space<vmem>>) target(%dma_start3A_78 : memref<10000x128xf32, #tpu.memory_space<vmem_shared>>) offsets(%arg9 : memref<80xi32, #tpu.memory_space<vmem>>) semaphore(%arg19 : memref<!tpu.dma_semaphore, #tpu.memory_space<semaphore_mem>>) {add = true}
    %add3A_79 = arith.constant 320000 : i32
    %add3A_80 = arith.addi %add3A_79, %mul3A_2 : i32
    %multiple_of3A_81 = tpu.assume_multiple %add3A_80, 8 : i32
    %dma_wait3A_82 = tpu.memref_slice %arg2[%multiple_of3A_81] : memref<640000xi32, #tpu.memory_space<hbm>> -> memref<80xi32, #tpu.memory_space<hbm>>
    %dma_wait3A_83 = tpu.memref_slice %arg2[%multiple_of3A_81] : memref<640000xi32, #tpu.memory_space<hbm>> -> memref<80xi32, #tpu.memory_space<hbm>>
    tpu.wait_dma2 semaphore(%arg15 : memref<!tpu.dma_semaphore, #tpu.memory_space<semaphore_mem>>) src(%dma_wait3A_83 : memref<80xi32, #tpu.memory_space<hbm>>) dst(%arg10 : memref<80xi32, #tpu.memory_space<vmem>>)
    %dma_start3A_84 = arith.constant 0 : i32
    %dma_start3A_85 = arith.constant 0 : i32
    %dma_start3A_86 = tpu.memref_slice %arg24[%dma_start3A_84, %dma_start3A_85] : memref<10000x128xf32, #tpu.memory_space<vmem_shared>> -> memref<10000x128xf32, #tpu.memory_space<vmem_shared>>
    tpu.enqueue_indirect_dma source(%arg6 : memref<80x128xf32, #tpu.memory_space<vmem>>) target(%dma_start3A_86 : memref<10000x128xf32, #tpu.memory_space<vmem_shared>>) offsets(%arg10 : memref<80xi32, #tpu.memory_space<vmem>>) semaphore(%arg20 : memref<!tpu.dma_semaphore, #tpu.memory_space<semaphore_mem>>) {add = true}
    %add3A_87 = arith.constant 320000 : i32
    %add3A_88 = arith.addi %add3A_87, %mul3A_2 : i32
    %multiple_of3A_89 = tpu.assume_multiple %add3A_88, 8 : i32
    %dma_wait3A_90 = tpu.memref_slice %arg2[%multiple_of3A_89] : memref<640000xi32, #tpu.memory_space<hbm>> -> memref<80xi32, #tpu.memory_space<hbm>>
    %dma_wait3A_91 = tpu.memref_slice %arg2[%multiple_of3A_89] : memref<640000xi32, #tpu.memory_space<hbm>> -> memref<80xi32, #tpu.memory_space<hbm>>
    tpu.wait_dma2 semaphore(%arg16 : memref<!tpu.dma_semaphore, #tpu.memory_space<semaphore_mem>>) src(%dma_wait3A_91 : memref<80xi32, #tpu.memory_space<hbm>>) dst(%arg11 : memref<80xi32, #tpu.memory_space<vmem>>)
    %dma_start3A_92 = arith.constant 0 : i32
    %dma_start3A_93 = arith.constant 0 : i32
    %dma_start3A_94 = tpu.memref_slice %arg24[%dma_start3A_92, %dma_start3A_93] : memref<10000x128xf32, #tpu.memory_space<vmem_shared>> -> memref<10000x128xf32, #tpu.memory_space<vmem_shared>>
    tpu.enqueue_indirect_dma source(%arg6 : memref<80x128xf32, #tpu.memory_space<vmem>>) target(%dma_start3A_94 : memref<10000x128xf32, #tpu.memory_space<vmem_shared>>) offsets(%arg11 : memref<80xi32, #tpu.memory_space<vmem>>) semaphore(%arg21 : memref<!tpu.dma_semaphore, #tpu.memory_space<semaphore_mem>>) {add = true}
    %scan3A = arith.constant 0 : i32
    %scan3A_95 = arith.constant 1 : i32
    %scan3A_96 = arith.constant 24 : i32
    %scan3A_97 = arith.addi %scan3A_95, %scan3A_96 : i32
    %scan3A_98 = arith.constant 1 : i32
    %scan3A_99 = scf.for %scan3A_132 = %scan3A_95 to %scan3A_97 step %scan3A_98 iter_args(%scan3A_133 = %scan3A) -> (i32)  : i32 {
      %dma_wait3A_134 = arith.constant 0 : i32
      %dma_wait3A_135 = arith.constant 0 : i32
      %dma_wait3A_136 = tpu.memref_slice %arg24[%dma_wait3A_134, %dma_wait3A_135] : memref<10000x128xf32, #tpu.memory_space<vmem_shared>> -> memref<10000x128xf32, #tpu.memory_space<vmem_shared>>
      tpu.wait_indirect_dma semaphore(%arg18 : memref<!tpu.dma_semaphore, #tpu.memory_space<semaphore_mem>>) src(%arg6 : memref<80x128xf32, #tpu.memory_space<vmem>>) dst(%dma_wait3A_136 : memref<10000x128xf32, #tpu.memory_space<vmem_shared>>)
      %mul3A_137 = arith.constant 5 : i32
      %mul3A_138 = arith.muli %mul3A_137, %scan3A_132 : i32
      %add3A_139 = arith.constant 0 : i32
      %add3A_140 = arith.addi %mul3A_138, %add3A_139 : i32
      %add3A_141 = arith.constant 320000 : i32
      %add3A_142 = arith.addi %add3A_141, %mul3A_2 : i32
      %mul3A_143 = arith.constant 80 : i32
      %mul3A_144 = arith.muli %add3A_140, %mul3A_143 : i32
      %add3A_145 = arith.addi %add3A_142, %mul3A_144 : i32
      %multiple_of3A_146 = tpu.assume_multiple %add3A_145, 8 : i32
      %dma_start3A_147 = tpu.memref_slice %arg2[%multiple_of3A_146] : memref<640000xi32, #tpu.memory_space<hbm>> -> memref<80xi32, #tpu.memory_space<hbm>>
      %dma_start3A_148 = tpu.memref_slice %arg2[%multiple_of3A_146] : memref<640000xi32, #tpu.memory_space<hbm>> -> memref<80xi32, #tpu.memory_space<hbm>>
      tpu.enqueue_dma source(%dma_start3A_148 : memref<80xi32, #tpu.memory_space<hbm>>) target(%arg8 : memref<80xi32, #tpu.memory_space<vmem>>) target_semaphore(%arg13 : memref<!tpu.dma_semaphore, #tpu.memory_space<semaphore_mem>>)
      %add3A_149 = arith.constant 320000 : i32
      %add3A_150 = arith.addi %add3A_149, %mul3A_2 : i32
      %multiple_of3A_151 = tpu.assume_multiple %add3A_150, 8 : i32
      %dma_wait3A_152 = tpu.memref_slice %arg2[%multiple_of3A_151] : memref<640000xi32, #tpu.memory_space<hbm>> -> memref<80xi32, #tpu.memory_space<hbm>>
      %dma_wait3A_153 = tpu.memref_slice %arg2[%multiple_of3A_151] : memref<640000xi32, #tpu.memory_space<hbm>> -> memref<80xi32, #tpu.memory_space<hbm>>
      tpu.wait_dma2 semaphore(%arg17 : memref<!tpu.dma_semaphore, #tpu.memory_space<semaphore_mem>>) src(%dma_wait3A_153 : memref<80xi32, #tpu.memory_space<hbm>>) dst(%arg12 : memref<80xi32, #tpu.memory_space<vmem>>)
      %dma_start3A_154 = arith.constant 0 : i32
      %dma_start3A_155 = arith.constant 0 : i32
      %dma_start3A_156 = tpu.memref_slice %arg24[%dma_start3A_154, %dma_start3A_155] : memref<10000x128xf32, #tpu.memory_space<vmem_shared>> -> memref<10000x128xf32, #tpu.memory_space<vmem_shared>>
      tpu.enqueue_indirect_dma source(%arg6 : memref<80x128xf32, #tpu.memory_space<vmem>>) target(%dma_start3A_156 : memref<10000x128xf32, #tpu.memory_space<vmem_shared>>) offsets(%arg12 : memref<80xi32, #tpu.memory_space<vmem>>) semaphore(%arg22 : memref<!tpu.dma_semaphore, #tpu.memory_space<semaphore_mem>>) {add = true}
      %dma_wait3A_157 = arith.constant 0 : i32
      %dma_wait3A_158 = arith.constant 0 : i32
      %dma_wait3A_159 = tpu.memref_slice %arg24[%dma_wait3A_157, %dma_wait3A_158] : memref<10000x128xf32, #tpu.memory_space<vmem_shared>> -> memref<10000x128xf32, #tpu.memory_space<vmem_shared>>
      tpu.wait_indirect_dma semaphore(%arg19 : memref<!tpu.dma_semaphore, #tpu.memory_space<semaphore_mem>>) src(%arg6 : memref<80x128xf32, #tpu.memory_space<vmem>>) dst(%dma_wait3A_159 : memref<10000x128xf32, #tpu.memory_space<vmem_shared>>)
      %mul3A_160 = arith.constant 5 : i32
      %mul3A_161 = arith.muli %mul3A_160, %scan3A_132 : i32
      %add3A_162 = arith.constant 1 : i32
      %add3A_163 = arith.addi %mul3A_161, %add3A_162 : i32
      %add3A_164 = arith.constant 320000 : i32
      %add3A_165 = arith.addi %add3A_164, %mul3A_2 : i32
      %mul3A_166 = arith.constant 80 : i32
      %mul3A_167 = arith.muli %add3A_163, %mul3A_166 : i32
      %add3A_168 = arith.addi %add3A_165, %mul3A_167 : i32
      %multiple_of3A_169 = tpu.assume_multiple %add3A_168, 8 : i32
      %dma_start3A_170 = tpu.memref_slice %arg2[%multiple_of3A_169] : memref<640000xi32, #tpu.memory_space<hbm>> -> memref<80xi32, #tpu.memory_space<hbm>>
      %dma_start3A_171 = tpu.memref_slice %arg2[%multiple_of3A_169] : memref<640000xi32, #tpu.memory_space<hbm>> -> memref<80xi32, #tpu.memory_space<hbm>>
      tpu.enqueue_dma source(%dma_start3A_171 : memref<80xi32, #tpu.memory_space<hbm>>) target(%arg9 : memref<80xi32, #tpu.memory_space<vmem>>) target_semaphore(%arg14 : memref<!tpu.dma_semaphore, #tpu.memory_space<semaphore_mem>>)
      %add3A_172 = arith.constant 320000 : i32
      %add3A_173 = arith.addi %add3A_172, %mul3A_2 : i32
      %multiple_of3A_174 = tpu.assume_multiple %add3A_173, 8 : i32
      %dma_wait3A_175 = tpu.memref_slice %arg2[%multiple_of3A_174] : memref<640000xi32, #tpu.memory_space<hbm>> -> memref<80xi32, #tpu.memory_space<hbm>>
      %dma_wait3A_176 = tpu.memref_slice %arg2[%multiple_of3A_174] : memref<640000xi32, #tpu.memory_space<hbm>> -> memref<80xi32, #tpu.memory_space<hbm>>
      tpu.wait_dma2 semaphore(%arg13 : memref<!tpu.dma_semaphore, #tpu.memory_space<semaphore_mem>>) src(%dma_wait3A_176 : memref<80xi32, #tpu.memory_space<hbm>>) dst(%arg8 : memref<80xi32, #tpu.memory_space<vmem>>)
      %dma_start3A_177 = arith.constant 0 : i32
      %dma_start3A_178 = arith.constant 0 : i32
      %dma_start3A_179 = tpu.memref_slice %arg24[%dma_start3A_177, %dma_start3A_178] : memref<10000x128xf32, #tpu.memory_space<vmem_shared>> -> memref<10000x128xf32, #tpu.memory_space<vmem_shared>>
      tpu.enqueue_indirect_dma source(%arg6 : memref<80x128xf32, #tpu.memory_space<vmem>>) target(%dma_start3A_179 : memref<10000x128xf32, #tpu.memory_space<vmem_shared>>) offsets(%arg8 : memref<80xi32, #tpu.memory_space<vmem>>) semaphore(%arg18 : memref<!tpu.dma_semaphore, #tpu.memory_space<semaphore_mem>>) {add = true}
      %dma_wait3A_180 = arith.constant 0 : i32
      %dma_wait3A_181 = arith.constant 0 : i32
      %dma_wait3A_182 = tpu.memref_slice %arg24[%dma_wait3A_180, %dma_wait3A_181] : memref<10000x128xf32, #tpu.memory_space<vmem_shared>> -> memref<10000x128xf32, #tpu.memory_space<vmem_shared>>
      tpu.wait_indirect_dma semaphore(%arg20 : memref<!tpu.dma_semaphore, #tpu.memory_space<semaphore_mem>>) src(%arg6 : memref<80x128xf32, #tpu.memory_space<vmem>>) dst(%dma_wait3A_182 : memref<10000x128xf32, #tpu.memory_space<vmem_shared>>)
      %mul3A_183 = arith.constant 5 : i32
      %mul3A_184 = arith.muli %mul3A_183, %scan3A_132 : i32
      %add3A_185 = arith.constant 2 : i32
      %add3A_186 = arith.addi %mul3A_184, %add3A_185 : i32
      %add3A_187 = arith.constant 320000 : i32
      %add3A_188 = arith.addi %add3A_187, %mul3A_2 : i32
      %mul3A_189 = arith.constant 80 : i32
      %mul3A_190 = arith.muli %add3A_186, %mul3A_189 : i32
      %add3A_191 = arith.addi %add3A_188, %mul3A_190 : i32
      %multiple_of3A_192 = tpu.assume_multiple %add3A_191, 8 : i32
      %dma_start3A_193 = tpu.memref_slice %arg2[%multiple_of3A_192] : memref<640000xi32, #tpu.memory_space<hbm>> -> memref<80xi32, #tpu.memory_space<hbm>>
      %dma_start3A_194 = tpu.memref_slice %arg2[%multiple_of3A_192] : memref<640000xi32, #tpu.memory_space<hbm>> -> memref<80xi32, #tpu.memory_space<hbm>>
      tpu.enqueue_dma source(%dma_start3A_194 : memref<80xi32, #tpu.memory_space<hbm>>) target(%arg10 : memref<80xi32, #tpu.memory_space<vmem>>) target_semaphore(%arg15 : memref<!tpu.dma_semaphore, #tpu.memory_space<semaphore_mem>>)
      %add3A_195 = arith.constant 320000 : i32
      %add3A_196 = arith.addi %add3A_195, %mul3A_2 : i32
      %multiple_of3A_197 = tpu.assume_multiple %add3A_196, 8 : i32
      %dma_wait3A_198 = tpu.memref_slice %arg2[%multiple_of3A_197] : memref<640000xi32, #tpu.memory_space<hbm>> -> memref<80xi32, #tpu.memory_space<hbm>>
      %dma_wait3A_199 = tpu.memref_slice %arg2[%multiple_of3A_197] : memref<640000xi32, #tpu.memory_space<hbm>> -> memref<80xi32, #tpu.memory_space<hbm>>
      tpu.wait_dma2 semaphore(%arg14 : memref<!tpu.dma_semaphore, #tpu.memory_space<semaphore_mem>>) src(%dma_wait3A_199 : memref<80xi32, #tpu.memory_space<hbm>>) dst(%arg9 : memref<80xi32, #tpu.memory_space<vmem>>)
      %dma_start3A_200 = arith.constant 0 : i32
      %dma_start3A_201 = arith.constant 0 : i32
      %dma_start3A_202 = tpu.memref_slice %arg24[%dma_start3A_200, %dma_start3A_201] : memref<10000x128xf32, #tpu.memory_space<vmem_shared>> -> memref<10000x128xf32, #tpu.memory_space<vmem_shared>>
      tpu.enqueue_indirect_dma source(%arg6 : memref<80x128xf32, #tpu.memory_space<vmem>>) target(%dma_start3A_202 : memref<10000x128xf32, #tpu.memory_space<vmem_shared>>) offsets(%arg9 : memref<80xi32, #tpu.memory_space<vmem>>) semaphore(%arg19 : memref<!tpu.dma_semaphore, #tpu.memory_space<semaphore_mem>>) {add = true}
      %dma_wait3A_203 = arith.constant 0 : i32
      %dma_wait3A_204 = arith.constant 0 : i32
      %dma_wait3A_205 = tpu.memref_slice %arg24[%dma_wait3A_203, %dma_wait3A_204] : memref<10000x128xf32, #tpu.memory_space<vmem_shared>> -> memref<10000x128xf32, #tpu.memory_space<vmem_shared>>
      tpu.wait_indirect_dma semaphore(%arg21 : memref<!tpu.dma_semaphore, #tpu.memory_space<semaphore_mem>>) src(%arg6 : memref<80x128xf32, #tpu.memory_space<vmem>>) dst(%dma_wait3A_205 : memref<10000x128xf32, #tpu.memory_space<vmem_shared>>)
      %mul3A_206 = arith.constant 5 : i32
      %mul3A_207 = arith.muli %mul3A_206, %scan3A_132 : i32
      %add3A_208 = arith.constant 3 : i32
      %add3A_209 = arith.addi %mul3A_207, %add3A_208 : i32
      %add3A_210 = arith.constant 320000 : i32
      %add3A_211 = arith.addi %add3A_210, %mul3A_2 : i32
      %mul3A_212 = arith.constant 80 : i32
      %mul3A_213 = arith.muli %add3A_209, %mul3A_212 : i32
      %add3A_214 = arith.addi %add3A_211, %mul3A_213 : i32
      %multiple_of3A_215 = tpu.assume_multiple %add3A_214, 8 : i32
      %dma_start3A_216 = tpu.memref_slice %arg2[%multiple_of3A_215] : memref<640000xi32, #tpu.memory_space<hbm>> -> memref<80xi32, #tpu.memory_space<hbm>>
      %dma_start3A_217 = tpu.memref_slice %arg2[%multiple_of3A_215] : memref<640000xi32, #tpu.memory_space<hbm>> -> memref<80xi32, #tpu.memory_space<hbm>>
      tpu.enqueue_dma source(%dma_start3A_217 : memref<80xi32, #tpu.memory_space<hbm>>) target(%arg11 : memref<80xi32, #tpu.memory_space<vmem>>) target_semaphore(%arg16 : memref<!tpu.dma_semaphore, #tpu.memory_space<semaphore_mem>>)
      %add3A_218 = arith.constant 320000 : i32
      %add3A_219 = arith.addi %add3A_218, %mul3A_2 : i32
      %multiple_of3A_220 = tpu.assume_multiple %add3A_219, 8 : i32
      %dma_wait3A_221 = tpu.memref_slice %arg2[%multiple_of3A_220] : memref<640000xi32, #tpu.memory_space<hbm>> -> memref<80xi32, #tpu.memory_space<hbm>>
      %dma_wait3A_222 = tpu.memref_slice %arg2[%multiple_of3A_220] : memref<640000xi32, #tpu.memory_space<hbm>> -> memref<80xi32, #tpu.memory_space<hbm>>
      tpu.wait_dma2 semaphore(%arg15 : memref<!tpu.dma_semaphore, #tpu.memory_space<semaphore_mem>>) src(%dma_wait3A_222 : memref<80xi32, #tpu.memory_space<hbm>>) dst(%arg10 : memref<80xi32, #tpu.memory_space<vmem>>)
      %dma_start3A_223 = arith.constant 0 : i32
      %dma_start3A_224 = arith.constant 0 : i32
      %dma_start3A_225 = tpu.memref_slice %arg24[%dma_start3A_223, %dma_start3A_224] : memref<10000x128xf32, #tpu.memory_space<vmem_shared>> -> memref<10000x128xf32, #tpu.memory_space<vmem_shared>>
      tpu.enqueue_indirect_dma source(%arg6 : memref<80x128xf32, #tpu.memory_space<vmem>>) target(%dma_start3A_225 : memref<10000x128xf32, #tpu.memory_space<vmem_shared>>) offsets(%arg10 : memref<80xi32, #tpu.memory_space<vmem>>) semaphore(%arg20 : memref<!tpu.dma_semaphore, #tpu.memory_space<semaphore_mem>>) {add = true}
      %dma_wait3A_226 = arith.constant 0 : i32
      %dma_wait3A_227 = arith.constant 0 : i32
      %dma_wait3A_228 = tpu.memref_slice %arg24[%dma_wait3A_226, %dma_wait3A_227] : memref<10000x128xf32, #tpu.memory_space<vmem_shared>> -> memref<10000x128xf32, #tpu.memory_space<vmem_shared>>
      tpu.wait_indirect_dma semaphore(%arg22 : memref<!tpu.dma_semaphore, #tpu.memory_space<semaphore_mem>>) src(%arg6 : memref<80x128xf32, #tpu.memory_space<vmem>>) dst(%dma_wait3A_228 : memref<10000x128xf32, #tpu.memory_space<vmem_shared>>)
      %mul3A_229 = arith.constant 5 : i32
      %mul3A_230 = arith.muli %mul3A_229, %scan3A_132 : i32
      %add3A_231 = arith.constant 4 : i32
      %add3A_232 = arith.addi %mul3A_230, %add3A_231 : i32
      %add3A_233 = arith.constant 320000 : i32
      %add3A_234 = arith.addi %add3A_233, %mul3A_2 : i32
      %mul3A_235 = arith.constant 80 : i32
      %mul3A_236 = arith.muli %add3A_232, %mul3A_235 : i32
      %add3A_237 = arith.addi %add3A_234, %mul3A_236 : i32
      %multiple_of3A_238 = tpu.assume_multiple %add3A_237, 8 : i32
      %dma_start3A_239 = tpu.memref_slice %arg2[%multiple_of3A_238] : memref<640000xi32, #tpu.memory_space<hbm>> -> memref<80xi32, #tpu.memory_space<hbm>>
      %dma_start3A_240 = tpu.memref_slice %arg2[%multiple_of3A_238] : memref<640000xi32, #tpu.memory_space<hbm>> -> memref<80xi32, #tpu.memory_space<hbm>>
      tpu.enqueue_dma source(%dma_start3A_240 : memref<80xi32, #tpu.memory_space<hbm>>) target(%arg12 : memref<80xi32, #tpu.memory_space<vmem>>) target_semaphore(%arg17 : memref<!tpu.dma_semaphore, #tpu.memory_space<semaphore_mem>>)
      %add3A_241 = arith.constant 320000 : i32
      %add3A_242 = arith.addi %add3A_241, %mul3A_2 : i32
      %multiple_of3A_243 = tpu.assume_multiple %add3A_242, 8 : i32
      %dma_wait3A_244 = tpu.memref_slice %arg2[%multiple_of3A_243] : memref<640000xi32, #tpu.memory_space<hbm>> -> memref<80xi32, #tpu.memory_space<hbm>>
      %dma_wait3A_245 = tpu.memref_slice %arg2[%multiple_of3A_243] : memref<640000xi32, #tpu.memory_space<hbm>> -> memref<80xi32, #tpu.memory_space<hbm>>
      tpu.wait_dma2 semaphore(%arg16 : memref<!tpu.dma_semaphore, #tpu.memory_space<semaphore_mem>>) src(%dma_wait3A_245 : memref<80xi32, #tpu.memory_space<hbm>>) dst(%arg11 : memref<80xi32, #tpu.memory_space<vmem>>)
      %dma_start3A_246 = arith.constant 0 : i32
      %dma_start3A_247 = arith.constant 0 : i32
      %dma_start3A_248 = tpu.memref_slice %arg24[%dma_start3A_246, %dma_start3A_247] : memref<10000x128xf32, #tpu.memory_space<vmem_shared>> -> memref<10000x128xf32, #tpu.memory_space<vmem_shared>>
      tpu.enqueue_indirect_dma source(%arg6 : memref<80x128xf32, #tpu.memory_space<vmem>>) target(%dma_start3A_248 : memref<10000x128xf32, #tpu.memory_space<vmem_shared>>) offsets(%arg11 : memref<80xi32, #tpu.memory_space<vmem>>) semaphore(%arg21 : memref<!tpu.dma_semaphore, #tpu.memory_space<semaphore_mem>>) {add = true}
      %scan3A_249 = arith.constant 0 : i32
      scf.yield %scan3A_249 : i32
    }
    %scan3A_100 = arith.constant 24 : i32
    %add3A_101 = arith.constant 320000 : i32
    %add3A_102 = arith.addi %add3A_101, %mul3A_2 : i32
    %multiple_of3A_103 = tpu.assume_multiple %add3A_102, 8 : i32
    %dma_wait3A_104 = tpu.memref_slice %arg2[%multiple_of3A_103] : memref<640000xi32, #tpu.memory_space<hbm>> -> memref<80xi32, #tpu.memory_space<hbm>>
    %dma_wait3A_105 = tpu.memref_slice %arg2[%multiple_of3A_103] : memref<640000xi32, #tpu.memory_space<hbm>> -> memref<80xi32, #tpu.memory_space<hbm>>
    tpu.wait_dma2 semaphore(%arg17 : memref<!tpu.dma_semaphore, #tpu.memory_space<semaphore_mem>>) src(%dma_wait3A_105 : memref<80xi32, #tpu.memory_space<hbm>>) dst(%arg12 : memref<80xi32, #tpu.memory_space<vmem>>)
    %dma_start3A_106 = arith.constant 0 : i32
    %dma_start3A_107 = arith.constant 0 : i32
    %dma_start3A_108 = tpu.memref_slice %arg24[%dma_start3A_106, %dma_start3A_107] : memref<10000x128xf32, #tpu.memory_space<vmem_shared>> -> memref<10000x128xf32, #tpu.memory_space<vmem_shared>>
    tpu.enqueue_indirect_dma source(%arg6 : memref<80x128xf32, #tpu.memory_space<vmem>>) target(%dma_start3A_108 : memref<10000x128xf32, #tpu.memory_space<vmem_shared>>) offsets(%arg12 : memref<80xi32, #tpu.memory_space<vmem>>) semaphore(%arg22 : memref<!tpu.dma_semaphore, #tpu.memory_space<semaphore_mem>>) {add = true}
    %dma_wait3A_109 = arith.constant 0 : i32
    %dma_wait3A_110 = arith.constant 0 : i32
    %dma_wait3A_111 = tpu.memref_slice %arg24[%dma_wait3A_109, %dma_wait3A_110] : memref<10000x128xf32, #tpu.memory_space<vmem_shared>> -> memref<10000x128xf32, #tpu.memory_space<vmem_shared>>
    tpu.wait_indirect_dma semaphore(%arg18 : memref<!tpu.dma_semaphore, #tpu.memory_space<semaphore_mem>>) src(%arg6 : memref<80x128xf32, #tpu.memory_space<vmem>>) dst(%dma_wait3A_111 : memref<10000x128xf32, #tpu.memory_space<vmem_shared>>)
    %dma_wait3A_112 = arith.constant 0 : i32
    %dma_wait3A_113 = arith.constant 0 : i32
    %dma_wait3A_114 = tpu.memref_slice %arg24[%dma_wait3A_112, %dma_wait3A_113] : memref<10000x128xf32, #tpu.memory_space<vmem_shared>> -> memref<10000x128xf32, #tpu.memory_space<vmem_shared>>
    tpu.wait_indirect_dma semaphore(%arg19 : memref<!tpu.dma_semaphore, #tpu.memory_space<semaphore_mem>>) src(%arg6 : memref<80x128xf32, #tpu.memory_space<vmem>>) dst(%dma_wait3A_114 : memref<10000x128xf32, #tpu.memory_space<vmem_shared>>)
    %dma_wait3A_115 = arith.constant 0 : i32
    %dma_wait3A_116 = arith.constant 0 : i32
    %dma_wait3A_117 = tpu.memref_slice %arg24[%dma_wait3A_115, %dma_wait3A_116] : memref<10000x128xf32, #tpu.memory_space<vmem_shared>> -> memref<10000x128xf32, #tpu.memory_space<vmem_shared>>
    tpu.wait_indirect_dma semaphore(%arg20 : memref<!tpu.dma_semaphore, #tpu.memory_space<semaphore_mem>>) src(%arg6 : memref<80x128xf32, #tpu.memory_space<vmem>>) dst(%dma_wait3A_117 : memref<10000x128xf32, #tpu.memory_space<vmem_shared>>)
    %dma_wait3A_118 = arith.constant 0 : i32
    %dma_wait3A_119 = arith.constant 0 : i32
    %dma_wait3A_120 = tpu.memref_slice %arg24[%dma_wait3A_118, %dma_wait3A_119] : memref<10000x128xf32, #tpu.memory_space<vmem_shared>> -> memref<10000x128xf32, #tpu.memory_space<vmem_shared>>
    tpu.wait_indirect_dma semaphore(%arg21 : memref<!tpu.dma_semaphore, #tpu.memory_space<semaphore_mem>>) src(%arg6 : memref<80x128xf32, #tpu.memory_space<vmem>>) dst(%dma_wait3A_120 : memref<10000x128xf32, #tpu.memory_space<vmem_shared>>)
    %dma_wait3A_121 = arith.constant 0 : i32
    %dma_wait3A_122 = arith.constant 0 : i32
    %dma_wait3A_123 = tpu.memref_slice %arg24[%dma_wait3A_121, %dma_wait3A_122] : memref<10000x128xf32, #tpu.memory_space<vmem_shared>> -> memref<10000x128xf32, #tpu.memory_space<vmem_shared>>
    tpu.wait_indirect_dma semaphore(%arg22 : memref<!tpu.dma_semaphore, #tpu.memory_space<semaphore_mem>>) src(%arg6 : memref<80x128xf32, #tpu.memory_space<vmem>>) dst(%dma_wait3A_123 : memref<10000x128xf32, #tpu.memory_space<vmem_shared>>)
    %barrier3A_124 = arith.constant 0 : index
    tpu.barrier barrier_id(%barrier3A_124)
    %lt3A = arith.constant 15 : i32
    %lt3A_125 = arith.cmpi slt, %arg1, %lt3A : i32
    %convert_element_type3A = arith.extui %lt3A_125 : i1 to i32
    %cond3A = arith.constant 0 : i32
    %cond3A_126 = arith.cmpi ne, %convert_element_type3A, %cond3A : i32
    scf.if %cond3A_126 {
      "tpu.region"() ({
        %run_scoped3A = tpu.sem_alloc : memref<!tpu.dma_semaphore, #tpu.memory_space<semaphore_mem>>
        %dma_start3A_132 = arith.constant 0 : i32
        %dma_start3A_133 = tpu.memref_slice %arg5[%arg0, %mul3A_4, %dma_start3A_132] : memref<2x10000x128xf32, #tpu.memory_space<hbm>> -> memref<1x624x128xf32, #tpu.memory_space<hbm>>
        %dma_start3A_134 = tpu.memref_squeeze %dma_start3A_133 : memref<1x624x128xf32, #tpu.memory_space<hbm>> -> memref<624x128xf32, #tpu.memory_space<hbm>>
        %dma_start3A_135 = arith.constant 0 : i32
        %dma_start3A_136 = tpu.memref_slice %arg24[%mul3A_4, %dma_start3A_135] : memref<10000x128xf32, #tpu.memory_space<vmem_shared>> -> memref<624x128xf32, #tpu.memory_space<vmem_shared>>
        tpu.enqueue_dma source(%dma_start3A_136 : memref<624x128xf32, #tpu.memory_space<vmem_shared>>) target(%dma_start3A_134 : memref<624x128xf32, #tpu.memory_space<hbm>>) target_semaphore(%run_scoped3A : memref<!tpu.dma_semaphore, #tpu.memory_space<semaphore_mem>>)
        %dma_wait3A_137 = arith.constant 0 : i32
        %dma_wait3A_138 = tpu.memref_slice %arg5[%arg0, %mul3A_4, %dma_wait3A_137] : memref<2x10000x128xf32, #tpu.memory_space<hbm>> -> memref<1x624x128xf32, #tpu.memory_space<hbm>>
        %dma_wait3A_139 = tpu.memref_squeeze %dma_wait3A_138 : memref<1x624x128xf32, #tpu.memory_space<hbm>> -> memref<624x128xf32, #tpu.memory_space<hbm>>
        %dma_wait3A_140 = arith.constant 0 : i32
        %dma_wait3A_141 = tpu.memref_slice %arg24[%mul3A_4, %dma_wait3A_140] : memref<10000x128xf32, #tpu.memory_space<vmem_shared>> -> memref<624x128xf32, #tpu.memory_space<vmem_shared>>
        tpu.wait_dma2 semaphore(%run_scoped3A : memref<!tpu.dma_semaphore, #tpu.memory_space<semaphore_mem>>) src(%dma_wait3A_141 : memref<624x128xf32, #tpu.memory_space<vmem_shared>>) dst(%dma_wait3A_139 : memref<624x128xf32, #tpu.memory_space<hbm>>)
        tpu.yield
      }) : () -> ()
    } else {
    }
    %eq3A_127 = arith.constant 15 : i32
    %eq3A_128 = arith.cmpi eq, %arg1, %eq3A_127 : i32
    %convert_element_type3A_129 = arith.extui %eq3A_128 : i1 to i32
    %cond3A_130 = arith.constant 0 : i32
    %cond3A_131 = arith.cmpi ne, %convert_element_type3A_129, %cond3A_130 : i32
    scf.if %cond3A_131 {
      "tpu.region"() ({
        %run_scoped3A = tpu.sem_alloc : memref<!tpu.dma_semaphore, #tpu.memory_space<semaphore_mem>>
        %dma_start3A_132 = arith.constant 0 : i32
        %dma_start3A_133 = tpu.memref_slice %arg5[%arg0, %mul3A_4, %dma_start3A_132] : memref<2x10000x128xf32, #tpu.memory_space<hbm>> -> memref<1x640x128xf32, #tpu.memory_space<hbm>>
        %dma_start3A_134 = tpu.memref_squeeze %dma_start3A_133 : memref<1x640x128xf32, #tpu.memory_space<hbm>> -> memref<640x128xf32, #tpu.memory_space<hbm>>
        %dma_start3A_135 = arith.constant 0 : i32
        %dma_start3A_136 = tpu.memref_slice %arg24[%mul3A_4, %dma_start3A_135] : memref<10000x128xf32, #tpu.memory_space<vmem_shared>> -> memref<640x128xf32, #tpu.memory_space<vmem_shared>>
        tpu.enqueue_dma source(%dma_start3A_136 : memref<640x128xf32, #tpu.memory_space<vmem_shared>>) target(%dma_start3A_134 : memref<640x128xf32, #tpu.memory_space<hbm>>) target_semaphore(%run_scoped3A : memref<!tpu.dma_semaphore, #tpu.memory_space<semaphore_mem>>)
        %dma_wait3A_137 = arith.constant 0 : i32
        %dma_wait3A_138 = tpu.memref_slice %arg5[%arg0, %mul3A_4, %dma_wait3A_137] : memref<2x10000x128xf32, #tpu.memory_space<hbm>> -> memref<1x640x128xf32, #tpu.memory_space<hbm>>
        %dma_wait3A_139 = tpu.memref_squeeze %dma_wait3A_138 : memref<1x640x128xf32, #tpu.memory_space<hbm>> -> memref<640x128xf32, #tpu.memory_space<hbm>>
        %dma_wait3A_140 = arith.constant 0 : i32
        %dma_wait3A_141 = tpu.memref_slice %arg24[%mul3A_4, %dma_wait3A_140] : memref<10000x128xf32, #tpu.memory_space<vmem_shared>> -> memref<640x128xf32, #tpu.memory_space<vmem_shared>>
        tpu.wait_dma2 semaphore(%run_scoped3A : memref<!tpu.dma_semaphore, #tpu.memory_space<semaphore_mem>>) src(%dma_wait3A_141 : memref<640x128xf32, #tpu.memory_space<vmem_shared>>) dst(%dma_wait3A_139 : memref<640x128xf32, #tpu.memory_space<hbm>>)
        tpu.yield
      }) : () -> ()
    } else {
    }
    return
  }
}

#map = affine_map<(d0, d1) -> (0)>
#map1 = affine_map<(d0, d1) -> (0, 0)>
#map2 = affine_map<(d0, d1) -> (0, 0, 0)>
module attributes {stable_mosaic.version = 14 : i64} {
  func.func @_sc_scatter(%arg0: i32, %arg1: i32, %arg2: memref<640000xi32, #tpu.memory_space<hbm>>, %arg3: memref<16x128xf32, #tpu.memory_space<hbm>>, %arg4: memref<10000x128xf32, #tpu.memory_space<hbm>>, %arg5: memref<2x10000x128xf32, #tpu.memory_space<hbm>>, %arg6: memref<80x128xf32, #tpu.memory_space<vmem>>, %arg7: memref<80x128xf32, #tpu.memory_space<vmem>>, %arg8: memref<80x128xf32, #tpu.memory_space<vmem>>, %arg9: memref<16x128xf32, #tpu.memory_space<vmem>>, %arg10: memref<10000xi32, #tpu.memory_space<vmem>>, %arg11: memref<80xi32, #tpu.memory_space<vmem>>, %arg12: memref<80xi32, #tpu.memory_space<vmem>>, %arg13: memref<80xi32, #tpu.memory_space<vmem>>, %arg14: memref<!tpu.dma_semaphore, #tpu.memory_space<semaphore_mem>>, %arg15: memref<!tpu.dma_semaphore, #tpu.memory_space<semaphore_mem>>, %arg16: memref<!tpu.dma_semaphore, #tpu.memory_space<semaphore_mem>>, %arg17: memref<!tpu.dma_semaphore, #tpu.memory_space<semaphore_mem>>, %arg18: memref<!tpu.dma_semaphore, #tpu.memory_space<semaphore_mem>>, %arg19: memref<!tpu.dma_semaphore, #tpu.memory_space<semaphore_mem>>, %arg20: memref<!tpu.dma_semaphore, #tpu.memory_space<semaphore_mem>>, %arg21: memref<!tpu.dma_semaphore, #tpu.memory_space<semaphore_mem>>, %arg22: memref<!tpu.dma_semaphore, #tpu.memory_space<semaphore_mem>>, %arg23: memref<!tpu.dma_semaphore, #tpu.memory_space<semaphore_mem>>, %arg24: memref<10000x128xf32, #tpu.memory_space<vmem_shared>>) attributes {dimension_semantics = [#tpu.dimension_semantics<core_parallel>, #tpu.dimension_semantics<subcore_parallel>], iteration_bounds = array<i64: 2, 16>, scalar_prefetch = 0 : i64, scratch_operands = 19 : i64, tpu.core_type = #tpu.core_type<sc_vector_subcore>, window_params = [{transform_indices = #map}, {transform_indices = #map1}, {transform_indices = #map1}, {transform_indices = #map2}]} {
    %mul3A = arith.constant 16 : i32
    %mul3A_0 = arith.muli %arg0, %mul3A : i32
    %add3A = arith.addi %mul3A_0, %arg1 : i32
    %mul3A_1 = arith.constant 10000 : i32
    %mul3A_2 = arith.muli %add3A, %mul3A_1 : i32
    %mul3A_3 = arith.constant 624 : i32
    %mul3A_4 = arith.muli %arg1, %mul3A_3 : i32
    %eq3A = arith.constant 15 : i32
    %eq3A_5 = arith.cmpi eq, %arg1, %eq3A : i32
    %select_n3A = arith.constant 39 : i32
    %select_n3A_6 = arith.constant 40 : i32
    %select_n3A_7 = arith.select %eq3A_5, %select_n3A_6, %select_n3A : i32
    %multiple_of3A = tpu.assume_multiple %mul3A_2, 8 : i32
    "tpu.region"() ({
      %run_scoped3A = tpu.sem_alloc : memref<!tpu.dma_semaphore, #tpu.memory_space<semaphore_mem>>
      %dma_start3A_188 = tpu.memref_slice %arg2[%multiple_of3A] : memref<640000xi32, #tpu.memory_space<hbm>> -> memref<10000xi32, #tpu.memory_space<hbm>>
      %dma_start3A_189 = tpu.memref_slice %arg2[%multiple_of3A] : memref<640000xi32, #tpu.memory_space<hbm>> -> memref<10000xi32, #tpu.memory_space<hbm>>
      tpu.enqueue_dma source(%dma_start3A_189 : memref<10000xi32, #tpu.memory_space<hbm>>) target(%arg10 : memref<10000xi32, #tpu.memory_space<vmem>>) target_semaphore(%run_scoped3A : memref<!tpu.dma_semaphore, #tpu.memory_space<semaphore_mem>>)
      %dma_wait3A_190 = tpu.memref_slice %arg2[%multiple_of3A] : memref<640000xi32, #tpu.memory_space<hbm>> -> memref<10000xi32, #tpu.memory_space<hbm>>
      %dma_wait3A_191 = tpu.memref_slice %arg2[%multiple_of3A] : memref<640000xi32, #tpu.memory_space<hbm>> -> memref<10000xi32, #tpu.memory_space<hbm>>
      tpu.wait_dma2 semaphore(%run_scoped3A : memref<!tpu.dma_semaphore, #tpu.memory_space<semaphore_mem>>) src(%dma_wait3A_191 : memref<10000xi32, #tpu.memory_space<hbm>>) dst(%arg10 : memref<10000xi32, #tpu.memory_space<vmem>>)
      tpu.yield
    }) : () -> ()
    "tpu.region"() ({
      %run_scoped3A = tpu.sem_alloc : memref<!tpu.dma_semaphore, #tpu.memory_space<semaphore_mem>>
      tpu.enqueue_dma source(%arg3 : memref<16x128xf32, #tpu.memory_space<hbm>>) target(%arg9 : memref<16x128xf32, #tpu.memory_space<vmem>>) target_semaphore(%run_scoped3A : memref<!tpu.dma_semaphore, #tpu.memory_space<semaphore_mem>>)
      tpu.wait_dma2 semaphore(%run_scoped3A : memref<!tpu.dma_semaphore, #tpu.memory_space<semaphore_mem>>) src(%arg3 : memref<16x128xf32, #tpu.memory_space<hbm>>) dst(%arg9 : memref<16x128xf32, #tpu.memory_space<vmem>>)
      tpu.yield
    }) : () -> ()
    %while3A = arith.constant 0 : i32
    %while3A_8 = arith.constant 0 : i32
    %while3A_9 = arith.subi %select_n3A_7, %while3A : i32
    %while3A_10 = arith.addi %while3A, %while3A_9 : i32
    %while3A_11 = arith.constant 1 : i32
    %while3A_12 = arith.divsi %while3A_9, %while3A_11 : i32
    %while3A_13 = arith.muli %while3A_12, %while3A_11 : i32
    %while3A_14 = arith.addi %while3A, %while3A_13 : i32
    %while3A_15 = arith.constant 1 : i32
    %while3A_16 = scf.for %while3A_188 = %while3A to %while3A_14 step %while3A_15 iter_args(%while3A_189 = %while3A_8) -> (i32)  : i32 {
      %mul3A_190 = arith.constant 16 : i32
      %mul3A_191 = arith.muli %mul3A_190, %while3A_188 : i32
      %add3A_192 = arith.addi %mul3A_4, %mul3A_191 : i32
      %dma_start3A_193 = arith.constant 0 : i32
      %dma_start3A_194 = tpu.memref_slice %arg24[%add3A_192, %dma_start3A_193] : memref<10000x128xf32, #tpu.memory_space<vmem_shared>> -> memref<16x128xf32, #tpu.memory_space<vmem_shared>>
      %dma_start3A_195 = arith.constant 0 : i32
      %dma_start3A_196 = tpu.memref_slice %arg24[%add3A_192, %dma_start3A_195] : memref<10000x128xf32, #tpu.memory_space<vmem_shared>> -> memref<16x128xf32, #tpu.memory_space<vmem_shared>>
      tpu.enqueue_dma source(%arg9 : memref<16x128xf32, #tpu.memory_space<vmem>>) target(%dma_start3A_196 : memref<16x128xf32, #tpu.memory_space<vmem_shared>>) target_semaphore(%arg23 : memref<!tpu.dma_semaphore, #tpu.memory_space<semaphore_mem>>)
      %while3A_197 = arith.constant 0 : i32
      scf.yield %while3A_197 : i32
    }
    %while3A_17 = arith.constant 1 : i32
    %while3A_18 = scf.for %while3A_188 = %while3A_14 to %while3A_10 step %while3A_17 iter_args(%while3A_189 = %while3A_16) -> (i32)  : i32 {
      %mul3A_190 = arith.constant 16 : i32
      %mul3A_191 = arith.muli %mul3A_190, %while3A_188 : i32
      %add3A_192 = arith.addi %mul3A_4, %mul3A_191 : i32
      %dma_start3A_193 = arith.constant 0 : i32
      %dma_start3A_194 = tpu.memref_slice %arg24[%add3A_192, %dma_start3A_193] : memref<10000x128xf32, #tpu.memory_space<vmem_shared>> -> memref<16x128xf32, #tpu.memory_space<vmem_shared>>
      %dma_start3A_195 = arith.constant 0 : i32
      %dma_start3A_196 = tpu.memref_slice %arg24[%add3A_192, %dma_start3A_195] : memref<10000x128xf32, #tpu.memory_space<vmem_shared>> -> memref<16x128xf32, #tpu.memory_space<vmem_shared>>
      tpu.enqueue_dma source(%arg9 : memref<16x128xf32, #tpu.memory_space<vmem>>) target(%dma_start3A_196 : memref<16x128xf32, #tpu.memory_space<vmem_shared>>) target_semaphore(%arg23 : memref<!tpu.dma_semaphore, #tpu.memory_space<semaphore_mem>>)
      %while3A_197 = arith.constant 0 : i32
      scf.yield %while3A_197 : i32
    }
    %while3A_19 = arith.constant 0 : i32
    %while3A_20 = arith.constant 0 : i32
    %while3A_21 = arith.subi %select_n3A_7, %while3A_19 : i32
    %while3A_22 = arith.addi %while3A_19, %while3A_21 : i32
    %while3A_23 = arith.constant 1 : i32
    %while3A_24 = arith.divsi %while3A_21, %while3A_23 : i32
    %while3A_25 = arith.muli %while3A_24, %while3A_23 : i32
    %while3A_26 = arith.addi %while3A_19, %while3A_25 : i32
    %while3A_27 = arith.constant 1 : i32
    %while3A_28 = scf.for %while3A_188 = %while3A_19 to %while3A_26 step %while3A_27 iter_args(%while3A_189 = %while3A_20) -> (i32)  : i32 {
      %dma_wait3A_190 = arith.constant 0 : i32
      %dma_wait3A_191 = tpu.memref_slice %arg24[%mul3A_4, %dma_wait3A_190] : memref<10000x128xf32, #tpu.memory_space<vmem_shared>> -> memref<16x128xf32, #tpu.memory_space<vmem_shared>>
      %dma_wait3A_192 = arith.constant 0 : i32
      %dma_wait3A_193 = tpu.memref_slice %arg24[%mul3A_4, %dma_wait3A_192] : memref<10000x128xf32, #tpu.memory_space<vmem_shared>> -> memref<16x128xf32, #tpu.memory_space<vmem_shared>>
      tpu.wait_dma2 semaphore(%arg23 : memref<!tpu.dma_semaphore, #tpu.memory_space<semaphore_mem>>) src(%arg9 : memref<16x128xf32, #tpu.memory_space<vmem>>) dst(%dma_wait3A_193 : memref<16x128xf32, #tpu.memory_space<vmem_shared>>)
      %while3A_194 = arith.constant 0 : i32
      scf.yield %while3A_194 : i32
    }
    %while3A_29 = arith.constant 1 : i32
    %while3A_30 = scf.for %while3A_188 = %while3A_26 to %while3A_22 step %while3A_29 iter_args(%while3A_189 = %while3A_28) -> (i32)  : i32 {
      %dma_wait3A_190 = arith.constant 0 : i32
      %dma_wait3A_191 = tpu.memref_slice %arg24[%mul3A_4, %dma_wait3A_190] : memref<10000x128xf32, #tpu.memory_space<vmem_shared>> -> memref<16x128xf32, #tpu.memory_space<vmem_shared>>
      %dma_wait3A_192 = arith.constant 0 : i32
      %dma_wait3A_193 = tpu.memref_slice %arg24[%mul3A_4, %dma_wait3A_192] : memref<10000x128xf32, #tpu.memory_space<vmem_shared>> -> memref<16x128xf32, #tpu.memory_space<vmem_shared>>
      tpu.wait_dma2 semaphore(%arg23 : memref<!tpu.dma_semaphore, #tpu.memory_space<semaphore_mem>>) src(%arg9 : memref<16x128xf32, #tpu.memory_space<vmem>>) dst(%dma_wait3A_193 : memref<16x128xf32, #tpu.memory_space<vmem_shared>>)
      %while3A_194 = arith.constant 0 : i32
      scf.yield %while3A_194 : i32
    }
    %barrier3A = arith.constant 0 : index
    tpu.barrier barrier_id(%barrier3A)
    %multiple_of3A_31 = arith.constant 0 : i32
    %multiple_of3A_32 = tpu.assume_multiple %multiple_of3A_31, 16 : i32
    %dma_start3A = tpu.memref_slice %arg10[%multiple_of3A_32] : memref<10000xi32, #tpu.memory_space<vmem>> -> memref<80xi32, #tpu.memory_space<vmem>>
    %dma_start3A_33 = arith.constant 0 : i32
    %dma_start3A_34 = arith.constant 0 : i32
    %dma_start3A_35 = tpu.memref_slice %arg4[%dma_start3A_33, %dma_start3A_34] : memref<10000x128xf32, #tpu.memory_space<hbm>> -> memref<10000x128xf32, #tpu.memory_space<hbm>>
    tpu.enqueue_indirect_dma source(%dma_start3A_35 : memref<10000x128xf32, #tpu.memory_space<hbm>>) target(%arg6 : memref<80x128xf32, #tpu.memory_space<vmem>>) offsets(%dma_start3A : memref<80xi32, #tpu.memory_space<vmem>>) semaphore(%arg17 : memref<!tpu.dma_semaphore, #tpu.memory_space<semaphore_mem>>)
    %add3A_36 = arith.constant 320000 : i32
    %add3A_37 = arith.addi %add3A_36, %mul3A_2 : i32
    %add3A_38 = arith.constant 0 : i32
    %add3A_39 = arith.addi %add3A_37, %add3A_38 : i32
    %multiple_of3A_40 = tpu.assume_multiple %add3A_39, 8 : i32
    %dma_start3A_41 = tpu.memref_slice %arg2[%multiple_of3A_40] : memref<640000xi32, #tpu.memory_space<hbm>> -> memref<80xi32, #tpu.memory_space<hbm>>
    %dma_start3A_42 = tpu.memref_slice %arg2[%multiple_of3A_40] : memref<640000xi32, #tpu.memory_space<hbm>> -> memref<80xi32, #tpu.memory_space<hbm>>
    tpu.enqueue_dma source(%dma_start3A_42 : memref<80xi32, #tpu.memory_space<hbm>>) target(%arg11 : memref<80xi32, #tpu.memory_space<vmem>>) target_semaphore(%arg14 : memref<!tpu.dma_semaphore, #tpu.memory_space<semaphore_mem>>)
    %multiple_of3A_43 = arith.constant 80 : i32
    %multiple_of3A_44 = tpu.assume_multiple %multiple_of3A_43, 16 : i32
    %dma_start3A_45 = tpu.memref_slice %arg10[%multiple_of3A_44] : memref<10000xi32, #tpu.memory_space<vmem>> -> memref<80xi32, #tpu.memory_space<vmem>>
    %dma_start3A_46 = arith.constant 0 : i32
    %dma_start3A_47 = arith.constant 0 : i32
    %dma_start3A_48 = tpu.memref_slice %arg4[%dma_start3A_46, %dma_start3A_47] : memref<10000x128xf32, #tpu.memory_space<hbm>> -> memref<10000x128xf32, #tpu.memory_space<hbm>>
    tpu.enqueue_indirect_dma source(%dma_start3A_48 : memref<10000x128xf32, #tpu.memory_space<hbm>>) target(%arg7 : memref<80x128xf32, #tpu.memory_space<vmem>>) offsets(%dma_start3A_45 : memref<80xi32, #tpu.memory_space<vmem>>) semaphore(%arg18 : memref<!tpu.dma_semaphore, #tpu.memory_space<semaphore_mem>>)
    %add3A_49 = arith.constant 320000 : i32
    %add3A_50 = arith.addi %add3A_49, %mul3A_2 : i32
    %add3A_51 = arith.constant 80 : i32
    %add3A_52 = arith.addi %add3A_50, %add3A_51 : i32
    %multiple_of3A_53 = tpu.assume_multiple %add3A_52, 8 : i32
    %dma_start3A_54 = tpu.memref_slice %arg2[%multiple_of3A_53] : memref<640000xi32, #tpu.memory_space<hbm>> -> memref<80xi32, #tpu.memory_space<hbm>>
    %dma_start3A_55 = tpu.memref_slice %arg2[%multiple_of3A_53] : memref<640000xi32, #tpu.memory_space<hbm>> -> memref<80xi32, #tpu.memory_space<hbm>>
    tpu.enqueue_dma source(%dma_start3A_55 : memref<80xi32, #tpu.memory_space<hbm>>) target(%arg12 : memref<80xi32, #tpu.memory_space<vmem>>) target_semaphore(%arg15 : memref<!tpu.dma_semaphore, #tpu.memory_space<semaphore_mem>>)
    %multiple_of3A_56 = arith.constant 160 : i32
    %multiple_of3A_57 = tpu.assume_multiple %multiple_of3A_56, 16 : i32
    %dma_start3A_58 = tpu.memref_slice %arg10[%multiple_of3A_57] : memref<10000xi32, #tpu.memory_space<vmem>> -> memref<80xi32, #tpu.memory_space<vmem>>
    %dma_start3A_59 = arith.constant 0 : i32
    %dma_start3A_60 = arith.constant 0 : i32
    %dma_start3A_61 = tpu.memref_slice %arg4[%dma_start3A_59, %dma_start3A_60] : memref<10000x128xf32, #tpu.memory_space<hbm>> -> memref<10000x128xf32, #tpu.memory_space<hbm>>
    tpu.enqueue_indirect_dma source(%dma_start3A_61 : memref<10000x128xf32, #tpu.memory_space<hbm>>) target(%arg8 : memref<80x128xf32, #tpu.memory_space<vmem>>) offsets(%dma_start3A_58 : memref<80xi32, #tpu.memory_space<vmem>>) semaphore(%arg19 : memref<!tpu.dma_semaphore, #tpu.memory_space<semaphore_mem>>)
    %add3A_62 = arith.constant 320000 : i32
    %add3A_63 = arith.addi %add3A_62, %mul3A_2 : i32
    %add3A_64 = arith.constant 160 : i32
    %add3A_65 = arith.addi %add3A_63, %add3A_64 : i32
    %multiple_of3A_66 = tpu.assume_multiple %add3A_65, 8 : i32
    %dma_start3A_67 = tpu.memref_slice %arg2[%multiple_of3A_66] : memref<640000xi32, #tpu.memory_space<hbm>> -> memref<80xi32, #tpu.memory_space<hbm>>
    %dma_start3A_68 = tpu.memref_slice %arg2[%multiple_of3A_66] : memref<640000xi32, #tpu.memory_space<hbm>> -> memref<80xi32, #tpu.memory_space<hbm>>
    tpu.enqueue_dma source(%dma_start3A_68 : memref<80xi32, #tpu.memory_space<hbm>>) target(%arg13 : memref<80xi32, #tpu.memory_space<vmem>>) target_semaphore(%arg16 : memref<!tpu.dma_semaphore, #tpu.memory_space<semaphore_mem>>)
    %dma_wait3A = arith.constant 0 : i32
    %dma_wait3A_69 = tpu.memref_slice %arg10[%dma_wait3A] : memref<10000xi32, #tpu.memory_space<vmem>> -> memref<80xi32, #tpu.memory_space<vmem>>
    %dma_wait3A_70 = arith.constant 0 : i32
    %dma_wait3A_71 = arith.constant 0 : i32
    %dma_wait3A_72 = tpu.memref_slice %arg4[%dma_wait3A_70, %dma_wait3A_71] : memref<10000x128xf32, #tpu.memory_space<hbm>> -> memref<10000x128xf32, #tpu.memory_space<hbm>>
    tpu.wait_indirect_dma semaphore(%arg17 : memref<!tpu.dma_semaphore, #tpu.memory_space<semaphore_mem>>) src(%dma_wait3A_72 : memref<10000x128xf32, #tpu.memory_space<hbm>>) dst(%arg6 : memref<80x128xf32, #tpu.memory_space<vmem>>)
    %add3A_73 = arith.constant 320000 : i32
    %add3A_74 = arith.addi %add3A_73, %mul3A_2 : i32
    %multiple_of3A_75 = tpu.assume_multiple %add3A_74, 8 : i32
    %dma_wait3A_76 = tpu.memref_slice %arg2[%multiple_of3A_75] : memref<640000xi32, #tpu.memory_space<hbm>> -> memref<80xi32, #tpu.memory_space<hbm>>
    %dma_wait3A_77 = tpu.memref_slice %arg2[%multiple_of3A_75] : memref<640000xi32, #tpu.memory_space<hbm>> -> memref<80xi32, #tpu.memory_space<hbm>>
    tpu.wait_dma2 semaphore(%arg14 : memref<!tpu.dma_semaphore, #tpu.memory_space<semaphore_mem>>) src(%dma_wait3A_77 : memref<80xi32, #tpu.memory_space<hbm>>) dst(%arg11 : memref<80xi32, #tpu.memory_space<vmem>>)
    %dma_start3A_78 = arith.constant 0 : i32
    %dma_start3A_79 = arith.constant 0 : i32
    %dma_start3A_80 = tpu.memref_slice %arg24[%dma_start3A_78, %dma_start3A_79] : memref<10000x128xf32, #tpu.memory_space<vmem_shared>> -> memref<10000x128xf32, #tpu.memory_space<vmem_shared>>
    tpu.enqueue_indirect_dma source(%arg6 : memref<80x128xf32, #tpu.memory_space<vmem>>) target(%dma_start3A_80 : memref<10000x128xf32, #tpu.memory_space<vmem_shared>>) offsets(%arg11 : memref<80xi32, #tpu.memory_space<vmem>>) semaphore(%arg20 : memref<!tpu.dma_semaphore, #tpu.memory_space<semaphore_mem>>) {add = true}
    %dma_wait3A_81 = arith.constant 0 : i32
    %dma_wait3A_82 = tpu.memref_slice %arg10[%dma_wait3A_81] : memref<10000xi32, #tpu.memory_space<vmem>> -> memref<80xi32, #tpu.memory_space<vmem>>
    %dma_wait3A_83 = arith.constant 0 : i32
    %dma_wait3A_84 = arith.constant 0 : i32
    %dma_wait3A_85 = tpu.memref_slice %arg4[%dma_wait3A_83, %dma_wait3A_84] : memref<10000x128xf32, #tpu.memory_space<hbm>> -> memref<10000x128xf32, #tpu.memory_space<hbm>>
    tpu.wait_indirect_dma semaphore(%arg18 : memref<!tpu.dma_semaphore, #tpu.memory_space<semaphore_mem>>) src(%dma_wait3A_85 : memref<10000x128xf32, #tpu.memory_space<hbm>>) dst(%arg7 : memref<80x128xf32, #tpu.memory_space<vmem>>)
    %add3A_86 = arith.constant 320000 : i32
    %add3A_87 = arith.addi %add3A_86, %mul3A_2 : i32
    %multiple_of3A_88 = tpu.assume_multiple %add3A_87, 8 : i32
    %dma_wait3A_89 = tpu.memref_slice %arg2[%multiple_of3A_88] : memref<640000xi32, #tpu.memory_space<hbm>> -> memref<80xi32, #tpu.memory_space<hbm>>
    %dma_wait3A_90 = tpu.memref_slice %arg2[%multiple_of3A_88] : memref<640000xi32, #tpu.memory_space<hbm>> -> memref<80xi32, #tpu.memory_space<hbm>>
    tpu.wait_dma2 semaphore(%arg15 : memref<!tpu.dma_semaphore, #tpu.memory_space<semaphore_mem>>) src(%dma_wait3A_90 : memref<80xi32, #tpu.memory_space<hbm>>) dst(%arg12 : memref<80xi32, #tpu.memory_space<vmem>>)
    %dma_start3A_91 = arith.constant 0 : i32
    %dma_start3A_92 = arith.constant 0 : i32
    %dma_start3A_93 = tpu.memref_slice %arg24[%dma_start3A_91, %dma_start3A_92] : memref<10000x128xf32, #tpu.memory_space<vmem_shared>> -> memref<10000x128xf32, #tpu.memory_space<vmem_shared>>
    tpu.enqueue_indirect_dma source(%arg7 : memref<80x128xf32, #tpu.memory_space<vmem>>) target(%dma_start3A_93 : memref<10000x128xf32, #tpu.memory_space<vmem_shared>>) offsets(%arg12 : memref<80xi32, #tpu.memory_space<vmem>>) semaphore(%arg21 : memref<!tpu.dma_semaphore, #tpu.memory_space<semaphore_mem>>) {add = true}
    %scan3A = arith.constant 0 : i32
    %scan3A_94 = arith.constant 1 : i32
    %scan3A_95 = arith.constant 40 : i32
    %scan3A_96 = arith.addi %scan3A_94, %scan3A_95 : i32
    %scan3A_97 = arith.constant 1 : i32
    %scan3A_98 = scf.for %scan3A_188 = %scan3A_94 to %scan3A_96 step %scan3A_97 iter_args(%scan3A_189 = %scan3A) -> (i32)  : i32 {
      %dma_wait3A_190 = arith.constant 0 : i32
      %dma_wait3A_191 = arith.constant 0 : i32
      %dma_wait3A_192 = tpu.memref_slice %arg24[%dma_wait3A_190, %dma_wait3A_191] : memref<10000x128xf32, #tpu.memory_space<vmem_shared>> -> memref<10000x128xf32, #tpu.memory_space<vmem_shared>>
      tpu.wait_indirect_dma semaphore(%arg20 : memref<!tpu.dma_semaphore, #tpu.memory_space<semaphore_mem>>) src(%arg6 : memref<80x128xf32, #tpu.memory_space<vmem>>) dst(%dma_wait3A_192 : memref<10000x128xf32, #tpu.memory_space<vmem_shared>>)
      %mul3A_193 = arith.constant 3 : i32
      %mul3A_194 = arith.muli %mul3A_193, %scan3A_188 : i32
      %add3A_195 = arith.constant 0 : i32
      %add3A_196 = arith.addi %mul3A_194, %add3A_195 : i32
      %mul3A_197 = arith.constant 80 : i32
      %mul3A_198 = arith.muli %add3A_196, %mul3A_197 : i32
      %multiple_of3A_199 = tpu.assume_multiple %mul3A_198, 16 : i32
      %dma_start3A_200 = tpu.memref_slice %arg10[%multiple_of3A_199] : memref<10000xi32, #tpu.memory_space<vmem>> -> memref<80xi32, #tpu.memory_space<vmem>>
      %dma_start3A_201 = arith.constant 0 : i32
      %dma_start3A_202 = arith.constant 0 : i32
      %dma_start3A_203 = tpu.memref_slice %arg4[%dma_start3A_201, %dma_start3A_202] : memref<10000x128xf32, #tpu.memory_space<hbm>> -> memref<10000x128xf32, #tpu.memory_space<hbm>>
      tpu.enqueue_indirect_dma source(%dma_start3A_203 : memref<10000x128xf32, #tpu.memory_space<hbm>>) target(%arg6 : memref<80x128xf32, #tpu.memory_space<vmem>>) offsets(%dma_start3A_200 : memref<80xi32, #tpu.memory_space<vmem>>) semaphore(%arg17 : memref<!tpu.dma_semaphore, #tpu.memory_space<semaphore_mem>>)
      %mul3A_204 = arith.constant 3 : i32
      %mul3A_205 = arith.muli %mul3A_204, %scan3A_188 : i32
      %add3A_206 = arith.constant 0 : i32
      %add3A_207 = arith.addi %mul3A_205, %add3A_206 : i32
      %add3A_208 = arith.constant 320000 : i32
      %add3A_209 = arith.addi %add3A_208, %mul3A_2 : i32
      %mul3A_210 = arith.constant 80 : i32
      %mul3A_211 = arith.muli %add3A_207, %mul3A_210 : i32
      %add3A_212 = arith.addi %add3A_209, %mul3A_211 : i32
      %multiple_of3A_213 = tpu.assume_multiple %add3A_212, 8 : i32
      %dma_start3A_214 = tpu.memref_slice %arg2[%multiple_of3A_213] : memref<640000xi32, #tpu.memory_space<hbm>> -> memref<80xi32, #tpu.memory_space<hbm>>
      %dma_start3A_215 = tpu.memref_slice %arg2[%multiple_of3A_213] : memref<640000xi32, #tpu.memory_space<hbm>> -> memref<80xi32, #tpu.memory_space<hbm>>
      tpu.enqueue_dma source(%dma_start3A_215 : memref<80xi32, #tpu.memory_space<hbm>>) target(%arg11 : memref<80xi32, #tpu.memory_space<vmem>>) target_semaphore(%arg14 : memref<!tpu.dma_semaphore, #tpu.memory_space<semaphore_mem>>)
      %dma_wait3A_216 = arith.constant 0 : i32
      %dma_wait3A_217 = tpu.memref_slice %arg10[%dma_wait3A_216] : memref<10000xi32, #tpu.memory_space<vmem>> -> memref<80xi32, #tpu.memory_space<vmem>>
      %dma_wait3A_218 = arith.constant 0 : i32
      %dma_wait3A_219 = arith.constant 0 : i32
      %dma_wait3A_220 = tpu.memref_slice %arg4[%dma_wait3A_218, %dma_wait3A_219] : memref<10000x128xf32, #tpu.memory_space<hbm>> -> memref<10000x128xf32, #tpu.memory_space<hbm>>
      tpu.wait_indirect_dma semaphore(%arg19 : memref<!tpu.dma_semaphore, #tpu.memory_space<semaphore_mem>>) src(%dma_wait3A_220 : memref<10000x128xf32, #tpu.memory_space<hbm>>) dst(%arg8 : memref<80x128xf32, #tpu.memory_space<vmem>>)
      %add3A_221 = arith.constant 320000 : i32
      %add3A_222 = arith.addi %add3A_221, %mul3A_2 : i32
      %multiple_of3A_223 = tpu.assume_multiple %add3A_222, 8 : i32
      %dma_wait3A_224 = tpu.memref_slice %arg2[%multiple_of3A_223] : memref<640000xi32, #tpu.memory_space<hbm>> -> memref<80xi32, #tpu.memory_space<hbm>>
      %dma_wait3A_225 = tpu.memref_slice %arg2[%multiple_of3A_223] : memref<640000xi32, #tpu.memory_space<hbm>> -> memref<80xi32, #tpu.memory_space<hbm>>
      tpu.wait_dma2 semaphore(%arg16 : memref<!tpu.dma_semaphore, #tpu.memory_space<semaphore_mem>>) src(%dma_wait3A_225 : memref<80xi32, #tpu.memory_space<hbm>>) dst(%arg13 : memref<80xi32, #tpu.memory_space<vmem>>)
      %dma_start3A_226 = arith.constant 0 : i32
      %dma_start3A_227 = arith.constant 0 : i32
      %dma_start3A_228 = tpu.memref_slice %arg24[%dma_start3A_226, %dma_start3A_227] : memref<10000x128xf32, #tpu.memory_space<vmem_shared>> -> memref<10000x128xf32, #tpu.memory_space<vmem_shared>>
      tpu.enqueue_indirect_dma source(%arg8 : memref<80x128xf32, #tpu.memory_space<vmem>>) target(%dma_start3A_228 : memref<10000x128xf32, #tpu.memory_space<vmem_shared>>) offsets(%arg13 : memref<80xi32, #tpu.memory_space<vmem>>) semaphore(%arg22 : memref<!tpu.dma_semaphore, #tpu.memory_space<semaphore_mem>>) {add = true}
      %dma_wait3A_229 = arith.constant 0 : i32
      %dma_wait3A_230 = arith.constant 0 : i32
      %dma_wait3A_231 = tpu.memref_slice %arg24[%dma_wait3A_229, %dma_wait3A_230] : memref<10000x128xf32, #tpu.memory_space<vmem_shared>> -> memref<10000x128xf32, #tpu.memory_space<vmem_shared>>
      tpu.wait_indirect_dma semaphore(%arg21 : memref<!tpu.dma_semaphore, #tpu.memory_space<semaphore_mem>>) src(%arg7 : memref<80x128xf32, #tpu.memory_space<vmem>>) dst(%dma_wait3A_231 : memref<10000x128xf32, #tpu.memory_space<vmem_shared>>)
      %mul3A_232 = arith.constant 3 : i32
      %mul3A_233 = arith.muli %mul3A_232, %scan3A_188 : i32
      %add3A_234 = arith.constant 1 : i32
      %add3A_235 = arith.addi %mul3A_233, %add3A_234 : i32
      %mul3A_236 = arith.constant 80 : i32
      %mul3A_237 = arith.muli %add3A_235, %mul3A_236 : i32
      %multiple_of3A_238 = tpu.assume_multiple %mul3A_237, 16 : i32
      %dma_start3A_239 = tpu.memref_slice %arg10[%multiple_of3A_238] : memref<10000xi32, #tpu.memory_space<vmem>> -> memref<80xi32, #tpu.memory_space<vmem>>
      %dma_start3A_240 = arith.constant 0 : i32
      %dma_start3A_241 = arith.constant 0 : i32
      %dma_start3A_242 = tpu.memref_slice %arg4[%dma_start3A_240, %dma_start3A_241] : memref<10000x128xf32, #tpu.memory_space<hbm>> -> memref<10000x128xf32, #tpu.memory_space<hbm>>
      tpu.enqueue_indirect_dma source(%dma_start3A_242 : memref<10000x128xf32, #tpu.memory_space<hbm>>) target(%arg7 : memref<80x128xf32, #tpu.memory_space<vmem>>) offsets(%dma_start3A_239 : memref<80xi32, #tpu.memory_space<vmem>>) semaphore(%arg18 : memref<!tpu.dma_semaphore, #tpu.memory_space<semaphore_mem>>)
      %mul3A_243 = arith.constant 3 : i32
      %mul3A_244 = arith.muli %mul3A_243, %scan3A_188 : i32
      %add3A_245 = arith.constant 1 : i32
      %add3A_246 = arith.addi %mul3A_244, %add3A_245 : i32
      %add3A_247 = arith.constant 320000 : i32
      %add3A_248 = arith.addi %add3A_247, %mul3A_2 : i32
      %mul3A_249 = arith.constant 80 : i32
      %mul3A_250 = arith.muli %add3A_246, %mul3A_249 : i32
      %add3A_251 = arith.addi %add3A_248, %mul3A_250 : i32
      %multiple_of3A_252 = tpu.assume_multiple %add3A_251, 8 : i32
      %dma_start3A_253 = tpu.memref_slice %arg2[%multiple_of3A_252] : memref<640000xi32, #tpu.memory_space<hbm>> -> memref<80xi32, #tpu.memory_space<hbm>>
      %dma_start3A_254 = tpu.memref_slice %arg2[%multiple_of3A_252] : memref<640000xi32, #tpu.memory_space<hbm>> -> memref<80xi32, #tpu.memory_space<hbm>>
      tpu.enqueue_dma source(%dma_start3A_254 : memref<80xi32, #tpu.memory_space<hbm>>) target(%arg12 : memref<80xi32, #tpu.memory_space<vmem>>) target_semaphore(%arg15 : memref<!tpu.dma_semaphore, #tpu.memory_space<semaphore_mem>>)
      %dma_wait3A_255 = arith.constant 0 : i32
      %dma_wait3A_256 = tpu.memref_slice %arg10[%dma_wait3A_255] : memref<10000xi32, #tpu.memory_space<vmem>> -> memref<80xi32, #tpu.memory_space<vmem>>
      %dma_wait3A_257 = arith.constant 0 : i32
      %dma_wait3A_258 = arith.constant 0 : i32
      %dma_wait3A_259 = tpu.memref_slice %arg4[%dma_wait3A_257, %dma_wait3A_258] : memref<10000x128xf32, #tpu.memory_space<hbm>> -> memref<10000x128xf32, #tpu.memory_space<hbm>>
      tpu.wait_indirect_dma semaphore(%arg17 : memref<!tpu.dma_semaphore, #tpu.memory_space<semaphore_mem>>) src(%dma_wait3A_259 : memref<10000x128xf32, #tpu.memory_space<hbm>>) dst(%arg6 : memref<80x128xf32, #tpu.memory_space<vmem>>)
      %add3A_260 = arith.constant 320000 : i32
      %add3A_261 = arith.addi %add3A_260, %mul3A_2 : i32
      %multiple_of3A_262 = tpu.assume_multiple %add3A_261, 8 : i32
      %dma_wait3A_263 = tpu.memref_slice %arg2[%multiple_of3A_262] : memref<640000xi32, #tpu.memory_space<hbm>> -> memref<80xi32, #tpu.memory_space<hbm>>
      %dma_wait3A_264 = tpu.memref_slice %arg2[%multiple_of3A_262] : memref<640000xi32, #tpu.memory_space<hbm>> -> memref<80xi32, #tpu.memory_space<hbm>>
      tpu.wait_dma2 semaphore(%arg14 : memref<!tpu.dma_semaphore, #tpu.memory_space<semaphore_mem>>) src(%dma_wait3A_264 : memref<80xi32, #tpu.memory_space<hbm>>) dst(%arg11 : memref<80xi32, #tpu.memory_space<vmem>>)
      %dma_start3A_265 = arith.constant 0 : i32
      %dma_start3A_266 = arith.constant 0 : i32
      %dma_start3A_267 = tpu.memref_slice %arg24[%dma_start3A_265, %dma_start3A_266] : memref<10000x128xf32, #tpu.memory_space<vmem_shared>> -> memref<10000x128xf32, #tpu.memory_space<vmem_shared>>
      tpu.enqueue_indirect_dma source(%arg6 : memref<80x128xf32, #tpu.memory_space<vmem>>) target(%dma_start3A_267 : memref<10000x128xf32, #tpu.memory_space<vmem_shared>>) offsets(%arg11 : memref<80xi32, #tpu.memory_space<vmem>>) semaphore(%arg20 : memref<!tpu.dma_semaphore, #tpu.memory_space<semaphore_mem>>) {add = true}
      %dma_wait3A_268 = arith.constant 0 : i32
      %dma_wait3A_269 = arith.constant 0 : i32
      %dma_wait3A_270 = tpu.memref_slice %arg24[%dma_wait3A_268, %dma_wait3A_269] : memref<10000x128xf32, #tpu.memory_space<vmem_shared>> -> memref<10000x128xf32, #tpu.memory_space<vmem_shared>>
      tpu.wait_indirect_dma semaphore(%arg22 : memref<!tpu.dma_semaphore, #tpu.memory_space<semaphore_mem>>) src(%arg8 : memref<80x128xf32, #tpu.memory_space<vmem>>) dst(%dma_wait3A_270 : memref<10000x128xf32, #tpu.memory_space<vmem_shared>>)
      %mul3A_271 = arith.constant 3 : i32
      %mul3A_272 = arith.muli %mul3A_271, %scan3A_188 : i32
      %add3A_273 = arith.constant 2 : i32
      %add3A_274 = arith.addi %mul3A_272, %add3A_273 : i32
      %mul3A_275 = arith.constant 80 : i32
      %mul3A_276 = arith.muli %add3A_274, %mul3A_275 : i32
      %multiple_of3A_277 = tpu.assume_multiple %mul3A_276, 16 : i32
      %dma_start3A_278 = tpu.memref_slice %arg10[%multiple_of3A_277] : memref<10000xi32, #tpu.memory_space<vmem>> -> memref<80xi32, #tpu.memory_space<vmem>>
      %dma_start3A_279 = arith.constant 0 : i32
      %dma_start3A_280 = arith.constant 0 : i32
      %dma_start3A_281 = tpu.memref_slice %arg4[%dma_start3A_279, %dma_start3A_280] : memref<10000x128xf32, #tpu.memory_space<hbm>> -> memref<10000x128xf32, #tpu.memory_space<hbm>>
      tpu.enqueue_indirect_dma source(%dma_start3A_281 : memref<10000x128xf32, #tpu.memory_space<hbm>>) target(%arg8 : memref<80x128xf32, #tpu.memory_space<vmem>>) offsets(%dma_start3A_278 : memref<80xi32, #tpu.memory_space<vmem>>) semaphore(%arg19 : memref<!tpu.dma_semaphore, #tpu.memory_space<semaphore_mem>>)
      %mul3A_282 = arith.constant 3 : i32
      %mul3A_283 = arith.muli %mul3A_282, %scan3A_188 : i32
      %add3A_284 = arith.constant 2 : i32
      %add3A_285 = arith.addi %mul3A_283, %add3A_284 : i32
      %add3A_286 = arith.constant 320000 : i32
      %add3A_287 = arith.addi %add3A_286, %mul3A_2 : i32
      %mul3A_288 = arith.constant 80 : i32
      %mul3A_289 = arith.muli %add3A_285, %mul3A_288 : i32
      %add3A_290 = arith.addi %add3A_287, %mul3A_289 : i32
      %multiple_of3A_291 = tpu.assume_multiple %add3A_290, 8 : i32
      %dma_start3A_292 = tpu.memref_slice %arg2[%multiple_of3A_291] : memref<640000xi32, #tpu.memory_space<hbm>> -> memref<80xi32, #tpu.memory_space<hbm>>
      %dma_start3A_293 = tpu.memref_slice %arg2[%multiple_of3A_291] : memref<640000xi32, #tpu.memory_space<hbm>> -> memref<80xi32, #tpu.memory_space<hbm>>
      tpu.enqueue_dma source(%dma_start3A_293 : memref<80xi32, #tpu.memory_space<hbm>>) target(%arg13 : memref<80xi32, #tpu.memory_space<vmem>>) target_semaphore(%arg16 : memref<!tpu.dma_semaphore, #tpu.memory_space<semaphore_mem>>)
      %dma_wait3A_294 = arith.constant 0 : i32
      %dma_wait3A_295 = tpu.memref_slice %arg10[%dma_wait3A_294] : memref<10000xi32, #tpu.memory_space<vmem>> -> memref<80xi32, #tpu.memory_space<vmem>>
      %dma_wait3A_296 = arith.constant 0 : i32
      %dma_wait3A_297 = arith.constant 0 : i32
      %dma_wait3A_298 = tpu.memref_slice %arg4[%dma_wait3A_296, %dma_wait3A_297] : memref<10000x128xf32, #tpu.memory_space<hbm>> -> memref<10000x128xf32, #tpu.memory_space<hbm>>
      tpu.wait_indirect_dma semaphore(%arg18 : memref<!tpu.dma_semaphore, #tpu.memory_space<semaphore_mem>>) src(%dma_wait3A_298 : memref<10000x128xf32, #tpu.memory_space<hbm>>) dst(%arg7 : memref<80x128xf32, #tpu.memory_space<vmem>>)
      %add3A_299 = arith.constant 320000 : i32
      %add3A_300 = arith.addi %add3A_299, %mul3A_2 : i32
      %multiple_of3A_301 = tpu.assume_multiple %add3A_300, 8 : i32
      %dma_wait3A_302 = tpu.memref_slice %arg2[%multiple_of3A_301] : memref<640000xi32, #tpu.memory_space<hbm>> -> memref<80xi32, #tpu.memory_space<hbm>>
      %dma_wait3A_303 = tpu.memref_slice %arg2[%multiple_of3A_301] : memref<640000xi32, #tpu.memory_space<hbm>> -> memref<80xi32, #tpu.memory_space<hbm>>
      tpu.wait_dma2 semaphore(%arg15 : memref<!tpu.dma_semaphore, #tpu.memory_space<semaphore_mem>>) src(%dma_wait3A_303 : memref<80xi32, #tpu.memory_space<hbm>>) dst(%arg12 : memref<80xi32, #tpu.memory_space<vmem>>)
      %dma_start3A_304 = arith.constant 0 : i32
      %dma_start3A_305 = arith.constant 0 : i32
      %dma_start3A_306 = tpu.memref_slice %arg24[%dma_start3A_304, %dma_start3A_305] : memref<10000x128xf32, #tpu.memory_space<vmem_shared>> -> memref<10000x128xf32, #tpu.memory_space<vmem_shared>>
      tpu.enqueue_indirect_dma source(%arg7 : memref<80x128xf32, #tpu.memory_space<vmem>>) target(%dma_start3A_306 : memref<10000x128xf32, #tpu.memory_space<vmem_shared>>) offsets(%arg12 : memref<80xi32, #tpu.memory_space<vmem>>) semaphore(%arg21 : memref<!tpu.dma_semaphore, #tpu.memory_space<semaphore_mem>>) {add = true}
      %scan3A_307 = arith.constant 0 : i32
      scf.yield %scan3A_307 : i32
    }
    %scan3A_99 = arith.constant 40 : i32
    %dma_wait3A_100 = arith.constant 0 : i32
    %dma_wait3A_101 = arith.constant 0 : i32
    %dma_wait3A_102 = tpu.memref_slice %arg24[%dma_wait3A_100, %dma_wait3A_101] : memref<10000x128xf32, #tpu.memory_space<vmem_shared>> -> memref<10000x128xf32, #tpu.memory_space<vmem_shared>>
    tpu.wait_indirect_dma semaphore(%arg20 : memref<!tpu.dma_semaphore, #tpu.memory_space<semaphore_mem>>) src(%arg6 : memref<80x128xf32, #tpu.memory_space<vmem>>) dst(%dma_wait3A_102 : memref<10000x128xf32, #tpu.memory_space<vmem_shared>>)
    %multiple_of3A_103 = arith.constant 9840 : i32
    %multiple_of3A_104 = tpu.assume_multiple %multiple_of3A_103, 16 : i32
    %dma_start3A_105 = tpu.memref_slice %arg10[%multiple_of3A_104] : memref<10000xi32, #tpu.memory_space<vmem>> -> memref<80xi32, #tpu.memory_space<vmem>>
    %dma_start3A_106 = arith.constant 0 : i32
    %dma_start3A_107 = arith.constant 0 : i32
    %dma_start3A_108 = tpu.memref_slice %arg4[%dma_start3A_106, %dma_start3A_107] : memref<10000x128xf32, #tpu.memory_space<hbm>> -> memref<10000x128xf32, #tpu.memory_space<hbm>>
    tpu.enqueue_indirect_dma source(%dma_start3A_108 : memref<10000x128xf32, #tpu.memory_space<hbm>>) target(%arg6 : memref<80x128xf32, #tpu.memory_space<vmem>>) offsets(%dma_start3A_105 : memref<80xi32, #tpu.memory_space<vmem>>) semaphore(%arg17 : memref<!tpu.dma_semaphore, #tpu.memory_space<semaphore_mem>>)
    %add3A_109 = arith.constant 320000 : i32
    %add3A_110 = arith.addi %add3A_109, %mul3A_2 : i32
    %add3A_111 = arith.constant 9840 : i32
    %add3A_112 = arith.addi %add3A_110, %add3A_111 : i32
    %multiple_of3A_113 = tpu.assume_multiple %add3A_112, 8 : i32
    %dma_start3A_114 = tpu.memref_slice %arg2[%multiple_of3A_113] : memref<640000xi32, #tpu.memory_space<hbm>> -> memref<80xi32, #tpu.memory_space<hbm>>
    %dma_start3A_115 = tpu.memref_slice %arg2[%multiple_of3A_113] : memref<640000xi32, #tpu.memory_space<hbm>> -> memref<80xi32, #tpu.memory_space<hbm>>
    tpu.enqueue_dma source(%dma_start3A_115 : memref<80xi32, #tpu.memory_space<hbm>>) target(%arg11 : memref<80xi32, #tpu.memory_space<vmem>>) target_semaphore(%arg14 : memref<!tpu.dma_semaphore, #tpu.memory_space<semaphore_mem>>)
    %dma_wait3A_116 = arith.constant 0 : i32
    %dma_wait3A_117 = tpu.memref_slice %arg10[%dma_wait3A_116] : memref<10000xi32, #tpu.memory_space<vmem>> -> memref<80xi32, #tpu.memory_space<vmem>>
    %dma_wait3A_118 = arith.constant 0 : i32
    %dma_wait3A_119 = arith.constant 0 : i32
    %dma_wait3A_120 = tpu.memref_slice %arg4[%dma_wait3A_118, %dma_wait3A_119] : memref<10000x128xf32, #tpu.memory_space<hbm>> -> memref<10000x128xf32, #tpu.memory_space<hbm>>
    tpu.wait_indirect_dma semaphore(%arg19 : memref<!tpu.dma_semaphore, #tpu.memory_space<semaphore_mem>>) src(%dma_wait3A_120 : memref<10000x128xf32, #tpu.memory_space<hbm>>) dst(%arg8 : memref<80x128xf32, #tpu.memory_space<vmem>>)
    %add3A_121 = arith.constant 320000 : i32
    %add3A_122 = arith.addi %add3A_121, %mul3A_2 : i32
    %multiple_of3A_123 = tpu.assume_multiple %add3A_122, 8 : i32
    %dma_wait3A_124 = tpu.memref_slice %arg2[%multiple_of3A_123] : memref<640000xi32, #tpu.memory_space<hbm>> -> memref<80xi32, #tpu.memory_space<hbm>>
    %dma_wait3A_125 = tpu.memref_slice %arg2[%multiple_of3A_123] : memref<640000xi32, #tpu.memory_space<hbm>> -> memref<80xi32, #tpu.memory_space<hbm>>
    tpu.wait_dma2 semaphore(%arg16 : memref<!tpu.dma_semaphore, #tpu.memory_space<semaphore_mem>>) src(%dma_wait3A_125 : memref<80xi32, #tpu.memory_space<hbm>>) dst(%arg13 : memref<80xi32, #tpu.memory_space<vmem>>)
    %dma_start3A_126 = arith.constant 0 : i32
    %dma_start3A_127 = arith.constant 0 : i32
    %dma_start3A_128 = tpu.memref_slice %arg24[%dma_start3A_126, %dma_start3A_127] : memref<10000x128xf32, #tpu.memory_space<vmem_shared>> -> memref<10000x128xf32, #tpu.memory_space<vmem_shared>>
    tpu.enqueue_indirect_dma source(%arg8 : memref<80x128xf32, #tpu.memory_space<vmem>>) target(%dma_start3A_128 : memref<10000x128xf32, #tpu.memory_space<vmem_shared>>) offsets(%arg13 : memref<80xi32, #tpu.memory_space<vmem>>) semaphore(%arg22 : memref<!tpu.dma_semaphore, #tpu.memory_space<semaphore_mem>>) {add = true}
    %dma_wait3A_129 = arith.constant 0 : i32
    %dma_wait3A_130 = arith.constant 0 : i32
    %dma_wait3A_131 = tpu.memref_slice %arg24[%dma_wait3A_129, %dma_wait3A_130] : memref<10000x128xf32, #tpu.memory_space<vmem_shared>> -> memref<10000x128xf32, #tpu.memory_space<vmem_shared>>
    tpu.wait_indirect_dma semaphore(%arg21 : memref<!tpu.dma_semaphore, #tpu.memory_space<semaphore_mem>>) src(%arg7 : memref<80x128xf32, #tpu.memory_space<vmem>>) dst(%dma_wait3A_131 : memref<10000x128xf32, #tpu.memory_space<vmem_shared>>)
    %multiple_of3A_132 = arith.constant 9920 : i32
    %multiple_of3A_133 = tpu.assume_multiple %multiple_of3A_132, 16 : i32
    %dma_start3A_134 = tpu.memref_slice %arg10[%multiple_of3A_133] : memref<10000xi32, #tpu.memory_space<vmem>> -> memref<80xi32, #tpu.memory_space<vmem>>
    %dma_start3A_135 = arith.constant 0 : i32
    %dma_start3A_136 = arith.constant 0 : i32
    %dma_start3A_137 = tpu.memref_slice %arg4[%dma_start3A_135, %dma_start3A_136] : memref<10000x128xf32, #tpu.memory_space<hbm>> -> memref<10000x128xf32, #tpu.memory_space<hbm>>
    tpu.enqueue_indirect_dma source(%dma_start3A_137 : memref<10000x128xf32, #tpu.memory_space<hbm>>) target(%arg7 : memref<80x128xf32, #tpu.memory_space<vmem>>) offsets(%dma_start3A_134 : memref<80xi32, #tpu.memory_space<vmem>>) semaphore(%arg18 : memref<!tpu.dma_semaphore, #tpu.memory_space<semaphore_mem>>)
    %add3A_138 = arith.constant 320000 : i32
    %add3A_139 = arith.addi %add3A_138, %mul3A_2 : i32
    %add3A_140 = arith.constant 9920 : i32
    %add3A_141 = arith.addi %add3A_139, %add3A_140 : i32
    %multiple_of3A_142 = tpu.assume_multiple %add3A_141, 8 : i32
    %dma_start3A_143 = tpu.memref_slice %arg2[%multiple_of3A_142] : memref<640000xi32, #tpu.memory_space<hbm>> -> memref<80xi32, #tpu.memory_space<hbm>>
    %dma_start3A_144 = tpu.memref_slice %arg2[%multiple_of3A_142] : memref<640000xi32, #tpu.memory_space<hbm>> -> memref<80xi32, #tpu.memory_space<hbm>>
    tpu.enqueue_dma source(%dma_start3A_144 : memref<80xi32, #tpu.memory_space<hbm>>) target(%arg12 : memref<80xi32, #tpu.memory_space<vmem>>) target_semaphore(%arg15 : memref<!tpu.dma_semaphore, #tpu.memory_space<semaphore_mem>>)
    %dma_wait3A_145 = arith.constant 0 : i32
    %dma_wait3A_146 = tpu.memref_slice %arg10[%dma_wait3A_145] : memref<10000xi32, #tpu.memory_space<vmem>> -> memref<80xi32, #tpu.memory_space<vmem>>
    %dma_wait3A_147 = arith.constant 0 : i32
    %dma_wait3A_148 = arith.constant 0 : i32
    %dma_wait3A_149 = tpu.memref_slice %arg4[%dma_wait3A_147, %dma_wait3A_148] : memref<10000x128xf32, #tpu.memory_space<hbm>> -> memref<10000x128xf32, #tpu.memory_space<hbm>>
    tpu.wait_indirect_dma semaphore(%arg17 : memref<!tpu.dma_semaphore, #tpu.memory_space<semaphore_mem>>) src(%dma_wait3A_149 : memref<10000x128xf32, #tpu.memory_space<hbm>>) dst(%arg6 : memref<80x128xf32, #tpu.memory_space<vmem>>)
    %add3A_150 = arith.constant 320000 : i32
    %add3A_151 = arith.addi %add3A_150, %mul3A_2 : i32
    %multiple_of3A_152 = tpu.assume_multiple %add3A_151, 8 : i32
    %dma_wait3A_153 = tpu.memref_slice %arg2[%multiple_of3A_152] : memref<640000xi32, #tpu.memory_space<hbm>> -> memref<80xi32, #tpu.memory_space<hbm>>
    %dma_wait3A_154 = tpu.memref_slice %arg2[%multiple_of3A_152] : memref<640000xi32, #tpu.memory_space<hbm>> -> memref<80xi32, #tpu.memory_space<hbm>>
    tpu.wait_dma2 semaphore(%arg14 : memref<!tpu.dma_semaphore, #tpu.memory_space<semaphore_mem>>) src(%dma_wait3A_154 : memref<80xi32, #tpu.memory_space<hbm>>) dst(%arg11 : memref<80xi32, #tpu.memory_space<vmem>>)
    %dma_start3A_155 = arith.constant 0 : i32
    %dma_start3A_156 = arith.constant 0 : i32
    %dma_start3A_157 = tpu.memref_slice %arg24[%dma_start3A_155, %dma_start3A_156] : memref<10000x128xf32, #tpu.memory_space<vmem_shared>> -> memref<10000x128xf32, #tpu.memory_space<vmem_shared>>
    tpu.enqueue_indirect_dma source(%arg6 : memref<80x128xf32, #tpu.memory_space<vmem>>) target(%dma_start3A_157 : memref<10000x128xf32, #tpu.memory_space<vmem_shared>>) offsets(%arg11 : memref<80xi32, #tpu.memory_space<vmem>>) semaphore(%arg20 : memref<!tpu.dma_semaphore, #tpu.memory_space<semaphore_mem>>) {add = true}
    %dma_wait3A_158 = arith.constant 0 : i32
    %dma_wait3A_159 = tpu.memref_slice %arg10[%dma_wait3A_158] : memref<10000xi32, #tpu.memory_space<vmem>> -> memref<80xi32, #tpu.memory_space<vmem>>
    %dma_wait3A_160 = arith.constant 0 : i32
    %dma_wait3A_161 = arith.constant 0 : i32
    %dma_wait3A_162 = tpu.memref_slice %arg4[%dma_wait3A_160, %dma_wait3A_161] : memref<10000x128xf32, #tpu.memory_space<hbm>> -> memref<10000x128xf32, #tpu.memory_space<hbm>>
    tpu.wait_indirect_dma semaphore(%arg18 : memref<!tpu.dma_semaphore, #tpu.memory_space<semaphore_mem>>) src(%dma_wait3A_162 : memref<10000x128xf32, #tpu.memory_space<hbm>>) dst(%arg7 : memref<80x128xf32, #tpu.memory_space<vmem>>)
    %add3A_163 = arith.constant 320000 : i32
    %add3A_164 = arith.addi %add3A_163, %mul3A_2 : i32
    %multiple_of3A_165 = tpu.assume_multiple %add3A_164, 8 : i32
    %dma_wait3A_166 = tpu.memref_slice %arg2[%multiple_of3A_165] : memref<640000xi32, #tpu.memory_space<hbm>> -> memref<80xi32, #tpu.memory_space<hbm>>
    %dma_wait3A_167 = tpu.memref_slice %arg2[%multiple_of3A_165] : memref<640000xi32, #tpu.memory_space<hbm>> -> memref<80xi32, #tpu.memory_space<hbm>>
    tpu.wait_dma2 semaphore(%arg15 : memref<!tpu.dma_semaphore, #tpu.memory_space<semaphore_mem>>) src(%dma_wait3A_167 : memref<80xi32, #tpu.memory_space<hbm>>) dst(%arg12 : memref<80xi32, #tpu.memory_space<vmem>>)
    %dma_start3A_168 = arith.constant 0 : i32
    %dma_start3A_169 = arith.constant 0 : i32
    %dma_start3A_170 = tpu.memref_slice %arg24[%dma_start3A_168, %dma_start3A_169] : memref<10000x128xf32, #tpu.memory_space<vmem_shared>> -> memref<10000x128xf32, #tpu.memory_space<vmem_shared>>
    tpu.enqueue_indirect_dma source(%arg7 : memref<80x128xf32, #tpu.memory_space<vmem>>) target(%dma_start3A_170 : memref<10000x128xf32, #tpu.memory_space<vmem_shared>>) offsets(%arg12 : memref<80xi32, #tpu.memory_space<vmem>>) semaphore(%arg21 : memref<!tpu.dma_semaphore, #tpu.memory_space<semaphore_mem>>) {add = true}
    %dma_wait3A_171 = arith.constant 0 : i32
    %dma_wait3A_172 = arith.constant 0 : i32
    %dma_wait3A_173 = tpu.memref_slice %arg24[%dma_wait3A_171, %dma_wait3A_172] : memref<10000x128xf32, #tpu.memory_space<vmem_shared>> -> memref<10000x128xf32, #tpu.memory_space<vmem_shared>>
    tpu.wait_indirect_dma semaphore(%arg20 : memref<!tpu.dma_semaphore, #tpu.memory_space<semaphore_mem>>) src(%arg6 : memref<80x128xf32, #tpu.memory_space<vmem>>) dst(%dma_wait3A_173 : memref<10000x128xf32, #tpu.memory_space<vmem_shared>>)
    %dma_wait3A_174 = arith.constant 0 : i32
    %dma_wait3A_175 = arith.constant 0 : i32
    %dma_wait3A_176 = tpu.memref_slice %arg24[%dma_wait3A_174, %dma_wait3A_175] : memref<10000x128xf32, #tpu.memory_space<vmem_shared>> -> memref<10000x128xf32, #tpu.memory_space<vmem_shared>>
    tpu.wait_indirect_dma semaphore(%arg21 : memref<!tpu.dma_semaphore, #tpu.memory_space<semaphore_mem>>) src(%arg7 : memref<80x128xf32, #tpu.memory_space<vmem>>) dst(%dma_wait3A_176 : memref<10000x128xf32, #tpu.memory_space<vmem_shared>>)
    %dma_wait3A_177 = arith.constant 0 : i32
    %dma_wait3A_178 = arith.constant 0 : i32
    %dma_wait3A_179 = tpu.memref_slice %arg24[%dma_wait3A_177, %dma_wait3A_178] : memref<10000x128xf32, #tpu.memory_space<vmem_shared>> -> memref<10000x128xf32, #tpu.memory_space<vmem_shared>>
    tpu.wait_indirect_dma semaphore(%arg22 : memref<!tpu.dma_semaphore, #tpu.memory_space<semaphore_mem>>) src(%arg8 : memref<80x128xf32, #tpu.memory_space<vmem>>) dst(%dma_wait3A_179 : memref<10000x128xf32, #tpu.memory_space<vmem_shared>>)
    %barrier3A_180 = arith.constant 0 : index
    tpu.barrier barrier_id(%barrier3A_180)
    %lt3A = arith.constant 15 : i32
    %lt3A_181 = arith.cmpi slt, %arg1, %lt3A : i32
    %convert_element_type3A = arith.extui %lt3A_181 : i1 to i32
    %cond3A = arith.constant 0 : i32
    %cond3A_182 = arith.cmpi ne, %convert_element_type3A, %cond3A : i32
    scf.if %cond3A_182 {
      "tpu.region"() ({
        %run_scoped3A = tpu.sem_alloc : memref<!tpu.dma_semaphore, #tpu.memory_space<semaphore_mem>>
        %dma_start3A_188 = arith.constant 0 : i32
        %dma_start3A_189 = tpu.memref_slice %arg5[%arg0, %mul3A_4, %dma_start3A_188] : memref<2x10000x128xf32, #tpu.memory_space<hbm>> -> memref<1x624x128xf32, #tpu.memory_space<hbm>>
        %dma_start3A_190 = tpu.memref_squeeze %dma_start3A_189 : memref<1x624x128xf32, #tpu.memory_space<hbm>> -> memref<624x128xf32, #tpu.memory_space<hbm>>
        %dma_start3A_191 = arith.constant 0 : i32
        %dma_start3A_192 = tpu.memref_slice %arg24[%mul3A_4, %dma_start3A_191] : memref<10000x128xf32, #tpu.memory_space<vmem_shared>> -> memref<624x128xf32, #tpu.memory_space<vmem_shared>>
        tpu.enqueue_dma source(%dma_start3A_192 : memref<624x128xf32, #tpu.memory_space<vmem_shared>>) target(%dma_start3A_190 : memref<624x128xf32, #tpu.memory_space<hbm>>) target_semaphore(%run_scoped3A : memref<!tpu.dma_semaphore, #tpu.memory_space<semaphore_mem>>)
        %dma_wait3A_193 = arith.constant 0 : i32
        %dma_wait3A_194 = tpu.memref_slice %arg5[%arg0, %mul3A_4, %dma_wait3A_193] : memref<2x10000x128xf32, #tpu.memory_space<hbm>> -> memref<1x624x128xf32, #tpu.memory_space<hbm>>
        %dma_wait3A_195 = tpu.memref_squeeze %dma_wait3A_194 : memref<1x624x128xf32, #tpu.memory_space<hbm>> -> memref<624x128xf32, #tpu.memory_space<hbm>>
        %dma_wait3A_196 = arith.constant 0 : i32
        %dma_wait3A_197 = tpu.memref_slice %arg24[%mul3A_4, %dma_wait3A_196] : memref<10000x128xf32, #tpu.memory_space<vmem_shared>> -> memref<624x128xf32, #tpu.memory_space<vmem_shared>>
        tpu.wait_dma2 semaphore(%run_scoped3A : memref<!tpu.dma_semaphore, #tpu.memory_space<semaphore_mem>>) src(%dma_wait3A_197 : memref<624x128xf32, #tpu.memory_space<vmem_shared>>) dst(%dma_wait3A_195 : memref<624x128xf32, #tpu.memory_space<hbm>>)
        tpu.yield
      }) : () -> ()
    } else {
    }
    %eq3A_183 = arith.constant 15 : i32
    %eq3A_184 = arith.cmpi eq, %arg1, %eq3A_183 : i32
    %convert_element_type3A_185 = arith.extui %eq3A_184 : i1 to i32
    %cond3A_186 = arith.constant 0 : i32
    %cond3A_187 = arith.cmpi ne, %convert_element_type3A_185, %cond3A_186 : i32
    scf.if %cond3A_187 {
      "tpu.region"() ({
        %run_scoped3A = tpu.sem_alloc : memref<!tpu.dma_semaphore, #tpu.memory_space<semaphore_mem>>
        %dma_start3A_188 = arith.constant 0 : i32
        %dma_start3A_189 = tpu.memref_slice %arg5[%arg0, %mul3A_4, %dma_start3A_188] : memref<2x10000x128xf32, #tpu.memory_space<hbm>> -> memref<1x640x128xf32, #tpu.memory_space<hbm>>
        %dma_start3A_190 = tpu.memref_squeeze %dma_start3A_189 : memref<1x640x128xf32, #tpu.memory_space<hbm>> -> memref<640x128xf32, #tpu.memory_space<hbm>>
        %dma_start3A_191 = arith.constant 0 : i32
        %dma_start3A_192 = tpu.memref_slice %arg24[%mul3A_4, %dma_start3A_191] : memref<10000x128xf32, #tpu.memory_space<vmem_shared>> -> memref<640x128xf32, #tpu.memory_space<vmem_shared>>
        tpu.enqueue_dma source(%dma_start3A_192 : memref<640x128xf32, #tpu.memory_space<vmem_shared>>) target(%dma_start3A_190 : memref<640x128xf32, #tpu.memory_space<hbm>>) target_semaphore(%run_scoped3A : memref<!tpu.dma_semaphore, #tpu.memory_space<semaphore_mem>>)
        %dma_wait3A_193 = arith.constant 0 : i32
        %dma_wait3A_194 = tpu.memref_slice %arg5[%arg0, %mul3A_4, %dma_wait3A_193] : memref<2x10000x128xf32, #tpu.memory_space<hbm>> -> memref<1x640x128xf32, #tpu.memory_space<hbm>>
        %dma_wait3A_195 = tpu.memref_squeeze %dma_wait3A_194 : memref<1x640x128xf32, #tpu.memory_space<hbm>> -> memref<640x128xf32, #tpu.memory_space<hbm>>
        %dma_wait3A_196 = arith.constant 0 : i32
        %dma_wait3A_197 = tpu.memref_slice %arg24[%mul3A_4, %dma_wait3A_196] : memref<10000x128xf32, #tpu.memory_space<vmem_shared>> -> memref<640x128xf32, #tpu.memory_space<vmem_shared>>
        tpu.wait_dma2 semaphore(%run_scoped3A : memref<!tpu.dma_semaphore, #tpu.memory_space<semaphore_mem>>) src(%dma_wait3A_197 : memref<640x128xf32, #tpu.memory_space<vmem_shared>>) dst(%dma_wait3A_195 : memref<640x128xf32, #tpu.memory_space<hbm>>)
        tpu.yield
      }) : () -> ()
    } else {
    }
    return
  }
}

module attributes {stable_mosaic.version = 14 : i64} {
  func.func @_tc1_body(%arg0: i32, %arg1: memref<1000x128xf32, #tpu.memory_space<vmem>>, %arg2: memref<128x128xf32, #tpu.memory_space<vmem>>, %arg3: memref<1000x128xf32, #tpu.memory_space<vmem>>, %arg4: memref<1000x128xf32, #tpu.memory_space<vmem>>, %arg5: memref<1000x128xf32, #tpu.memory_space<vmem>>) attributes {dimension_semantics = [#tpu.dimension_semantics<arbitrary>], iteration_bounds = array<i64: 10>, scalar_prefetch = 0 : i64, scratch_operands = 0 : i64, tpu.core_type = #tpu.core_type<tc>, window_params = [{transform_indices = @transform_0, window_bounds = array<i64: 1000, 128>}, {pipeline_mode = #tpu.pipeline_mode<synchronous>, transform_indices = @transform_1, window_bounds = array<i64: 128, 128>}, {transform_indices = @transform_2, window_bounds = array<i64: 1000, 128>}, {transform_indices = @transform_3, window_bounds = array<i64: 1000, 128>}, {transform_indices = @transform_4, window_bounds = array<i64: 1000, 128>}]} {
    %get3A = arith.constant 0 : index
    %get3A_0 = arith.constant 0 : index
    %get3A_1 = vector.load %arg3[%get3A, %get3A_0] : memref<1000x128xf32, #tpu.memory_space<vmem>>, vector<1000x128xf32>
    %get3A_2 = arith.constant 0 : index
    %get3A_3 = arith.constant 0 : index
    %get3A_4 = vector.load %arg4[%get3A_2, %get3A_3] : memref<1000x128xf32, #tpu.memory_space<vmem>>, vector<1000x128xf32>
    %slice3A = vector.extract_strided_slice %get3A_1 {offsets = [0, 0], sizes = [1000, 1], strides = [1, 1]} : vector<1000x128xf32> to vector<1000x1xf32>
    %slice3A_5 = vector.extract_strided_slice %get3A_4 {offsets = [0, 0], sizes = [1000, 1], strides = [1, 1]} : vector<1000x128xf32> to vector<1000x1xf32>
    %add3A = arith.addf %slice3A, %slice3A_5 : vector<1000x1xf32>
    %add3A_6 = arith.constant 1.000000e+00 : f32
    %add3A_7 = vector.broadcast %add3A_6 : f32 to vector<1000x1xf32>
    %add3A_8 = arith.addf %add3A, %add3A_7 : vector<1000x1xf32>
    %rsqrt3A = math.rsqrt %add3A_8 : vector<1000x1xf32>
    %get3A_9 = arith.constant 0 : index
    %get3A_10 = arith.constant 0 : index
    %get3A_11 = vector.load %arg1[%get3A_9, %get3A_10] : memref<1000x128xf32, #tpu.memory_space<vmem>>, vector<1000x128xf32>
    %get3A_12 = arith.constant 0 : index
    %get3A_13 = arith.constant 0 : index
    %get3A_14 = vector.load %arg2[%get3A_12, %get3A_13] : memref<128x128xf32, #tpu.memory_space<vmem>>, vector<128x128xf32>
    %dot_general3A = arith.constant dense<0.000000e+00> : vector<1000x128xf32>
    %dot_general3A_15 = tpu.matmul %get3A_11, %get3A_14, %dot_general3A {dimension_numbers = #tpu.dot_dimension_numbers<[1], [0], [0], [1], [0, 0, 1, 1], [], []>, transpose_lhs_hint = false} : vector<1000x128xf32>, vector<128x128xf32>, vector<1000x128xf32> -> vector<1000x128xf32>
    %mul3A = vector.broadcast %rsqrt3A : vector<1000x1xf32> to vector<1000x128xf32>
    %mul3A_16 = arith.mulf %dot_general3A_15, %mul3A : vector<1000x128xf32>
    %swap3A = arith.constant 0 : index
    %swap3A_17 = arith.constant 0 : index
    %swap3A_18 = vector.load %arg5[%swap3A, %swap3A_17] : memref<1000x128xf32, #tpu.memory_space<vmem>>, vector<1000x128xf32>
    tpu.vector_store %arg5[%swap3A, %swap3A_17], %mul3A_16 {strides = array<i32>} : memref<1000x128xf32, #tpu.memory_space<vmem>>, vector<1000x128xf32>,
    return
  }
  func.func @transform_0(%arg0: i32) -> (i32, i32) {
    %c0_i32 = arith.constant 0 : i32
    %c0_i32_0 = arith.constant 0 : i32
    return %arg0, %c0_i32 : i32, i32
  }
  func.func @transform_1(%arg0: i32) -> (i32, i32) {
    %c0_i32 = arith.constant 0 : i32
    %c0_i32_0 = arith.constant 0 : i32
    %c0_i32_1 = arith.constant 0 : i32
    return %c0_i32, %c0_i32_0 : i32, i32
  }
  func.func @transform_2(%arg0: i32) -> (i32, i32) {
    %c0_i32 = arith.constant 0 : i32
    %c0_i32_0 = arith.constant 0 : i32
    return %arg0, %c0_i32 : i32, i32
  }
  func.func @transform_3(%arg0: i32) -> (i32, i32) {
    %c0_i32 = arith.constant 0 : i32
    %c0_i32_0 = arith.constant 0 : i32
    return %arg0, %c0_i32 : i32, i32
  }
  func.func @transform_4(%arg0: i32) -> (i32, i32) {
    %c0_i32 = arith.constant 0 : i32
    %c0_i32_0 = arith.constant 0 : i32
    return %arg0, %c0_i32 : i32, i32
  }
}

module attributes {stable_mosaic.version = 14 : i64} {
  func.func @_tc_mid_body(%arg0: i32, %arg1: memref<1000x128xf32, #tpu.memory_space<vmem>>, %arg2: memref<1000x128xf32, #tpu.memory_space<vmem>>, %arg3: memref<1000x128xf32, #tpu.memory_space<vmem>>, %arg4: memref<1000x128xf32, #tpu.memory_space<vmem>>, %arg5: memref<1000x128xf32, #tpu.memory_space<vmem>>, %arg6: memref<1x128xf32, #tpu.memory_space<vmem>>, %arg7: memref<128x128xf32, #tpu.memory_space<vmem>>, %arg8: memref<1000x128xf32, #tpu.memory_space<vmem>>) attributes {dimension_semantics = [#tpu.dimension_semantics<arbitrary>], iteration_bounds = array<i64: 10>, scalar_prefetch = 0 : i64, scratch_operands = 0 : i64, tpu.core_type = #tpu.core_type<tc>, window_params = [{transform_indices = @transform_0, window_bounds = array<i64: 1000, 128>}, {transform_indices = @transform_1, window_bounds = array<i64: 1000, 128>}, {transform_indices = @transform_2, window_bounds = array<i64: 1000, 128>}, {transform_indices = @transform_3, window_bounds = array<i64: 1000, 128>}, {transform_indices = @transform_4, window_bounds = array<i64: 1000, 128>}, {pipeline_mode = #tpu.pipeline_mode<synchronous>, transform_indices = @transform_5, window_bounds = array<i64: 1, 128>}, {pipeline_mode = #tpu.pipeline_mode<synchronous>, transform_indices = @transform_6, window_bounds = array<i64: 128, 128>}, {transform_indices = @transform_7, window_bounds = array<i64: 1000, 128>}]} {
    %get3A = arith.constant 0 : index
    %get3A_0 = arith.constant 0 : index
    %get3A_1 = vector.load %arg4[%get3A, %get3A_0] : memref<1000x128xf32, #tpu.memory_space<vmem>>, vector<1000x128xf32>
    %get3A_2 = arith.constant 0 : index
    %get3A_3 = arith.constant 0 : index
    %get3A_4 = vector.load %arg5[%get3A_2, %get3A_3] : memref<1000x128xf32, #tpu.memory_space<vmem>>, vector<1000x128xf32>
    %slice3A = vector.extract_strided_slice %get3A_1 {offsets = [0, 0], sizes = [1000, 1], strides = [1, 1]} : vector<1000x128xf32> to vector<1000x1xf32>
    %slice3A_5 = vector.extract_strided_slice %get3A_4 {offsets = [0, 0], sizes = [1000, 1], strides = [1, 1]} : vector<1000x128xf32> to vector<1000x1xf32>
    %add3A = arith.addf %slice3A, %slice3A_5 : vector<1000x1xf32>
    %add3A_6 = arith.constant 1.000000e+00 : f32
    %add3A_7 = vector.broadcast %add3A_6 : f32 to vector<1000x1xf32>
    %add3A_8 = arith.addf %add3A, %add3A_7 : vector<1000x1xf32>
    %rsqrt3A = math.rsqrt %add3A_8 : vector<1000x1xf32>
    %get3A_9 = arith.constant 0 : index
    %get3A_10 = arith.constant 0 : index
    %get3A_11 = vector.load %arg1[%get3A_9, %get3A_10] : memref<1000x128xf32, #tpu.memory_space<vmem>>, vector<1000x128xf32>
    %get3A_12 = arith.constant 0 : index
    %get3A_13 = arith.constant 0 : index
    %get3A_14 = vector.load %arg2[%get3A_12, %get3A_13] : memref<1000x128xf32, #tpu.memory_space<vmem>>, vector<1000x128xf32>
    %add3A_15 = arith.addf %get3A_11, %get3A_14 : vector<1000x128xf32>
    %get3A_16 = arith.constant 0 : index
    %get3A_17 = arith.constant 0 : index
    %get3A_18 = vector.load %arg3[%get3A_16, %get3A_17] : memref<1000x128xf32, #tpu.memory_space<vmem>>, vector<1000x128xf32>
    %add3A_19 = arith.addf %add3A_15, %get3A_18 : vector<1000x128xf32>
    %mul3A = vector.broadcast %rsqrt3A : vector<1000x1xf32> to vector<1000x128xf32>
    %mul3A_20 = arith.mulf %mul3A, %add3A_19 : vector<1000x128xf32>
    %get3A_21 = arith.constant 0 : index
    %get3A_22 = arith.constant 0 : index
    %get3A_23 = vector.load %arg6[%get3A_21, %get3A_22] : memref<1x128xf32, #tpu.memory_space<vmem>>, vector<1x128xf32>
    %add3A_24 = vector.broadcast %get3A_23 : vector<1x128xf32> to vector<1000x128xf32>
    %add3A_25 = arith.addf %mul3A_20, %add3A_24 : vector<1000x128xf32>
    %get3A_26 = arith.constant 0 : index
    %get3A_27 = arith.constant 0 : index
    %get3A_28 = vector.load %arg7[%get3A_26, %get3A_27] : memref<128x128xf32, #tpu.memory_space<vmem>>, vector<128x128xf32>
    %dot_general3A = arith.constant dense<0.000000e+00> : vector<1000x128xf32>
    %dot_general3A_29 = tpu.matmul %add3A_25, %get3A_28, %dot_general3A {dimension_numbers = #tpu.dot_dimension_numbers<[1], [0], [0], [1], [0, 0, 1, 1], [], []>, transpose_lhs_hint = false} : vector<1000x128xf32>, vector<128x128xf32>, vector<1000x128xf32> -> vector<1000x128xf32>
    %mul3A_30 = vector.broadcast %rsqrt3A : vector<1000x1xf32> to vector<1000x128xf32>
    %mul3A_31 = arith.mulf %dot_general3A_29, %mul3A_30 : vector<1000x128xf32>
    %swap3A = arith.constant 0 : index
    %swap3A_32 = arith.constant 0 : index
    %swap3A_33 = vector.load %arg8[%swap3A, %swap3A_32] : memref<1000x128xf32, #tpu.memory_space<vmem>>, vector<1000x128xf32>
    tpu.vector_store %arg8[%swap3A, %swap3A_32], %mul3A_31 {strides = array<i32>} : memref<1000x128xf32, #tpu.memory_space<vmem>>, vector<1000x128xf32>,
    return
  }
  func.func @transform_0(%arg0: i32) -> (i32, i32) {
    %c0_i32 = arith.constant 0 : i32
    %c0_i32_0 = arith.constant 0 : i32
    return %arg0, %c0_i32 : i32, i32
  }
  func.func @transform_1(%arg0: i32) -> (i32, i32) {
    %c0_i32 = arith.constant 0 : i32
    %c0_i32_0 = arith.constant 0 : i32
    return %arg0, %c0_i32 : i32, i32
  }
  func.func @transform_2(%arg0: i32) -> (i32, i32) {
    %c0_i32 = arith.constant 0 : i32
    %c0_i32_0 = arith.constant 0 : i32
    return %arg0, %c0_i32 : i32, i32
  }
  func.func @transform_3(%arg0: i32) -> (i32, i32) {
    %c0_i32 = arith.constant 0 : i32
    %c0_i32_0 = arith.constant 0 : i32
    return %arg0, %c0_i32 : i32, i32
  }
  func.func @transform_4(%arg0: i32) -> (i32, i32) {
    %c0_i32 = arith.constant 0 : i32
    %c0_i32_0 = arith.constant 0 : i32
    return %arg0, %c0_i32 : i32, i32
  }
  func.func @transform_5(%arg0: i32) -> (i32, i32) {
    %c0_i32 = arith.constant 0 : i32
    %c0_i32_0 = arith.constant 0 : i32
    %c0_i32_1 = arith.constant 0 : i32
    return %c0_i32, %c0_i32_0 : i32, i32
  }
  func.func @transform_6(%arg0: i32) -> (i32, i32) {
    %c0_i32 = arith.constant 0 : i32
    %c0_i32_0 = arith.constant 0 : i32
    %c0_i32_1 = arith.constant 0 : i32
    return %c0_i32, %c0_i32_0 : i32, i32
  }
  func.func @transform_7(%arg0: i32) -> (i32, i32) {
    %c0_i32 = arith.constant 0 : i32
    %c0_i32_0 = arith.constant 0 : i32
    return %arg0, %c0_i32 : i32, i32
  }
}

module attributes {stable_mosaic.version = 14 : i64} {
  func.func @_tc_pool_body(%arg0: i32, %arg1: memref<1000x128xf32, #tpu.memory_space<vmem>>, %arg2: memref<1000x128xf32, #tpu.memory_space<vmem>>, %arg3: memref<1000x128xf32, #tpu.memory_space<vmem>>, %arg4: memref<1000x128xf32, #tpu.memory_space<vmem>>, %arg5: memref<1000x128xf32, #tpu.memory_space<vmem>>, %arg6: memref<1x128xf32, #tpu.memory_space<vmem>>, %arg7: memref<1x1x1000xi32, #tpu.memory_space<vmem>>, %arg8: memref<64x128xf32, #tpu.memory_space<vmem>>, %arg9: memref<64x128xf32, #tpu.memory_space<vmem>>, %arg10: memref<64x128xf32, #tpu.memory_space<vmem>>) attributes {dimension_semantics = [#tpu.dimension_semantics<arbitrary>], iteration_bounds = array<i64: 10>, scalar_prefetch = 0 : i64, scratch_operands = 2 : i64, tpu.core_type = #tpu.core_type<tc>, window_params = [{transform_indices = @transform_0, window_bounds = array<i64: 1000, 128>}, {transform_indices = @transform_1, window_bounds = array<i64: 1000, 128>}, {transform_indices = @transform_2, window_bounds = array<i64: 1000, 128>}, {transform_indices = @transform_3, window_bounds = array<i64: 1000, 128>}, {transform_indices = @transform_4, window_bounds = array<i64: 1000, 128>}, {pipeline_mode = #tpu.pipeline_mode<synchronous>, transform_indices = @transform_5, window_bounds = array<i64: 1, 128>}, {transform_indices = @transform_6, window_bounds = array<i64: 1, 1, 1000>}, {pipeline_mode = #tpu.pipeline_mode<synchronous>, transform_indices = @transform_7, window_bounds = array<i64: 64, 128>}]} {
    %eq3A = arith.constant 0 : i32
    %eq3A_0 = arith.cmpi eq, %arg0, %eq3A : i32
    %convert_element_type3A = arith.extui %eq3A_0 : i1 to i32
    %cond3A = arith.constant 0 : i32
    %cond3A_1 = arith.cmpi ne, %convert_element_type3A, %cond3A : i32
    scf.if %cond3A_1 {
      %broadcast_in_dim3A_58 = arith.constant 0.000000e+00 : f32
      %broadcast_in_dim3A_59 = vector.broadcast %broadcast_in_dim3A_58 : f32 to vector<64x128xf32>
      %swap3A_60 = arith.constant 0 : index
      %swap3A_61 = arith.constant 0 : index
      %swap3A_62 = vector.load %arg9[%swap3A_60, %swap3A_61] : memref<64x128xf32, #tpu.memory_space<vmem>>, vector<64x128xf32>
      tpu.vector_store %arg9[%swap3A_60, %swap3A_61], %broadcast_in_dim3A_59 {strides = array<i32>} : memref<64x128xf32, #tpu.memory_space<vmem>>, vector<64x128xf32>,
      %broadcast_in_dim3A_63 = arith.constant 0.000000e+00 : f32
      %broadcast_in_dim3A_64 = vector.broadcast %broadcast_in_dim3A_63 : f32 to vector<64x128xf32>
      %swap3A_65 = arith.constant 0 : index
      %swap3A_66 = arith.constant 0 : index
      %swap3A_67 = vector.load %arg10[%swap3A_65, %swap3A_66] : memref<64x128xf32, #tpu.memory_space<vmem>>, vector<64x128xf32>
      tpu.vector_store %arg10[%swap3A_65, %swap3A_66], %broadcast_in_dim3A_64 {strides = array<i32>} : memref<64x128xf32, #tpu.memory_space<vmem>>, vector<64x128xf32>,
    } else {
    }
    %get3A = arith.constant 0 : index
    %get3A_2 = arith.constant 0 : index
    %get3A_3 = vector.load %arg4[%get3A, %get3A_2] : memref<1000x128xf32, #tpu.memory_space<vmem>>, vector<1000x128xf32>
    %get3A_4 = arith.constant 0 : index
    %get3A_5 = arith.constant 0 : index
    %get3A_6 = vector.load %arg5[%get3A_4, %get3A_5] : memref<1000x128xf32, #tpu.memory_space<vmem>>, vector<1000x128xf32>
    %slice3A = vector.extract_strided_slice %get3A_3 {offsets = [0, 0], sizes = [1000, 1], strides = [1, 1]} : vector<1000x128xf32> to vector<1000x1xf32>
    %slice3A_7 = vector.extract_strided_slice %get3A_6 {offsets = [0, 0], sizes = [1000, 1], strides = [1, 1]} : vector<1000x128xf32> to vector<1000x1xf32>
    %add3A = arith.addf %slice3A, %slice3A_7 : vector<1000x1xf32>
    %add3A_8 = arith.constant 1.000000e+00 : f32
    %add3A_9 = vector.broadcast %add3A_8 : f32 to vector<1000x1xf32>
    %add3A_10 = arith.addf %add3A, %add3A_9 : vector<1000x1xf32>
    %rsqrt3A = math.rsqrt %add3A_10 : vector<1000x1xf32>
    %get3A_11 = arith.constant 0 : index
    %get3A_12 = arith.constant 0 : index
    %get3A_13 = vector.load %arg1[%get3A_11, %get3A_12] : memref<1000x128xf32, #tpu.memory_space<vmem>>, vector<1000x128xf32>
    %get3A_14 = arith.constant 0 : index
    %get3A_15 = arith.constant 0 : index
    %get3A_16 = vector.load %arg2[%get3A_14, %get3A_15] : memref<1000x128xf32, #tpu.memory_space<vmem>>, vector<1000x128xf32>
    %add3A_17 = arith.addf %get3A_13, %get3A_16 : vector<1000x128xf32>
    %get3A_18 = arith.constant 0 : index
    %get3A_19 = arith.constant 0 : index
    %get3A_20 = vector.load %arg3[%get3A_18, %get3A_19] : memref<1000x128xf32, #tpu.memory_space<vmem>>, vector<1000x128xf32>
    %add3A_21 = arith.addf %add3A_17, %get3A_20 : vector<1000x128xf32>
    %mul3A = vector.broadcast %rsqrt3A : vector<1000x1xf32> to vector<1000x128xf32>
    %mul3A_22 = arith.mulf %mul3A, %add3A_21 : vector<1000x128xf32>
    %get3A_23 = arith.constant 0 : index
    %get3A_24 = arith.constant 0 : index
    %get3A_25 = vector.load %arg6[%get3A_23, %get3A_24] : memref<1x128xf32, #tpu.memory_space<vmem>>, vector<1x128xf32>
    %add3A_26 = vector.broadcast %get3A_25 : vector<1x128xf32> to vector<1000x128xf32>
    %add3A_27 = arith.addf %mul3A_22, %add3A_26 : vector<1000x128xf32>
    %get3A_28 = arith.constant 0 : index
    %get3A_29 = arith.constant 0 : index
    %get3A_30 = arith.constant 0 : index
    %get3A_31 = vector.load %arg7[%get3A_28, %get3A_29, %get3A_30] : memref<1x1x1000xi32, #tpu.memory_space<vmem>>, vector<1x1x1000xi32>
    %reshape3A = vector.shape_cast %get3A_31 : vector<1x1x1000xi32> to vector<1000x1xi32>
    %iota3A = tpu.iota {dimensions = array<i32: 1>} : vector<1000x64xi32>
    %eq3A_32 = vector.broadcast %reshape3A : vector<1000x1xi32> to vector<1000x64xi32>
    %eq3A_33 = arith.cmpi eq, %eq3A_32, %iota3A : vector<1000x64xi32>
    %convert_element_type3A_34 = arith.extui %eq3A_33 : vector<1000x64xi1> to vector<1000x64xi32>
    %convert_element_type3A_35 = arith.sitofp %convert_element_type3A_34 : vector<1000x64xi32> to vector<1000x64xf32>
    %get3A_36 = arith.constant 0 : index
    %get3A_37 = arith.constant 0 : index
    %get3A_38 = vector.load %arg9[%get3A_36, %get3A_37] : memref<64x128xf32, #tpu.memory_space<vmem>>, vector<64x128xf32>
    %dot_general3A = arith.constant dense<0.000000e+00> : vector<64x128xf32>
    %dot_general3A_39 = tpu.matmul %convert_element_type3A_35, %add3A_27, %dot_general3A {dimension_numbers = #tpu.dot_dimension_numbers<[0], [0], [1], [1], [0, 1, 1, 1], [], []>, transpose_lhs_hint = false} : vector<1000x64xf32>, vector<1000x128xf32>, vector<64x128xf32> -> vector<64x128xf32>
    %add3A_40 = arith.addf %get3A_38, %dot_general3A_39 : vector<64x128xf32>
    %swap3A = arith.constant 0 : index
    %swap3A_41 = arith.constant 0 : index
    %swap3A_42 = vector.load %arg9[%swap3A, %swap3A_41] : memref<64x128xf32, #tpu.memory_space<vmem>>, vector<64x128xf32>
    tpu.vector_store %arg9[%swap3A, %swap3A_41], %add3A_40 {strides = array<i32>} : memref<64x128xf32, #tpu.memory_space<vmem>>, vector<64x128xf32>,
    %get3A_43 = arith.constant 0 : index
    %get3A_44 = arith.constant 0 : index
    %get3A_45 = vector.load %arg10[%get3A_43, %get3A_44] : memref<64x128xf32, #tpu.memory_space<vmem>>, vector<64x128xf32>
    %broadcast_in_dim3A = arith.constant 1.000000e+00 : f32
    %broadcast_in_dim3A_46 = vector.broadcast %broadcast_in_dim3A : f32 to vector<1000x128xf32>
    %dot_general3A_47 = arith.constant dense<0.000000e+00> : vector<64x128xf32>
    %dot_general3A_48 = tpu.matmul %convert_element_type3A_35, %broadcast_in_dim3A_46, %dot_general3A_47 {dimension_numbers = #tpu.dot_dimension_numbers<[0], [0], [1], [1], [0, 1, 1, 1], [], []>, transpose_lhs_hint = false} : vector<1000x64xf32>, vector<1000x128xf32>, vector<64x128xf32> -> vector<64x128xf32>
    %add3A_49 = arith.addf %get3A_45, %dot_general3A_48 : vector<64x128xf32>
    %swap3A_50 = arith.constant 0 : index
    %swap3A_51 = arith.constant 0 : index
    %swap3A_52 = vector.load %arg10[%swap3A_50, %swap3A_51] : memref<64x128xf32, #tpu.memory_space<vmem>>, vector<64x128xf32>
    tpu.vector_store %arg10[%swap3A_50, %swap3A_51], %add3A_49 {strides = array<i32>} : memref<64x128xf32, #tpu.memory_space<vmem>>, vector<64x128xf32>,
    %eq3A_53 = arith.constant 9 : i32
    %eq3A_54 = arith.cmpi eq, %arg0, %eq3A_53 : i32
    %convert_element_type3A_55 = arith.extui %eq3A_54 : i1 to i32
    %cond3A_56 = arith.constant 0 : i32
    %cond3A_57 = arith.cmpi ne, %convert_element_type3A_55, %cond3A_56 : i32
    scf.if %cond3A_57 {
      %get3A_58 = arith.constant 0 : index
      %get3A_59 = arith.constant 0 : index
      %get3A_60 = vector.load %arg9[%get3A_58, %get3A_59] : memref<64x128xf32, #tpu.memory_space<vmem>>, vector<64x128xf32>
      %get3A_61 = arith.constant 0 : index
      %get3A_62 = arith.constant 0 : index
      %get3A_63 = vector.load %arg10[%get3A_61, %get3A_62] : memref<64x128xf32, #tpu.memory_space<vmem>>, vector<64x128xf32>
      %max3A = arith.constant 1.000000e+00 : f32
      %max3A_64 = vector.broadcast %max3A : f32 to vector<64x128xf32>
      %max3A_65 = arith.maximumf %get3A_63, %max3A_64 : vector<64x128xf32>
      %div3A = arith.divf %get3A_60, %max3A_65 : vector<64x128xf32>
      %swap3A_66 = arith.constant 0 : index
      %swap3A_67 = arith.constant 0 : index
      %swap3A_68 = vector.load %arg8[%swap3A_66, %swap3A_67] : memref<64x128xf32, #tpu.memory_space<vmem>>, vector<64x128xf32>
      tpu.vector_store %arg8[%swap3A_66, %swap3A_67], %div3A {strides = array<i32>} : memref<64x128xf32, #tpu.memory_space<vmem>>, vector<64x128xf32>,
    } else {
    }
    return
  }
  func.func @transform_0(%arg0: i32) -> (i32, i32) {
    %c0_i32 = arith.constant 0 : i32
    %c0_i32_0 = arith.constant 0 : i32
    return %arg0, %c0_i32 : i32, i32
  }
  func.func @transform_1(%arg0: i32) -> (i32, i32) {
    %c0_i32 = arith.constant 0 : i32
    %c0_i32_0 = arith.constant 0 : i32
    return %arg0, %c0_i32 : i32, i32
  }
  func.func @transform_2(%arg0: i32) -> (i32, i32) {
    %c0_i32 = arith.constant 0 : i32
    %c0_i32_0 = arith.constant 0 : i32
    return %arg0, %c0_i32 : i32, i32
  }
  func.func @transform_3(%arg0: i32) -> (i32, i32) {
    %c0_i32 = arith.constant 0 : i32
    %c0_i32_0 = arith.constant 0 : i32
    return %arg0, %c0_i32 : i32, i32
  }
  func.func @transform_4(%arg0: i32) -> (i32, i32) {
    %c0_i32 = arith.constant 0 : i32
    %c0_i32_0 = arith.constant 0 : i32
    return %arg0, %c0_i32 : i32, i32
  }
  func.func @transform_5(%arg0: i32) -> (i32, i32) {
    %c0_i32 = arith.constant 0 : i32
    %c0_i32_0 = arith.constant 0 : i32
    %c0_i32_1 = arith.constant 0 : i32
    return %c0_i32, %c0_i32_0 : i32, i32
  }
  func.func @transform_6(%arg0: i32) -> (i32, i32, i32) {
    %c0_i32 = arith.constant 0 : i32
    %c0_i32_0 = arith.constant 0 : i32
    %c0_i32_1 = arith.constant 0 : i32
    return %arg0, %c0_i32, %c0_i32_0 : i32, i32, i32
  }
  func.func @transform_7(%arg0: i32) -> (i32, i32) {
    %c0_i32 = arith.constant 0 : i32
    %c0_i32_0 = arith.constant 0 : i32
    %c0_i32_1 = arith.constant 0 : i32
    return %c0_i32, %c0_i32_0 : i32, i32
  }
}

</mosaic_0001>

<sc_bundles>
// kernel: kernel.10.cloned.1.call-start
scs
__scs_entry_jumppad:
0x0: {  	(pc) =	sbr.rel $0x88, $3  }
0x1: {  	(tag) =	ssettag $0x0;
	lr =	simm.s32 $0x1  }
0x2: {  	[smem:$0x3F98] =	sst lr;
	_ =	strace $0xD0000000  }
0x3: {  	_ = 	snop  }
0x4: {  	_ = 	snop  }
0x5: {  	_ = 	snop  }
0x6: {  	_ = 	snop  }
0x7: {  	_ = 	snop  }
__scs_overlays_trampoline_lowered:
0x8: {  	[smem:$0x3FA7] =	sst s0  }
0x9: {  	[smem:$0x3FA8] =	sst s1  }
0xa: {  	[smem:$0x3FA9] =	sst s2  }
0xb: {  	[smem:$0x3FAA] =	sst s3  }
0xc: {  	[smem:$0x3FAB] =	sst s4  }
0xd: {  	[smem:$0x3FAC] =	sst s5  }
0xe: {  	[smem:$0x3FAD] =	sst s6  }
0xf: {  	[smem:$0x3FAE] =	sst s7  }
0x10: {  	[smem:$0x3FAF] =	sst s8  }
0x11: {  	[smem:$0x3FB0] =	sst s9;
	s0 =	simm.s32 @!p0 $0x0  }
0x12: {  	s1 =	sld [smem:$0x3F96];
	s0 =	simm.s32 @p0 $0x1  }
0x13: {  	[smem:$0x3FB1] =	sst s0;
	s0 =	simm.s32 @!p1 $0x0  }
0x14: {  	s2 =	sld [smem:$0x3F95];
	s0 =	simm.s32 @p1 $0x1  }
0x15: {  	[smem:$0x3FB2] =	sst s0;
	s0 =	simm.s32 @!p2 $0x0  }
0x16: {  	s3 =	sld [smem:$0x3FDB];
	s0 =	simm.s32 @p2 $0x1  }
0x17: {  	s4 =	simm.s32 $0x1BF5;
	[smem:$0x3FB4] =	sst s0  }
0x18: {  	s0 =	sld [smem:$0x3F97];
	_ =	swait.ge [sflag:s4], $0x0  }
0x19: {  	s7 =	sld [smem:$0x3F98]  }
0x1a: {  	s8 =	sadd.s32 $0xFFFFE003, lr  }
0x1b: {  	s9 =	sadd.s32 $0xFFFFFEF7, lr;
	s5 =	simm.s32 $0xFFFFFFFF;
	p2 =	slt.u32 s8, $0xFFFFF086  }
0x1c: {  	p1 =	slt.u32 s9, $0xF7A;
	s5 =	simm.s32 @!p2 $0x0  }
0x1d: {  	s5 =	simm.s32 @p1 $0x1;
	p0 =	seq.s32 s7, s2  }
0x1e: {  	s7 =	smul.u32 @!p0 $0xF7A, s2;
	p2 =	seq.s32 @!p0 s5, $0x0  }
0x1f: {  	s9 =	smul.u32 $0xF7A, s1;
	s8 =	simm.s32 @!p0 $0x1BF5;
	p2 =	por !p2, p0  }
0x20: {  	[sflag:s8] =	ssyncset.s32 @!p0 $0xFFFFF086;
	s6 =	sadd.s32 @!p0 s3, s7;
	s7 =	simm.s32 @!p0 $0x108  }
0x21: {  	s3 =	sadd.s32 s3, s9;
	s6 =	sadd.s32 @!p0 $0x88, s6;
	s7 =	simm.s32 @p2 $0x1082  }
0x22: {  	[simem:s7], [sflag:s8] =	dma.local @!p0 [hbm:s6], $0xF7A  }
0x23: {  	s9 =	sor.u32 $0xD0000000, s2;
	s6 =	simm.s32 $0x108;
	_ =	swait.ge @!p0 [sflag:s8], $0x0  }
0x24: {  	s3 =	sadd.s32 $0x88, s3;
	s6 =	simm.s32 @!p1 $0x1082;
	[sflag:s4] =	ssyncset.s32 $0xFFFFF086  }
0x25: {  	[simem:s6], [sflag:s4] =	dma.local [hbm:s3], $0xF7A  }
0x26: {  	[smem:$0x3F98] =	sst s1;
	(tag) =	ssettag s2;
	_ =	strace s9  }
0x27: {  	s1 =	sld [smem:$0x3FA8]  }
0x28: {  	s2 =	sld [smem:$0x3FA9]  }
0x29: {  	s4 =	sld [smem:$0x3FAB]  }
0x2a: {  	p0 =	seq.s32 s5, $0x0;
	s5 =	sld [smem:$0x3FAC]  }
0x2b: {  	s6 =	sld [smem:$0x3FAD]  }
0x2c: {  	s7 =	sld [smem:$0x3FAE]  }
0x2d: {  	s3 =	simm.s32 $0x108;
	s8 =	sld [smem:$0x3FAF]  }
0x2e: {  	s3 =	simm.s32 @!p0 $0x1082;
	s9 =	sld [smem:$0x3FB0]  }
0x2f: {  	lr =	sadd.s32 s0, s3;
	s0 =	sld [smem:$0x3FA7]  }
0x30: {  	s3 =	sld [smem:$0x3FAA]  }
0x31: {  	[smem:$0x3FB3] =	sst s10  }
0x32: {  	s10 =	sld [smem:$0x3FB1];
	_ =	sdelay $0x3  }
0x33: {  	p0 =	seq.s32 s10, $0x1;
	s10 =	sld [smem:$0x3FB3];
	_ =	sdelay $0x3  }
0x34: {  	[smem:$0x3FB3] =	sst s10  }
0x35: {  	s10 =	sld [smem:$0x3FB2];
	_ =	sdelay $0x3  }
0x36: {  	p1 =	seq.s32 s10, $0x1;
	s10 =	sld [smem:$0x3FB3];
	_ =	sdelay $0x3  }
0x37: {  	[smem:$0x3FB3] =	sst s10  }
0x38: {  	s10 =	sld [smem:$0x3FB4]  }
0x39: {  	_ = 	snop;
	(pc) =	sbr.ind lr, $3  }
0x3a: {  	_ = 	snop  }
0x3b: {  	_ = 	snop  }
0x3c: {  	p2 =	seq.s32 s10, $0x1;
	s10 =	sld [smem:$0x3FB3]  }
0x3d: {  	_ =	shalt  }
0x3e: {  	_ =	shalt  }
0x3f: {  	_ =	shalt  }
0x40: {  	_ =	shalt  }
0x41: {  	_ =	shalt  }
0x42: {  	_ =	shalt  }
0x43: {  	_ =	shalt  }
0x44: {  	_ =	shalt  }
0x45: {  	_ =	shalt  }
0x46: {  	_ =	shalt  }
0x47: {  	_ =	shalt  }
0x48: {  	_ =	shalt  }
0x49: {  	_ =	shalt  }
0x4a: {  	_ =	shalt  }
0x4b: {  	_ =	shalt  }
0x4c: {  	_ =	shalt  }
0x4d: {  	_ =	shalt  }
0x4e: {  	_ =	shalt  }
0x4f: {  	_ =	shalt  }
0x50: {  	_ =	shalt  }
0x51: {  	_ =	shalt  }
0x52: {  	_ =	shalt  }
0x53: {  	_ =	shalt  }
0x54: {  	_ =	shalt  }
0x55: {  	_ =	shalt  }
0x56: {  	_ =	shalt  }
0x57: {  	_ =	shalt  }
0x58: {  	_ =	shalt  }
0x59: {  	_ =	shalt  }
0x5a: {  	_ =	shalt  }
0x5b: {  	_ =	shalt  }
0x5c: {  	_ =	shalt  }
0x5d: {  	_ =	shalt  }
0x5e: {  	_ =	shalt  }
0x5f: {  	_ =	shalt  }
0x60: {  	_ =	shalt  }
0x61: {  	_ =	shalt  }
0x62: {  	_ =	shalt  }
0x63: {  	_ =	shalt  }
0x64: {  	_ =	shalt  }
0x65: {  	_ =	shalt  }
0x66: {  	_ =	shalt  }
0x67: {  	_ =	shalt  }
0x68: {  	_ =	shalt  }
0x69: {  	_ =	shalt  }
0x6a: {  	_ =	shalt  }
0x6b: {  	_ =	shalt  }
0x6c: {  	_ =	shalt  }
0x6d: {  	_ =	shalt  }
0x6e: {  	_ =	shalt  }
0x6f: {  	_ =	shalt  }
0x70: {  	_ =	shalt  }
0x71: {  	_ =	shalt  }
0x72: {  	_ =	shalt  }
0x73: {  	_ =	shalt  }
0x74: {  	_ =	shalt  }
0x75: {  	_ =	shalt  }
0x76: {  	_ =	shalt  }
0x77: {  	_ =	shalt  }
0x78: {  	_ =	shalt  }
0x79: {  	_ =	shalt  }
0x7a: {  	_ =	shalt  }
0x7b: {  	_ =	shalt  }
0x7c: {  	_ =	shalt  }
0x7d: {  	_ =	shalt  }
0x7e: {  	_ =	shalt  }
0x7f: {  	_ =	shalt  }
0x80: {  	_ =	shalt  }
0x81: {  	_ =	shalt  }
0x82: {  	_ =	shalt  }
0x83: {  	_ =	shalt  }
0x84: {  	_ =	shalt  }
0x85: {  	_ =	shalt  }
0x86: {  	_ =	shalt  }
0x87: {  	_ =	shalt  }
.Lfunc_end0:
.L_simem_size_0:
called_computation_lowered:
.L_overlay_start_0:
0x88: {  	s2 =	sld [smem:$0x3FD9]  }
0x89: {  	s3 =	sld [smem:$0x3FFE];
	_ =	sdelay $0x1  }
0x8a: {  	s1 =	srdreg.scid  }
0x8b: {  	s0 =	sand.u32 $0x1, s1  }
0x8c: {  	s17 =	sshll.u32 s0, $0xA;
	s2 =	sadd.s32 s3, s2  }
0x8d: {  	s2 =	sadd.s32 s2, s17  }
0x8e: {  	[smem:$0x3FBF] =	sst s2  }
0x8f: {  	_ = 	snop  }
0x90: {  	s2 =	sld [smem:$0x3FD0];
	(tm) =	ssettm $0x1  }
0x91: {  	s18 =	sld [smem:$0x3FFB];
	_ =	sdelay $0x3  }
0x92: {  	_ =	strace s18  }
0x93: {  	s3 =	sld [smem:$0x3FFC];
	_ =	sdelay $0x3  }
0x94: {  	_ =	strace s3  }
0x95: {  	s3 =	sld [smem:$0x3FFD];
	_ =	sdelay $0x3  }
0x96: {  	_ =	strace s3  }
0x97: {  	_ =	strace $0x8FFFFFFF  }
0x98: {  	s19 =	sld [smem:$0x3FDB];
	_ =	sdelay $0x1  }
0x99: {  	s4 =	simm.s32 $_scs_section_size  }
0x9a: {  	s5 =	simm.s32 $_size__tile_overlayer_lowered;
	s6 =	simm.s32 $_tile_overlayer_lowered  }
0x9b: {  	s22 =	simm.s32 $0x1BFF;
	s21 =	sshll.u32 s6, $0x1;
	s3 =	sadd.s32 s4, s19  }
0x9c: {  	s7 =	simm.s32 $0x0;
	s20 =	sshll.u32 s5, $0x1;
	s5 =	sadd.s32 s21, s3  }
0x9d: {  	[timem:s7], [sflag:s22] =	dma.local [hbm:s5], s20  }
0x9e: {  	_ =	swait.ge [sflag:s22], s20  }
0x9f: {  	s4 =	ssub.s32 $0x0, s20;
	[sflag:s22] =	ssyncset.done $0x0  }
0xa0: {  	[sflag:s22] =	ssyncadd.s32 s4;
	_ =	sdelay $0x1  }
0xa1: {  	s23 =	simm.s32 $0x1B8B  }
0xa2: {  	_ =	swait.ge [sflag:s23], $0x1  }
0xa3: {  	[sflag:s23] =	ssyncset.done $0x0  }
0xa4: {  	s25 =	simm.s32 $0x1B8E;
	s24 =	sld [smem:$0x3FFE];
	[sflag:s23] =	ssyncadd.s32 $0xFFFFFFFF  }
0xa5: {  	s26 =	simm.s32 $execute0_lowered;
	[smem:$0x3FD2] =	sst s25  }
0xa6: {  	s5 =	sshll.u32 s26, $0x1;
	_ =	strace $0x80000046;
	[dreg:$0x1] =	wrdreg $0xFFFFFFFF  }
0xa7: {  	s28 =	simm.s32 $_size_execute0_lowered;
	s3 =	sadd.s32 s3, s5;
	[dreg:$0x0] =	wrdreg $0x0  }
0xa8: {  	s5 =	sshll.u32 s28, $0x1;
	[dreg:$0x2] =	wrdreg s3  }
0xa9: {  	[dreg:$0x3] =	wrdreg s5  }
0xaa: {  	[dreg:$0x4] =	wrdreg $0xC0  }
0xab: {  	_ =	task [dreg:s7], $0x5FFFF  }
0xac: {  	[dreg:$0x1] =	wrdreg $0xFFFFFFFF  }
0xad: {  	[dreg:$0x0] =	wrdreg $0x60  }
0xae: {  	[dreg:$0x2] =	wrdreg s24  }
0xaf: {  	[dreg:$0x3] =	wrdreg s2  }
0xb0: {  	[dreg:$0x4] =	wrdreg $0x32800  }
0xb1: {  	[dreg:$0x5] =	wrdreg $0x9  }
0xb2: {  	_ =	task.clear_ibuf [dreg:s7], $0x6FFFF;
	_ =	strace $0x90000046  }
0xb3: {  	s29 =	simm.s32 $0x9;
	_ =	strace $0x80000048  }
0xb4: {  	_ =	swait.ge [sflag:s29], $0x1  }
0xb5: {  	[sflag:s29] =	ssyncadd.s32 $0xFFFFFFFF  }
0xb6: {  	_ =	strace $0x90000048  }
0xb7: {  	_ =	sfence  }
0xb8: {  	s30 =	sld [smem:$0x0];
	_ =	sdelay $0x2  }
0xb9: {  	s31 =	sshll.u32 s1, $0xD;
	s1 =	sshrl.u32 s1, $0x2  }
0xba: {  	s3 =	sand.u32 $0x4000, s31;
	s1 =	sadd.s32 s1, s30  }
0xbb: {  	s0 =	sor.u32 s3, s0;
	s1 =	sshll.u32 s1, $0x11  }
0xbc: {  	s0 =	sor.u32 s1, s0  }
0xbd: {  	s0 =	sadd.s32 $0x8F2B, s0  }
0xbe: {  	[sflag:s0] =	ssyncadd.remote.s32 $0x1  }
0xbf: {  	_ =	sfence.sel $0xFFFF  }
0xc0: {  	[dreg:$0x0] =	wrdreg $0xFFFFFFFF;
	(pc) =	sbr.abs _section_cstart, $3  }
0xc1: {  	[dreg:$0x1] =	wrdreg $0xFFFFFFFF  }
0xc2: {  	_ =	task.clear_ibuf [dreg:s7], $0x2FFFF;
	_ =	strace $0x9FFFFFFF  }
0xc3: {  	(tm) =	ssettm $0x7FFFFFFF  }
tec
execute0_lowered:
.L_overlay_start_1:
0x0: {  	(tag) =	ssettag $0x1  }
0x1: {  	s0 =	rddreg [dreg:$0x0]  }
0x2: {  	s2 =	rddreg [dreg:$0x2];
	s3 =	simm.s32 $0x0  }
0x3: {  	s1 =	srdreg.scid;
	s6 =	stileid.u32;
	s10 =	simm.s32 $0x28  }
0x4: {  	s28 =	simm.s32 $0x3100;
	s29 =	simm.s32 $0x3180;
	s30 =	simm.s32 $0x3200  }
0x5: {  	s31 =	simm.s32 $0x1;
	s12 =	simm.s32 $0x9;
	[smem:$0x7FF] =	sst s3  }
0x6: {  	s1 =	sand.u32 $0x1, s1;
	s4 =	sadd.s32 $0x5800, s0;
	s9 =	smul.u32 $0x4E000, s6  }
0x7: {  	s7 =	sadd.s32 $0x19200, s0;
	s0 =	sadd.s32 $0x19800, s0;
	s17 =	smul.u32 $0x13800, s6  }
0x8: {  	p0 =	seq.s32 s6, $0xF;
	s20 =	smul.u32 $0x2710, s6;
	_ =	strace $0x80000047  }
0x9: {  	s5 =	sshll.u32 s1, $0x4;
	[dreg:$0x4] =	wrdreg s7;
	s15 =	smul.u32 $0x138800, s1  }
0xa: {  	s13 =	ssub.s32 $0x2, s1;
	s10 =	simm.s32 @!p0 $0x27;
	s1 =	smul.u32 $0x27100, s1  }
0xb: {  	s5 =	sor.u32 s6, s5;
	s8 =	sshrl.u32 s13, $0x1;
	[dreg:$0x5] =	wrdreg s10  }
0xc: {  	s14 =	sshrl.u32 s9, $0x2;
	s5 =	smul.u32 $0x2710, s5;
	s8 =	ssub.s32 s13, s8  }
0xd: {  	s7 =	sadd.s32 s14, s2;
	s10 =	sadd.s32 s17, s15;
	s9 =	sshrl.u32 s15, $0x3  }
0xe: {  	s1 =	sadd.s32 s20, s1;
	s13 =	simm.s32 $0xA;
	s14 =	simm.s32 $0x0  }
0xf: {  	s21 =	sshrl.u32 s10, $0x3;
	s22 =	sadd.s32 $0x4E4D0, s1;
	s23 =	sadd.s32 $0x4E480, s1  }
0x10: {  	s24 =	smax.u32 s8, $0x1;
	s25 =	sadd.s32 $0x4E430, s1;
	s5 =	sshrl.u32 s5, $0x3  }
0x11: {  	s26 =	sadd.s32 $0x4E3E0, s1;
	s1 =	sadd.s32 $0x4E390, s1;
	s5 =	sadd.s32 s4, s5  }
0x12: {  	s8 =	simm.s32 $0x6;
	[dreg:$0xd] =	wrdreg s24;
	s16 =	sadd.s32 $0x9C40, s5  }
0x13: {  	s10 =	simm.s32 $0x7;
	s11 =	sadd.s32 $0x9C4A, s5;
	[dreg:$0x6] =	wrdreg s16  }
0x14: {  	s1 =	sshrl.u32 s1, $0x3;
	s18 =	sadd.s32 $0x9C54, s5;
	[dreg:$0x7] =	wrdreg s11  }
0x15: {  	s24 =	simm.s32 $0x3000;
	s19 =	sadd.s32 $0x9C5E, s5;
	[dreg:$0x8] =	wrdreg s18  }
0x16: {  	s20 =	sadd.s32 s1, s4;
	s5 =	sadd.s32 $0x9C68, s5;
	[dreg:$0x9] =	wrdreg s19  }
0x17: {  	s1 =	simm.s32 $0x2;
	[dreg:$0xa] =	wrdreg s5;
	s5 =	sadd.s32 s0, s21  }
0x18: {  	s0 =	sadd.s32 s0, s9;
	s9 =	sadd.s32 $0x124800, s2;
	s21 =	simm.s32 $0xC  }
0x19: {  	s11 =	simm.s32 $0x8;
	[dreg:$0xb] =	wrdreg s5;
	s0 =	sadd.s32 $0x24900, s0  }
0x1a: {  	s5 =	sshrl.u32 s23, $0x3;
	s23 =	simm.s32 $0xB;
	[dreg:$0xc] =	wrdreg s0  }
0x1b: {  	s0 =	sshrl.u32 s22, $0x3;
	s17 =	sadd.s32 s5, s4;
	s5 =	sshrl.u32 s26, $0x3  }
0x1c: {  	s22 =	simm.s32 $0x2800;
	s26 =	simm.s32 $0x3080;
	s16 =	sadd.s32 s0, s4  }
0x1d: {  	s0 =	sshrl.u32 s25, $0x3;
	s19 =	sadd.s32 s5, s4;
	s5 =	simm.s32 $0x4  }
0x1e: {  	s18 =	sadd.s32 s0, s4;
	s0 =	sshrl.u32 @p0 s9, $0x3;
	s4 =	simm.s32 $0x3  }
0x1f: {  	s9 =	simm.s32 $0x5;
	[dreg:$0xe] =	wrdreg s0;
	s0 =	simm.s32 $0x50  }
.LBB2_1:
0x20: {  	s6 =	rddreg [dreg:$0x4]  }
0x21: {  	[tilespmem:s3], [sflag:$0xC] =	stream.linear.gather [hbm4b:s6+s3], $0x2800, $0x38;
	[tilespmem:$0x16B00] =	vst v63  }
0x22: {  	_ =	swait.ge [sflag:s21], $0x2800  }
0x23: {  	[sflag:s21] =	ssyncset.done $0x0  }
0x24: {  	[sflag:s21] =	ssyncadd.s32 $0xFFFFD800  }
0x25: {  	s15 =	rddreg [dreg:$0x1]  }
0x26: {  	[tilespmem:s22], [sflag:$0xC] =	stream.linear.gather [hbm4b:s15+s3], $0x800, $0x38;
	[tilespmem:$0x16B00] =	vst v63  }
0x27: {  	_ =	swait.ge [sflag:s21], $0x800  }
0x28: {  	s25 =	rddreg [dreg:$0x5]  }
0x29: {  	p1 =	sne.s32 s25, $0x1  }
.Ltmp0:
0x2a: {  	_ = 	snop;
	(pc) =	sbr.rel @!p1 .LBB2_3-.Ltmp0, $4  }
0x2b: {  	_ = 	snop  }
0x2c: {  	[sflag:s21] =	ssyncset.done $0x0  }
0x2d: {  	[sflag:s21] =	ssyncadd.s32 $0xFFFFF800;
	s15 =	sadd.s32 $0xFFFFFFFF, s25;
	s25 =	smov.u32 s7  }
0x2e: {  	[spmem:s7] =	stream.linear.scatter [tilespmem:s22], [sflag:$0xB], $0x800, $0x38;
	[tilespmem:$0x16B00] =	vst v63  }
.LBB2_2:
0x2f: {  	p2 =	sne.s32 s15, $0x1  }
.Ltmp1:
0x30: {  	_ = 	snop;
	(pc) =	sbr.rel @p2 .LBB2_2-.Ltmp1, $3  }
0x31: {  	_ = 	snop  }
0x32: {  	s15 =	sadd.s32 $0xFFFFFFFF, s15;
	s25 =	sadd.s32 $0x800, s25;
	_ =	sdelay $0x1  }
0x33: {  	[spmem:s25] =	stream.linear.scatter [tilespmem:s22], [sflag:$0xB], $0x800, $0x38;
	[tilespmem:$0x16B00] =	vst v63  }
.LBB2_3:
.Ltmp2:
0x34: {  	(pc) =	sbr.rel @!p1 .LBB2_5-.Ltmp2, $4  }
0x35: {  	_ = 	snop  }
0x36: {  	_ =	swait.ge [sflag:s23], $0x800  }
0x37: {  	s6 =	rddreg [dreg:$0x5]  }
0x38: {  	[sflag:s23] =	ssyncset.done $0x0;
	s15 =	sadd.s32 $0xFFFFFFFF, s6  }
.LBB2_4:
0x39: {  	p1 =	sne.s32 s15, $0x1;
	s15 =	sadd.s32 $0xFFFFFFFF, s15;
	[sflag:s23] =	ssyncadd.s32 $0xFFFFF800  }
.Ltmp3:
0x3a: {  	(pc) =	sbr.rel @p1 .LBB2_4-.Ltmp3, $3  }
0x3b: {  	_ =	sdelay $0x1  }
0x3c: {  	_ =	swait.ge [sflag:s23], $0x800  }
0x3d: {  	[sflag:s23] =	ssyncset.done $0x0  }
.LBB2_5:
0x3e: {  	[sflag:s23] =	ssyncadd.s32 $0xFFFFF800  }
0x3f: {  	[bflag:$0x0] =	sbarrier.arrive $0xFFFF  }
0x40: {  	s15 =	simm.s32 $0x0;
	s6 =	rddreg [dreg:$0x6]  }
0x41: {  	[tilespmem:s24], [sflag:$0x1] =	stream.linear.gather [hbm4b:s6+s15], $0x50, $0x38;
	[tilespmem:$0x16B00] =	vst v63  }
0x42: {  	s25 =	rddreg [dreg:$0x7]  }
0x43: {  	[tilespmem:s26], [sflag:$0x2] =	stream.linear.gather [hbm4b:s25+s15], $0x50, $0x38;
	[tilespmem:$0x16B00] =	vst v63  }
0x44: {  	s25 =	rddreg [dreg:$0x8]  }
0x45: {  	[tilespmem:s28], [sflag:$0x3] =	stream.linear.gather [hbm4b:s25+s15], $0x50, $0x38;
	[tilespmem:$0x16B00] =	vst v63  }
0x46: {  	s25 =	rddreg [dreg:$0x9]  }
0x47: {  	[tilespmem:s29], [sflag:$0x4] =	stream.linear.gather [hbm4b:s25+s15], $0x50, $0x38;
	[tilespmem:$0x16B00] =	vst v63  }
0x48: {  	s25 =	rddreg [dreg:$0xa]  }
0x49: {  	[tilespmem:s30], [sflag:$0x5] =	stream.linear.gather [hbm4b:s25+s15], $0x50, $0x38;
	[tilespmem:$0x16B00] =	vst v63  }
0x4a: {  	_ =	swait.ge [sflag:s31], $0x50  }
0x4b: {  	[sflag:s31] =	ssyncset.done $0x0  }
0x4c: {  	[sflag:s31] =	ssyncadd.s32 $0xFFFFFFB0  }
0x4d: {  	[spmem:s2] =	stream.indirect.scatter.add.f32 [tilespmem:s15], [sflag:$0x6], $0x80, s24, s0, $0xb8;
	[tilespmem:$0x16B00] =	vst v63  }
0x4e: {  	_ =	swait.ge [sflag:s1], $0x50  }
0x4f: {  	[sflag:s1] =	ssyncset.done $0x0  }
0x50: {  	[sflag:s1] =	ssyncadd.s32 $0xFFFFFFB0  }
0x51: {  	[spmem:s2] =	stream.indirect.scatter.add.f32 [tilespmem:s15], [sflag:$0x7], $0x80, s26, s0, $0xb8;
	[tilespmem:$0x16B00] =	vst v63  }
0x52: {  	_ =	swait.ge [sflag:s4], $0x50  }
0x53: {  	[sflag:s4] =	ssyncset.done $0x0  }
0x54: {  	[sflag:s4] =	ssyncadd.s32 $0xFFFFFFB0  }
0x55: {  	[spmem:s2] =	stream.indirect.scatter.add.f32 [tilespmem:s15], [sflag:$0x8], $0x80, s28, s0, $0xb8;
	[tilespmem:$0x16B00] =	vst v63  }
0x56: {  	_ =	swait.ge [sflag:s5], $0x50  }
0x57: {  	[sflag:s5] =	ssyncset.done $0x0  }
0x58: {  	[sflag:s5] =	ssyncadd.s32 $0xFFFFFFB0  }
0x59: {  	[spmem:s2] =	stream.indirect.scatter.add.f32 [tilespmem:s15], [sflag:$0x9], $0x80, s29, s0, $0xb8;
	[tilespmem:$0x16B00] =	vst v63  }
0x5a: {  	_ =	swait.ge [sflag:s8], $0x2800  }
0x5b: {  	[sflag:s8] =	ssyncset.done $0x0  }
0x5c: {  	s25 =	sadd.s32 $0x0, s20;
	[sflag:s8] =	ssyncadd.s32 $0xFFFFD800  }
0x5d: {  	[tilespmem:s24], [sflag:$0x1] =	stream.linear.gather [hbm4b:s25+s3], $0x50, $0x38;
	[tilespmem:$0x16B00] =	vst v63  }
0x5e: {  	_ =	swait.ge [sflag:s9], $0x50  }
0x5f: {  	[sflag:s9] =	ssyncset.done $0x0  }
0x60: {  	[sflag:s9] =	ssyncadd.s32 $0xFFFFFFB0  }
0x61: {  	[spmem:s2] =	stream.indirect.scatter.add.f32 [tilespmem:s3], [sflag:$0xA], $0x80, s30, s0, $0xb8;
	[tilespmem:$0x16B00] =	vst v63  }
0x62: {  	_ =	swait.ge [sflag:s10], $0x2800  }
0x63: {  	[sflag:s10] =	ssyncset.done $0x0  }
0x64: {  	s6 =	sadd.s32 $0x0, s19;
	[sflag:s10] =	ssyncadd.s32 $0xFFFFD800  }
0x65: {  	[tilespmem:s26], [sflag:$0x2] =	stream.linear.gather [hbm4b:s6+s3], $0x50, $0x38;
	[tilespmem:$0x16B00] =	vst v63  }
0x66: {  	_ =	swait.ge [sflag:s31], $0x50  }
0x67: {  	[sflag:s31] =	ssyncset.done $0x0  }
0x68: {  	[sflag:s31] =	ssyncadd.s32 $0xFFFFFFB0  }
0x69: {  	[spmem:s2] =	stream.indirect.scatter.add.f32 [tilespmem:s3], [sflag:$0x6], $0x80, s24, s0, $0xb8;
	[tilespmem:$0x16B00] =	vst v63  }
0x6a: {  	_ =	swait.ge [sflag:s11], $0x2800  }
0x6b: {  	[sflag:s11] =	ssyncset.done $0x0  }
0x6c: {  	s25 =	sadd.s32 $0x0, s18;
	[sflag:s11] =	ssyncadd.s32 $0xFFFFD800  }
0x6d: {  	[tilespmem:s28], [sflag:$0x3] =	stream.linear.gather [hbm4b:s25+s3], $0x50, $0x38;
	[tilespmem:$0x16B00] =	vst v63  }
0x6e: {  	_ =	swait.ge [sflag:s1], $0x50  }
0x6f: {  	[sflag:s1] =	ssyncset.done $0x0  }
0x70: {  	[sflag:s1] =	ssyncadd.s32 $0xFFFFFFB0  }
0x71: {  	[spmem:s2] =	stream.indirect.scatter.add.f32 [tilespmem:s3], [sflag:$0x7], $0x80, s26, s0, $0xb8;
	[tilespmem:$0x16B00] =	vst v63  }
0x72: {  	_ =	swait.ge [sflag:s12], $0x2800  }
0x73: {  	[sflag:s12] =	ssyncset.done $0x0  }
0x74: {  	s6 =	sadd.s32 $0x0, s17;
	[sflag:s12] =	ssyncadd.s32 $0xFFFFD800  }
0x75: {  	[tilespmem:s29], [sflag:$0x4] =	stream.linear.gather [hbm4b:s6+s3], $0x50, $0x38;
	[tilespmem:$0x16B00] =	vst v63  }
0x76: {  	_ =	swait.ge [sflag:s4], $0x50  }
0x77: {  	[sflag:s4] =	ssyncset.done $0x0  }
0x78: {  	[sflag:s4] =	ssyncadd.s32 $0xFFFFFFB0  }
0x79: {  	[spmem:s2] =	stream.indirect.scatter.add.f32 [tilespmem:s3], [sflag:$0x8], $0x80, s28, s0, $0xb8;
	[tilespmem:$0x16B00] =	vst v63  }
0x7a: {  	_ =	swait.ge [sflag:s13], $0x2800  }
0x7b: {  	[sflag:s13] =	ssyncset.done $0x0  }
0x7c: {  	s25 =	sadd.s32 $0x0, s16;
	[sflag:s13] =	ssyncadd.s32 $0xFFFFD800  }
0x7d: {  	[tilespmem:s30], [sflag:$0x5] =	stream.linear.gather [hbm4b:s25+s3], $0x50, $0x38;
	[tilespmem:$0x16B00] =	vst v63  }
0x7e: {  	_ =	swait.ge [sflag:s5], $0x50  }
0x7f: {  	[sflag:s5] =	ssyncset.done $0x0  }
0x80: {  	s15 =	simm.s32 $0x32;
	[sflag:s5] =	ssyncadd.s32 $0xFFFFFFB0  }
.LBB2_6:
0x81: {  	[spmem:s2] =	stream.indirect.scatter.add.f32 [tilespmem:s3], [sflag:$0x9], $0x80, s29, s0, $0xb8;
	[tilespmem:$0x16B00] =	vst v63  }
0x82: {  	s25 =	smov.u32 s15  }
0x83: {  	p1 =	sne.s32 s15, $0x47E;
	s15 =	sadd.s32 $0x32, s15;
	_ =	swait.ge [sflag:s8], $0x2800  }
0x84: {  	[sflag:s8] =	ssyncset.done $0x0  }
0x85: {  	s6 =	sadd.s32 s25, s20;
	[sflag:s8] =	ssyncadd.s32 $0xFFFFD800  }
0x86: {  	[tilespmem:s24], [sflag:$0x1] =	stream.linear.gather [hbm4b:s6+s3], $0x50, $0x38;
	[tilespmem:$0x16B00] =	vst v63  }
0x87: {  	_ =	swait.ge [sflag:s9], $0x50  }
0x88: {  	[sflag:s9] =	ssyncset.done $0x0  }
0x89: {  	[sflag:s9] =	ssyncadd.s32 $0xFFFFFFB0  }
0x8a: {  	[spmem:s2] =	stream.indirect.scatter.add.f32 [tilespmem:s3], [sflag:$0xA], $0x80, s30, s0, $0xb8;
	[tilespmem:$0x16B00] =	vst v63  }
0x8b: {  	_ =	swait.ge [sflag:s10], $0x2800  }
0x8c: {  	[sflag:s10] =	ssyncset.done $0x0  }
0x8d: {  	s6 =	sadd.s32 s25, s19;
	[sflag:s10] =	ssyncadd.s32 $0xFFFFD800  }
0x8e: {  	[tilespmem:s26], [sflag:$0x2] =	stream.linear.gather [hbm4b:s6+s3], $0x50, $0x38;
	[tilespmem:$0x16B00] =	vst v63  }
0x8f: {  	_ =	swait.ge [sflag:s31], $0x50  }
0x90: {  	[sflag:s31] =	ssyncset.done $0x0  }
0x91: {  	[sflag:s31] =	ssyncadd.s32 $0xFFFFFFB0  }
0x92: {  	[spmem:s2] =	stream.indirect.scatter.add.f32 [tilespmem:s3], [sflag:$0x6], $0x80, s24, s0, $0xb8;
	[tilespmem:$0x16B00] =	vst v63  }
0x93: {  	_ =	swait.ge [sflag:s11], $0x2800  }
0x94: {  	[sflag:s11] =	ssyncset.done $0x0  }
0x95: {  	s6 =	sadd.s32 s25, s18;
	[sflag:s11] =	ssyncadd.s32 $0xFFFFD800  }
0x96: {  	[tilespmem:s28], [sflag:$0x3] =	stream.linear.gather [hbm4b:s6+s3], $0x50, $0x38;
	[tilespmem:$0x16B00] =	vst v63  }
0x97: {  	_ =	swait.ge [sflag:s1], $0x50  }
0x98: {  	[sflag:s1] =	ssyncset.done $0x0  }
0x99: {  	[sflag:s1] =	ssyncadd.s32 $0xFFFFFFB0  }
0x9a: {  	[spmem:s2] =	stream.indirect.scatter.add.f32 [tilespmem:s3], [sflag:$0x7], $0x80, s26, s0, $0xb8;
	[tilespmem:$0x16B00] =	vst v63  }
0x9b: {  	_ =	swait.ge [sflag:s12], $0x2800  }
0x9c: {  	[sflag:s12] =	ssyncset.done $0x0  }
0x9d: {  	s6 =	sadd.s32 s25, s17;
	[sflag:s12] =	ssyncadd.s32 $0xFFFFD800  }
0x9e: {  	[tilespmem:s29], [sflag:$0x4] =	stream.linear.gather [hbm4b:s6+s3], $0x50, $0x38;
	[tilespmem:$0x16B00] =	vst v63  }
0x9f: {  	_ =	swait.ge [sflag:s4], $0x50  }
0xa0: {  	[sflag:s4] =	ssyncset.done $0x0  }
0xa1: {  	[sflag:s4] =	ssyncadd.s32 $0xFFFFFFB0  }
0xa2: {  	[spmem:s2] =	stream.indirect.scatter.add.f32 [tilespmem:s3], [sflag:$0x8], $0x80, s28, s0, $0xb8;
	[tilespmem:$0x16B00] =	vst v63  }
0xa3: {  	_ =	swait.ge [sflag:s13], $0x2800  }
0xa4: {  	[sflag:s13] =	ssyncset.done $0x0  }
.Ltmp4:
0xa5: {  	s6 =	sadd.s32 s25, s16;
	[sflag:s13] =	ssyncadd.s32 $0xFFFFD800;
	(pc) =	sbr.rel @p1 .LBB2_6-.Ltmp4, $4  }
0xa6: {  	[tilespmem:s30], [sflag:$0x5] =	stream.linear.gather [hbm4b:s6+s3], $0x50, $0x38;
	[tilespmem:$0x16B00] =	vst v63  }
0xa7: {  	_ =	swait.ge [sflag:s5], $0x50  }
0xa8: {  	[sflag:s5] =	ssyncset.done $0x0  }
0xa9: {  	[sflag:s5] =	ssyncadd.s32 $0xFFFFFFB0  }
0xaa: {  	[spmem:s2] =	stream.indirect.scatter.add.f32 [tilespmem:s3], [sflag:$0x9], $0x80, s29, s0, $0xb8;
	[tilespmem:$0x16B00] =	vst v63  }
0xab: {  	_ =	swait.ge [sflag:s9], $0x50  }
0xac: {  	[sflag:s9] =	ssyncset.done $0x0  }
0xad: {  	[sflag:s9] =	ssyncadd.s32 $0xFFFFFFB0  }
0xae: {  	[spmem:s2] =	stream.indirect.scatter.add.f32 [tilespmem:s3], [sflag:$0xA], $0x80, s30, s0, $0xb8;
	[tilespmem:$0x16B00] =	vst v63  }
0xaf: {  	_ =	swait.ge [sflag:s8], $0x2800  }
0xb0: {  	[sflag:s8] =	ssyncset.done $0x0  }
0xb1: {  	[sflag:s8] =	ssyncadd.s32 $0xFFFFD800  }
0xb2: {  	_ =	swait.ge [sflag:s10], $0x2800  }
0xb3: {  	[sflag:s10] =	ssyncset.done $0x0  }
0xb4: {  	[sflag:s10] =	ssyncadd.s32 $0xFFFFD800  }
0xb5: {  	_ =	swait.ge [sflag:s11], $0x2800  }
0xb6: {  	[sflag:s11] =	ssyncset.done $0x0  }
0xb7: {  	[sflag:s11] =	ssyncadd.s32 $0xFFFFD800  }
0xb8: {  	_ =	swait.ge [sflag:s12], $0x2800  }
0xb9: {  	[sflag:s12] =	ssyncset.done $0x0  }
0xba: {  	[sflag:s12] =	ssyncadd.s32 $0xFFFFD800  }
0xbb: {  	_ =	swait.ge [sflag:s13], $0x2800  }
0xbc: {  	[sflag:s13] =	ssyncset.done $0x0  }
0xbd: {  	[sflag:s13] =	ssyncadd.s32 $0xFFFFD800  }
0xbe: {  	[bflag:$0x0] =	sbarrier.arrive $0xFFFF  }
0xbf: {  	s15 =	rddreg [dreg:$0xc]  }
0xc0: {  	s6 =	simm.s32 @p0 $0x1FCC;
	s25 =	rddreg [dreg:$0xe]  }
0xc1: {  	[hbm:s15], [sflag:s6] =	dma.local @p0 [spmem:s25], $0x2800  }
0xc2: {  	s6 =	simm.s32 @p0 $0xC  }
0xc3: {  	s15 =	stileid.u32;
	_ =	swait.ge @p0 [sflag:s6], $0x2800  }
0xc4: {  	s15 =	sshll.u32 @!p0 s15, $0x6;
	[sflag:s6] =	ssyncset.done @p0 $0x0;
	s25 =	rddreg [dreg:$0xb]  }
0xc5: {  	[sflag:s6] =	ssyncadd.s32 @p0 $0xFFFFD800;
	s6 =	sor.u32 @!p0 $0x1C0C, s15;
	s15 =	sshrl.u32 @!p0 s7, $0x3  }
0xc6: {  	[hbm:s25], [sflag:s6] =	dma.local @!p0 [spmem:s15], $0x2700  }
0xc7: {  	s6 =	simm.s32 @!p0 $0xC  }
0xc8: {  	_ =	swait.ge @!p0 [sflag:s6], $0x2700  }
0xc9: {  	s14 =	sadd.s32 $0x1, s14;
	s25 =	rddreg [dreg:$0xd]  }
0xca: {  	p1 =	sne.s32 s14, s25  }
.Ltmp5:
0xcb: {  	_ = 	snop;
	(pc) =	sbr.rel @p1 .LBB2_1-.Ltmp5, $3  }
0xcc: {  	_ =	sdelay $0x1  }
0xcd: {  	[sflag:s6] =	ssyncset.done @!p0 $0x0  }
0xce: {  	[sflag:s6] =	ssyncadd.s32 @!p0 $0xFFFFD900  }
0xcf: {  	_ =	sfence.sel $0x180000  }
0xd0: {  	[bflag:$0x0] =	sbarrier.arrive $0xFFFF  }
0xd1: {  	_ =	strace $0x90000047  }
0xd2: {  	s0 =	stileid.u32;
	[bflag:$0x2] =	sbarrier.arrive $0xFFFF  }
0xd3: {  	p0 =	sne.s32 s0, $0x0;
	s0 =	rddreg [dreg:$0x3]  }
0xd4: {  	s0 =	sadd.s32 @!p0 $0x100000, s0  }
0xd5: {  	[sflag:s0] =	ssyncadd.tile.s32 @!p0 $0x1;
	_ =	shalt  }
.Lfunc_end2:
_tile_overlayer_lowered:
.L_overlay_start_2:
0xd6: {  	(tag) =	ssettag $0x2  }
0xd7: {  	s0 =	rddreg [dreg:$0x0];
	s2 =	stileid.u32  }
0xd8: {  	s1 =	rddreg [dreg:$0x1];
	p0 =	sne.s32 s2, $0x0  }
0xd9: {  	s3 =	rddreg [dreg:$0x2];
	[bflag:$0x3] =	sbarrier.arrive $0xFFFF;
	s2 =	simm.s32 @!p0 $0x1C0C  }
0xda: {  	[timem:s3], [sflag:s2] =	dma.local @!p0 [hbm:s0], s1  }
0xdb: {  	s0 =	simm.s32 @!p0 $0xC  }
0xdc: {  	_ =	swait.ge @!p0 [sflag:s0], s1  }
0xdd: {  	s1 =	ssub.s32 @!p0 $0x0, s1;
	[sflag:s0] =	ssyncset.done @!p0 $0x0  }
0xde: {  	[sflag:s0] =	ssyncadd.s32 @!p0 s1  }
0xdf: {  	[bflag:$0x3] =	sbarrier.arrive $0xFFFF  }
0xe0: {  	_ =	shalt  }

// kernel: kernel.13.cloned.1.call-start
scs
__scs_entry_jumppad:
0x0: {  	(pc) =	sbr.rel $0x88, $3  }
0x1: {  	(tag) =	ssettag $0x0;
	lr =	simm.s32 $0x1  }
0x2: {  	[smem:$0x3F98] =	sst lr;
	_ =	strace $0xD0000000  }
0x3: {  	_ = 	snop  }
0x4: {  	_ = 	snop  }
0x5: {  	_ = 	snop  }
0x6: {  	_ = 	snop  }
0x7: {  	_ = 	snop  }
__scs_overlays_trampoline_lowered:
0x8: {  	[smem:$0x3FA7] =	sst s0  }
0x9: {  	[smem:$0x3FA8] =	sst s1  }
0xa: {  	[smem:$0x3FA9] =	sst s2  }
0xb: {  	[smem:$0x3FAA] =	sst s3  }
0xc: {  	[smem:$0x3FAB] =	sst s4  }
0xd: {  	[smem:$0x3FAC] =	sst s5  }
0xe: {  	[smem:$0x3FAD] =	sst s6  }
0xf: {  	[smem:$0x3FAE] =	sst s7  }
0x10: {  	[smem:$0x3FAF] =	sst s8  }
0x11: {  	[smem:$0x3FB0] =	sst s9;
	s0 =	simm.s32 @!p0 $0x0  }
0x12: {  	s1 =	sld [smem:$0x3F96];
	s0 =	simm.s32 @p0 $0x1  }
0x13: {  	[smem:$0x3FB1] =	sst s0;
	s0 =	simm.s32 @!p1 $0x0  }
0x14: {  	s2 =	sld [smem:$0x3F95];
	s0 =	simm.s32 @p1 $0x1  }
0x15: {  	[smem:$0x3FB2] =	sst s0;
	s0 =	simm.s32 @!p2 $0x0  }
0x16: {  	s3 =	sld [smem:$0x3FDB];
	s0 =	simm.s32 @p2 $0x1  }
0x17: {  	s4 =	simm.s32 $0x1BF5;
	[smem:$0x3FB4] =	sst s0  }
0x18: {  	s0 =	sld [smem:$0x3F97];
	_ =	swait.ge [sflag:s4], $0x0  }
0x19: {  	s7 =	sld [smem:$0x3F98]  }
0x1a: {  	s8 =	sadd.s32 $0xFFFFE003, lr  }
0x1b: {  	s9 =	sadd.s32 $0xFFFFFEF7, lr;
	s5 =	simm.s32 $0xFFFFFFFF;
	p2 =	slt.u32 s8, $0xFFFFF086  }
0x1c: {  	p1 =	slt.u32 s9, $0xF7A;
	s5 =	simm.s32 @!p2 $0x0  }
0x1d: {  	s5 =	simm.s32 @p1 $0x1;
	p0 =	seq.s32 s7, s2  }
0x1e: {  	s7 =	smul.u32 @!p0 $0xF7A, s2;
	p2 =	seq.s32 @!p0 s5, $0x0  }
0x1f: {  	s9 =	smul.u32 $0xF7A, s1;
	s8 =	simm.s32 @!p0 $0x1BF5;
	p2 =	por !p2, p0  }
0x20: {  	[sflag:s8] =	ssyncset.s32 @!p0 $0xFFFFF086;
	s6 =	sadd.s32 @!p0 s3, s7;
	s7 =	simm.s32 @!p0 $0x108  }
0x21: {  	s3 =	sadd.s32 s3, s9;
	s6 =	sadd.s32 @!p0 $0x88, s6;
	s7 =	simm.s32 @p2 $0x1082  }
0x22: {  	[simem:s7], [sflag:s8] =	dma.local @!p0 [hbm:s6], $0xF7A  }
0x23: {  	s9 =	sor.u32 $0xD0000000, s2;
	s6 =	simm.s32 $0x108;
	_ =	swait.ge @!p0 [sflag:s8], $0x0  }
0x24: {  	s3 =	sadd.s32 $0x88, s3;
	s6 =	simm.s32 @!p1 $0x1082;
	[sflag:s4] =	ssyncset.s32 $0xFFFFF086  }
0x25: {  	[simem:s6], [sflag:s4] =	dma.local [hbm:s3], $0xF7A  }
0x26: {  	[smem:$0x3F98] =	sst s1;
	(tag) =	ssettag s2;
	_ =	strace s9  }
0x27: {  	s1 =	sld [smem:$0x3FA8]  }
0x28: {  	s2 =	sld [smem:$0x3FA9]  }
0x29: {  	s4 =	sld [smem:$0x3FAB]  }
0x2a: {  	p0 =	seq.s32 s5, $0x0;
	s5 =	sld [smem:$0x3FAC]  }
0x2b: {  	s6 =	sld [smem:$0x3FAD]  }
0x2c: {  	s7 =	sld [smem:$0x3FAE]  }
0x2d: {  	s3 =	simm.s32 $0x108;
	s8 =	sld [smem:$0x3FAF]  }
0x2e: {  	s3 =	simm.s32 @!p0 $0x1082;
	s9 =	sld [smem:$0x3FB0]  }
0x2f: {  	lr =	sadd.s32 s0, s3;
	s0 =	sld [smem:$0x3FA7]  }
0x30: {  	s3 =	sld [smem:$0x3FAA]  }
0x31: {  	[smem:$0x3FB3] =	sst s10  }
0x32: {  	s10 =	sld [smem:$0x3FB1];
	_ =	sdelay $0x3  }
0x33: {  	p0 =	seq.s32 s10, $0x1;
	s10 =	sld [smem:$0x3FB3];
	_ =	sdelay $0x3  }
0x34: {  	[smem:$0x3FB3] =	sst s10  }
0x35: {  	s10 =	sld [smem:$0x3FB2];
	_ =	sdelay $0x3  }
0x36: {  	p1 =	seq.s32 s10, $0x1;
	s10 =	sld [smem:$0x3FB3];
	_ =	sdelay $0x3  }
0x37: {  	[smem:$0x3FB3] =	sst s10  }
0x38: {  	s10 =	sld [smem:$0x3FB4]  }
0x39: {  	_ = 	snop;
	(pc) =	sbr.ind lr, $3  }
0x3a: {  	_ = 	snop  }
0x3b: {  	_ = 	snop  }
0x3c: {  	p2 =	seq.s32 s10, $0x1;
	s10 =	sld [smem:$0x3FB3]  }
0x3d: {  	_ =	shalt  }
0x3e: {  	_ =	shalt  }
0x3f: {  	_ =	shalt  }
0x40: {  	_ =	shalt  }
0x41: {  	_ =	shalt  }
0x42: {  	_ =	shalt  }
0x43: {  	_ =	shalt  }
0x44: {  	_ =	shalt  }
0x45: {  	_ =	shalt  }
0x46: {  	_ =	shalt  }
0x47: {  	_ =	shalt  }
0x48: {  	_ =	shalt  }
0x49: {  	_ =	shalt  }
0x4a: {  	_ =	shalt  }
0x4b: {  	_ =	shalt  }
0x4c: {  	_ =	shalt  }
0x4d: {  	_ =	shalt  }
0x4e: {  	_ =	shalt  }
0x4f: {  	_ =	shalt  }
0x50: {  	_ =	shalt  }
0x51: {  	_ =	shalt  }
0x52: {  	_ =	shalt  }
0x53: {  	_ =	shalt  }
0x54: {  	_ =	shalt  }
0x55: {  	_ =	shalt  }
0x56: {  	_ =	shalt  }
0x57: {  	_ =	shalt  }
0x58: {  	_ =	shalt  }
0x59: {  	_ =	shalt  }
0x5a: {  	_ =	shalt  }
0x5b: {  	_ =	shalt  }
0x5c: {  	_ =	shalt  }
0x5d: {  	_ =	shalt  }
0x5e: {  	_ =	shalt  }
0x5f: {  	_ =	shalt  }
0x60: {  	_ =	shalt  }
0x61: {  	_ =	shalt  }
0x62: {  	_ =	shalt  }
0x63: {  	_ =	shalt  }
0x64: {  	_ =	shalt  }
0x65: {  	_ =	shalt  }
0x66: {  	_ =	shalt  }
0x67: {  	_ =	shalt  }
0x68: {  	_ =	shalt  }
0x69: {  	_ =	shalt  }
0x6a: {  	_ =	shalt  }
0x6b: {  	_ =	shalt  }
0x6c: {  	_ =	shalt  }
0x6d: {  	_ =	shalt  }
0x6e: {  	_ =	shalt  }
0x6f: {  	_ =	shalt  }
0x70: {  	_ =	shalt  }
0x71: {  	_ =	shalt  }
0x72: {  	_ =	shalt  }
0x73: {  	_ =	shalt  }
0x74: {  	_ =	shalt  }
0x75: {  	_ =	shalt  }
0x76: {  	_ =	shalt  }
0x77: {  	_ =	shalt  }
0x78: {  	_ =	shalt  }
0x79: {  	_ =	shalt  }
0x7a: {  	_ =	shalt  }
0x7b: {  	_ =	shalt  }
0x7c: {  	_ =	shalt  }
0x7d: {  	_ =	shalt  }
0x7e: {  	_ =	shalt  }
0x7f: {  	_ =	shalt  }
0x80: {  	_ =	shalt  }
0x81: {  	_ =	shalt  }
0x82: {  	_ =	shalt  }
0x83: {  	_ =	shalt  }
0x84: {  	_ =	shalt  }
0x85: {  	_ =	shalt  }
0x86: {  	_ =	shalt  }
0x87: {  	_ =	shalt  }
.Lfunc_end0:
.L_simem_size_0:
called_computation.1_lowered:
.L_overlay_start_0:
0x88: {  	s2 =	sld [smem:$0x3FD9]  }
0x89: {  	s3 =	sld [smem:$0x3FFE];
	_ =	sdelay $0x1  }
0x8a: {  	s1 =	srdreg.scid  }
0x8b: {  	s0 =	sand.u32 $0x1, s1  }
0x8c: {  	s17 =	sshll.u32 s0, $0xA;
	s2 =	sadd.s32 s3, s2  }
0x8d: {  	s2 =	sadd.s32 s2, s17  }
0x8e: {  	[smem:$0x3FBF] =	sst s2  }
0x8f: {  	_ = 	snop  }
0x90: {  	s2 =	sld [smem:$0x3FD0];
	(tm) =	ssettm $0x1  }
0x91: {  	s18 =	sld [smem:$0x3FFB];
	_ =	sdelay $0x3  }
0x92: {  	_ =	strace s18  }
0x93: {  	s3 =	sld [smem:$0x3FFC];
	_ =	sdelay $0x3  }
0x94: {  	_ =	strace s3  }
0x95: {  	s3 =	sld [smem:$0x3FFD];
	_ =	sdelay $0x3  }
0x96: {  	_ =	strace s3  }
0x97: {  	_ =	strace $0x8FFFFFFF  }
0x98: {  	s19 =	sld [smem:$0x3FDB];
	_ =	sdelay $0x1  }
0x99: {  	s4 =	simm.s32 $_scs_section_size  }
0x9a: {  	s5 =	simm.s32 $_size__tile_overlayer_lowered;
	s6 =	simm.s32 $_tile_overlayer_lowered  }
0x9b: {  	s22 =	simm.s32 $0x1BFF;
	s21 =	sshll.u32 s6, $0x1;
	s3 =	sadd.s32 s4, s19  }
0x9c: {  	s7 =	simm.s32 $0x0;
	s20 =	sshll.u32 s5, $0x1;
	s5 =	sadd.s32 s21, s3  }
0x9d: {  	[timem:s7], [sflag:s22] =	dma.local [hbm:s5], s20  }
0x9e: {  	_ =	swait.ge [sflag:s22], s20  }
0x9f: {  	s4 =	ssub.s32 $0x0, s20;
	[sflag:s22] =	ssyncset.done $0x0  }
0xa0: {  	[sflag:s22] =	ssyncadd.s32 s4;
	_ =	sdelay $0x1  }
0xa1: {  	s23 =	simm.s32 $0x1B8B  }
0xa2: {  	_ =	swait.ge [sflag:s23], $0x1  }
0xa3: {  	[sflag:s23] =	ssyncset.done $0x0  }
0xa4: {  	s25 =	simm.s32 $0x1B8E;
	s24 =	sld [smem:$0x3FFE];
	[sflag:s23] =	ssyncadd.s32 $0xFFFFFFFF  }
0xa5: {  	s26 =	simm.s32 $execute0_lowered;
	[smem:$0x3FD2] =	sst s25  }
0xa6: {  	s5 =	sshll.u32 s26, $0x1;
	_ =	strace $0x80000049;
	[dreg:$0x1] =	wrdreg $0xFFFFFFFF  }
0xa7: {  	s28 =	simm.s32 $_size_execute0_lowered;
	s3 =	sadd.s32 s3, s5;
	[dreg:$0x0] =	wrdreg $0x0  }
0xa8: {  	s5 =	sshll.u32 s28, $0x1;
	[dreg:$0x2] =	wrdreg s3  }
0xa9: {  	[dreg:$0x3] =	wrdreg s5  }
0xaa: {  	[dreg:$0x4] =	wrdreg $0xC0  }
0xab: {  	_ =	task [dreg:s7], $0x5FFFF  }
0xac: {  	[dreg:$0x1] =	wrdreg $0xFFFFFFFF  }
0xad: {  	[dreg:$0x0] =	wrdreg $0x60  }
0xae: {  	[dreg:$0x2] =	wrdreg s24  }
0xaf: {  	[dreg:$0x3] =	wrdreg s2  }
0xb0: {  	[dreg:$0x4] =	wrdreg $0xA9000  }
0xb1: {  	[dreg:$0x5] =	wrdreg $0x9  }
0xb2: {  	_ =	task.clear_ibuf [dreg:s7], $0x6FFFF;
	_ =	strace $0x90000049  }
0xb3: {  	s29 =	simm.s32 $0x9;
	_ =	strace $0x8000004B  }
0xb4: {  	_ =	swait.ge [sflag:s29], $0x1  }
0xb5: {  	[sflag:s29] =	ssyncadd.s32 $0xFFFFFFFF  }
0xb6: {  	_ =	strace $0x9000004B  }
0xb7: {  	_ =	sfence  }
0xb8: {  	s30 =	sld [smem:$0x0];
	_ =	sdelay $0x2  }
0xb9: {  	s31 =	sshll.u32 s1, $0xD;
	s1 =	sshrl.u32 s1, $0x2  }
0xba: {  	s3 =	sand.u32 $0x4000, s31;
	s1 =	sadd.s32 s1, s30  }
0xbb: {  	s0 =	sor.u32 s3, s0;
	s1 =	sshll.u32 s1, $0x11  }
0xbc: {  	s0 =	sor.u32 s1, s0  }
0xbd: {  	s0 =	sadd.s32 $0x8F2B, s0  }
0xbe: {  	[sflag:s0] =	ssyncadd.remote.s32 $0x1  }
0xbf: {  	_ =	sfence.sel $0xFFFF  }
0xc0: {  	[dreg:$0x0] =	wrdreg $0xFFFFFFFF;
	(pc) =	sbr.abs _section_cstart, $3  }
0xc1: {  	[dreg:$0x1] =	wrdreg $0xFFFFFFFF  }
0xc2: {  	_ =	task.clear_ibuf [dreg:s7], $0x2FFFF;
	_ =	strace $0x9FFFFFFF  }
0xc3: {  	(tm) =	ssettm $0x7FFFFFFF  }
tec
execute0_lowered:
.L_overlay_start_1:
0x0: {  	(tag) =	ssettag $0x1  }
0x1: {  	s0 =	rddreg [dreg:$0x0]  }
0x2: {  	s2 =	rddreg [dreg:$0x2]  }
0x3: {  	s1 =	srdreg.scid;
	s4 =	simm.s32 $0x0;
	s12 =	stileid.u32  }
0x4: {  	s29 =	simm.s32 $0x2800;
	s30 =	simm.s32 $0xA800;
	s28 =	simm.s32 $0x1  }
0x5: {  	s31 =	simm.s32 $0x5;
	s14 =	simm.s32 $0x9;
	s15 =	simm.s32 $0x0  }
0x6: {  	s1 =	sand.u32 $0x1, s1;
	[smem:$0x7FF] =	sst s4;
	s8 =	smul.u32 $0x4E000, s12  }
0x7: {  	s9 =	sadd.s32 $0x5800, s0;
	s5 =	sadd.s32 $0x67600, s0;
	s19 =	smul.u32 $0x13800, s12  }
0x8: {  	s0 =	sadd.s32 $0x8E800, s0;
	p0 =	seq.s32 s12, $0xF;
	s17 =	smul.u32 $0x138800, s1  }
0x9: {  	s3 =	sshll.u32 s1, $0x4;
	s6 =	ssub.s32 $0x2, s1;
	s1 =	smul.u32 $0x27100, s1  }
0xa: {  	_ =	strace $0x8000004A;
	s3 =	sor.u32 s12, s3;
	s12 =	smul.u32 $0x2710, s12  }
0xb: {  	s7 =	sshrl.u32 s6, $0x1;
	s8 =	sshrl.u32 s8, $0x2;
	s3 =	smul.u32 $0x2710, s3  }
0xc: {  	s10 =	ssub.s32 s6, s7;
	s6 =	simm.s32 $0x28;
	s8 =	sadd.s32 s8, s2  }
0xd: {  	s6 =	simm.s32 @!p0 $0x27;
	s22 =	sadd.s32 s12, s1;
	s1 =	sadd.s32 $0x124800, s2  }
0xe: {  	s23 =	smax.u32 s10, $0x1;
	s10 =	simm.s32 $0x7;
	s12 =	simm.s32 $0x3  }
0xf: {  	s3 =	sshrl.u32 s3, $0x3;
	[dreg:$0xc] =	wrdreg s23;
	s24 =	sadd.s32 $0x4E390, s22  }
0x10: {  	s25 =	sadd.s32 $0x4E340, s22;
	s23 =	simm.s32 $0xA;
	s16 =	sadd.s32 s9, s3  }
0x11: {  	s3 =	sshrl.u32 s17, $0x3;
	s11 =	sadd.s32 $0x9C40, s16;
	[dreg:$0x4] =	wrdreg s16  }
0x12: {  	s26 =	sshrl.u32 s25, $0x3;
	s18 =	sadd.s32 $0x9C4A, s16;
	[dreg:$0x5] =	wrdreg s11  }
0x13: {  	s25 =	simm.s32 $0x8000;
	s13 =	sadd.s32 $0x9C54, s16;
	[dreg:$0x6] =	wrdreg s18  }
0x14: {  	s20 =	sadd.s32 $0xA10E, s16;
	s7 =	sadd.s32 $0xA118, s16;
	[dreg:$0x7] =	wrdreg s13  }
0x15: {  	s3 =	sadd.s32 s0, s3;
	[dreg:$0x8] =	wrdreg s20;
	s11 =	sadd.s32 s19, s17  }
0x16: {  	[dreg:$0x9] =	wrdreg s7;
	s21 =	sadd.s32 $0x24900, s3;
	s3 =	sshrl.u32 s24, $0x3  }
0x17: {  	s18 =	sadd.s32 s26, s9;
	s24 =	simm.s32 $0x50;
	s26 =	simm.s32 $0xA780  }
0x18: {  	s13 =	simm.s32 $0x8;
	s11 =	sshrl.u32 s11, $0x3;
	[dreg:$0xb] =	wrdreg s21  }
0x19: {  	s17 =	sadd.s32 s3, s9;
	s21 =	simm.s32 $0xB;
	s0 =	sadd.s32 s0, s11  }
0x1a: {  	s3 =	simm.s32 $0x4;
	[dreg:$0xa] =	wrdreg s0;
	s0 =	sadd.s32 $0x4E2F0, s22  }
0x1b: {  	s11 =	simm.s32 $0x6;
	s22 =	simm.s32 $0x7800;
	s0 =	sshrl.u32 s0, $0x3  }
0x1c: {  	s19 =	sadd.s32 s0, s9;
	s0 =	sshrl.u32 @p0 s1, $0x3;
	s1 =	simm.s32 $0xA880  }
0x1d: {  	s9 =	simm.s32 $0x2;
	[dreg:$0xd] =	wrdreg s0;
	s0 =	simm.s32 $0x5000  }
.LBB2_1:
0x1e: {  	s7 =	rddreg [dreg:$0x4]  }
0x1f: {  	[tilespmem:s25], [sflag:$0xB] =	stream.linear.gather [hbm4b:s7+s4], $0x2710, $0x38;
	[tilespmem:$0x1E180] =	vst v63  }
0x20: {  	_ =	swait.ge [sflag:s21], $0x2710  }
0x21: {  	[sflag:s21] =	ssyncset.done $0x0  }
0x22: {  	[sflag:s21] =	ssyncadd.s32 $0xFFFFD8F0  }
0x23: {  	p1 =	sne.s32 s6, $0x1;
	s20 =	rddreg [dreg:$0x1]  }
0x24: {  	[tilespmem:s22], [sflag:$0xB] =	stream.linear.gather [hbm4b:s20+s4], $0x800, $0x38;
	[tilespmem:$0x1E180] =	vst v63  }
.Ltmp0:
0x25: {  	_ = 	snop;
	(pc) =	sbr.rel @!p1 .LBB2_3-.Ltmp0, $4  }
0x26: {  	_ =	swait.ge [sflag:s21], $0x800  }
0x27: {  	[sflag:s21] =	ssyncset.done $0x0  }
0x28: {  	s16 =	sadd.s32 $0xFFFFFFFF, s6;
	s20 =	smov.u32 s8;
	[sflag:s21] =	ssyncadd.s32 $0xFFFFF800  }
0x29: {  	[spmem:s8] =	stream.linear.scatter [tilespmem:s22], [sflag:$0xA], $0x800, $0x38;
	[tilespmem:$0x1E180] =	vst v63  }
.LBB2_2:
0x2a: {  	p2 =	sne.s32 s16, $0x1  }
.Ltmp1:
0x2b: {  	_ = 	snop;
	(pc) =	sbr.rel @p2 .LBB2_2-.Ltmp1, $3  }
0x2c: {  	_ = 	snop  }
0x2d: {  	s16 =	sadd.s32 $0xFFFFFFFF, s16;
	s20 =	sadd.s32 $0x800, s20;
	_ =	sdelay $0x1  }
0x2e: {  	[spmem:s20] =	stream.linear.scatter [tilespmem:s22], [sflag:$0xA], $0x800, $0x38;
	[tilespmem:$0x1E180] =	vst v63  }
.LBB2_3:
.Ltmp2:
0x2f: {  	(pc) =	sbr.rel @!p1 .LBB2_5-.Ltmp2, $3  }
0x30: {  	_ =	sdelay $0x1  }
0x31: {  	_ =	swait.ge [sflag:s23], $0x800  }
0x32: {  	s16 =	sadd.s32 $0xFFFFFFFF, s6;
	[sflag:s23] =	ssyncset.done $0x0  }
.LBB2_4:
0x33: {  	p1 =	sne.s32 s16, $0x1;
	s16 =	sadd.s32 $0xFFFFFFFF, s16;
	[sflag:s23] =	ssyncadd.s32 $0xFFFFF800  }
.Ltmp3:
0x34: {  	(pc) =	sbr.rel @p1 .LBB2_4-.Ltmp3, $3  }
0x35: {  	_ =	sdelay $0x1  }
0x36: {  	_ =	swait.ge [sflag:s23], $0x800  }
0x37: {  	[sflag:s23] =	ssyncset.done $0x0  }
.LBB2_5:
0x38: {  	[sflag:s23] =	ssyncadd.s32 $0xFFFFF800  }
0x39: {  	s16 =	simm.s32 $0x0;
	[bflag:$0x0] =	sbarrier.arrive $0xFFFF  }
0x3a: {  	[tilespmem:s16], [sflag:$0x4] =	stream.indirect.gather [hbm4b:s5+s24], $0x80, s25, s24, $0xb8;
	[tilespmem:$0x1E180] =	vst v63  }
0x3b: {  	s7 =	rddreg [dreg:$0x5]  }
0x3c: {  	[tilespmem:s26], [sflag:$0x1] =	stream.linear.gather [hbm4b:s7+s16], $0x50, $0x38;
	[tilespmem:$0x1E180] =	vst v63  }
0x3d: {  	s20 =	simm.s32 $0x8050  }
0x3e: {  	[tilespmem:s29], [sflag:$0x5] =	stream.indirect.gather [hbm4b:s5+s24], $0x80, s20, s24, $0xb8;
	[tilespmem:$0x1E180] =	vst v63  }
0x3f: {  	s25 =	rddreg [dreg:$0x6]  }
0x40: {  	[tilespmem:s30], [sflag:$0x2] =	stream.linear.gather [hbm4b:s25+s16], $0x50, $0x38;
	[tilespmem:$0x1E180] =	vst v63  }
0x41: {  	s20 =	simm.s32 $0x80A0  }
0x42: {  	[tilespmem:s0], [sflag:$0x6] =	stream.indirect.gather [hbm4b:s5+s24], $0x80, s20, s24, $0xb8;
	[tilespmem:$0x1E180] =	vst v63  }
0x43: {  	s25 =	rddreg [dreg:$0x7]  }
0x44: {  	[tilespmem:s1], [sflag:$0x3] =	stream.linear.gather [hbm4b:s25+s16], $0x50, $0x38;
	[tilespmem:$0x1E180] =	vst v63  }
0x45: {  	_ =	swait.ge [sflag:s3], $0x2800  }
0x46: {  	[sflag:s3] =	ssyncset.done $0x0  }
0x47: {  	[sflag:s3] =	ssyncadd.s32 $0xFFFFD800  }
0x48: {  	_ =	swait.ge [sflag:s28], $0x50  }
0x49: {  	[sflag:s28] =	ssyncset.done $0x0  }
0x4a: {  	[sflag:s28] =	ssyncadd.s32 $0xFFFFFFB0  }
0x4b: {  	[spmem:s2] =	stream.indirect.scatter.add.f32 [tilespmem:s16], [sflag:$0x7], $0x80, s26, s24, $0xb8;
	[tilespmem:$0x1E180] =	vst v63  }
0x4c: {  	_ =	swait.ge [sflag:s31], $0x2800  }
0x4d: {  	[sflag:s31] =	ssyncset.done $0x0  }
0x4e: {  	[sflag:s31] =	ssyncadd.s32 $0xFFFFD800  }
0x4f: {  	_ =	swait.ge [sflag:s9], $0x50  }
0x50: {  	[sflag:s9] =	ssyncset.done $0x0  }
0x51: {  	[sflag:s9] =	ssyncadd.s32 $0xFFFFFFB0  }
0x52: {  	[spmem:s2] =	stream.indirect.scatter.add.f32 [tilespmem:s29], [sflag:$0x8], $0x80, s30, s24, $0xb8;
	[tilespmem:$0x1E180] =	vst v63  }
0x53: {  	_ =	swait.ge [sflag:s10], $0x2800  }
0x54: {  	[sflag:s10] =	ssyncset.done $0x0  }
0x55: {  	s7 =	simm.s32 $0x80F0;
	[sflag:s10] =	ssyncadd.s32 $0xFFFFD800  }
0x56: {  	[tilespmem:s4], [sflag:$0x4] =	stream.indirect.gather [hbm4b:s5+s24], $0x80, s7, s24, $0xb8;
	[tilespmem:$0x1E180] =	vst v63  }
0x57: {  	s20 =	sadd.s32 $0x0, s19  }
0x58: {  	[tilespmem:s26], [sflag:$0x1] =	stream.linear.gather [hbm4b:s20+s4], $0x50, $0x38;
	[tilespmem:$0x1E180] =	vst v63  }
0x59: {  	_ =	swait.ge [sflag:s11], $0x2800  }
0x5a: {  	[sflag:s11] =	ssyncset.done $0x0  }
0x5b: {  	[sflag:s11] =	ssyncadd.s32 $0xFFFFD800  }
0x5c: {  	_ =	swait.ge [sflag:s12], $0x50  }
0x5d: {  	[sflag:s12] =	ssyncset.done $0x0  }
0x5e: {  	[sflag:s12] =	ssyncadd.s32 $0xFFFFFFB0  }
0x5f: {  	[spmem:s2] =	stream.indirect.scatter.add.f32 [tilespmem:s0], [sflag:$0x9], $0x80, s1, s24, $0xb8;
	[tilespmem:$0x1E180] =	vst v63  }
0x60: {  	_ =	swait.ge [sflag:s13], $0x2800  }
0x61: {  	[sflag:s13] =	ssyncset.done $0x0  }
0x62: {  	s25 =	simm.s32 $0x8140;
	[sflag:s13] =	ssyncadd.s32 $0xFFFFD800  }
0x63: {  	[tilespmem:s29], [sflag:$0x5] =	stream.indirect.gather [hbm4b:s5+s24], $0x80, s25, s24, $0xb8;
	[tilespmem:$0x1E180] =	vst v63  }
0x64: {  	s7 =	sadd.s32 $0x0, s18  }
0x65: {  	[tilespmem:s30], [sflag:$0x2] =	stream.linear.gather [hbm4b:s7+s4], $0x50, $0x38;
	[tilespmem:$0x1E180] =	vst v63  }
0x66: {  	_ =	swait.ge [sflag:s3], $0x2800  }
0x67: {  	[sflag:s3] =	ssyncset.done $0x0  }
0x68: {  	[sflag:s3] =	ssyncadd.s32 $0xFFFFD800  }
0x69: {  	_ =	swait.ge [sflag:s28], $0x50  }
0x6a: {  	[sflag:s28] =	ssyncset.done $0x0  }
0x6b: {  	[sflag:s28] =	ssyncadd.s32 $0xFFFFFFB0  }
0x6c: {  	[spmem:s2] =	stream.indirect.scatter.add.f32 [tilespmem:s4], [sflag:$0x7], $0x80, s26, s24, $0xb8;
	[tilespmem:$0x1E180] =	vst v63  }
0x6d: {  	_ =	swait.ge [sflag:s14], $0x2800  }
0x6e: {  	[sflag:s14] =	ssyncset.done $0x0  }
0x6f: {  	s20 =	simm.s32 $0x8190;
	[sflag:s14] =	ssyncadd.s32 $0xFFFFD800  }
0x70: {  	[tilespmem:s0], [sflag:$0x6] =	stream.indirect.gather [hbm4b:s5+s24], $0x80, s20, s24, $0xb8;
	[tilespmem:$0x1E180] =	vst v63  }
0x71: {  	s25 =	sadd.s32 $0x0, s17  }
0x72: {  	[tilespmem:s1], [sflag:$0x3] =	stream.linear.gather [hbm4b:s25+s4], $0x50, $0x38;
	[tilespmem:$0x1E180] =	vst v63  }
0x73: {  	_ =	swait.ge [sflag:s31], $0x2800  }
0x74: {  	[sflag:s31] =	ssyncset.done $0x0  }
0x75: {  	[sflag:s31] =	ssyncadd.s32 $0xFFFFD800  }
0x76: {  	_ =	swait.ge [sflag:s9], $0x50  }
0x77: {  	[sflag:s9] =	ssyncset.done $0x0  }
0x78: {  	s16 =	simm.s32 $0x1E;
	s20 =	simm.s32 $0x8280;
	[sflag:s9] =	ssyncadd.s32 $0xFFFFFFB0  }
.LBB2_6:
0x79: {  	[spmem:s2] =	stream.indirect.scatter.add.f32 [tilespmem:s29], [sflag:$0x8], $0x80, s30, s24, $0xb8;
	[tilespmem:$0x1E180] =	vst v63  }
0x7a: {  	s25 =	smov.u32 s16  }
0x7b: {  	p1 =	sne.s32 s16, $0x492;
	s16 =	sadd.s32 $0x1E, s16;
	_ =	swait.ge [sflag:s10], $0x2800  }
0x7c: {  	[sflag:s10] =	ssyncset.done $0x0  }
0x7d: {  	s7 =	sadd.s32 $0xFFFFFF60, s20;
	[sflag:s10] =	ssyncadd.s32 $0xFFFFD800  }
0x7e: {  	[tilespmem:s4], [sflag:$0x4] =	stream.indirect.gather [hbm4b:s5+s24], $0x80, s7, s24, $0xb8;
	[tilespmem:$0x1E180] =	vst v63  }
0x7f: {  	s7 =	sadd.s32 s25, s19  }
0x80: {  	[tilespmem:s26], [sflag:$0x1] =	stream.linear.gather [hbm4b:s7+s4], $0x50, $0x38;
	[tilespmem:$0x1E180] =	vst v63  }
0x81: {  	_ =	swait.ge [sflag:s11], $0x2800  }
0x82: {  	[sflag:s11] =	ssyncset.done $0x0  }
0x83: {  	[sflag:s11] =	ssyncadd.s32 $0xFFFFD800  }
0x84: {  	_ =	swait.ge [sflag:s12], $0x50  }
0x85: {  	[sflag:s12] =	ssyncset.done $0x0  }
0x86: {  	[sflag:s12] =	ssyncadd.s32 $0xFFFFFFB0  }
0x87: {  	[spmem:s2] =	stream.indirect.scatter.add.f32 [tilespmem:s0], [sflag:$0x9], $0x80, s1, s24, $0xb8;
	[tilespmem:$0x1E180] =	vst v63  }
0x88: {  	_ =	swait.ge [sflag:s13], $0x2800  }
0x89: {  	[sflag:s13] =	ssyncset.done $0x0  }
0x8a: {  	s7 =	sadd.s32 $0xFFFFFFB0, s20;
	[sflag:s13] =	ssyncadd.s32 $0xFFFFD800  }
0x8b: {  	[tilespmem:s29], [sflag:$0x5] =	stream.indirect.gather [hbm4b:s5+s24], $0x80, s7, s24, $0xb8;
	[tilespmem:$0x1E180] =	vst v63  }
0x8c: {  	s7 =	sadd.s32 s25, s18  }
0x8d: {  	[tilespmem:s30], [sflag:$0x2] =	stream.linear.gather [hbm4b:s7+s4], $0x50, $0x38;
	[tilespmem:$0x1E180] =	vst v63  }
0x8e: {  	_ =	swait.ge [sflag:s3], $0x2800  }
0x8f: {  	[sflag:s3] =	ssyncset.done $0x0  }
0x90: {  	[sflag:s3] =	ssyncadd.s32 $0xFFFFD800  }
0x91: {  	_ =	swait.ge [sflag:s28], $0x50  }
0x92: {  	[sflag:s28] =	ssyncset.done $0x0  }
0x93: {  	[sflag:s28] =	ssyncadd.s32 $0xFFFFFFB0  }
0x94: {  	[spmem:s2] =	stream.indirect.scatter.add.f32 [tilespmem:s4], [sflag:$0x7], $0x80, s26, s24, $0xb8;
	[tilespmem:$0x1E180] =	vst v63  }
0x95: {  	_ =	swait.ge [sflag:s14], $0x2800  }
0x96: {  	[sflag:s14] =	ssyncset.done $0x0  }
0x97: {  	[sflag:s14] =	ssyncadd.s32 $0xFFFFD800  }
0x98: {  	[tilespmem:s0], [sflag:$0x6] =	stream.indirect.gather [hbm4b:s5+s24], $0x80, s20, s24, $0xb8;
	[tilespmem:$0x1E180] =	vst v63  }
0x99: {  	s7 =	sadd.s32 s25, s17  }
0x9a: {  	[tilespmem:s1], [sflag:$0x3] =	stream.linear.gather [hbm4b:s7+s4], $0x50, $0x38;
	[tilespmem:$0x1E180] =	vst v63  }
0x9b: {  	_ =	swait.ge [sflag:s31], $0x2800  }
.Ltmp4:
0x9c: {  	[sflag:s31] =	ssyncset.done $0x0;
	(pc) =	sbr.rel @p1 .LBB2_6-.Ltmp4, $4  }
0x9d: {  	[sflag:s31] =	ssyncadd.s32 $0xFFFFD800  }
0x9e: {  	_ =	swait.ge [sflag:s9], $0x50  }
0x9f: {  	[sflag:s9] =	ssyncset.done $0x0  }
0xa0: {  	s20 =	sadd.s32 $0xF0, s20;
	[sflag:s9] =	ssyncadd.s32 $0xFFFFFFB0  }
0xa1: {  	[spmem:s2] =	stream.indirect.scatter.add.f32 [tilespmem:s29], [sflag:$0x8], $0x80, s30, s24, $0xb8;
	[tilespmem:$0x1E180] =	vst v63  }
0xa2: {  	_ =	swait.ge [sflag:s10], $0x2800  }
0xa3: {  	[sflag:s10] =	ssyncset.done $0x0  }
0xa4: {  	s7 =	simm.s32 $0xA670;
	[sflag:s10] =	ssyncadd.s32 $0xFFFFD800  }
0xa5: {  	[tilespmem:s4], [sflag:$0x4] =	stream.indirect.gather [hbm4b:s5+s24], $0x80, s7, s24, $0xb8;
	[tilespmem:$0x1E180] =	vst v63  }
0xa6: {  	s25 =	rddreg [dreg:$0x8]  }
0xa7: {  	[tilespmem:s26], [sflag:$0x1] =	stream.linear.gather [hbm4b:s25+s4], $0x50, $0x38;
	[tilespmem:$0x1E180] =	vst v63  }
0xa8: {  	_ =	swait.ge [sflag:s11], $0x2800  }
0xa9: {  	[sflag:s11] =	ssyncset.done $0x0  }
0xaa: {  	[sflag:s11] =	ssyncadd.s32 $0xFFFFD800  }
0xab: {  	_ =	swait.ge [sflag:s12], $0x50  }
0xac: {  	[sflag:s12] =	ssyncset.done $0x0  }
0xad: {  	[sflag:s12] =	ssyncadd.s32 $0xFFFFFFB0  }
0xae: {  	[spmem:s2] =	stream.indirect.scatter.add.f32 [tilespmem:s0], [sflag:$0x9], $0x80, s1, s24, $0xb8;
	[tilespmem:$0x1E180] =	vst v63  }
0xaf: {  	_ =	swait.ge [sflag:s13], $0x2800  }
0xb0: {  	[sflag:s13] =	ssyncset.done $0x0  }
0xb1: {  	s16 =	simm.s32 $0xA6C0;
	[sflag:s13] =	ssyncadd.s32 $0xFFFFD800  }
0xb2: {  	[tilespmem:s29], [sflag:$0x5] =	stream.indirect.gather [hbm4b:s5+s24], $0x80, s16, s24, $0xb8;
	[tilespmem:$0x1E180] =	vst v63  }
0xb3: {  	s20 =	rddreg [dreg:$0x9]  }
0xb4: {  	[tilespmem:s30], [sflag:$0x2] =	stream.linear.gather [hbm4b:s20+s4], $0x50, $0x38;
	[tilespmem:$0x1E180] =	vst v63  }
0xb5: {  	_ =	swait.ge [sflag:s3], $0x2800  }
0xb6: {  	[sflag:s3] =	ssyncset.done $0x0  }
0xb7: {  	[sflag:s3] =	ssyncadd.s32 $0xFFFFD800  }
0xb8: {  	_ =	swait.ge [sflag:s28], $0x50  }
0xb9: {  	[sflag:s28] =	ssyncset.done $0x0  }
0xba: {  	[sflag:s28] =	ssyncadd.s32 $0xFFFFFFB0  }
0xbb: {  	[spmem:s2] =	stream.indirect.scatter.add.f32 [tilespmem:s4], [sflag:$0x7], $0x80, s26, s24, $0xb8;
	[tilespmem:$0x1E180] =	vst v63  }
0xbc: {  	_ =	swait.ge [sflag:s31], $0x2800  }
0xbd: {  	[sflag:s31] =	ssyncset.done $0x0  }
0xbe: {  	[sflag:s31] =	ssyncadd.s32 $0xFFFFD800  }
0xbf: {  	_ =	swait.ge [sflag:s9], $0x50  }
0xc0: {  	[sflag:s9] =	ssyncset.done $0x0  }
0xc1: {  	[sflag:s9] =	ssyncadd.s32 $0xFFFFFFB0  }
0xc2: {  	[spmem:s2] =	stream.indirect.scatter.add.f32 [tilespmem:s29], [sflag:$0x8], $0x80, s30, s24, $0xb8;
	[tilespmem:$0x1E180] =	vst v63  }
0xc3: {  	_ =	swait.ge [sflag:s10], $0x2800  }
0xc4: {  	[sflag:s10] =	ssyncset.done $0x0  }
0xc5: {  	[sflag:s10] =	ssyncadd.s32 $0xFFFFD800  }
0xc6: {  	_ =	swait.ge [sflag:s13], $0x2800  }
0xc7: {  	[sflag:s13] =	ssyncset.done $0x0  }
0xc8: {  	[sflag:s13] =	ssyncadd.s32 $0xFFFFD800  }
0xc9: {  	_ =	swait.ge [sflag:s14], $0x2800  }
0xca: {  	[sflag:s14] =	ssyncset.done $0x0  }
0xcb: {  	[sflag:s14] =	ssyncadd.s32 $0xFFFFD800  }
0xcc: {  	[bflag:$0x0] =	sbarrier.arrive $0xFFFF  }
0xcd: {  	s16 =	rddreg [dreg:$0xb]  }
0xce: {  	s7 =	simm.s32 @p0 $0x1FCB;
	s20 =	rddreg [dreg:$0xd]  }
0xcf: {  	[hbm:s16], [sflag:s7] =	dma.local @p0 [spmem:s20], $0x2800  }
0xd0: {  	s7 =	simm.s32 @p0 $0xB  }
0xd1: {  	s16 =	stileid.u32;
	_ =	swait.ge @p0 [sflag:s7], $0x2800  }
0xd2: {  	s16 =	sshll.u32 @!p0 s16, $0x6;
	[sflag:s7] =	ssyncset.done @p0 $0x0;
	s20 =	rddreg [dreg:$0xa]  }
0xd3: {  	[sflag:s7] =	ssyncadd.s32 @p0 $0xFFFFD800;
	s7 =	sor.u32 @!p0 $0x1C0B, s16;
	s16 =	sshrl.u32 @!p0 s8, $0x3  }
0xd4: {  	[hbm:s20], [sflag:s7] =	dma.local @!p0 [spmem:s16], $0x2700  }
0xd5: {  	s7 =	simm.s32 @!p0 $0xB  }
0xd6: {  	_ =	swait.ge @!p0 [sflag:s7], $0x2700  }
0xd7: {  	s15 =	sadd.s32 $0x1, s15;
	s25 =	rddreg [dreg:$0xc]  }
0xd8: {  	p1 =	sne.s32 s15, s25  }
.Ltmp5:
0xd9: {  	_ = 	snop;
	(pc) =	sbr.rel @p1 .LBB2_1-.Ltmp5, $3  }
0xda: {  	_ =	sdelay $0x1  }
0xdb: {  	[sflag:s7] =	ssyncset.done @!p0 $0x0  }
0xdc: {  	[sflag:s7] =	ssyncadd.s32 @!p0 $0xFFFFD900;
	s25 =	simm.s32 $0x8000  }
0xdd: {  	_ =	sfence.sel $0x180000  }
0xde: {  	[bflag:$0x0] =	sbarrier.arrive $0xFFFF  }
0xdf: {  	_ =	strace $0x9000004A  }
0xe0: {  	s0 =	stileid.u32;
	[bflag:$0x2] =	sbarrier.arrive $0xFFFF  }
0xe1: {  	p0 =	sne.s32 s0, $0x0;
	s0 =	rddreg [dreg:$0x3]  }
0xe2: {  	s0 =	sadd.s32 @!p0 $0x100000, s0  }
0xe3: {  	[sflag:s0] =	ssyncadd.tile.s32 @!p0 $0x1;
	_ =	shalt  }
.Lfunc_end2:
_tile_overlayer_lowered:
.L_overlay_start_2:
0xe4: {  	(tag) =	ssettag $0x2  }
0xe5: {  	s0 =	rddreg [dreg:$0x0];
	s2 =	stileid.u32  }
0xe6: {  	s1 =	rddreg [dreg:$0x1];
	p0 =	sne.s32 s2, $0x0  }
0xe7: {  	s3 =	rddreg [dreg:$0x2];
	[bflag:$0x3] =	sbarrier.arrive $0xFFFF;
	s2 =	simm.s32 @!p0 $0x1C0B  }
0xe8: {  	[timem:s3], [sflag:s2] =	dma.local @!p0 [hbm:s0], s1  }
0xe9: {  	s0 =	simm.s32 @!p0 $0xB  }
0xea: {  	_ =	swait.ge @!p0 [sflag:s0], s1  }
0xeb: {  	s1 =	ssub.s32 @!p0 $0x0, s1;
	[sflag:s0] =	ssyncset.done @!p0 $0x0  }
0xec: {  	[sflag:s0] =	ssyncadd.s32 @!p0 s1  }
0xed: {  	[bflag:$0x3] =	sbarrier.arrive $0xFFFF  }
0xee: {  	_ =	shalt  }

// kernel: kernel.16.cloned.1.call-start
scs
__scs_entry_jumppad:
0x0: {  	(pc) =	sbr.rel $0x88, $3  }
0x1: {  	(tag) =	ssettag $0x0;
	lr =	simm.s32 $0x1  }
0x2: {  	[smem:$0x3F98] =	sst lr;
	_ =	strace $0xD0000000  }
0x3: {  	_ = 	snop  }
0x4: {  	_ = 	snop  }
0x5: {  	_ = 	snop  }
0x6: {  	_ = 	snop  }
0x7: {  	_ = 	snop  }
__scs_overlays_trampoline_lowered:
0x8: {  	[smem:$0x3FA7] =	sst s0  }
0x9: {  	[smem:$0x3FA8] =	sst s1  }
0xa: {  	[smem:$0x3FA9] =	sst s2  }
0xb: {  	[smem:$0x3FAA] =	sst s3  }
0xc: {  	[smem:$0x3FAB] =	sst s4  }
0xd: {  	[smem:$0x3FAC] =	sst s5  }
0xe: {  	[smem:$0x3FAD] =	sst s6  }
0xf: {  	[smem:$0x3FAE] =	sst s7  }
0x10: {  	[smem:$0x3FAF] =	sst s8  }
0x11: {  	[smem:$0x3FB0] =	sst s9;
	s0 =	simm.s32 @!p0 $0x0  }
0x12: {  	s1 =	sld [smem:$0x3F96];
	s0 =	simm.s32 @p0 $0x1  }
0x13: {  	[smem:$0x3FB1] =	sst s0;
	s0 =	simm.s32 @!p1 $0x0  }
0x14: {  	s2 =	sld [smem:$0x3F95];
	s0 =	simm.s32 @p1 $0x1  }
0x15: {  	[smem:$0x3FB2] =	sst s0;
	s0 =	simm.s32 @!p2 $0x0  }
0x16: {  	s3 =	sld [smem:$0x3FDB];
	s0 =	simm.s32 @p2 $0x1  }
0x17: {  	s4 =	simm.s32 $0x1BF5;
	[smem:$0x3FB4] =	sst s0  }
0x18: {  	s0 =	sld [smem:$0x3F97];
	_ =	swait.ge [sflag:s4], $0x0  }
0x19: {  	s7 =	sld [smem:$0x3F98]  }
0x1a: {  	s8 =	sadd.s32 $0xFFFFE003, lr  }
0x1b: {  	s9 =	sadd.s32 $0xFFFFFEF7, lr;
	s5 =	simm.s32 $0xFFFFFFFF;
	p2 =	slt.u32 s8, $0xFFFFF086  }
0x1c: {  	p1 =	slt.u32 s9, $0xF7A;
	s5 =	simm.s32 @!p2 $0x0  }
0x1d: {  	s5 =	simm.s32 @p1 $0x1;
	p0 =	seq.s32 s7, s2  }
0x1e: {  	s7 =	smul.u32 @!p0 $0xF7A, s2;
	p2 =	seq.s32 @!p0 s5, $0x0  }
0x1f: {  	s9 =	smul.u32 $0xF7A, s1;
	s8 =	simm.s32 @!p0 $0x1BF5;
	p2 =	por !p2, p0  }
0x20: {  	[sflag:s8] =	ssyncset.s32 @!p0 $0xFFFFF086;
	s6 =	sadd.s32 @!p0 s3, s7;
	s7 =	simm.s32 @!p0 $0x108  }
0x21: {  	s3 =	sadd.s32 s3, s9;
	s6 =	sadd.s32 @!p0 $0x88, s6;
	s7 =	simm.s32 @p2 $0x1082  }
0x22: {  	[simem:s7], [sflag:s8] =	dma.local @!p0 [hbm:s6], $0xF7A  }
0x23: {  	s9 =	sor.u32 $0xD0000000, s2;
	s6 =	simm.s32 $0x108;
	_ =	swait.ge @!p0 [sflag:s8], $0x0  }
0x24: {  	s3 =	sadd.s32 $0x88, s3;
	s6 =	simm.s32 @!p1 $0x1082;
	[sflag:s4] =	ssyncset.s32 $0xFFFFF086  }
0x25: {  	[simem:s6], [sflag:s4] =	dma.local [hbm:s3], $0xF7A  }
0x26: {  	[smem:$0x3F98] =	sst s1;
	(tag) =	ssettag s2;
	_ =	strace s9  }
0x27: {  	s1 =	sld [smem:$0x3FA8]  }
0x28: {  	s2 =	sld [smem:$0x3FA9]  }
0x29: {  	s4 =	sld [smem:$0x3FAB]  }
0x2a: {  	p0 =	seq.s32 s5, $0x0;
	s5 =	sld [smem:$0x3FAC]  }
0x2b: {  	s6 =	sld [smem:$0x3FAD]  }
0x2c: {  	s7 =	sld [smem:$0x3FAE]  }
0x2d: {  	s3 =	simm.s32 $0x108;
	s8 =	sld [smem:$0x3FAF]  }
0x2e: {  	s3 =	simm.s32 @!p0 $0x1082;
	s9 =	sld [smem:$0x3FB0]  }
0x2f: {  	lr =	sadd.s32 s0, s3;
	s0 =	sld [smem:$0x3FA7]  }
0x30: {  	s3 =	sld [smem:$0x3FAA]  }
0x31: {  	[smem:$0x3FB3] =	sst s10  }
0x32: {  	s10 =	sld [smem:$0x3FB1];
	_ =	sdelay $0x3  }
0x33: {  	p0 =	seq.s32 s10, $0x1;
	s10 =	sld [smem:$0x3FB3];
	_ =	sdelay $0x3  }
0x34: {  	[smem:$0x3FB3] =	sst s10  }
0x35: {  	s10 =	sld [smem:$0x3FB2];
	_ =	sdelay $0x3  }
0x36: {  	p1 =	seq.s32 s10, $0x1;
	s10 =	sld [smem:$0x3FB3];
	_ =	sdelay $0x3  }
0x37: {  	[smem:$0x3FB3] =	sst s10  }
0x38: {  	s10 =	sld [smem:$0x3FB4]  }
0x39: {  	_ = 	snop;
	(pc) =	sbr.ind lr, $3  }
0x3a: {  	_ = 	snop  }
0x3b: {  	_ = 	snop  }
0x3c: {  	p2 =	seq.s32 s10, $0x1;
	s10 =	sld [smem:$0x3FB3]  }
0x3d: {  	_ =	shalt  }
0x3e: {  	_ =	shalt  }
0x3f: {  	_ =	shalt  }
0x40: {  	_ =	shalt  }
0x41: {  	_ =	shalt  }
0x42: {  	_ =	shalt  }
0x43: {  	_ =	shalt  }
0x44: {  	_ =	shalt  }
0x45: {  	_ =	shalt  }
0x46: {  	_ =	shalt  }
0x47: {  	_ =	shalt  }
0x48: {  	_ =	shalt  }
0x49: {  	_ =	shalt  }
0x4a: {  	_ =	shalt  }
0x4b: {  	_ =	shalt  }
0x4c: {  	_ =	shalt  }
0x4d: {  	_ =	shalt  }
0x4e: {  	_ =	shalt  }
0x4f: {  	_ =	shalt  }
0x50: {  	_ =	shalt  }
0x51: {  	_ =	shalt  }
0x52: {  	_ =	shalt  }
0x53: {  	_ =	shalt  }
0x54: {  	_ =	shalt  }
0x55: {  	_ =	shalt  }
0x56: {  	_ =	shalt  }
0x57: {  	_ =	shalt  }
0x58: {  	_ =	shalt  }
0x59: {  	_ =	shalt  }
0x5a: {  	_ =	shalt  }
0x5b: {  	_ =	shalt  }
0x5c: {  	_ =	shalt  }
0x5d: {  	_ =	shalt  }
0x5e: {  	_ =	shalt  }
0x5f: {  	_ =	shalt  }
0x60: {  	_ =	shalt  }
0x61: {  	_ =	shalt  }
0x62: {  	_ =	shalt  }
0x63: {  	_ =	shalt  }
0x64: {  	_ =	shalt  }
0x65: {  	_ =	shalt  }
0x66: {  	_ =	shalt  }
0x67: {  	_ =	shalt  }
0x68: {  	_ =	shalt  }
0x69: {  	_ =	shalt  }
0x6a: {  	_ =	shalt  }
0x6b: {  	_ =	shalt  }
0x6c: {  	_ =	shalt  }
0x6d: {  	_ =	shalt  }
0x6e: {  	_ =	shalt  }
0x6f: {  	_ =	shalt  }
0x70: {  	_ =	shalt  }
0x71: {  	_ =	shalt  }
0x72: {  	_ =	shalt  }
0x73: {  	_ =	shalt  }
0x74: {  	_ =	shalt  }
0x75: {  	_ =	shalt  }
0x76: {  	_ =	shalt  }
0x77: {  	_ =	shalt  }
0x78: {  	_ =	shalt  }
0x79: {  	_ =	shalt  }
0x7a: {  	_ =	shalt  }
0x7b: {  	_ =	shalt  }
0x7c: {  	_ =	shalt  }
0x7d: {  	_ =	shalt  }
0x7e: {  	_ =	shalt  }
0x7f: {  	_ =	shalt  }
0x80: {  	_ =	shalt  }
0x81: {  	_ =	shalt  }
0x82: {  	_ =	shalt  }
0x83: {  	_ =	shalt  }
0x84: {  	_ =	shalt  }
0x85: {  	_ =	shalt  }
0x86: {  	_ =	shalt  }
0x87: {  	_ =	shalt  }
.Lfunc_end0:
.L_simem_size_0:
called_computation.2_lowered:
.L_overlay_start_0:
0x88: {  	s2 =	sld [smem:$0x3FD9]  }
0x89: {  	s3 =	sld [smem:$0x3FFE];
	_ =	sdelay $0x1  }
0x8a: {  	s1 =	srdreg.scid  }
0x8b: {  	s0 =	sand.u32 $0x1, s1  }
0x8c: {  	s17 =	sshll.u32 s0, $0xA;
	s2 =	sadd.s32 s3, s2  }
0x8d: {  	s2 =	sadd.s32 s2, s17  }
0x8e: {  	[smem:$0x3FBF] =	sst s2  }
0x8f: {  	_ = 	snop  }
0x90: {  	s2 =	sld [smem:$0x3FD0];
	(tm) =	ssettm $0x1  }
0x91: {  	s18 =	sld [smem:$0x3FFB];
	_ =	sdelay $0x3  }
0x92: {  	_ =	strace s18  }
0x93: {  	s3 =	sld [smem:$0x3FFC];
	_ =	sdelay $0x3  }
0x94: {  	_ =	strace s3  }
0x95: {  	s3 =	sld [smem:$0x3FFD];
	_ =	sdelay $0x3  }
0x96: {  	_ =	strace s3  }
0x97: {  	_ =	strace $0x8FFFFFFF  }
0x98: {  	s19 =	sld [smem:$0x3FDB];
	_ =	sdelay $0x1  }
0x99: {  	s4 =	simm.s32 $_scs_section_size  }
0x9a: {  	s5 =	simm.s32 $_size__tile_overlayer_lowered;
	s6 =	simm.s32 $_tile_overlayer_lowered  }
0x9b: {  	s22 =	simm.s32 $0x1BFF;
	s21 =	sshll.u32 s6, $0x1;
	s3 =	sadd.s32 s4, s19  }
0x9c: {  	s7 =	simm.s32 $0x0;
	s20 =	sshll.u32 s5, $0x1;
	s5 =	sadd.s32 s21, s3  }
0x9d: {  	[timem:s7], [sflag:s22] =	dma.local [hbm:s5], s20  }
0x9e: {  	_ =	swait.ge [sflag:s22], s20  }
0x9f: {  	s4 =	ssub.s32 $0x0, s20;
	[sflag:s22] =	ssyncset.done $0x0  }
0xa0: {  	[sflag:s22] =	ssyncadd.s32 s4;
	_ =	sdelay $0x1  }
0xa1: {  	s23 =	simm.s32 $0x1B8B  }
0xa2: {  	_ =	swait.ge [sflag:s23], $0x1  }
0xa3: {  	[sflag:s23] =	ssyncset.done $0x0  }
0xa4: {  	s25 =	simm.s32 $0x1B8E;
	s24 =	sld [smem:$0x3FFE];
	[sflag:s23] =	ssyncadd.s32 $0xFFFFFFFF  }
0xa5: {  	s26 =	simm.s32 $execute0_lowered;
	[smem:$0x3FD2] =	sst s25  }
0xa6: {  	s5 =	sshll.u32 s26, $0x1;
	_ =	strace $0x8000004C;
	[dreg:$0x1] =	wrdreg $0xFFFFFFFF  }
0xa7: {  	s28 =	simm.s32 $_size_execute0_lowered;
	s3 =	sadd.s32 s3, s5;
	[dreg:$0x0] =	wrdreg $0x0  }
0xa8: {  	s5 =	sshll.u32 s28, $0x1;
	[dreg:$0x2] =	wrdreg s3  }
0xa9: {  	[dreg:$0x3] =	wrdreg s5  }
0xaa: {  	[dreg:$0x4] =	wrdreg $0xC0  }
0xab: {  	_ =	task [dreg:s7], $0x5FFFF  }
0xac: {  	[dreg:$0x1] =	wrdreg $0xFFFFFFFF  }
0xad: {  	[dreg:$0x0] =	wrdreg $0x60  }
0xae: {  	[dreg:$0x2] =	wrdreg s24  }
0xaf: {  	[dreg:$0x3] =	wrdreg s2  }
0xb0: {  	[dreg:$0x4] =	wrdreg $0xA9000  }
0xb1: {  	[dreg:$0x5] =	wrdreg $0x9  }
0xb2: {  	_ =	task.clear_ibuf [dreg:s7], $0x6FFFF;
	_ =	strace $0x9000004C  }
0xb3: {  	s29 =	simm.s32 $0x9;
	_ =	strace $0x8000004E  }
0xb4: {  	_ =	swait.ge [sflag:s29], $0x1  }
0xb5: {  	[sflag:s29] =	ssyncadd.s32 $0xFFFFFFFF  }
0xb6: {  	_ =	strace $0x9000004E  }
0xb7: {  	_ =	sfence  }
0xb8: {  	s30 =	sld [smem:$0x0];
	_ =	sdelay $0x2  }
0xb9: {  	s31 =	sshll.u32 s1, $0xD;
	s1 =	sshrl.u32 s1, $0x2  }
0xba: {  	s3 =	sand.u32 $0x4000, s31;
	s1 =	sadd.s32 s1, s30  }
0xbb: {  	s0 =	sor.u32 s3, s0;
	s1 =	sshll.u32 s1, $0x11  }
0xbc: {  	s0 =	sor.u32 s1, s0  }
0xbd: {  	s0 =	sadd.s32 $0x8F2B, s0  }
0xbe: {  	[sflag:s0] =	ssyncadd.remote.s32 $0x1  }
0xbf: {  	_ =	sfence.sel $0xFFFF  }
0xc0: {  	[dreg:$0x0] =	wrdreg $0xFFFFFFFF;
	(pc) =	sbr.abs _section_cstart, $3  }
0xc1: {  	[dreg:$0x1] =	wrdreg $0xFFFFFFFF  }
0xc2: {  	_ =	task.clear_ibuf [dreg:s7], $0x2FFFF;
	_ =	strace $0x9FFFFFFF  }
0xc3: {  	(tm) =	ssettm $0x7FFFFFFF  }
tec
execute0_lowered:
.L_overlay_start_1:
0x0: {  	(tag) =	ssettag $0x1  }
0x1: {  	s0 =	rddreg [dreg:$0x0]  }
0x2: {  	s2 =	rddreg [dreg:$0x2]  }
0x3: {  	s1 =	srdreg.scid;
	s4 =	simm.s32 $0x0;
	s12 =	stileid.u32  }
0x4: {  	s29 =	simm.s32 $0x2800;
	s30 =	simm.s32 $0xA800;
	s28 =	simm.s32 $0x1  }
0x5: {  	s31 =	simm.s32 $0x5;
	s14 =	simm.s32 $0x9;
	s15 =	simm.s32 $0x0  }
0x6: {  	s1 =	sand.u32 $0x1, s1;
	[smem:$0x7FF] =	sst s4;
	s8 =	smul.u32 $0x4E000, s12  }
0x7: {  	s9 =	sadd.s32 $0x5800, s0;
	s5 =	sadd.s32 $0x67600, s0;
	s19 =	smul.u32 $0x13800, s12  }
0x8: {  	s0 =	sadd.s32 $0x8E800, s0;
	p0 =	seq.s32 s12, $0xF;
	s17 =	smul.u32 $0x138800, s1  }
0x9: {  	s3 =	sshll.u32 s1, $0x4;
	s6 =	ssub.s32 $0x2, s1;
	s1 =	smul.u32 $0x27100, s1  }
0xa: {  	_ =	strace $0x8000004D;
	s3 =	sor.u32 s12, s3;
	s12 =	smul.u32 $0x2710, s12  }
0xb: {  	s7 =	sshrl.u32 s6, $0x1;
	s8 =	sshrl.u32 s8, $0x2;
	s3 =	smul.u32 $0x2710, s3  }
0xc: {  	s10 =	ssub.s32 s6, s7;
	s6 =	simm.s32 $0x28;
	s8 =	sadd.s32 s8, s2  }
0xd: {  	s6 =	simm.s32 @!p0 $0x27;
	s22 =	sadd.s32 s12, s1;
	s1 =	sadd.s32 $0x124800, s2  }
0xe: {  	s23 =	smax.u32 s10, $0x1;
	s10 =	simm.s32 $0x7;
	s12 =	simm.s32 $0x3  }
0xf: {  	s3 =	sshrl.u32 s3, $0x3;
	[dreg:$0xc] =	wrdreg s23;
	s24 =	sadd.s32 $0x4E390, s22  }
0x10: {  	s25 =	sadd.s32 $0x4E340, s22;
	s23 =	simm.s32 $0xA;
	s16 =	sadd.s32 s9, s3  }
0x11: {  	s3 =	sshrl.u32 s17, $0x3;
	s11 =	sadd.s32 $0x9C40, s16;
	[dreg:$0x4] =	wrdreg s16  }
0x12: {  	s26 =	sshrl.u32 s25, $0x3;
	s18 =	sadd.s32 $0x9C4A, s16;
	[dreg:$0x5] =	wrdreg s11  }
0x13: {  	s25 =	simm.s32 $0x8000;
	s13 =	sadd.s32 $0x9C54, s16;
	[dreg:$0x6] =	wrdreg s18  }
0x14: {  	s20 =	sadd.s32 $0xA10E, s16;
	s7 =	sadd.s32 $0xA118, s16;
	[dreg:$0x7] =	wrdreg s13  }
0x15: {  	s3 =	sadd.s32 s0, s3;
	[dreg:$0x8] =	wrdreg s20;
	s11 =	sadd.s32 s19, s17  }
0x16: {  	[dreg:$0x9] =	wrdreg s7;
	s21 =	sadd.s32 $0x24900, s3;
	s3 =	sshrl.u32 s24, $0x3  }
0x17: {  	s18 =	sadd.s32 s26, s9;
	s24 =	simm.s32 $0x50;
	s26 =	simm.s32 $0xA780  }
0x18: {  	s13 =	simm.s32 $0x8;
	s11 =	sshrl.u32 s11, $0x3;
	[dreg:$0xb] =	wrdreg s21  }
0x19: {  	s17 =	sadd.s32 s3, s9;
	s21 =	simm.s32 $0xB;
	s0 =	sadd.s32 s0, s11  }
0x1a: {  	s3 =	simm.s32 $0x4;
	[dreg:$0xa] =	wrdreg s0;
	s0 =	sadd.s32 $0x4E2F0, s22  }
0x1b: {  	s11 =	simm.s32 $0x6;
	s22 =	simm.s32 $0x7800;
	s0 =	sshrl.u32 s0, $0x3  }
0x1c: {  	s19 =	sadd.s32 s0, s9;
	s0 =	sshrl.u32 @p0 s1, $0x3;
	s1 =	simm.s32 $0xA880  }
0x1d: {  	s9 =	simm.s32 $0x2;
	[dreg:$0xd] =	wrdreg s0;
	s0 =	simm.s32 $0x5000  }
.LBB2_1:
0x1e: {  	s7 =	rddreg [dreg:$0x4]  }
0x1f: {  	[tilespmem:s25], [sflag:$0xB] =	stream.linear.gather [hbm4b:s7+s4], $0x2710, $0x38;
	[tilespmem:$0x1E180] =	vst v63  }
0x20: {  	_ =	swait.ge [sflag:s21], $0x2710  }
0x21: {  	[sflag:s21] =	ssyncset.done $0x0  }
0x22: {  	[sflag:s21] =	ssyncadd.s32 $0xFFFFD8F0  }
0x23: {  	p1 =	sne.s32 s6, $0x1;
	s20 =	rddreg [dreg:$0x1]  }
0x24: {  	[tilespmem:s22], [sflag:$0xB] =	stream.linear.gather [hbm4b:s20+s4], $0x800, $0x38;
	[tilespmem:$0x1E180] =	vst v63  }
.Ltmp0:
0x25: {  	_ = 	snop;
	(pc) =	sbr.rel @!p1 .LBB2_3-.Ltmp0, $4  }
0x26: {  	_ =	swait.ge [sflag:s21], $0x800  }
0x27: {  	[sflag:s21] =	ssyncset.done $0x0  }
0x28: {  	s16 =	sadd.s32 $0xFFFFFFFF, s6;
	s20 =	smov.u32 s8;
	[sflag:s21] =	ssyncadd.s32 $0xFFFFF800  }
0x29: {  	[spmem:s8] =	stream.linear.scatter [tilespmem:s22], [sflag:$0xA], $0x800, $0x38;
	[tilespmem:$0x1E180] =	vst v63  }
.LBB2_2:
0x2a: {  	p2 =	sne.s32 s16, $0x1  }
.Ltmp1:
0x2b: {  	_ = 	snop;
	(pc) =	sbr.rel @p2 .LBB2_2-.Ltmp1, $3  }
0x2c: {  	_ = 	snop  }
0x2d: {  	s16 =	sadd.s32 $0xFFFFFFFF, s16;
	s20 =	sadd.s32 $0x800, s20;
	_ =	sdelay $0x1  }
0x2e: {  	[spmem:s20] =	stream.linear.scatter [tilespmem:s22], [sflag:$0xA], $0x800, $0x38;
	[tilespmem:$0x1E180] =	vst v63  }
.LBB2_3:
.Ltmp2:
0x2f: {  	(pc) =	sbr.rel @!p1 .LBB2_5-.Ltmp2, $3  }
0x30: {  	_ =	sdelay $0x1  }
0x31: {  	_ =	swait.ge [sflag:s23], $0x800  }
0x32: {  	s16 =	sadd.s32 $0xFFFFFFFF, s6;
	[sflag:s23] =	ssyncset.done $0x0  }
.LBB2_4:
0x33: {  	p1 =	sne.s32 s16, $0x1;
	s16 =	sadd.s32 $0xFFFFFFFF, s16;
	[sflag:s23] =	ssyncadd.s32 $0xFFFFF800  }
.Ltmp3:
0x34: {  	(pc) =	sbr.rel @p1 .LBB2_4-.Ltmp3, $3  }
0x35: {  	_ =	sdelay $0x1  }
0x36: {  	_ =	swait.ge [sflag:s23], $0x800  }
0x37: {  	[sflag:s23] =	ssyncset.done $0x0  }
.LBB2_5:
0x38: {  	[sflag:s23] =	ssyncadd.s32 $0xFFFFF800  }
0x39: {  	s16 =	simm.s32 $0x0;
	[bflag:$0x0] =	sbarrier.arrive $0xFFFF  }
0x3a: {  	[tilespmem:s16], [sflag:$0x4] =	stream.indirect.gather [hbm4b:s5+s24], $0x80, s25, s24, $0xb8;
	[tilespmem:$0x1E180] =	vst v63  }
0x3b: {  	s7 =	rddreg [dreg:$0x5]  }
0x3c: {  	[tilespmem:s26], [sflag:$0x1] =	stream.linear.gather [hbm4b:s7+s16], $0x50, $0x38;
	[tilespmem:$0x1E180] =	vst v63  }
0x3d: {  	s20 =	simm.s32 $0x8050  }
0x3e: {  	[tilespmem:s29], [sflag:$0x5] =	stream.indirect.gather [hbm4b:s5+s24], $0x80, s20, s24, $0xb8;
	[tilespmem:$0x1E180] =	vst v63  }
0x3f: {  	s25 =	rddreg [dreg:$0x6]  }
0x40: {  	[tilespmem:s30], [sflag:$0x2] =	stream.linear.gather [hbm4b:s25+s16], $0x50, $0x38;
	[tilespmem:$0x1E180] =	vst v63  }
0x41: {  	s20 =	simm.s32 $0x80A0  }
0x42: {  	[tilespmem:s0], [sflag:$0x6] =	stream.indirect.gather [hbm4b:s5+s24], $0x80, s20, s24, $0xb8;
	[tilespmem:$0x1E180] =	vst v63  }
0x43: {  	s25 =	rddreg [dreg:$0x7]  }
0x44: {  	[tilespmem:s1], [sflag:$0x3] =	stream.linear.gather [hbm4b:s25+s16], $0x50, $0x38;
	[tilespmem:$0x1E180] =	vst v63  }
0x45: {  	_ =	swait.ge [sflag:s3], $0x2800  }
0x46: {  	[sflag:s3] =	ssyncset.done $0x0  }
0x47: {  	[sflag:s3] =	ssyncadd.s32 $0xFFFFD800  }
0x48: {  	_ =	swait.ge [sflag:s28], $0x50  }
0x49: {  	[sflag:s28] =	ssyncset.done $0x0  }
0x4a: {  	[sflag:s28] =	ssyncadd.s32 $0xFFFFFFB0  }
0x4b: {  	[spmem:s2] =	stream.indirect.scatter.add.f32 [tilespmem:s16], [sflag:$0x7], $0x80, s26, s24, $0xb8;
	[tilespmem:$0x1E180] =	vst v63  }
0x4c: {  	_ =	swait.ge [sflag:s31], $0x2800  }
0x4d: {  	[sflag:s31] =	ssyncset.done $0x0  }
0x4e: {  	[sflag:s31] =	ssyncadd.s32 $0xFFFFD800  }
0x4f: {  	_ =	swait.ge [sflag:s9], $0x50  }
0x50: {  	[sflag:s9] =	ssyncset.done $0x0  }
0x51: {  	[sflag:s9] =	ssyncadd.s32 $0xFFFFFFB0  }
0x52: {  	[spmem:s2] =	stream.indirect.scatter.add.f32 [tilespmem:s29], [sflag:$0x8], $0x80, s30, s24, $0xb8;
	[tilespmem:$0x1E180] =	vst v63  }
0x53: {  	_ =	swait.ge [sflag:s10], $0x2800  }
0x54: {  	[sflag:s10] =	ssyncset.done $0x0  }
0x55: {  	s7 =	simm.s32 $0x80F0;
	[sflag:s10] =	ssyncadd.s32 $0xFFFFD800  }
0x56: {  	[tilespmem:s4], [sflag:$0x4] =	stream.indirect.gather [hbm4b:s5+s24], $0x80, s7, s24, $0xb8;
	[tilespmem:$0x1E180] =	vst v63  }
0x57: {  	s20 =	sadd.s32 $0x0, s19  }
0x58: {  	[tilespmem:s26], [sflag:$0x1] =	stream.linear.gather [hbm4b:s20+s4], $0x50, $0x38;
	[tilespmem:$0x1E180] =	vst v63  }
0x59: {  	_ =	swait.ge [sflag:s11], $0x2800  }
0x5a: {  	[sflag:s11] =	ssyncset.done $0x0  }
0x5b: {  	[sflag:s11] =	ssyncadd.s32 $0xFFFFD800  }
0x5c: {  	_ =	swait.ge [sflag:s12], $0x50  }
0x5d: {  	[sflag:s12] =	ssyncset.done $0x0  }
0x5e: {  	[sflag:s12] =	ssyncadd.s32 $0xFFFFFFB0  }
0x5f: {  	[spmem:s2] =	stream.indirect.scatter.add.f32 [tilespmem:s0], [sflag:$0x9], $0x80, s1, s24, $0xb8;
	[tilespmem:$0x1E180] =	vst v63  }
0x60: {  	_ =	swait.ge [sflag:s13], $0x2800  }
0x61: {  	[sflag:s13] =	ssyncset.done $0x0  }
0x62: {  	s25 =	simm.s32 $0x8140;
	[sflag:s13] =	ssyncadd.s32 $0xFFFFD800  }
0x63: {  	[tilespmem:s29], [sflag:$0x5] =	stream.indirect.gather [hbm4b:s5+s24], $0x80, s25, s24, $0xb8;
	[tilespmem:$0x1E180] =	vst v63  }
0x64: {  	s7 =	sadd.s32 $0x0, s18  }
0x65: {  	[tilespmem:s30], [sflag:$0x2] =	stream.linear.gather [hbm4b:s7+s4], $0x50, $0x38;
	[tilespmem:$0x1E180] =	vst v63  }
0x66: {  	_ =	swait.ge [sflag:s3], $0x2800  }
0x67: {  	[sflag:s3] =	ssyncset.done $0x0  }
0x68: {  	[sflag:s3] =	ssyncadd.s32 $0xFFFFD800  }
0x69: {  	_ =	swait.ge [sflag:s28], $0x50  }
0x6a: {  	[sflag:s28] =	ssyncset.done $0x0  }
0x6b: {  	[sflag:s28] =	ssyncadd.s32 $0xFFFFFFB0  }
0x6c: {  	[spmem:s2] =	stream.indirect.scatter.add.f32 [tilespmem:s4], [sflag:$0x7], $0x80, s26, s24, $0xb8;
	[tilespmem:$0x1E180] =	vst v63  }
0x6d: {  	_ =	swait.ge [sflag:s14], $0x2800  }
0x6e: {  	[sflag:s14] =	ssyncset.done $0x0  }
0x6f: {  	s20 =	simm.s32 $0x8190;
	[sflag:s14] =	ssyncadd.s32 $0xFFFFD800  }
0x70: {  	[tilespmem:s0], [sflag:$0x6] =	stream.indirect.gather [hbm4b:s5+s24], $0x80, s20, s24, $0xb8;
	[tilespmem:$0x1E180] =	vst v63  }
0x71: {  	s25 =	sadd.s32 $0x0, s17  }
0x72: {  	[tilespmem:s1], [sflag:$0x3] =	stream.linear.gather [hbm4b:s25+s4], $0x50, $0x38;
	[tilespmem:$0x1E180] =	vst v63  }
0x73: {  	_ =	swait.ge [sflag:s31], $0x2800  }
0x74: {  	[sflag:s31] =	ssyncset.done $0x0  }
0x75: {  	[sflag:s31] =	ssyncadd.s32 $0xFFFFD800  }
0x76: {  	_ =	swait.ge [sflag:s9], $0x50  }
0x77: {  	[sflag:s9] =	ssyncset.done $0x0  }
0x78: {  	s16 =	simm.s32 $0x1E;
	s20 =	simm.s32 $0x8280;
	[sflag:s9] =	ssyncadd.s32 $0xFFFFFFB0  }
.LBB2_6:
0x79: {  	[spmem:s2] =	stream.indirect.scatter.add.f32 [tilespmem:s29], [sflag:$0x8], $0x80, s30, s24, $0xb8;
	[tilespmem:$0x1E180] =	vst v63  }
0x7a: {  	s25 =	smov.u32 s16  }
0x7b: {  	p1 =	sne.s32 s16, $0x492;
	s16 =	sadd.s32 $0x1E, s16;
	_ =	swait.ge [sflag:s10], $0x2800  }
0x7c: {  	[sflag:s10] =	ssyncset.done $0x0  }
0x7d: {  	s7 =	sadd.s32 $0xFFFFFF60, s20;
	[sflag:s10] =	ssyncadd.s32 $0xFFFFD800  }
0x7e: {  	[tilespmem:s4], [sflag:$0x4] =	stream.indirect.gather [hbm4b:s5+s24], $0x80, s7, s24, $0xb8;
	[tilespmem:$0x1E180] =	vst v63  }
0x7f: {  	s7 =	sadd.s32 s25, s19  }
0x80: {  	[tilespmem:s26], [sflag:$0x1] =	stream.linear.gather [hbm4b:s7+s4], $0x50, $0x38;
	[tilespmem:$0x1E180] =	vst v63  }
0x81: {  	_ =	swait.ge [sflag:s11], $0x2800  }
0x82: {  	[sflag:s11] =	ssyncset.done $0x0  }
0x83: {  	[sflag:s11] =	ssyncadd.s32 $0xFFFFD800  }
0x84: {  	_ =	swait.ge [sflag:s12], $0x50  }
0x85: {  	[sflag:s12] =	ssyncset.done $0x0  }
0x86: {  	[sflag:s12] =	ssyncadd.s32 $0xFFFFFFB0  }
0x87: {  	[spmem:s2] =	stream.indirect.scatter.add.f32 [tilespmem:s0], [sflag:$0x9], $0x80, s1, s24, $0xb8;
	[tilespmem:$0x1E180] =	vst v63  }
0x88: {  	_ =	swait.ge [sflag:s13], $0x2800  }
0x89: {  	[sflag:s13] =	ssyncset.done $0x0  }
0x8a: {  	s7 =	sadd.s32 $0xFFFFFFB0, s20;
	[sflag:s13] =	ssyncadd.s32 $0xFFFFD800  }
0x8b: {  	[tilespmem:s29], [sflag:$0x5] =	stream.indirect.gather [hbm4b:s5+s24], $0x80, s7, s24, $0xb8;
	[tilespmem:$0x1E180] =	vst v63  }
0x8c: {  	s7 =	sadd.s32 s25, s18  }
0x8d: {  	[tilespmem:s30], [sflag:$0x2] =	stream.linear.gather [hbm4b:s7+s4], $0x50, $0x38;
	[tilespmem:$0x1E180] =	vst v63  }
0x8e: {  	_ =	swait.ge [sflag:s3], $0x2800  }
0x8f: {  	[sflag:s3] =	ssyncset.done $0x0  }
0x90: {  	[sflag:s3] =	ssyncadd.s32 $0xFFFFD800  }
0x91: {  	_ =	swait.ge [sflag:s28], $0x50  }
0x92: {  	[sflag:s28] =	ssyncset.done $0x0  }
0x93: {  	[sflag:s28] =	ssyncadd.s32 $0xFFFFFFB0  }
0x94: {  	[spmem:s2] =	stream.indirect.scatter.add.f32 [tilespmem:s4], [sflag:$0x7], $0x80, s26, s24, $0xb8;
	[tilespmem:$0x1E180] =	vst v63  }
0x95: {  	_ =	swait.ge [sflag:s14], $0x2800  }
0x96: {  	[sflag:s14] =	ssyncset.done $0x0  }
0x97: {  	[sflag:s14] =	ssyncadd.s32 $0xFFFFD800  }
0x98: {  	[tilespmem:s0], [sflag:$0x6] =	stream.indirect.gather [hbm4b:s5+s24], $0x80, s20, s24, $0xb8;
	[tilespmem:$0x1E180] =	vst v63  }
0x99: {  	s7 =	sadd.s32 s25, s17  }
0x9a: {  	[tilespmem:s1], [sflag:$0x3] =	stream.linear.gather [hbm4b:s7+s4], $0x50, $0x38;
	[tilespmem:$0x1E180] =	vst v63  }
0x9b: {  	_ =	swait.ge [sflag:s31], $0x2800  }
.Ltmp4:
0x9c: {  	[sflag:s31] =	ssyncset.done $0x0;
	(pc) =	sbr.rel @p1 .LBB2_6-.Ltmp4, $4  }
0x9d: {  	[sflag:s31] =	ssyncadd.s32 $0xFFFFD800  }
0x9e: {  	_ =	swait.ge [sflag:s9], $0x50  }
0x9f: {  	[sflag:s9] =	ssyncset.done $0x0  }
0xa0: {  	s20 =	sadd.s32 $0xF0, s20;
	[sflag:s9] =	ssyncadd.s32 $0xFFFFFFB0  }
0xa1: {  	[spmem:s2] =	stream.indirect.scatter.add.f32 [tilespmem:s29], [sflag:$0x8], $0x80, s30, s24, $0xb8;
	[tilespmem:$0x1E180] =	vst v63  }
0xa2: {  	_ =	swait.ge [sflag:s10], $0x2800  }
0xa3: {  	[sflag:s10] =	ssyncset.done $0x0  }
0xa4: {  	s7 =	simm.s32 $0xA670;
	[sflag:s10] =	ssyncadd.s32 $0xFFFFD800  }
0xa5: {  	[tilespmem:s4], [sflag:$0x4] =	stream.indirect.gather [hbm4b:s5+s24], $0x80, s7, s24, $0xb8;
	[tilespmem:$0x1E180] =	vst v63  }
0xa6: {  	s25 =	rddreg [dreg:$0x8]  }
0xa7: {  	[tilespmem:s26], [sflag:$0x1] =	stream.linear.gather [hbm4b:s25+s4], $0x50, $0x38;
	[tilespmem:$0x1E180] =	vst v63  }
0xa8: {  	_ =	swait.ge [sflag:s11], $0x2800  }
0xa9: {  	[sflag:s11] =	ssyncset.done $0x0  }
0xaa: {  	[sflag:s11] =	ssyncadd.s32 $0xFFFFD800  }
0xab: {  	_ =	swait.ge [sflag:s12], $0x50  }
0xac: {  	[sflag:s12] =	ssyncset.done $0x0  }
0xad: {  	[sflag:s12] =	ssyncadd.s32 $0xFFFFFFB0  }
0xae: {  	[spmem:s2] =	stream.indirect.scatter.add.f32 [tilespmem:s0], [sflag:$0x9], $0x80, s1, s24, $0xb8;
	[tilespmem:$0x1E180] =	vst v63  }
0xaf: {  	_ =	swait.ge [sflag:s13], $0x2800  }
0xb0: {  	[sflag:s13] =	ssyncset.done $0x0  }
0xb1: {  	s16 =	simm.s32 $0xA6C0;
	[sflag:s13] =	ssyncadd.s32 $0xFFFFD800  }
0xb2: {  	[tilespmem:s29], [sflag:$0x5] =	stream.indirect.gather [hbm4b:s5+s24], $0x80, s16, s24, $0xb8;
	[tilespmem:$0x1E180] =	vst v63  }
0xb3: {  	s20 =	rddreg [dreg:$0x9]  }
0xb4: {  	[tilespmem:s30], [sflag:$0x2] =	stream.linear.gather [hbm4b:s20+s4], $0x50, $0x38;
	[tilespmem:$0x1E180] =	vst v63  }
0xb5: {  	_ =	swait.ge [sflag:s3], $0x2800  }
0xb6: {  	[sflag:s3] =	ssyncset.done $0x0  }
0xb7: {  	[sflag:s3] =	ssyncadd.s32 $0xFFFFD800  }
0xb8: {  	_ =	swait.ge [sflag:s28], $0x50  }
0xb9: {  	[sflag:s28] =	ssyncset.done $0x0  }
0xba: {  	[sflag:s28] =	ssyncadd.s32 $0xFFFFFFB0  }
0xbb: {  	[spmem:s2] =	stream.indirect.scatter.add.f32 [tilespmem:s4], [sflag:$0x7], $0x80, s26, s24, $0xb8;
	[tilespmem:$0x1E180] =	vst v63  }
0xbc: {  	_ =	swait.ge [sflag:s31], $0x2800  }
0xbd: {  	[sflag:s31] =	ssyncset.done $0x0  }
0xbe: {  	[sflag:s31] =	ssyncadd.s32 $0xFFFFD800  }
0xbf: {  	_ =	swait.ge [sflag:s9], $0x50  }
0xc0: {  	[sflag:s9] =	ssyncset.done $0x0  }
0xc1: {  	[sflag:s9] =	ssyncadd.s32 $0xFFFFFFB0  }
0xc2: {  	[spmem:s2] =	stream.indirect.scatter.add.f32 [tilespmem:s29], [sflag:$0x8], $0x80, s30, s24, $0xb8;
	[tilespmem:$0x1E180] =	vst v63  }
0xc3: {  	_ =	swait.ge [sflag:s10], $0x2800  }
0xc4: {  	[sflag:s10] =	ssyncset.done $0x0  }
0xc5: {  	[sflag:s10] =	ssyncadd.s32 $0xFFFFD800  }
0xc6: {  	_ =	swait.ge [sflag:s13], $0x2800  }
0xc7: {  	[sflag:s13] =	ssyncset.done $0x0  }
0xc8: {  	[sflag:s13] =	ssyncadd.s32 $0xFFFFD800  }
0xc9: {  	_ =	swait.ge [sflag:s14], $0x2800  }
0xca: {  	[sflag:s14] =	ssyncset.done $0x0  }
0xcb: {  	[sflag:s14] =	ssyncadd.s32 $0xFFFFD800  }
0xcc: {  	[bflag:$0x0] =	sbarrier.arrive $0xFFFF  }
0xcd: {  	s16 =	rddreg [dreg:$0xb]  }
0xce: {  	s7 =	simm.s32 @p0 $0x1FCB;
	s20 =	rddreg [dreg:$0xd]  }
0xcf: {  	[hbm:s16], [sflag:s7] =	dma.local @p0 [spmem:s20], $0x2800  }
0xd0: {  	s7 =	simm.s32 @p0 $0xB  }
0xd1: {  	s16 =	stileid.u32;
	_ =	swait.ge @p0 [sflag:s7], $0x2800  }
0xd2: {  	s16 =	sshll.u32 @!p0 s16, $0x6;
	[sflag:s7] =	ssyncset.done @p0 $0x0;
	s20 =	rddreg [dreg:$0xa]  }
0xd3: {  	[sflag:s7] =	ssyncadd.s32 @p0 $0xFFFFD800;
	s7 =	sor.u32 @!p0 $0x1C0B, s16;
	s16 =	sshrl.u32 @!p0 s8, $0x3  }
0xd4: {  	[hbm:s20], [sflag:s7] =	dma.local @!p0 [spmem:s16], $0x2700  }
0xd5: {  	s7 =	simm.s32 @!p0 $0xB  }
0xd6: {  	_ =	swait.ge @!p0 [sflag:s7], $0x2700  }
0xd7: {  	s15 =	sadd.s32 $0x1, s15;
	s25 =	rddreg [dreg:$0xc]  }
0xd8: {  	p1 =	sne.s32 s15, s25  }
.Ltmp5:
0xd9: {  	_ = 	snop;
	(pc) =	sbr.rel @p1 .LBB2_1-.Ltmp5, $3  }
0xda: {  	_ =	sdelay $0x1  }
0xdb: {  	[sflag:s7] =	ssyncset.done @!p0 $0x0  }
0xdc: {  	[sflag:s7] =	ssyncadd.s32 @!p0 $0xFFFFD900;
	s25 =	simm.s32 $0x8000  }
0xdd: {  	_ =	sfence.sel $0x180000  }
0xde: {  	[bflag:$0x0] =	sbarrier.arrive $0xFFFF  }
0xdf: {  	_ =	strace $0x9000004D  }
0xe0: {  	s0 =	stileid.u32;
	[bflag:$0x2] =	sbarrier.arrive $0xFFFF  }
0xe1: {  	p0 =	sne.s32 s0, $0x0;
	s0 =	rddreg [dreg:$0x3]  }
0xe2: {  	s0 =	sadd.s32 @!p0 $0x100000, s0  }
0xe3: {  	[sflag:s0] =	ssyncadd.tile.s32 @!p0 $0x1;
	_ =	shalt  }
.Lfunc_end2:
_tile_overlayer_lowered:
.L_overlay_start_2:
0xe4: {  	(tag) =	ssettag $0x2  }
0xe5: {  	s0 =	rddreg [dreg:$0x0];
	s2 =	stileid.u32  }
0xe6: {  	s1 =	rddreg [dreg:$0x1];
	p0 =	sne.s32 s2, $0x0  }
0xe7: {  	s3 =	rddreg [dreg:$0x2];
	[bflag:$0x3] =	sbarrier.arrive $0xFFFF;
	s2 =	simm.s32 @!p0 $0x1C0B  }
0xe8: {  	[timem:s3], [sflag:s2] =	dma.local @!p0 [hbm:s0], s1  }
0xe9: {  	s0 =	simm.s32 @!p0 $0xB  }
0xea: {  	_ =	swait.ge @!p0 [sflag:s0], s1  }
0xeb: {  	s1 =	ssub.s32 @!p0 $0x0, s1;
	[sflag:s0] =	ssyncset.done @!p0 $0x0  }
0xec: {  	[sflag:s0] =	ssyncadd.s32 @!p0 s1  }
0xed: {  	[bflag:$0x3] =	sbarrier.arrive $0xFFFF  }
0xee: {  	_ =	shalt  }

// kernel: kernel.19.cloned.1.call-start
scs
__scs_entry_jumppad:
0x0: {  	(pc) =	sbr.rel $0x88, $3  }
0x1: {  	(tag) =	ssettag $0x0;
	lr =	simm.s32 $0x1  }
0x2: {  	[smem:$0x3F98] =	sst lr;
	_ =	strace $0xD0000000  }
0x3: {  	_ = 	snop  }
0x4: {  	_ = 	snop  }
0x5: {  	_ = 	snop  }
0x6: {  	_ = 	snop  }
0x7: {  	_ = 	snop  }
__scs_overlays_trampoline_lowered:
0x8: {  	[smem:$0x3FA7] =	sst s0  }
0x9: {  	[smem:$0x3FA8] =	sst s1  }
0xa: {  	[smem:$0x3FA9] =	sst s2  }
0xb: {  	[smem:$0x3FAA] =	sst s3  }
0xc: {  	[smem:$0x3FAB] =	sst s4  }
0xd: {  	[smem:$0x3FAC] =	sst s5  }
0xe: {  	[smem:$0x3FAD] =	sst s6  }
0xf: {  	[smem:$0x3FAE] =	sst s7  }
0x10: {  	[smem:$0x3FAF] =	sst s8  }
0x11: {  	[smem:$0x3FB0] =	sst s9;
	s0 =	simm.s32 @!p0 $0x0  }
0x12: {  	s1 =	sld [smem:$0x3F96];
	s0 =	simm.s32 @p0 $0x1  }
0x13: {  	[smem:$0x3FB1] =	sst s0;
	s0 =	simm.s32 @!p1 $0x0  }
0x14: {  	s2 =	sld [smem:$0x3F95];
	s0 =	simm.s32 @p1 $0x1  }
0x15: {  	[smem:$0x3FB2] =	sst s0;
	s0 =	simm.s32 @!p2 $0x0  }
0x16: {  	s3 =	sld [smem:$0x3FDB];
	s0 =	simm.s32 @p2 $0x1  }
0x17: {  	s4 =	simm.s32 $0x1BF5;
	[smem:$0x3FB4] =	sst s0  }
0x18: {  	s0 =	sld [smem:$0x3F97];
	_ =	swait.ge [sflag:s4], $0x0  }
0x19: {  	s7 =	sld [smem:$0x3F98]  }
0x1a: {  	s8 =	sadd.s32 $0xFFFFE003, lr  }
0x1b: {  	s9 =	sadd.s32 $0xFFFFFEF7, lr;
	s5 =	simm.s32 $0xFFFFFFFF;
	p2 =	slt.u32 s8, $0xFFFFF086  }
0x1c: {  	p1 =	slt.u32 s9, $0xF7A;
	s5 =	simm.s32 @!p2 $0x0  }
0x1d: {  	s5 =	simm.s32 @p1 $0x1;
	p0 =	seq.s32 s7, s2  }
0x1e: {  	s7 =	smul.u32 @!p0 $0xF7A, s2;
	p2 =	seq.s32 @!p0 s5, $0x0  }
0x1f: {  	s9 =	smul.u32 $0xF7A, s1;
	s8 =	simm.s32 @!p0 $0x1BF5;
	p2 =	por !p2, p0  }
0x20: {  	[sflag:s8] =	ssyncset.s32 @!p0 $0xFFFFF086;
	s6 =	sadd.s32 @!p0 s3, s7;
	s7 =	simm.s32 @!p0 $0x108  }
0x21: {  	s3 =	sadd.s32 s3, s9;
	s6 =	sadd.s32 @!p0 $0x88, s6;
	s7 =	simm.s32 @p2 $0x1082  }
0x22: {  	[simem:s7], [sflag:s8] =	dma.local @!p0 [hbm:s6], $0xF7A  }
0x23: {  	s9 =	sor.u32 $0xD0000000, s2;
	s6 =	simm.s32 $0x108;
	_ =	swait.ge @!p0 [sflag:s8], $0x0  }
0x24: {  	s3 =	sadd.s32 $0x88, s3;
	s6 =	simm.s32 @!p1 $0x1082;
	[sflag:s4] =	ssyncset.s32 $0xFFFFF086  }
0x25: {  	[simem:s6], [sflag:s4] =	dma.local [hbm:s3], $0xF7A  }
0x26: {  	[smem:$0x3F98] =	sst s1;
	(tag) =	ssettag s2;
	_ =	strace s9  }
0x27: {  	s1 =	sld [smem:$0x3FA8]  }
0x28: {  	s2 =	sld [smem:$0x3FA9]  }
0x29: {  	s4 =	sld [smem:$0x3FAB]  }
0x2a: {  	p0 =	seq.s32 s5, $0x0;
	s5 =	sld [smem:$0x3FAC]  }
0x2b: {  	s6 =	sld [smem:$0x3FAD]  }
0x2c: {  	s7 =	sld [smem:$0x3FAE]  }
0x2d: {  	s3 =	simm.s32 $0x108;
	s8 =	sld [smem:$0x3FAF]  }
0x2e: {  	s3 =	simm.s32 @!p0 $0x1082;
	s9 =	sld [smem:$0x3FB0]  }
0x2f: {  	lr =	sadd.s32 s0, s3;
	s0 =	sld [smem:$0x3FA7]  }
0x30: {  	s3 =	sld [smem:$0x3FAA]  }
0x31: {  	[smem:$0x3FB3] =	sst s10  }
0x32: {  	s10 =	sld [smem:$0x3FB1];
	_ =	sdelay $0x3  }
0x33: {  	p0 =	seq.s32 s10, $0x1;
	s10 =	sld [smem:$0x3FB3];
	_ =	sdelay $0x3  }
0x34: {  	[smem:$0x3FB3] =	sst s10  }
0x35: {  	s10 =	sld [smem:$0x3FB2];
	_ =	sdelay $0x3  }
0x36: {  	p1 =	seq.s32 s10, $0x1;
	s10 =	sld [smem:$0x3FB3];
	_ =	sdelay $0x3  }
0x37: {  	[smem:$0x3FB3] =	sst s10  }
0x38: {  	s10 =	sld [smem:$0x3FB4]  }
0x39: {  	_ = 	snop;
	(pc) =	sbr.ind lr, $3  }
0x3a: {  	_ = 	snop  }
0x3b: {  	_ = 	snop  }
0x3c: {  	p2 =	seq.s32 s10, $0x1;
	s10 =	sld [smem:$0x3FB3]  }
0x3d: {  	_ =	shalt  }
0x3e: {  	_ =	shalt  }
0x3f: {  	_ =	shalt  }
0x40: {  	_ =	shalt  }
0x41: {  	_ =	shalt  }
0x42: {  	_ =	shalt  }
0x43: {  	_ =	shalt  }
0x44: {  	_ =	shalt  }
0x45: {  	_ =	shalt  }
0x46: {  	_ =	shalt  }
0x47: {  	_ =	shalt  }
0x48: {  	_ =	shalt  }
0x49: {  	_ =	shalt  }
0x4a: {  	_ =	shalt  }
0x4b: {  	_ =	shalt  }
0x4c: {  	_ =	shalt  }
0x4d: {  	_ =	shalt  }
0x4e: {  	_ =	shalt  }
0x4f: {  	_ =	shalt  }
0x50: {  	_ =	shalt  }
0x51: {  	_ =	shalt  }
0x52: {  	_ =	shalt  }
0x53: {  	_ =	shalt  }
0x54: {  	_ =	shalt  }
0x55: {  	_ =	shalt  }
0x56: {  	_ =	shalt  }
0x57: {  	_ =	shalt  }
0x58: {  	_ =	shalt  }
0x59: {  	_ =	shalt  }
0x5a: {  	_ =	shalt  }
0x5b: {  	_ =	shalt  }
0x5c: {  	_ =	shalt  }
0x5d: {  	_ =	shalt  }
0x5e: {  	_ =	shalt  }
0x5f: {  	_ =	shalt  }
0x60: {  	_ =	shalt  }
0x61: {  	_ =	shalt  }
0x62: {  	_ =	shalt  }
0x63: {  	_ =	shalt  }
0x64: {  	_ =	shalt  }
0x65: {  	_ =	shalt  }
0x66: {  	_ =	shalt  }
0x67: {  	_ =	shalt  }
0x68: {  	_ =	shalt  }
0x69: {  	_ =	shalt  }
0x6a: {  	_ =	shalt  }
0x6b: {  	_ =	shalt  }
0x6c: {  	_ =	shalt  }
0x6d: {  	_ =	shalt  }
0x6e: {  	_ =	shalt  }
0x6f: {  	_ =	shalt  }
0x70: {  	_ =	shalt  }
0x71: {  	_ =	shalt  }
0x72: {  	_ =	shalt  }
0x73: {  	_ =	shalt  }
0x74: {  	_ =	shalt  }
0x75: {  	_ =	shalt  }
0x76: {  	_ =	shalt  }
0x77: {  	_ =	shalt  }
0x78: {  	_ =	shalt  }
0x79: {  	_ =	shalt  }
0x7a: {  	_ =	shalt  }
0x7b: {  	_ =	shalt  }
0x7c: {  	_ =	shalt  }
0x7d: {  	_ =	shalt  }
0x7e: {  	_ =	shalt  }
0x7f: {  	_ =	shalt  }
0x80: {  	_ =	shalt  }
0x81: {  	_ =	shalt  }
0x82: {  	_ =	shalt  }
0x83: {  	_ =	shalt  }
0x84: {  	_ =	shalt  }
0x85: {  	_ =	shalt  }
0x86: {  	_ =	shalt  }
0x87: {  	_ =	shalt  }
.Lfunc_end0:
.L_simem_size_0:
called_computation.3_lowered:
.L_overlay_start_0:
0x88: {  	s2 =	sld [smem:$0x3FD9]  }
0x89: {  	s3 =	sld [smem:$0x3FFE];
	_ =	sdelay $0x1  }
0x8a: {  	s1 =	srdreg.scid  }
0x8b: {  	s0 =	sand.u32 $0x1, s1  }
0x8c: {  	s17 =	sshll.u32 s0, $0xA;
	s2 =	sadd.s32 s3, s2  }
0x8d: {  	s2 =	sadd.s32 s2, s17  }
0x8e: {  	[smem:$0x3FBF] =	sst s2  }
0x8f: {  	_ = 	snop  }
0x90: {  	s2 =	sld [smem:$0x3FD0];
	(tm) =	ssettm $0x1  }
0x91: {  	s18 =	sld [smem:$0x3FFB];
	_ =	sdelay $0x3  }
0x92: {  	_ =	strace s18  }
0x93: {  	s3 =	sld [smem:$0x3FFC];
	_ =	sdelay $0x3  }
0x94: {  	_ =	strace s3  }
0x95: {  	s3 =	sld [smem:$0x3FFD];
	_ =	sdelay $0x3  }
0x96: {  	_ =	strace s3  }
0x97: {  	_ =	strace $0x8FFFFFFF  }
0x98: {  	s19 =	sld [smem:$0x3FDB];
	_ =	sdelay $0x1  }
0x99: {  	s4 =	simm.s32 $_scs_section_size  }
0x9a: {  	s5 =	simm.s32 $_size__tile_overlayer_lowered;
	s6 =	simm.s32 $_tile_overlayer_lowered  }
0x9b: {  	s22 =	simm.s32 $0x1BFF;
	s21 =	sshll.u32 s6, $0x1;
	s3 =	sadd.s32 s4, s19  }
0x9c: {  	s7 =	simm.s32 $0x0;
	s20 =	sshll.u32 s5, $0x1;
	s5 =	sadd.s32 s21, s3  }
0x9d: {  	[timem:s7], [sflag:s22] =	dma.local [hbm:s5], s20  }
0x9e: {  	_ =	swait.ge [sflag:s22], s20  }
0x9f: {  	s4 =	ssub.s32 $0x0, s20;
	[sflag:s22] =	ssyncset.done $0x0  }
0xa0: {  	[sflag:s22] =	ssyncadd.s32 s4;
	_ =	sdelay $0x1  }
0xa1: {  	s23 =	simm.s32 $0x1B8B  }
0xa2: {  	_ =	swait.ge [sflag:s23], $0x1  }
0xa3: {  	[sflag:s23] =	ssyncset.done $0x0  }
0xa4: {  	s25 =	simm.s32 $0x1B8E;
	s24 =	sld [smem:$0x3FFE];
	[sflag:s23] =	ssyncadd.s32 $0xFFFFFFFF  }
0xa5: {  	s26 =	simm.s32 $execute0_lowered;
	[smem:$0x3FD2] =	sst s25  }
0xa6: {  	s5 =	sshll.u32 s26, $0x1;
	_ =	strace $0x8000004F;
	[dreg:$0x1] =	wrdreg $0xFFFFFFFF  }
0xa7: {  	s28 =	simm.s32 $_size_execute0_lowered;
	s3 =	sadd.s32 s3, s5;
	[dreg:$0x0] =	wrdreg $0x0  }
0xa8: {  	s5 =	sshll.u32 s28, $0x1;
	[dreg:$0x2] =	wrdreg s3  }
0xa9: {  	[dreg:$0x3] =	wrdreg s5  }
0xaa: {  	[dreg:$0x4] =	wrdreg $0xC0  }
0xab: {  	_ =	task [dreg:s7], $0x5FFFF  }
0xac: {  	[dreg:$0x1] =	wrdreg $0xFFFFFFFF  }
0xad: {  	[dreg:$0x0] =	wrdreg $0x60  }
0xae: {  	[dreg:$0x2] =	wrdreg s24  }
0xaf: {  	[dreg:$0x3] =	wrdreg s2  }
0xb0: {  	[dreg:$0x4] =	wrdreg $0xA9000  }
0xb1: {  	[dreg:$0x5] =	wrdreg $0x9  }
0xb2: {  	_ =	task.clear_ibuf [dreg:s7], $0x6FFFF;
	_ =	strace $0x9000004F  }
0xb3: {  	s29 =	simm.s32 $0x9;
	_ =	strace $0x80000051  }
0xb4: {  	_ =	swait.ge [sflag:s29], $0x1  }
0xb5: {  	[sflag:s29] =	ssyncadd.s32 $0xFFFFFFFF  }
0xb6: {  	_ =	strace $0x90000051  }
0xb7: {  	_ =	sfence  }
0xb8: {  	s30 =	sld [smem:$0x0];
	_ =	sdelay $0x2  }
0xb9: {  	s31 =	sshll.u32 s1, $0xD;
	s1 =	sshrl.u32 s1, $0x2  }
0xba: {  	s3 =	sand.u32 $0x4000, s31;
	s1 =	sadd.s32 s1, s30  }
0xbb: {  	s0 =	sor.u32 s3, s0;
	s1 =	sshll.u32 s1, $0x11  }
0xbc: {  	s0 =	sor.u32 s1, s0  }
0xbd: {  	s0 =	sadd.s32 $0x8F2B, s0  }
0xbe: {  	[sflag:s0] =	ssyncadd.remote.s32 $0x1  }
0xbf: {  	_ =	sfence.sel $0xFFFF  }
0xc0: {  	[dreg:$0x0] =	wrdreg $0xFFFFFFFF;
	(pc) =	sbr.abs _section_cstart, $3  }
0xc1: {  	[dreg:$0x1] =	wrdreg $0xFFFFFFFF  }
0xc2: {  	_ =	task.clear_ibuf [dreg:s7], $0x2FFFF;
	_ =	strace $0x9FFFFFFF  }
0xc3: {  	(tm) =	ssettm $0x7FFFFFFF  }
tec
execute0_lowered:
.L_overlay_start_1:
0x0: {  	(tag) =	ssettag $0x1  }
0x1: {  	s0 =	rddreg [dreg:$0x0]  }
0x2: {  	s2 =	rddreg [dreg:$0x2]  }
0x3: {  	s1 =	srdreg.scid;
	s4 =	simm.s32 $0x0;
	s12 =	stileid.u32  }
0x4: {  	s29 =	simm.s32 $0x2800;
	s30 =	simm.s32 $0xA800;
	s28 =	simm.s32 $0x1  }
0x5: {  	s31 =	simm.s32 $0x5;
	s14 =	simm.s32 $0x9;
	s15 =	simm.s32 $0x0  }
0x6: {  	s1 =	sand.u32 $0x1, s1;
	[smem:$0x7FF] =	sst s4;
	s8 =	smul.u32 $0x4E000, s12  }
0x7: {  	s9 =	sadd.s32 $0x5800, s0;
	s5 =	sadd.s32 $0x67600, s0;
	s19 =	smul.u32 $0x13800, s12  }
0x8: {  	s0 =	sadd.s32 $0x8E800, s0;
	p0 =	seq.s32 s12, $0xF;
	s17 =	smul.u32 $0x138800, s1  }
0x9: {  	s3 =	sshll.u32 s1, $0x4;
	s6 =	ssub.s32 $0x2, s1;
	s1 =	smul.u32 $0x27100, s1  }
0xa: {  	_ =	strace $0x80000050;
	s3 =	sor.u32 s12, s3;
	s12 =	smul.u32 $0x2710, s12  }
0xb: {  	s7 =	sshrl.u32 s6, $0x1;
	s8 =	sshrl.u32 s8, $0x2;
	s3 =	smul.u32 $0x2710, s3  }
0xc: {  	s10 =	ssub.s32 s6, s7;
	s6 =	simm.s32 $0x28;
	s8 =	sadd.s32 s8, s2  }
0xd: {  	s6 =	simm.s32 @!p0 $0x27;
	s22 =	sadd.s32 s12, s1;
	s1 =	sadd.s32 $0x124800, s2  }
0xe: {  	s23 =	smax.u32 s10, $0x1;
	s10 =	simm.s32 $0x7;
	s12 =	simm.s32 $0x3  }
0xf: {  	s3 =	sshrl.u32 s3, $0x3;
	[dreg:$0xc] =	wrdreg s23;
	s24 =	sadd.s32 $0x4E390, s22  }
0x10: {  	s25 =	sadd.s32 $0x4E340, s22;
	s23 =	simm.s32 $0xA;
	s16 =	sadd.s32 s9, s3  }
0x11: {  	s3 =	sshrl.u32 s17, $0x3;
	s11 =	sadd.s32 $0x9C40, s16;
	[dreg:$0x4] =	wrdreg s16  }
0x12: {  	s26 =	sshrl.u32 s25, $0x3;
	s18 =	sadd.s32 $0x9C4A, s16;
	[dreg:$0x5] =	wrdreg s11  }
0x13: {  	s25 =	simm.s32 $0x8000;
	s13 =	sadd.s32 $0x9C54, s16;
	[dreg:$0x6] =	wrdreg s18  }
0x14: {  	s20 =	sadd.s32 $0xA10E, s16;
	s7 =	sadd.s32 $0xA118, s16;
	[dreg:$0x7] =	wrdreg s13  }
0x15: {  	s3 =	sadd.s32 s0, s3;
	[dreg:$0x8] =	wrdreg s20;
	s11 =	sadd.s32 s19, s17  }
0x16: {  	[dreg:$0x9] =	wrdreg s7;
	s21 =	sadd.s32 $0x24900, s3;
	s3 =	sshrl.u32 s24, $0x3  }
0x17: {  	s18 =	sadd.s32 s26, s9;
	s24 =	simm.s32 $0x50;
	s26 =	simm.s32 $0xA780  }
0x18: {  	s13 =	simm.s32 $0x8;
	s11 =	sshrl.u32 s11, $0x3;
	[dreg:$0xb] =	wrdreg s21  }
0x19: {  	s17 =	sadd.s32 s3, s9;
	s21 =	simm.s32 $0xB;
	s0 =	sadd.s32 s0, s11  }
0x1a: {  	s3 =	simm.s32 $0x4;
	[dreg:$0xa] =	wrdreg s0;
	s0 =	sadd.s32 $0x4E2F0, s22  }
0x1b: {  	s11 =	simm.s32 $0x6;
	s22 =	simm.s32 $0x7800;
	s0 =	sshrl.u32 s0, $0x3  }
0x1c: {  	s19 =	sadd.s32 s0, s9;
	s0 =	sshrl.u32 @p0 s1, $0x3;
	s1 =	simm.s32 $0xA880  }
0x1d: {  	s9 =	simm.s32 $0x2;
	[dreg:$0xd] =	wrdreg s0;
	s0 =	simm.s32 $0x5000  }
.LBB2_1:
0x1e: {  	s7 =	rddreg [dreg:$0x4]  }
0x1f: {  	[tilespmem:s25], [sflag:$0xB] =	stream.linear.gather [hbm4b:s7+s4], $0x2710, $0x38;
	[tilespmem:$0x1E180] =	vst v63  }
0x20: {  	_ =	swait.ge [sflag:s21], $0x2710  }
0x21: {  	[sflag:s21] =	ssyncset.done $0x0  }
0x22: {  	[sflag:s21] =	ssyncadd.s32 $0xFFFFD8F0  }
0x23: {  	p1 =	sne.s32 s6, $0x1;
	s20 =	rddreg [dreg:$0x1]  }
0x24: {  	[tilespmem:s22], [sflag:$0xB] =	stream.linear.gather [hbm4b:s20+s4], $0x800, $0x38;
	[tilespmem:$0x1E180] =	vst v63  }
.Ltmp0:
0x25: {  	_ = 	snop;
	(pc) =	sbr.rel @!p1 .LBB2_3-.Ltmp0, $4  }
0x26: {  	_ =	swait.ge [sflag:s21], $0x800  }
0x27: {  	[sflag:s21] =	ssyncset.done $0x0  }
0x28: {  	s16 =	sadd.s32 $0xFFFFFFFF, s6;
	s20 =	smov.u32 s8;
	[sflag:s21] =	ssyncadd.s32 $0xFFFFF800  }
0x29: {  	[spmem:s8] =	stream.linear.scatter [tilespmem:s22], [sflag:$0xA], $0x800, $0x38;
	[tilespmem:$0x1E180] =	vst v63  }
.LBB2_2:
0x2a: {  	p2 =	sne.s32 s16, $0x1  }
.Ltmp1:
0x2b: {  	_ = 	snop;
	(pc) =	sbr.rel @p2 .LBB2_2-.Ltmp1, $3  }
0x2c: {  	_ = 	snop  }
0x2d: {  	s16 =	sadd.s32 $0xFFFFFFFF, s16;
	s20 =	sadd.s32 $0x800, s20;
	_ =	sdelay $0x1  }
0x2e: {  	[spmem:s20] =	stream.linear.scatter [tilespmem:s22], [sflag:$0xA], $0x800, $0x38;
	[tilespmem:$0x1E180] =	vst v63  }
.LBB2_3:
.Ltmp2:
0x2f: {  	(pc) =	sbr.rel @!p1 .LBB2_5-.Ltmp2, $3  }
0x30: {  	_ =	sdelay $0x1  }
0x31: {  	_ =	swait.ge [sflag:s23], $0x800  }
0x32: {  	s16 =	sadd.s32 $0xFFFFFFFF, s6;
	[sflag:s23] =	ssyncset.done $0x0  }
.LBB2_4:
0x33: {  	p1 =	sne.s32 s16, $0x1;
	s16 =	sadd.s32 $0xFFFFFFFF, s16;
	[sflag:s23] =	ssyncadd.s32 $0xFFFFF800  }
.Ltmp3:
0x34: {  	(pc) =	sbr.rel @p1 .LBB2_4-.Ltmp3, $3  }
0x35: {  	_ =	sdelay $0x1  }
0x36: {  	_ =	swait.ge [sflag:s23], $0x800  }
0x37: {  	[sflag:s23] =	ssyncset.done $0x0  }
.LBB2_5:
0x38: {  	[sflag:s23] =	ssyncadd.s32 $0xFFFFF800  }
0x39: {  	s16 =	simm.s32 $0x0;
	[bflag:$0x0] =	sbarrier.arrive $0xFFFF  }
0x3a: {  	[tilespmem:s16], [sflag:$0x4] =	stream.indirect.gather [hbm4b:s5+s24], $0x80, s25, s24, $0xb8;
	[tilespmem:$0x1E180] =	vst v63  }
0x3b: {  	s7 =	rddreg [dreg:$0x5]  }
0x3c: {  	[tilespmem:s26], [sflag:$0x1] =	stream.linear.gather [hbm4b:s7+s16], $0x50, $0x38;
	[tilespmem:$0x1E180] =	vst v63  }
0x3d: {  	s20 =	simm.s32 $0x8050  }
0x3e: {  	[tilespmem:s29], [sflag:$0x5] =	stream.indirect.gather [hbm4b:s5+s24], $0x80, s20, s24, $0xb8;
	[tilespmem:$0x1E180] =	vst v63  }
0x3f: {  	s25 =	rddreg [dreg:$0x6]  }
0x40: {  	[tilespmem:s30], [sflag:$0x2] =	stream.linear.gather [hbm4b:s25+s16], $0x50, $0x38;
	[tilespmem:$0x1E180] =	vst v63  }
0x41: {  	s20 =	simm.s32 $0x80A0  }
0x42: {  	[tilespmem:s0], [sflag:$0x6] =	stream.indirect.gather [hbm4b:s5+s24], $0x80, s20, s24, $0xb8;
	[tilespmem:$0x1E180] =	vst v63  }
0x43: {  	s25 =	rddreg [dreg:$0x7]  }
0x44: {  	[tilespmem:s1], [sflag:$0x3] =	stream.linear.gather [hbm4b:s25+s16], $0x50, $0x38;
	[tilespmem:$0x1E180] =	vst v63  }
0x45: {  	_ =	swait.ge [sflag:s3], $0x2800  }
0x46: {  	[sflag:s3] =	ssyncset.done $0x0  }
0x47: {  	[sflag:s3] =	ssyncadd.s32 $0xFFFFD800  }
0x48: {  	_ =	swait.ge [sflag:s28], $0x50  }
0x49: {  	[sflag:s28] =	ssyncset.done $0x0  }
0x4a: {  	[sflag:s28] =	ssyncadd.s32 $0xFFFFFFB0  }
0x4b: {  	[spmem:s2] =	stream.indirect.scatter.add.f32 [tilespmem:s16], [sflag:$0x7], $0x80, s26, s24, $0xb8;
	[tilespmem:$0x1E180] =	vst v63  }
0x4c: {  	_ =	swait.ge [sflag:s31], $0x2800  }
0x4d: {  	[sflag:s31] =	ssyncset.done $0x0  }
0x4e: {  	[sflag:s31] =	ssyncadd.s32 $0xFFFFD800  }
0x4f: {  	_ =	swait.ge [sflag:s9], $0x50  }
0x50: {  	[sflag:s9] =	ssyncset.done $0x0  }
0x51: {  	[sflag:s9] =	ssyncadd.s32 $0xFFFFFFB0  }
0x52: {  	[spmem:s2] =	stream.indirect.scatter.add.f32 [tilespmem:s29], [sflag:$0x8], $0x80, s30, s24, $0xb8;
	[tilespmem:$0x1E180] =	vst v63  }
0x53: {  	_ =	swait.ge [sflag:s10], $0x2800  }
0x54: {  	[sflag:s10] =	ssyncset.done $0x0  }
0x55: {  	s7 =	simm.s32 $0x80F0;
	[sflag:s10] =	ssyncadd.s32 $0xFFFFD800  }
0x56: {  	[tilespmem:s4], [sflag:$0x4] =	stream.indirect.gather [hbm4b:s5+s24], $0x80, s7, s24, $0xb8;
	[tilespmem:$0x1E180] =	vst v63  }
0x57: {  	s20 =	sadd.s32 $0x0, s19  }
0x58: {  	[tilespmem:s26], [sflag:$0x1] =	stream.linear.gather [hbm4b:s20+s4], $0x50, $0x38;
	[tilespmem:$0x1E180] =	vst v63  }
0x59: {  	_ =	swait.ge [sflag:s11], $0x2800  }
0x5a: {  	[sflag:s11] =	ssyncset.done $0x0  }
0x5b: {  	[sflag:s11] =	ssyncadd.s32 $0xFFFFD800  }
0x5c: {  	_ =	swait.ge [sflag:s12], $0x50  }
0x5d: {  	[sflag:s12] =	ssyncset.done $0x0  }
0x5e: {  	[sflag:s12] =	ssyncadd.s32 $0xFFFFFFB0  }
0x5f: {  	[spmem:s2] =	stream.indirect.scatter.add.f32 [tilespmem:s0], [sflag:$0x9], $0x80, s1, s24, $0xb8;
	[tilespmem:$0x1E180] =	vst v63  }
0x60: {  	_ =	swait.ge [sflag:s13], $0x2800  }
0x61: {  	[sflag:s13] =	ssyncset.done $0x0  }
0x62: {  	s25 =	simm.s32 $0x8140;
	[sflag:s13] =	ssyncadd.s32 $0xFFFFD800  }
0x63: {  	[tilespmem:s29], [sflag:$0x5] =	stream.indirect.gather [hbm4b:s5+s24], $0x80, s25, s24, $0xb8;
	[tilespmem:$0x1E180] =	vst v63  }
0x64: {  	s7 =	sadd.s32 $0x0, s18  }
0x65: {  	[tilespmem:s30], [sflag:$0x2] =	stream.linear.gather [hbm4b:s7+s4], $0x50, $0x38;
	[tilespmem:$0x1E180] =	vst v63  }
0x66: {  	_ =	swait.ge [sflag:s3], $0x2800  }
0x67: {  	[sflag:s3] =	ssyncset.done $0x0  }
0x68: {  	[sflag:s3] =	ssyncadd.s32 $0xFFFFD800  }
0x69: {  	_ =	swait.ge [sflag:s28], $0x50  }
0x6a: {  	[sflag:s28] =	ssyncset.done $0x0  }
0x6b: {  	[sflag:s28] =	ssyncadd.s32 $0xFFFFFFB0  }
0x6c: {  	[spmem:s2] =	stream.indirect.scatter.add.f32 [tilespmem:s4], [sflag:$0x7], $0x80, s26, s24, $0xb8;
	[tilespmem:$0x1E180] =	vst v63  }
0x6d: {  	_ =	swait.ge [sflag:s14], $0x2800  }
0x6e: {  	[sflag:s14] =	ssyncset.done $0x0  }
0x6f: {  	s20 =	simm.s32 $0x8190;
	[sflag:s14] =	ssyncadd.s32 $0xFFFFD800  }
0x70: {  	[tilespmem:s0], [sflag:$0x6] =	stream.indirect.gather [hbm4b:s5+s24], $0x80, s20, s24, $0xb8;
	[tilespmem:$0x1E180] =	vst v63  }
0x71: {  	s25 =	sadd.s32 $0x0, s17  }
0x72: {  	[tilespmem:s1], [sflag:$0x3] =	stream.linear.gather [hbm4b:s25+s4], $0x50, $0x38;
	[tilespmem:$0x1E180] =	vst v63  }
0x73: {  	_ =	swait.ge [sflag:s31], $0x2800  }
0x74: {  	[sflag:s31] =	ssyncset.done $0x0  }
0x75: {  	[sflag:s31] =	ssyncadd.s32 $0xFFFFD800  }
0x76: {  	_ =	swait.ge [sflag:s9], $0x50  }
0x77: {  	[sflag:s9] =	ssyncset.done $0x0  }
0x78: {  	s16 =	simm.s32 $0x1E;
	s20 =	simm.s32 $0x8280;
	[sflag:s9] =	ssyncadd.s32 $0xFFFFFFB0  }
.LBB2_6:
0x79: {  	[spmem:s2] =	stream.indirect.scatter.add.f32 [tilespmem:s29], [sflag:$0x8], $0x80, s30, s24, $0xb8;
	[tilespmem:$0x1E180] =	vst v63  }
0x7a: {  	s25 =	smov.u32 s16  }
0x7b: {  	p1 =	sne.s32 s16, $0x492;
	s16 =	sadd.s32 $0x1E, s16;
	_ =	swait.ge [sflag:s10], $0x2800  }
0x7c: {  	[sflag:s10] =	ssyncset.done $0x0  }
0x7d: {  	s7 =	sadd.s32 $0xFFFFFF60, s20;
	[sflag:s10] =	ssyncadd.s32 $0xFFFFD800  }
0x7e: {  	[tilespmem:s4], [sflag:$0x4] =	stream.indirect.gather [hbm4b:s5+s24], $0x80, s7, s24, $0xb8;
	[tilespmem:$0x1E180] =	vst v63  }
0x7f: {  	s7 =	sadd.s32 s25, s19  }
0x80: {  	[tilespmem:s26], [sflag:$0x1] =	stream.linear.gather [hbm4b:s7+s4], $0x50, $0x38;
	[tilespmem:$0x1E180] =	vst v63  }
0x81: {  	_ =	swait.ge [sflag:s11], $0x2800  }
0x82: {  	[sflag:s11] =	ssyncset.done $0x0  }
0x83: {  	[sflag:s11] =	ssyncadd.s32 $0xFFFFD800  }
0x84: {  	_ =	swait.ge [sflag:s12], $0x50  }
0x85: {  	[sflag:s12] =	ssyncset.done $0x0  }
0x86: {  	[sflag:s12] =	ssyncadd.s32 $0xFFFFFFB0  }
0x87: {  	[spmem:s2] =	stream.indirect.scatter.add.f32 [tilespmem:s0], [sflag:$0x9], $0x80, s1, s24, $0xb8;
	[tilespmem:$0x1E180] =	vst v63  }
0x88: {  	_ =	swait.ge [sflag:s13], $0x2800  }
0x89: {  	[sflag:s13] =	ssyncset.done $0x0  }
0x8a: {  	s7 =	sadd.s32 $0xFFFFFFB0, s20;
	[sflag:s13] =	ssyncadd.s32 $0xFFFFD800  }
0x8b: {  	[tilespmem:s29], [sflag:$0x5] =	stream.indirect.gather [hbm4b:s5+s24], $0x80, s7, s24, $0xb8;
	[tilespmem:$0x1E180] =	vst v63  }
0x8c: {  	s7 =	sadd.s32 s25, s18  }
0x8d: {  	[tilespmem:s30], [sflag:$0x2] =	stream.linear.gather [hbm4b:s7+s4], $0x50, $0x38;
	[tilespmem:$0x1E180] =	vst v63  }
0x8e: {  	_ =	swait.ge [sflag:s3], $0x2800  }
0x8f: {  	[sflag:s3] =	ssyncset.done $0x0  }
0x90: {  	[sflag:s3] =	ssyncadd.s32 $0xFFFFD800  }
0x91: {  	_ =	swait.ge [sflag:s28], $0x50  }
0x92: {  	[sflag:s28] =	ssyncset.done $0x0  }
0x93: {  	[sflag:s28] =	ssyncadd.s32 $0xFFFFFFB0  }
0x94: {  	[spmem:s2] =	stream.indirect.scatter.add.f32 [tilespmem:s4], [sflag:$0x7], $0x80, s26, s24, $0xb8;
	[tilespmem:$0x1E180] =	vst v63  }
0x95: {  	_ =	swait.ge [sflag:s14], $0x2800  }
0x96: {  	[sflag:s14] =	ssyncset.done $0x0  }
0x97: {  	[sflag:s14] =	ssyncadd.s32 $0xFFFFD800  }
0x98: {  	[tilespmem:s0], [sflag:$0x6] =	stream.indirect.gather [hbm4b:s5+s24], $0x80, s20, s24, $0xb8;
	[tilespmem:$0x1E180] =	vst v63  }
0x99: {  	s7 =	sadd.s32 s25, s17  }
0x9a: {  	[tilespmem:s1], [sflag:$0x3] =	stream.linear.gather [hbm4b:s7+s4], $0x50, $0x38;
	[tilespmem:$0x1E180] =	vst v63  }
0x9b: {  	_ =	swait.ge [sflag:s31], $0x2800  }
.Ltmp4:
0x9c: {  	[sflag:s31] =	ssyncset.done $0x0;
	(pc) =	sbr.rel @p1 .LBB2_6-.Ltmp4, $4  }
0x9d: {  	[sflag:s31] =	ssyncadd.s32 $0xFFFFD800  }
0x9e: {  	_ =	swait.ge [sflag:s9], $0x50  }
0x9f: {  	[sflag:s9] =	ssyncset.done $0x0  }
0xa0: {  	s20 =	sadd.s32 $0xF0, s20;
	[sflag:s9] =	ssyncadd.s32 $0xFFFFFFB0  }
0xa1: {  	[spmem:s2] =	stream.indirect.scatter.add.f32 [tilespmem:s29], [sflag:$0x8], $0x80, s30, s24, $0xb8;
	[tilespmem:$0x1E180] =	vst v63  }
0xa2: {  	_ =	swait.ge [sflag:s10], $0x2800  }
0xa3: {  	[sflag:s10] =	ssyncset.done $0x0  }
0xa4: {  	s7 =	simm.s32 $0xA670;
	[sflag:s10] =	ssyncadd.s32 $0xFFFFD800  }
0xa5: {  	[tilespmem:s4], [sflag:$0x4] =	stream.indirect.gather [hbm4b:s5+s24], $0x80, s7, s24, $0xb8;
	[tilespmem:$0x1E180] =	vst v63  }
0xa6: {  	s25 =	rddreg [dreg:$0x8]  }
0xa7: {  	[tilespmem:s26], [sflag:$0x1] =	stream.linear.gather [hbm4b:s25+s4], $0x50, $0x38;
	[tilespmem:$0x1E180] =	vst v63  }
0xa8: {  	_ =	swait.ge [sflag:s11], $0x2800  }
0xa9: {  	[sflag:s11] =	ssyncset.done $0x0  }
0xaa: {  	[sflag:s11] =	ssyncadd.s32 $0xFFFFD800  }
0xab: {  	_ =	swait.ge [sflag:s12], $0x50  }
0xac: {  	[sflag:s12] =	ssyncset.done $0x0  }
0xad: {  	[sflag:s12] =	ssyncadd.s32 $0xFFFFFFB0  }
0xae: {  	[spmem:s2] =	stream.indirect.scatter.add.f32 [tilespmem:s0], [sflag:$0x9], $0x80, s1, s24, $0xb8;
	[tilespmem:$0x1E180] =	vst v63  }
0xaf: {  	_ =	swait.ge [sflag:s13], $0x2800  }
0xb0: {  	[sflag:s13] =	ssyncset.done $0x0  }
0xb1: {  	s16 =	simm.s32 $0xA6C0;
	[sflag:s13] =	ssyncadd.s32 $0xFFFFD800  }
0xb2: {  	[tilespmem:s29], [sflag:$0x5] =	stream.indirect.gather [hbm4b:s5+s24], $0x80, s16, s24, $0xb8;
	[tilespmem:$0x1E180] =	vst v63  }
0xb3: {  	s20 =	rddreg [dreg:$0x9]  }
0xb4: {  	[tilespmem:s30], [sflag:$0x2] =	stream.linear.gather [hbm4b:s20+s4], $0x50, $0x38;
	[tilespmem:$0x1E180] =	vst v63  }
0xb5: {  	_ =	swait.ge [sflag:s3], $0x2800  }
0xb6: {  	[sflag:s3] =	ssyncset.done $0x0  }
0xb7: {  	[sflag:s3] =	ssyncadd.s32 $0xFFFFD800  }
0xb8: {  	_ =	swait.ge [sflag:s28], $0x50  }
0xb9: {  	[sflag:s28] =	ssyncset.done $0x0  }
0xba: {  	[sflag:s28] =	ssyncadd.s32 $0xFFFFFFB0  }
0xbb: {  	[spmem:s2] =	stream.indirect.scatter.add.f32 [tilespmem:s4], [sflag:$0x7], $0x80, s26, s24, $0xb8;
	[tilespmem:$0x1E180] =	vst v63  }
0xbc: {  	_ =	swait.ge [sflag:s31], $0x2800  }
0xbd: {  	[sflag:s31] =	ssyncset.done $0x0  }
0xbe: {  	[sflag:s31] =	ssyncadd.s32 $0xFFFFD800  }
0xbf: {  	_ =	swait.ge [sflag:s9], $0x50  }
0xc0: {  	[sflag:s9] =	ssyncset.done $0x0  }
0xc1: {  	[sflag:s9] =	ssyncadd.s32 $0xFFFFFFB0  }
0xc2: {  	[spmem:s2] =	stream.indirect.scatter.add.f32 [tilespmem:s29], [sflag:$0x8], $0x80, s30, s24, $0xb8;
	[tilespmem:$0x1E180] =	vst v63  }
0xc3: {  	_ =	swait.ge [sflag:s10], $0x2800  }
0xc4: {  	[sflag:s10] =	ssyncset.done $0x0  }
0xc5: {  	[sflag:s10] =	ssyncadd.s32 $0xFFFFD800  }
0xc6: {  	_ =	swait.ge [sflag:s13], $0x2800  }
0xc7: {  	[sflag:s13] =	ssyncset.done $0x0  }
0xc8: {  	[sflag:s13] =	ssyncadd.s32 $0xFFFFD800  }
0xc9: {  	_ =	swait.ge [sflag:s14], $0x2800  }
0xca: {  	[sflag:s14] =	ssyncset.done $0x0  }
0xcb: {  	[sflag:s14] =	ssyncadd.s32 $0xFFFFD800  }
0xcc: {  	[bflag:$0x0] =	sbarrier.arrive $0xFFFF  }
0xcd: {  	s16 =	rddreg [dreg:$0xb]  }
0xce: {  	s7 =	simm.s32 @p0 $0x1FCB;
	s20 =	rddreg [dreg:$0xd]  }
0xcf: {  	[hbm:s16], [sflag:s7] =	dma.local @p0 [spmem:s20], $0x2800  }
0xd0: {  	s7 =	simm.s32 @p0 $0xB  }
0xd1: {  	s16 =	stileid.u32;
	_ =	swait.ge @p0 [sflag:s7], $0x2800  }
0xd2: {  	s16 =	sshll.u32 @!p0 s16, $0x6;
	[sflag:s7] =	ssyncset.done @p0 $0x0;
	s20 =	rddreg [dreg:$0xa]  }
0xd3: {  	[sflag:s7] =	ssyncadd.s32 @p0 $0xFFFFD800;
	s7 =	sor.u32 @!p0 $0x1C0B, s16;
	s16 =	sshrl.u32 @!p0 s8, $0x3  }
0xd4: {  	[hbm:s20], [sflag:s7] =	dma.local @!p0 [spmem:s16], $0x2700  }
0xd5: {  	s7 =	simm.s32 @!p0 $0xB  }
0xd6: {  	_ =	swait.ge @!p0 [sflag:s7], $0x2700  }
0xd7: {  	s15 =	sadd.s32 $0x1, s15;
	s25 =	rddreg [dreg:$0xc]  }
0xd8: {  	p1 =	sne.s32 s15, s25  }
.Ltmp5:
0xd9: {  	_ = 	snop;
	(pc) =	sbr.rel @p1 .LBB2_1-.Ltmp5, $3  }
0xda: {  	_ =	sdelay $0x1  }
0xdb: {  	[sflag:s7] =	ssyncset.done @!p0 $0x0  }
0xdc: {  	[sflag:s7] =	ssyncadd.s32 @!p0 $0xFFFFD900;
	s25 =	simm.s32 $0x8000  }
0xdd: {  	_ =	sfence.sel $0x180000  }
0xde: {  	[bflag:$0x0] =	sbarrier.arrive $0xFFFF  }
0xdf: {  	_ =	strace $0x90000050  }
0xe0: {  	s0 =	stileid.u32;
	[bflag:$0x2] =	sbarrier.arrive $0xFFFF  }
0xe1: {  	p0 =	sne.s32 s0, $0x0;
	s0 =	rddreg [dreg:$0x3]  }
0xe2: {  	s0 =	sadd.s32 @!p0 $0x100000, s0  }
0xe3: {  	[sflag:s0] =	ssyncadd.tile.s32 @!p0 $0x1;
	_ =	shalt  }
.Lfunc_end2:
_tile_overlayer_lowered:
.L_overlay_start_2:
0xe4: {  	(tag) =	ssettag $0x2  }
0xe5: {  	s0 =	rddreg [dreg:$0x0];
	s2 =	stileid.u32  }
0xe6: {  	s1 =	rddreg [dreg:$0x1];
	p0 =	sne.s32 s2, $0x0  }
0xe7: {  	s3 =	rddreg [dreg:$0x2];
	[bflag:$0x3] =	sbarrier.arrive $0xFFFF;
	s2 =	simm.s32 @!p0 $0x1C0B  }
0xe8: {  	[timem:s3], [sflag:s2] =	dma.local @!p0 [hbm:s0], s1  }
0xe9: {  	s0 =	simm.s32 @!p0 $0xB  }
0xea: {  	_ =	swait.ge @!p0 [sflag:s0], s1  }
0xeb: {  	s1 =	ssub.s32 @!p0 $0x0, s1;
	[sflag:s0] =	ssyncset.done @!p0 $0x0  }
0xec: {  	[sflag:s0] =	ssyncadd.s32 @!p0 s1  }
0xed: {  	[bflag:$0x3] =	sbarrier.arrive $0xFFFF  }
0xee: {  	_ =	shalt  }

</sc_bundles>
